<compile_context>
chip_gen: v7x
topology: tpu7x:2x2x1
jax: 0.10.2.dev20260603
libtpu: 0.0.44.dev20260713+nightly
codegen_flags: <defaults>
</compile_context>

<pallas_src>
import dataclasses
import functools

import jax
import jax.numpy as jnp
from jax import lax
from jax.experimental import pallas as pl
from jax.experimental.pallas import tpu as pltpu
from jax.experimental.pallas import tpu_sc as plsc

L = 16
W = 128


@functools.lru_cache(maxsize=None)
def _make_gather(Vt, D, N, Vf, H):
    NW = N // W
    mesh = plsc.VectorSubcoreMesh(core_axis_name="c", subcore_axis_name="s")
    cp = pltpu.CompilerParams(use_tc_tiling_on_sc=False)
    if "needs_layout_passes" in pltpu.CompilerParams.__dataclass_fields__:
        cp = dataclasses.replace(cp, needs_layout_passes=False)
    NWORK = 32
    TW = NW // NWORK

    @functools.partial(
        pl.kernel,
        out_type=jax.ShapeDtypeStruct((NW * 4096,), jnp.float32),
        mesh=mesh,
        compiler_params=cp,
        scratch_types=[
            pltpu.VMEM((Vf, D), jnp.float32),
            pltpu.VMEM((4, W), jnp.int32),
            pltpu.VMEM((2, W), jnp.int32),
            pltpu.VMEM((2, W, D), jnp.float32),
            pltpu.VMEM((2, 4096), jnp.float32),
            pltpu.SemaphoreType.DMA((4,)),
            pltpu.SemaphoreType.DMA((2,)),
            pltpu.SemaphoreType.DMA((2,)),
        ],
    )
    def gather_kernel(table_hbm, frozen_hbm, idx_hbm, out_hbm, frozen_v,
                      ibuf, cbuf, rbuf, tbuf, isem, gsem, osem):
        pltpu.sync_copy(frozen_hbm, frozen_v)
        wid = lax.axis_index("s") * 2 + lax.axis_index("c")
        w0 = wid * TW

        def idx_src(w):
            return idx_hbm.at[0, pl.ds((w0 + w) * W, W)]

        def out_dst(w, cb):
            gw = w0 + w
            h = gw // 128
            bb = gw % 128
            r0 = ((h * 4 + cb) * 128 + bb) * 1024
            return out_hbm.at[pl.ds(r0, 1024)]

        def fire_idx(w, ring):
            pltpu.async_copy(idx_src(w), ibuf.at[ring], isem.at[ring])

        def front(w, ring, par):
            pltpu.make_async_copy(idx_src(w), ibuf.at[ring],
                                  isem.at[ring]).wait()

            def clamp_step(k, _):
                v = ibuf[ring, pl.ds(k * L, L)]
                cbuf[par, pl.ds(k * L, L)] = jnp.minimum(v, Vt - 1)
                return 0

            lax.fori_loop(0, W // L, clamp_step, 0)
            pltpu.async_copy(table_hbm.at[cbuf.at[par]], rbuf.at[par],
                             gsem.at[par])

        def back(w, ring, par, wait_out):
            pltpu.make_async_copy(table_hbm.at[cbuf.at[par]], rbuf.at[par],
                                  gsem.at[par]).wait()

            def scan_step(k, mx):
                return jnp.maximum(mx, ibuf[ring, pl.ds(k * L, L)])

            mx = lax.fori_loop(0, W // L, scan_step,
                               jnp.zeros((L,), jnp.int32))

            @pl.when(jnp.max(mx) >= Vt)
            def _fixup():
                def group(k, _):
                    v = ibuf[ring, pl.ds(k * L, L)]
                    msk = v >= Vt
                    fr = jnp.clip(v - Vt, 0, Vf - 1)
                    rows = lax.iota(jnp.int32, L) + k * L

                    def col(c, _):
                        cvec = jnp.zeros((L,), jnp.int32) + c
                        vals = plsc.load_gather(frozen_v, [fr, cvec], mask=msk)
                        plsc.store_scatter(rbuf.at[par], [rows, cvec], vals,
                                           mask=msk)
                        return 0

                    return lax.fori_loop(0, D, col, 0)

                lax.fori_loop(0, W // L, group, 0)

            @pl.when(wait_out)
            def _drain_out():
                for cb in range(4):
                    pltpu.make_async_copy(tbuf.at[par, pl.ds(cb * 1024, 1024)],
                                          out_dst(w - 2, cb),
                                          osem.at[par]).wait()

            bvecs = [lax.iota(jnp.int32, L) + bb * L for bb in range(W // L)]

            def tr_col(c, _):
                cvec = jnp.zeros((L,), jnp.int32) + c
                coff = (c // 8) * 1024 + (c % 8) * 128
                for bb in range(W // L):
                    vals = plsc.load_gather(rbuf.at[par], [bvecs[bb], cvec])
                    tbuf[par, pl.ds(coff + bb * L, L)] = vals
                return 0

            lax.fori_loop(0, D, tr_col, 0)
            for cb in range(4):
                pltpu.async_copy(tbuf.at[par, pl.ds(cb * 1024, 1024)],
                                 out_dst(w, cb), osem.at[par])

        fire_idx(0, 0)
        fire_idx(1, 1)

        @pl.loop(0, TW + 4, step=4)
        def _(t):
            for b in range(4):
                w = t + b

                @pl.when(w < TW)
                def _f(w=w, b=b):
                    front(w, b, b % 2)

                @pl.when(jnp.logical_and(w + 2 < TW, w + 2 >= 2))
                def _p(w=w, b=b):
                    fire_idx(w + 2, (b + 2) % 4)

                wm1 = w - 1

                @pl.when(jnp.logical_and(wm1 >= 0, wm1 < TW))
                def _b(wm1=wm1, b=b):
                    back(wm1, (b + 3) % 4, (b + 1) % 2, wm1 >= 2)

        for last in (TW - 2, TW - 1):
            par = last % 2
            for cb in range(4):
                pltpu.make_async_copy(tbuf.at[par, pl.ds(cb * 1024, 1024)],
                                      out_dst(last, cb), osem.at[par]).wait()

    return gather_kernel


@jax.jit
def kernel(x, trainable_embedding, frozen_embedding):
    B, H = x.shape
    Vt, D = trainable_embedding.shape
    Vf = frozen_embedding.shape[0]
    N = B * H
    idx = x.T.reshape(1, N).astype(jnp.int32)
    tiles = _make_gather(Vt, D, N, Vf, H)(
        trainable_embedding, frozen_embedding, idx)
    out = (tiles.reshape(H, 4, B // 128, 8, 128)
           .transpose(2, 4, 0, 1, 3)
           .reshape(B, H, D))
    return out

# --- scband reference (transcript-rebuilt; emitter-appended) ---
"""Pipeline reference for scband-embedding-with-frozen-masks-59055800320203 (READ-ONLY COPY).

The authoritative reference and input builder live on the scoring server;
editing this copy changes nothing except your own understanding.
"""

import jax, jax.numpy as jnp
import numpy as np

DIM = 32
VOCAB_DIM = 1000000
NUM_MASKS = 8
BATCH = 16384
HIST = 200

def _kaiming_uniform(key, shape, a=np.sqrt(5.0)):
    # torch kaiming_uniform_ with fan_in = shape[1]
    fan_in = shape[1]
    gain = np.sqrt(2.0 / (1.0 + a * a))
    bound = gain * np.sqrt(3.0 / fan_in)
    return jax.random.uniform(key, shape, dtype=jnp.float32, minval=-bound, maxval=bound)

def setup_inputs(seed: int = 0) -> dict:
    key = jax.random.key(seed)
    k1, k2, k3 = jax.random.split(key, 3)
    x = jax.random.randint(k1, (BATCH, HIST), 0, VOCAB_DIM, dtype=jnp.int64 if jax.config.jax_enable_x64 else jnp.int32)
    trainable_embedding = _kaiming_uniform(k2, (VOCAB_DIM - NUM_MASKS, DIM))
    frozen_embedding = _kaiming_uniform(k3, (NUM_MASKS, DIM))
    return {"x": x, "trainable_embedding": trainable_embedding, "frozen_embedding": frozen_embedding}

def reference(x, trainable_embedding, frozen_embedding):
    embedding = jnp.concatenate([trainable_embedding, frozen_embedding], axis=0)
    return jnp.take(embedding, x, axis=0)

if __name__ == "__main__":
    import jax
    _d = setup_inputs()
    print(jax.jit(kernel)(*tuple(_d.values())))

</pallas_src>

<mosaic_0001>
#map = affine_map<(d0, d1) -> (0, 0)>
#map1 = affine_map<(d0, d1) -> (0)>
module attributes {stable_mosaic.version = 14 : i64} {
  func.func @gather_kernel(%arg0: i32, %arg1: i32, %arg2: memref<999992x32xf32, #tpu.memory_space<hbm>>, %arg3: memref<8x32xf32, #tpu.memory_space<hbm>>, %arg4: memref<1x3276800xi32, #tpu.memory_space<hbm>>, %arg5: memref<104857600xf32, #tpu.memory_space<hbm>>, %arg6: memref<8x32xf32, #tpu.memory_space<vmem>>, %arg7: memref<4x128xi32, #tpu.memory_space<vmem>>, %arg8: memref<2x128xi32, #tpu.memory_space<vmem>>, %arg9: memref<2x128x32xf32, #tpu.memory_space<vmem>>, %arg10: memref<2x4096xf32, #tpu.memory_space<vmem>>, %arg11: memref<4x!tpu.dma_semaphore, #tpu.memory_space<semaphore_mem>>, %arg12: memref<2x!tpu.dma_semaphore, #tpu.memory_space<semaphore_mem>>, %arg13: memref<2x!tpu.dma_semaphore, #tpu.memory_space<semaphore_mem>>) attributes {dimension_semantics = [#tpu.dimension_semantics<core_parallel>, #tpu.dimension_semantics<subcore_parallel>], iteration_bounds = array<i64: 2, 16>, scalar_prefetch = 0 : i64, scratch_operands = 8 : i64, tpu.core_type = #tpu.core_type<sc_vector_subcore>, window_params = [{transform_indices = #map}, {transform_indices = #map}, {transform_indices = #map}, {transform_indices = #map1}]} {
    "tpu.region"() ({
      %run_scoped3A = tpu.sem_alloc : memref<!tpu.dma_semaphore, #tpu.memory_space<semaphore_mem>>
      tpu.enqueue_dma source(%arg3 : memref<8x32xf32, #tpu.memory_space<hbm>>) target(%arg6 : memref<8x32xf32, #tpu.memory_space<vmem>>) target_semaphore(%run_scoped3A : memref<!tpu.dma_semaphore, #tpu.memory_space<semaphore_mem>>)
      tpu.wait_dma2 semaphore(%run_scoped3A : memref<!tpu.dma_semaphore, #tpu.memory_space<semaphore_mem>>) src(%arg3 : memref<8x32xf32, #tpu.memory_space<hbm>>) dst(%arg6 : memref<8x32xf32, #tpu.memory_space<vmem>>)
      tpu.yield
    }) : () -> ()
    %mul3A = arith.constant 2 : i32
    %mul3A_0 = arith.muli %arg1, %mul3A : i32
    %add3A = arith.addi %mul3A_0, %arg0 : i32
    %mul3A_1 = arith.constant 800 : i32
    %mul3A_2 = arith.muli %add3A, %mul3A_1 : i32
    %add3A_3 = arith.constant 0 : i32
    %add3A_4 = arith.addi %mul3A_2, %add3A_3 : i32
    %mul3A_5 = arith.constant 128 : i32
    %mul3A_6 = arith.muli %add3A_4, %mul3A_5 : i32
    %dma_start3A = arith.constant 0 : i32
    %dma_start3A_7 = arith.constant 0 : i32
    %dma_start3A_8 = arith.constant 0 : i32
    %dma_start3A_9 = arith.constant 0 : i32
    %dma_start3A_10 = tpu.memref_slice %arg7[%dma_start3A_7, %dma_start3A_9] : memref<4x128xi32, #tpu.memory_space<vmem>> -> memref<1x128xi32, #tpu.memory_space<vmem>>
    %dma_start3A_11 = tpu.memref_squeeze %dma_start3A_10 : memref<1x128xi32, #tpu.memory_space<vmem>> -> memref<128xi32, #tpu.memory_space<vmem>>
    %dma_start3A_12 = tpu.memref_slice %arg4[%dma_start3A, %mul3A_6] : memref<1x3276800xi32, #tpu.memory_space<hbm>> -> memref<1x128xi32, #tpu.memory_space<hbm>>
    %dma_start3A_13 = tpu.memref_squeeze %dma_start3A_12 : memref<1x128xi32, #tpu.memory_space<hbm>> -> memref<128xi32, #tpu.memory_space<hbm>>
    %dma_start3A_14 = tpu.memref_slice %arg11[%dma_start3A_8] : memref<4x!tpu.dma_semaphore, #tpu.memory_space<semaphore_mem>> -> memref<1x!tpu.dma_semaphore, #tpu.memory_space<semaphore_mem>>
    %dma_start3A_15 = tpu.memref_squeeze %dma_start3A_14 : memref<1x!tpu.dma_semaphore, #tpu.memory_space<semaphore_mem>> -> memref<!tpu.dma_semaphore, #tpu.memory_space<semaphore_mem>>
    %dma_start3A_16 = arith.constant 0 : i32
    %dma_start3A_17 = tpu.memref_slice %arg7[%dma_start3A_7, %dma_start3A_16] : memref<4x128xi32, #tpu.memory_space<vmem>> -> memref<1x128xi32, #tpu.memory_space<vmem>>
    %dma_start3A_18 = tpu.memref_squeeze %dma_start3A_17 : memref<1x128xi32, #tpu.memory_space<vmem>> -> memref<128xi32, #tpu.memory_space<vmem>>
    %dma_start3A_19 = tpu.memref_slice %arg4[%dma_start3A, %mul3A_6] : memref<1x3276800xi32, #tpu.memory_space<hbm>> -> memref<1x128xi32, #tpu.memory_space<hbm>>
    %dma_start3A_20 = tpu.memref_squeeze %dma_start3A_19 : memref<1x128xi32, #tpu.memory_space<hbm>> -> memref<128xi32, #tpu.memory_space<hbm>>
    tpu.enqueue_dma source(%dma_start3A_20 : memref<128xi32, #tpu.memory_space<hbm>>) target(%dma_start3A_18 : memref<128xi32, #tpu.memory_space<vmem>>) target_semaphore(%dma_start3A_15 : memref<!tpu.dma_semaphore, #tpu.memory_space<semaphore_mem>>)
    %add3A_21 = arith.constant 1 : i32
    %add3A_22 = arith.addi %mul3A_2, %add3A_21 : i32
    %mul3A_23 = arith.constant 128 : i32
    %mul3A_24 = arith.muli %add3A_22, %mul3A_23 : i32
    %dma_start3A_25 = arith.constant 0 : i32
    %dma_start3A_26 = arith.constant 1 : i32
    %dma_start3A_27 = arith.constant 1 : i32
    %dma_start3A_28 = arith.constant 0 : i32
    %dma_start3A_29 = tpu.memref_slice %arg7[%dma_start3A_26, %dma_start3A_28] : memref<4x128xi32, #tpu.memory_space<vmem>> -> memref<1x128xi32, #tpu.memory_space<vmem>>
    %dma_start3A_30 = tpu.memref_squeeze %dma_start3A_29 : memref<1x128xi32, #tpu.memory_space<vmem>> -> memref<128xi32, #tpu.memory_space<vmem>>
    %dma_start3A_31 = tpu.memref_slice %arg4[%dma_start3A_25, %mul3A_24] : memref<1x3276800xi32, #tpu.memory_space<hbm>> -> memref<1x128xi32, #tpu.memory_space<hbm>>
    %dma_start3A_32 = tpu.memref_squeeze %dma_start3A_31 : memref<1x128xi32, #tpu.memory_space<hbm>> -> memref<128xi32, #tpu.memory_space<hbm>>
    %dma_start3A_33 = tpu.memref_slice %arg11[%dma_start3A_27] : memref<4x!tpu.dma_semaphore, #tpu.memory_space<semaphore_mem>> -> memref<1x!tpu.dma_semaphore, #tpu.memory_space<semaphore_mem>>
    %dma_start3A_34 = tpu.memref_squeeze %dma_start3A_33 : memref<1x!tpu.dma_semaphore, #tpu.memory_space<semaphore_mem>> -> memref<!tpu.dma_semaphore, #tpu.memory_space<semaphore_mem>>
    %dma_start3A_35 = arith.constant 0 : i32
    %dma_start3A_36 = tpu.memref_slice %arg7[%dma_start3A_26, %dma_start3A_35] : memref<4x128xi32, #tpu.memory_space<vmem>> -> memref<1x128xi32, #tpu.memory_space<vmem>>
    %dma_start3A_37 = tpu.memref_squeeze %dma_start3A_36 : memref<1x128xi32, #tpu.memory_space<vmem>> -> memref<128xi32, #tpu.memory_space<vmem>>
    %dma_start3A_38 = tpu.memref_slice %arg4[%dma_start3A_25, %mul3A_24] : memref<1x3276800xi32, #tpu.memory_space<hbm>> -> memref<1x128xi32, #tpu.memory_space<hbm>>
    %dma_start3A_39 = tpu.memref_squeeze %dma_start3A_38 : memref<1x128xi32, #tpu.memory_space<hbm>> -> memref<128xi32, #tpu.memory_space<hbm>>
    tpu.enqueue_dma source(%dma_start3A_39 : memref<128xi32, #tpu.memory_space<hbm>>) target(%dma_start3A_37 : memref<128xi32, #tpu.memory_space<vmem>>) target_semaphore(%dma_start3A_34 : memref<!tpu.dma_semaphore, #tpu.memory_space<semaphore_mem>>)
    %scan3A = arith.constant 0 : i32
    %scan3A_40 = arith.constant 201 : i32
    %scan3A_41 = arith.addi %scan3A, %scan3A_40 : i32
    %scan3A_42 = arith.constant 1 : i32
    scf.for %scan3A_537 = %scan3A to %scan3A_41 step %scan3A_42  : i32 {
      %mul3A_538 = arith.constant 4 : i32
      %mul3A_539 = arith.muli %scan3A_537, %mul3A_538 : i32
      %add3A_540 = arith.constant 0 : i32
      %add3A_541 = arith.addi %add3A_540, %mul3A_539 : i32
      %add3A_542 = arith.constant 0 : i32
      %add3A_543 = arith.addi %add3A_541, %add3A_542 : i32
      %lt3A_544 = arith.constant 800 : i32
      %lt3A_545 = arith.cmpi slt, %add3A_543, %lt3A_544 : i32
      %convert_element_type3A = arith.extui %lt3A_545 : i1 to i32
      %cond3A = arith.constant 0 : i32
      %cond3A_546 = arith.cmpi ne, %convert_element_type3A, %cond3A : i32
      scf.if %cond3A_546 {
        %add3A_655 = arith.addi %mul3A_2, %add3A_543 : i32
        %mul3A_656 = arith.constant 128 : i32
        %mul3A_657 = arith.muli %add3A_655, %mul3A_656 : i32
        %dma_wait3A_658 = arith.constant 0 : i32
        %dma_wait3A_659 = arith.constant 0 : i32
        %dma_wait3A_660 = arith.constant 0 : i32
        %dma_wait3A_661 = arith.constant 0 : i32
        %dma_wait3A_662 = tpu.memref_slice %arg7[%dma_wait3A_659, %dma_wait3A_661] : memref<4x128xi32, #tpu.memory_space<vmem>> -> memref<1x128xi32, #tpu.memory_space<vmem>>
        %dma_wait3A_663 = tpu.memref_squeeze %dma_wait3A_662 : memref<1x128xi32, #tpu.memory_space<vmem>> -> memref<128xi32, #tpu.memory_space<vmem>>
        %dma_wait3A_664 = tpu.memref_slice %arg4[%dma_wait3A_658, %mul3A_657] : memref<1x3276800xi32, #tpu.memory_space<hbm>> -> memref<1x128xi32, #tpu.memory_space<hbm>>
        %dma_wait3A_665 = tpu.memref_squeeze %dma_wait3A_664 : memref<1x128xi32, #tpu.memory_space<hbm>> -> memref<128xi32, #tpu.memory_space<hbm>>
        %dma_wait3A_666 = tpu.memref_slice %arg11[%dma_wait3A_660] : memref<4x!tpu.dma_semaphore, #tpu.memory_space<semaphore_mem>> -> memref<1x!tpu.dma_semaphore, #tpu.memory_space<semaphore_mem>>
        %dma_wait3A_667 = tpu.memref_squeeze %dma_wait3A_666 : memref<1x!tpu.dma_semaphore, #tpu.memory_space<semaphore_mem>> -> memref<!tpu.dma_semaphore, #tpu.memory_space<semaphore_mem>>
        %dma_wait3A_668 = arith.constant 0 : i32
        %dma_wait3A_669 = tpu.memref_slice %arg7[%dma_wait3A_659, %dma_wait3A_668] : memref<4x128xi32, #tpu.memory_space<vmem>> -> memref<1x128xi32, #tpu.memory_space<vmem>>
        %dma_wait3A_670 = tpu.memref_squeeze %dma_wait3A_669 : memref<1x128xi32, #tpu.memory_space<vmem>> -> memref<128xi32, #tpu.memory_space<vmem>>
        %dma_wait3A_671 = tpu.memref_slice %arg4[%dma_wait3A_658, %mul3A_657] : memref<1x3276800xi32, #tpu.memory_space<hbm>> -> memref<1x128xi32, #tpu.memory_space<hbm>>
        %dma_wait3A_672 = tpu.memref_squeeze %dma_wait3A_671 : memref<1x128xi32, #tpu.memory_space<hbm>> -> memref<128xi32, #tpu.memory_space<hbm>>
        tpu.wait_dma2 semaphore(%dma_wait3A_667 : memref<!tpu.dma_semaphore, #tpu.memory_space<semaphore_mem>>) src(%dma_wait3A_672 : memref<128xi32, #tpu.memory_space<hbm>>) dst(%dma_wait3A_670 : memref<128xi32, #tpu.memory_space<vmem>>)
        %scan3A_673 = arith.constant 0 : i32
        %scan3A_674 = arith.constant 0 : i32
        %scan3A_675 = arith.constant 8 : i32
        %scan3A_676 = arith.addi %scan3A_674, %scan3A_675 : i32
        %scan3A_677 = arith.constant 1 : i32
        %scan3A_678 = scf.for %scan3A_695 = %scan3A_674 to %scan3A_676 step %scan3A_677 iter_args(%scan3A_696 = %scan3A_673) -> (i32)  : i32 {
          %mul3A_697 = arith.constant 16 : i32
          %mul3A_698 = arith.muli %scan3A_695, %mul3A_697 : i32
          %get3A = arith.constant 0 : i32
          %get3A_699 = arith.index_cast %get3A : i32 to index
          %get3A_700 = arith.index_cast %mul3A_698 : i32 to index
          %get3A_701 = tpu.vector_load %arg7[%get3A_699, %get3A_700] {strides = array<i32>} : memref<4x128xi32, #tpu.memory_space<vmem>>, vector<16xi32>,
          %min3A = arith.constant 999991 : i32
          %min3A_702 = vector.broadcast %min3A : i32 to vector<16xi32>
          %min3A_703 = arith.minsi %get3A_701, %min3A_702 : vector<16xi32>
          %mul3A_704 = arith.constant 16 : i32
          %mul3A_705 = arith.muli %scan3A_695, %mul3A_704 : i32
          %swap3A = arith.constant 0 : i32
          %swap3A_706 = arith.index_cast %swap3A : i32 to index
          %swap3A_707 = arith.index_cast %mul3A_705 : i32 to index
          %swap3A_708 = tpu.vector_load %arg8[%swap3A_706, %swap3A_707] {strides = array<i32>} : memref<2x128xi32, #tpu.memory_space<vmem>>, vector<16xi32>,
          tpu.vector_store %arg8[%swap3A_706, %swap3A_707], %min3A_703 {strides = array<i32>} : memref<2x128xi32, #tpu.memory_space<vmem>>, vector<16xi32>,
          %scan3A_709 = arith.constant 0 : i32
          scf.yield %scan3A_709 : i32
        }
        %scan3A_679 = arith.constant 8 : i32
        %dma_start3A_680 = arith.constant 0 : i32
        %dma_start3A_681 = arith.constant 0 : i32
        %dma_start3A_682 = arith.constant 0 : i32
        %dma_start3A_683 = arith.constant 0 : i32
        %dma_start3A_684 = arith.constant 0 : i32
        %dma_start3A_685 = tpu.memref_slice %arg9[%dma_start3A_681, %dma_start3A_683, %dma_start3A_684] : memref<2x128x32xf32, #tpu.memory_space<vmem>> -> memref<1x128x32xf32, #tpu.memory_space<vmem>>
        %dma_start3A_686 = tpu.memref_squeeze %dma_start3A_685 : memref<1x128x32xf32, #tpu.memory_space<vmem>> -> memref<128x32xf32, #tpu.memory_space<vmem>>
        %dma_start3A_687 = arith.constant 0 : i32
        %dma_start3A_688 = tpu.memref_slice %arg8[%dma_start3A_680, %dma_start3A_687] : memref<2x128xi32, #tpu.memory_space<vmem>> -> memref<1x128xi32, #tpu.memory_space<vmem>>
        %dma_start3A_689 = tpu.memref_squeeze %dma_start3A_688 : memref<1x128xi32, #tpu.memory_space<vmem>> -> memref<128xi32, #tpu.memory_space<vmem>>
        %dma_start3A_690 = arith.constant 0 : i32
        %dma_start3A_691 = arith.constant 0 : i32
        %dma_start3A_692 = tpu.memref_slice %arg2[%dma_start3A_690, %dma_start3A_691] : memref<999992x32xf32, #tpu.memory_space<hbm>> -> memref<999992x32xf32, #tpu.memory_space<hbm>>
        %dma_start3A_693 = tpu.memref_slice %arg12[%dma_start3A_682] : memref<2x!tpu.dma_semaphore, #tpu.memory_space<semaphore_mem>> -> memref<1x!tpu.dma_semaphore, #tpu.memory_space<semaphore_mem>>
        %dma_start3A_694 = tpu.memref_squeeze %dma_start3A_693 : memref<1x!tpu.dma_semaphore, #tpu.memory_space<semaphore_mem>> -> memref<!tpu.dma_semaphore, #tpu.memory_space<semaphore_mem>>
        tpu.enqueue_indirect_dma source(%dma_start3A_692 : memref<999992x32xf32, #tpu.memory_space<hbm>>) target(%dma_start3A_686 : memref<128x32xf32, #tpu.memory_space<vmem>>) offsets(%dma_start3A_689 : memref<128xi32, #tpu.memory_space<vmem>>) semaphore(%dma_start3A_694 : memref<!tpu.dma_semaphore, #tpu.memory_space<semaphore_mem>>)
      } else {
      }
      %add3A_547 = arith.constant 2 : i32
      %add3A_548 = arith.addi %add3A_543, %add3A_547 : i32
      %lt3A_549 = arith.constant 800 : i32
      %lt3A_550 = arith.cmpi slt, %add3A_548, %lt3A_549 : i32
      %add3A_551 = arith.constant 2 : i32
      %add3A_552 = arith.addi %add3A_543, %add3A_551 : i32
      %ge3A = arith.constant 2 : i32
      %ge3A_553 = arith.cmpi sge, %add3A_552, %ge3A : i32
      %and3A_554 = arith.andi %lt3A_550, %ge3A_553 : i1
      %convert_element_type3A_555 = arith.extui %and3A_554 : i1 to i32
      %cond3A_556 = arith.constant 0 : i32
      %cond3A_557 = arith.cmpi ne, %convert_element_type3A_555, %cond3A_556 : i32
      scf.if %cond3A_557 {
        %add3A_655 = arith.constant 2 : i32
        %add3A_656 = arith.addi %add3A_543, %add3A_655 : i32
        %add3A_657 = arith.addi %mul3A_2, %add3A_656 : i32
        %mul3A_658 = arith.constant 128 : i32
        %mul3A_659 = arith.muli %add3A_657, %mul3A_658 : i32
        %dma_start3A_660 = arith.constant 0 : i32
        %dma_start3A_661 = arith.constant 2 : i32
        %dma_start3A_662 = arith.constant 2 : i32
        %dma_start3A_663 = arith.constant 0 : i32
        %dma_start3A_664 = tpu.memref_slice %arg7[%dma_start3A_661, %dma_start3A_663] : memref<4x128xi32, #tpu.memory_space<vmem>> -> memref<1x128xi32, #tpu.memory_space<vmem>>
        %dma_start3A_665 = tpu.memref_squeeze %dma_start3A_664 : memref<1x128xi32, #tpu.memory_space<vmem>> -> memref<128xi32, #tpu.memory_space<vmem>>
        %dma_start3A_666 = tpu.memref_slice %arg4[%dma_start3A_660, %mul3A_659] : memref<1x3276800xi32, #tpu.memory_space<hbm>> -> memref<1x128xi32, #tpu.memory_space<hbm>>
        %dma_start3A_667 = tpu.memref_squeeze %dma_start3A_666 : memref<1x128xi32, #tpu.memory_space<hbm>> -> memref<128xi32, #tpu.memory_space<hbm>>
        %dma_start3A_668 = tpu.memref_slice %arg11[%dma_start3A_662] : memref<4x!tpu.dma_semaphore, #tpu.memory_space<semaphore_mem>> -> memref<1x!tpu.dma_semaphore, #tpu.memory_space<semaphore_mem>>
        %dma_start3A_669 = tpu.memref_squeeze %dma_start3A_668 : memref<1x!tpu.dma_semaphore, #tpu.memory_space<semaphore_mem>> -> memref<!tpu.dma_semaphore, #tpu.memory_space<semaphore_mem>>
        %dma_start3A_670 = arith.constant 0 : i32
        %dma_start3A_671 = tpu.memref_slice %arg7[%dma_start3A_661, %dma_start3A_670] : memref<4x128xi32, #tpu.memory_space<vmem>> -> memref<1x128xi32, #tpu.memory_space<vmem>>
        %dma_start3A_672 = tpu.memref_squeeze %dma_start3A_671 : memref<1x128xi32, #tpu.memory_space<vmem>> -> memref<128xi32, #tpu.memory_space<vmem>>
        %dma_start3A_673 = tpu.memref_slice %arg4[%dma_start3A_660, %mul3A_659] : memref<1x3276800xi32, #tpu.memory_space<hbm>> -> memref<1x128xi32, #tpu.memory_space<hbm>>
        %dma_start3A_674 = tpu.memref_squeeze %dma_start3A_673 : memref<1x128xi32, #tpu.memory_space<hbm>> -> memref<128xi32, #tpu.memory_space<hbm>>
        tpu.enqueue_dma source(%dma_start3A_674 : memref<128xi32, #tpu.memory_space<hbm>>) target(%dma_start3A_672 : memref<128xi32, #tpu.memory_space<vmem>>) target_semaphore(%dma_start3A_669 : memref<!tpu.dma_semaphore, #tpu.memory_space<semaphore_mem>>)
      } else {
      }
      %sub3A_558 = arith.constant 1 : i32
      %sub3A_559 = arith.subi %add3A_543, %sub3A_558 : i32
      %ge3A_560 = arith.constant 0 : i32
      %ge3A_561 = arith.cmpi sge, %sub3A_559, %ge3A_560 : i32
      %lt3A_562 = arith.constant 800 : i32
      %lt3A_563 = arith.cmpi slt, %sub3A_559, %lt3A_562 : i32
      %and3A_564 = arith.andi %ge3A_561, %lt3A_563 : i1
      %convert_element_type3A_565 = arith.extui %and3A_564 : i1 to i32
      %cond3A_566 = arith.constant 0 : i32
      %cond3A_567 = arith.cmpi ne, %convert_element_type3A_565, %cond3A_566 : i32
      scf.if %cond3A_567 {
        %ge3A_655 = arith.constant 2 : i32
        %ge3A_656 = arith.cmpi sge, %sub3A_559, %ge3A_655 : i32
        %dma_wait3A_657 = arith.constant 1 : i32
        %dma_wait3A_658 = arith.constant 1 : i32
        %dma_wait3A_659 = arith.constant 1 : i32
        %dma_wait3A_660 = arith.constant 0 : i32
        %dma_wait3A_661 = arith.constant 0 : i32
        %dma_wait3A_662 = tpu.memref_slice %arg9[%dma_wait3A_658, %dma_wait3A_660, %dma_wait3A_661] : memref<2x128x32xf32, #tpu.memory_space<vmem>> -> memref<1x128x32xf32, #tpu.memory_space<vmem>>
        %dma_wait3A_663 = tpu.memref_squeeze %dma_wait3A_662 : memref<1x128x32xf32, #tpu.memory_space<vmem>> -> memref<128x32xf32, #tpu.memory_space<vmem>>
        %dma_wait3A_664 = arith.constant 0 : i32
        %dma_wait3A_665 = tpu.memref_slice %arg8[%dma_wait3A_657, %dma_wait3A_664] : memref<2x128xi32, #tpu.memory_space<vmem>> -> memref<1x128xi32, #tpu.memory_space<vmem>>
        %dma_wait3A_666 = tpu.memref_squeeze %dma_wait3A_665 : memref<1x128xi32, #tpu.memory_space<vmem>> -> memref<128xi32, #tpu.memory_space<vmem>>
        %dma_wait3A_667 = arith.constant 0 : i32
        %dma_wait3A_668 = arith.constant 0 : i32
        %dma_wait3A_669 = tpu.memref_slice %arg2[%dma_wait3A_667, %dma_wait3A_668] : memref<999992x32xf32, #tpu.memory_space<hbm>> -> memref<999992x32xf32, #tpu.memory_space<hbm>>
        %dma_wait3A_670 = tpu.memref_slice %arg12[%dma_wait3A_659] : memref<2x!tpu.dma_semaphore, #tpu.memory_space<semaphore_mem>> -> memref<1x!tpu.dma_semaphore, #tpu.memory_space<semaphore_mem>>
        %dma_wait3A_671 = tpu.memref_squeeze %dma_wait3A_670 : memref<1x!tpu.dma_semaphore, #tpu.memory_space<semaphore_mem>> -> memref<!tpu.dma_semaphore, #tpu.memory_space<semaphore_mem>>
        tpu.wait_indirect_dma semaphore(%dma_wait3A_671 : memref<!tpu.dma_semaphore, #tpu.memory_space<semaphore_mem>>) src(%dma_wait3A_669 : memref<999992x32xf32, #tpu.memory_space<hbm>>) dst(%dma_wait3A_663 : memref<128x32xf32, #tpu.memory_space<vmem>>)
        %broadcast_in_dim3A = arith.constant 0 : i32
        %broadcast_in_dim3A_672 = vector.broadcast %broadcast_in_dim3A : i32 to vector<16xi32>
        %scan3A_673 = arith.constant 0 : i32
        %scan3A_674 = arith.constant 8 : i32
        %scan3A_675 = arith.addi %scan3A_673, %scan3A_674 : i32
        %scan3A_676 = arith.constant 1 : i32
        %scan3A_677 = scf.for %scan3A_980 = %scan3A_673 to %scan3A_675 step %scan3A_676 iter_args(%scan3A_981 = %broadcast_in_dim3A_672) -> (vector<16xi32>)  : i32 {
          %mul3A_982 = arith.constant 16 : i32
          %mul3A_983 = arith.muli %scan3A_980, %mul3A_982 : i32
          %get3A = arith.constant 3 : i32
          %get3A_984 = arith.index_cast %get3A : i32 to index
          %get3A_985 = arith.index_cast %mul3A_983 : i32 to index
          %get3A_986 = tpu.vector_load %arg7[%get3A_984, %get3A_985] {strides = array<i32>} : memref<4x128xi32, #tpu.memory_space<vmem>>, vector<16xi32>,
          %max3A = arith.maxsi %scan3A_981, %get3A_986 : vector<16xi32>
          scf.yield %max3A : vector<16xi32>
        }
        %scan3A_678 = arith.constant 8 : i32
        %reduce_max3A = arith.constant true
        %reduce_max3A_679 = vector.broadcast %reduce_max3A : i1 to vector<16xi1>
        %reduce_max3A_680 = arith.constant -2147483648 : i32
        %reduce_max3A_681 = vector.broadcast %reduce_max3A_680 : i32 to vector<16xi32>
        %reduce_max3A_682 = arith.xori %scan3A_677, %reduce_max3A_681 : vector<16xi32>
        %reduce_max3A_683 = tpu.scan <max>, %reduce_max3A_682 masked %reduce_max3A_679 : vector<16xi32>, vector<16xi1> -> vector<16xi32>
        %reduce_max3A_684 = arith.xori %reduce_max3A_683, %reduce_max3A_681 : vector<16xi32>
        %reduce_max3A_685 = vector.extract %reduce_max3A_684[15] : i32 from vector<16xi32>
        %ge3A_686 = arith.constant 999992 : i32
        %ge3A_687 = arith.cmpi sge, %reduce_max3A_685, %ge3A_686 : i32
        %convert_element_type3A_688 = arith.extui %ge3A_687 : i1 to i32
        %cond3A_689 = arith.constant 0 : i32
        %cond3A_690 = arith.cmpi ne, %convert_element_type3A_688, %cond3A_689 : i32
        scf.if %cond3A_690 {
          %scan3A_980 = arith.constant 0 : i32
          %scan3A_981 = arith.constant 0 : i32
          %scan3A_982 = arith.constant 8 : i32
          %scan3A_983 = arith.addi %scan3A_981, %scan3A_982 : i32
          %scan3A_984 = arith.constant 1 : i32
          %scan3A_985 = scf.for %scan3A_987 = %scan3A_981 to %scan3A_983 step %scan3A_984 iter_args(%scan3A_988 = %scan3A_980) -> (i32)  : i32 {
            %mul3A_989 = arith.constant 16 : i32
            %mul3A_990 = arith.muli %scan3A_987, %mul3A_989 : i32
            %get3A = arith.constant 3 : i32
            %get3A_991 = arith.index_cast %get3A : i32 to index
            %get3A_992 = arith.index_cast %mul3A_990 : i32 to index
            %get3A_993 = tpu.vector_load %arg7[%get3A_991, %get3A_992] {strides = array<i32>} : memref<4x128xi32, #tpu.memory_space<vmem>>, vector<16xi32>,
            %ge3A_994 = arith.constant 999992 : i32
            %ge3A_995 = vector.broadcast %ge3A_994 : i32 to vector<16xi32>
            %ge3A_996 = arith.cmpi sge, %get3A_993, %ge3A_995 : vector<16xi32>
            %sub3A_997 = arith.constant 999992 : i32
            %sub3A_998 = vector.broadcast %sub3A_997 : i32 to vector<16xi32>
            %sub3A_999 = arith.subi %get3A_993, %sub3A_998 : vector<16xi32>
            %jit3A_1000 = arith.constant 0 : i32
            %jit3A_1001 = arith.constant 7 : i32
            %max3A = vector.broadcast %jit3A_1000 : i32 to vector<16xi32>
            %max3A_1002 = arith.maxsi %max3A, %sub3A_999 : vector<16xi32>
            %min3A = vector.broadcast %jit3A_1001 : i32 to vector<16xi32>
            %min3A_1003 = arith.minsi %min3A, %max3A_1002 : vector<16xi32>
            %iota3A_1004 = tpu.iota {dimensions = array<i32: 0>} : vector<16xi32>
            %mul3A_1005 = arith.constant 16 : i32
            %mul3A_1006 = arith.muli %scan3A_987, %mul3A_1005 : i32
            %add3A_1007 = vector.broadcast %mul3A_1006 : i32 to vector<16xi32>
            %add3A_1008 = arith.addi %iota3A_1004, %add3A_1007 : vector<16xi32>
            %scan3A_1009 = arith.constant 0 : i32
            %scan3A_1010 = arith.constant 0 : i32
            %scan3A_1011 = arith.constant 32 : i32
            %scan3A_1012 = arith.addi %scan3A_1010, %scan3A_1011 : i32
            %scan3A_1013 = arith.constant 1 : i32
            %scan3A_1014 = scf.for %scan3A_1016 = %scan3A_1010 to %scan3A_1012 step %scan3A_1013 iter_args(%scan3A_1017 = %scan3A_1009) -> (i32)  : i32 {
              %broadcast_in_dim3A_1018 = arith.constant 0 : i32
              %broadcast_in_dim3A_1019 = vector.broadcast %broadcast_in_dim3A_1018 : i32 to vector<16xi32>
              %add3A_1020 = vector.broadcast %scan3A_1016 : i32 to vector<16xi32>
              %add3A_1021 = arith.addi %broadcast_in_dim3A_1019, %add3A_1020 : vector<16xi32>
              %gather3A = tpu.vector_load_idx %arg6[%min3A_1003, %add3A_1021] masked %ge3A_996 : memref<8x32xf32, #tpu.memory_space<vmem>>[vector<16xi32>, vector<16xi32>], vector<16xf32>, vector<16xi1>
              %scatter3A = arith.constant 1 : i32
              %scatter3A_1022 = arith.constant 0 : i32
              %scatter3A_1023 = arith.constant 0 : i32
              %scatter3A_1024 = tpu.memref_slice %arg9[%scatter3A, %scatter3A_1022, %scatter3A_1023] : memref<2x128x32xf32, #tpu.memory_space<vmem>> -> memref<1x128x32xf32, #tpu.memory_space<vmem>>
              %scatter3A_1025 = tpu.memref_squeeze %scatter3A_1024 : memref<1x128x32xf32, #tpu.memory_space<vmem>> -> memref<128x32xf32, #tpu.memory_space<vmem>>
              tpu.vector_store_idx %scatter3A_1025[%add3A_1008, %add3A_1021], %gather3A masked %ge3A_996 : memref<128x32xf32, #tpu.memory_space<vmem>>[vector<16xi32>, vector<16xi32>], vector<16xf32>, vector<16xi1>
              %scan3A_1026 = arith.constant 0 : i32
              scf.yield %scan3A_1026 : i32
            }
            %scan3A_1015 = arith.constant 32 : i32
            scf.yield %scan3A_1014 : i32
          }
          %scan3A_986 = arith.constant 8 : i32
        } else {
        }
        %convert_element_type3A_691 = arith.extui %ge3A_656 : i1 to i32
        %cond3A_692 = arith.constant 0 : i32
        %cond3A_693 = arith.cmpi ne, %convert_element_type3A_691, %cond3A_692 : i32
        scf.if %cond3A_693 {
          %sub3A_980 = arith.constant 2 : i32
          %sub3A_981 = arith.subi %sub3A_559, %sub3A_980 : i32
          %add3A_982 = arith.addi %mul3A_2, %sub3A_981 : i32
          %jit3A_983 = arith.constant 128 : i32
          %div3A_984 = arith.divsi %add3A_982, %jit3A_983 : i32
          %sign3A_985 = arith.constant 0 : i32
          %sign3A_986 = arith.cmpi sgt, %add3A_982, %sign3A_985 : i32
          %sign3A_987 = arith.extui %sign3A_986 : i1 to i32
          %sign3A_988 = arith.constant 0 : i32
          %sign3A_989 = arith.cmpi slt, %add3A_982, %sign3A_988 : i32
          %sign3A_990 = arith.extui %sign3A_989 : i1 to i32
          %sign3A_991 = arith.subi %sign3A_987, %sign3A_990 : i32
          %sign3A_992 = arith.constant 0 : i32
          %sign3A_993 = arith.cmpi sgt, %jit3A_983, %sign3A_992 : i32
          %sign3A_994 = arith.extui %sign3A_993 : i1 to i32
          %sign3A_995 = arith.constant 0 : i32
          %sign3A_996 = arith.cmpi slt, %jit3A_983, %sign3A_995 : i32
          %sign3A_997 = arith.extui %sign3A_996 : i1 to i32
          %sign3A_998 = arith.subi %sign3A_994, %sign3A_997 : i32
          %ne3A_999 = arith.cmpi ne, %sign3A_991, %sign3A_998 : i32
          %rem3A_1000 = arith.remsi %add3A_982, %jit3A_983 : i32
          %ne3A_1001 = arith.constant 0 : i32
          %ne3A_1002 = arith.cmpi ne, %rem3A_1000, %ne3A_1001 : i32
          %and3A_1003 = arith.andi %ne3A_999, %ne3A_1002 : i1
          %sub3A_1004 = arith.constant 1 : i32
          %sub3A_1005 = arith.subi %div3A_984, %sub3A_1004 : i32
          %select_n3A_1006 = arith.select %and3A_1003, %sub3A_1005, %div3A_984 : i32
          %jit3A_1007 = arith.constant 128 : i32
          %eq3A_1008 = arith.constant 0 : i32
          %eq3A_1009 = arith.cmpi eq, %jit3A_1007, %eq3A_1008 : i32
          %jit3A_1010 = arith.constant 1 : i32
          %select_n3A_1011 = arith.select %eq3A_1009, %jit3A_1010, %jit3A_1007 : i32
          %rem3A_1012 = arith.remsi %add3A_982, %select_n3A_1011 : i32
          %ne3A_1013 = arith.constant 0 : i32
          %ne3A_1014 = arith.cmpi ne, %rem3A_1012, %ne3A_1013 : i32
          %lt3A_1015 = arith.constant 0 : i32
          %lt3A_1016 = arith.cmpi slt, %rem3A_1012, %lt3A_1015 : i32
          %lt3A_1017 = arith.constant 0 : i32
          %lt3A_1018 = arith.cmpi slt, %select_n3A_1011, %lt3A_1017 : i32
          %ne3A_1019 = arith.xori %lt3A_1016, %lt3A_1018 : i1
          %and3A_1020 = arith.andi %ne3A_1019, %ne3A_1014 : i1
          %add3A_1021 = arith.addi %rem3A_1012, %select_n3A_1011 : i32
          %select_n3A_1022 = arith.select %and3A_1020, %add3A_1021, %rem3A_1012 : i32
          %mul3A_1023 = arith.constant 4 : i32
          %mul3A_1024 = arith.muli %select_n3A_1006, %mul3A_1023 : i32
          %add3A_1025 = arith.constant 0 : i32
          %add3A_1026 = arith.addi %mul3A_1024, %add3A_1025 : i32
          %mul3A_1027 = arith.constant 128 : i32
          %mul3A_1028 = arith.muli %add3A_1026, %mul3A_1027 : i32
          %add3A_1029 = arith.addi %mul3A_1028, %select_n3A_1022 : i32
          %mul3A_1030 = arith.constant 1024 : i32
          %mul3A_1031 = arith.muli %add3A_1029, %mul3A_1030 : i32
          %dma_wait3A_1032 = arith.constant 1 : i32
          %dma_wait3A_1033 = arith.constant 1 : i32
          %dma_wait3A_1034 = arith.constant 0 : i32
          %dma_wait3A_1035 = tpu.memref_slice %arg10[%dma_wait3A_1032, %dma_wait3A_1034] : memref<2x4096xf32, #tpu.memory_space<vmem>> -> memref<1x1024xf32, #tpu.memory_space<vmem>>
          %dma_wait3A_1036 = tpu.memref_squeeze %dma_wait3A_1035 : memref<1x1024xf32, #tpu.memory_space<vmem>> -> memref<1024xf32, #tpu.memory_space<vmem>>
          %dma_wait3A_1037 = tpu.memref_slice %arg5[%mul3A_1031] : memref<104857600xf32, #tpu.memory_space<hbm>> -> memref<1024xf32, #tpu.memory_space<hbm>>
          %dma_wait3A_1038 = tpu.memref_slice %arg13[%dma_wait3A_1033] : memref<2x!tpu.dma_semaphore, #tpu.memory_space<semaphore_mem>> -> memref<1x!tpu.dma_semaphore, #tpu.memory_space<semaphore_mem>>
          %dma_wait3A_1039 = tpu.memref_squeeze %dma_wait3A_1038 : memref<1x!tpu.dma_semaphore, #tpu.memory_space<semaphore_mem>> -> memref<!tpu.dma_semaphore, #tpu.memory_space<semaphore_mem>>
          %dma_wait3A_1040 = tpu.memref_slice %arg5[%mul3A_1031] : memref<104857600xf32, #tpu.memory_space<hbm>> -> memref<1024xf32, #tpu.memory_space<hbm>>
          %dma_wait3A_1041 = arith.constant 0 : i32
          %dma_wait3A_1042 = tpu.memref_slice %arg10[%dma_wait3A_1032, %dma_wait3A_1041] : memref<2x4096xf32, #tpu.memory_space<vmem>> -> memref<1x1024xf32, #tpu.memory_space<vmem>>
          %dma_wait3A_1043 = tpu.memref_squeeze %dma_wait3A_1042 : memref<1x1024xf32, #tpu.memory_space<vmem>> -> memref<1024xf32, #tpu.memory_space<vmem>>
          tpu.wait_dma2 semaphore(%dma_wait3A_1039 : memref<!tpu.dma_semaphore, #tpu.memory_space<semaphore_mem>>) src(%dma_wait3A_1043 : memref<1024xf32, #tpu.memory_space<vmem>>) dst(%dma_wait3A_1040 : memref<1024xf32, #tpu.memory_space<hbm>>)
          %sub3A_1044 = arith.constant 2 : i32
          %sub3A_1045 = arith.subi %sub3A_559, %sub3A_1044 : i32
          %add3A_1046 = arith.addi %mul3A_2, %sub3A_1045 : i32
          %jit3A_1047 = arith.constant 128 : i32
          %div3A_1048 = arith.divsi %add3A_1046, %jit3A_1047 : i32
          %sign3A_1049 = arith.constant 0 : i32
          %sign3A_1050 = arith.cmpi sgt, %add3A_1046, %sign3A_1049 : i32
          %sign3A_1051 = arith.extui %sign3A_1050 : i1 to i32
          %sign3A_1052 = arith.constant 0 : i32
          %sign3A_1053 = arith.cmpi slt, %add3A_1046, %sign3A_1052 : i32
          %sign3A_1054 = arith.extui %sign3A_1053 : i1 to i32
          %sign3A_1055 = arith.subi %sign3A_1051, %sign3A_1054 : i32
          %sign3A_1056 = arith.constant 0 : i32
          %sign3A_1057 = arith.cmpi sgt, %jit3A_1047, %sign3A_1056 : i32
          %sign3A_1058 = arith.extui %sign3A_1057 : i1 to i32
          %sign3A_1059 = arith.constant 0 : i32
          %sign3A_1060 = arith.cmpi slt, %jit3A_1047, %sign3A_1059 : i32
          %sign3A_1061 = arith.extui %sign3A_1060 : i1 to i32
          %sign3A_1062 = arith.subi %sign3A_1058, %sign3A_1061 : i32
          %ne3A_1063 = arith.cmpi ne, %sign3A_1055, %sign3A_1062 : i32
          %rem3A_1064 = arith.remsi %add3A_1046, %jit3A_1047 : i32
          %ne3A_1065 = arith.constant 0 : i32
          %ne3A_1066 = arith.cmpi ne, %rem3A_1064, %ne3A_1065 : i32
          %and3A_1067 = arith.andi %ne3A_1063, %ne3A_1066 : i1
          %sub3A_1068 = arith.constant 1 : i32
          %sub3A_1069 = arith.subi %div3A_1048, %sub3A_1068 : i32
          %select_n3A_1070 = arith.select %and3A_1067, %sub3A_1069, %div3A_1048 : i32
          %jit3A_1071 = arith.constant 128 : i32
          %eq3A_1072 = arith.constant 0 : i32
          %eq3A_1073 = arith.cmpi eq, %jit3A_1071, %eq3A_1072 : i32
          %jit3A_1074 = arith.constant 1 : i32
          %select_n3A_1075 = arith.select %eq3A_1073, %jit3A_1074, %jit3A_1071 : i32
          %rem3A_1076 = arith.remsi %add3A_1046, %select_n3A_1075 : i32
          %ne3A_1077 = arith.constant 0 : i32
          %ne3A_1078 = arith.cmpi ne, %rem3A_1076, %ne3A_1077 : i32
          %lt3A_1079 = arith.constant 0 : i32
          %lt3A_1080 = arith.cmpi slt, %rem3A_1076, %lt3A_1079 : i32
          %lt3A_1081 = arith.constant 0 : i32
          %lt3A_1082 = arith.cmpi slt, %select_n3A_1075, %lt3A_1081 : i32
          %ne3A_1083 = arith.xori %lt3A_1080, %lt3A_1082 : i1
          %and3A_1084 = arith.andi %ne3A_1083, %ne3A_1078 : i1
          %add3A_1085 = arith.addi %rem3A_1076, %select_n3A_1075 : i32
          %select_n3A_1086 = arith.select %and3A_1084, %add3A_1085, %rem3A_1076 : i32
          %mul3A_1087 = arith.constant 4 : i32
          %mul3A_1088 = arith.muli %select_n3A_1070, %mul3A_1087 : i32
          %add3A_1089 = arith.constant 1 : i32
          %add3A_1090 = arith.addi %mul3A_1088, %add3A_1089 : i32
          %mul3A_1091 = arith.constant 128 : i32
          %mul3A_1092 = arith.muli %add3A_1090, %mul3A_1091 : i32
          %add3A_1093 = arith.addi %mul3A_1092, %select_n3A_1086 : i32
          %mul3A_1094 = arith.constant 1024 : i32
          %mul3A_1095 = arith.muli %add3A_1093, %mul3A_1094 : i32
          %dma_wait3A_1096 = arith.constant 1 : i32
          %dma_wait3A_1097 = arith.constant 1 : i32
          %dma_wait3A_1098 = arith.constant 1024 : i32
          %dma_wait3A_1099 = tpu.memref_slice %arg10[%dma_wait3A_1096, %dma_wait3A_1098] : memref<2x4096xf32, #tpu.memory_space<vmem>> -> memref<1x1024xf32, #tpu.memory_space<vmem>>
          %dma_wait3A_1100 = tpu.memref_squeeze %dma_wait3A_1099 : memref<1x1024xf32, #tpu.memory_space<vmem>> -> memref<1024xf32, #tpu.memory_space<vmem>>
          %dma_wait3A_1101 = tpu.memref_slice %arg5[%mul3A_1095] : memref<104857600xf32, #tpu.memory_space<hbm>> -> memref<1024xf32, #tpu.memory_space<hbm>>
          %dma_wait3A_1102 = tpu.memref_slice %arg13[%dma_wait3A_1097] : memref<2x!tpu.dma_semaphore, #tpu.memory_space<semaphore_mem>> -> memref<1x!tpu.dma_semaphore, #tpu.memory_space<semaphore_mem>>
          %dma_wait3A_1103 = tpu.memref_squeeze %dma_wait3A_1102 : memref<1x!tpu.dma_semaphore, #tpu.memory_space<semaphore_mem>> -> memref<!tpu.dma_semaphore, #tpu.memory_space<semaphore_mem>>
          %dma_wait3A_1104 = tpu.memref_slice %arg5[%mul3A_1095] : memref<104857600xf32, #tpu.memory_space<hbm>> -> memref<1024xf32, #tpu.memory_space<hbm>>
          %dma_wait3A_1105 = arith.constant 1024 : i32
          %dma_wait3A_1106 = tpu.memref_slice %arg10[%dma_wait3A_1096, %dma_wait3A_1105] : memref<2x4096xf32, #tpu.memory_space<vmem>> -> memref<1x1024xf32, #tpu.memory_space<vmem>>
          %dma_wait3A_1107 = tpu.memref_squeeze %dma_wait3A_1106 : memref<1x1024xf32, #tpu.memory_space<vmem>> -> memref<1024xf32, #tpu.memory_space<vmem>>
          tpu.wait_dma2 semaphore(%dma_wait3A_1103 : memref<!tpu.dma_semaphore, #tpu.memory_space<semaphore_mem>>) src(%dma_wait3A_1107 : memref<1024xf32, #tpu.memory_space<vmem>>) dst(%dma_wait3A_1104 : memref<1024xf32, #tpu.memory_space<hbm>>)
          %sub3A_1108 = arith.constant 2 : i32
          %sub3A_1109 = arith.subi %sub3A_559, %sub3A_1108 : i32
          %add3A_1110 = arith.addi %mul3A_2, %sub3A_1109 : i32
          %jit3A_1111 = arith.constant 128 : i32
          %div3A_1112 = arith.divsi %add3A_1110, %jit3A_1111 : i32
          %sign3A_1113 = arith.constant 0 : i32
          %sign3A_1114 = arith.cmpi sgt, %add3A_1110, %sign3A_1113 : i32
          %sign3A_1115 = arith.extui %sign3A_1114 : i1 to i32
          %sign3A_1116 = arith.constant 0 : i32
          %sign3A_1117 = arith.cmpi slt, %add3A_1110, %sign3A_1116 : i32
          %sign3A_1118 = arith.extui %sign3A_1117 : i1 to i32
          %sign3A_1119 = arith.subi %sign3A_1115, %sign3A_1118 : i32
          %sign3A_1120 = arith.constant 0 : i32
          %sign3A_1121 = arith.cmpi sgt, %jit3A_1111, %sign3A_1120 : i32
          %sign3A_1122 = arith.extui %sign3A_1121 : i1 to i32
          %sign3A_1123 = arith.constant 0 : i32
          %sign3A_1124 = arith.cmpi slt, %jit3A_1111, %sign3A_1123 : i32
          %sign3A_1125 = arith.extui %sign3A_1124 : i1 to i32
          %sign3A_1126 = arith.subi %sign3A_1122, %sign3A_1125 : i32
          %ne3A_1127 = arith.cmpi ne, %sign3A_1119, %sign3A_1126 : i32
          %rem3A_1128 = arith.remsi %add3A_1110, %jit3A_1111 : i32
          %ne3A_1129 = arith.constant 0 : i32
          %ne3A_1130 = arith.cmpi ne, %rem3A_1128, %ne3A_1129 : i32
          %and3A_1131 = arith.andi %ne3A_1127, %ne3A_1130 : i1
          %sub3A_1132 = arith.constant 1 : i32
          %sub3A_1133 = arith.subi %div3A_1112, %sub3A_1132 : i32
          %select_n3A_1134 = arith.select %and3A_1131, %sub3A_1133, %div3A_1112 : i32
          %jit3A_1135 = arith.constant 128 : i32
          %eq3A_1136 = arith.constant 0 : i32
          %eq3A_1137 = arith.cmpi eq, %jit3A_1135, %eq3A_1136 : i32
          %jit3A_1138 = arith.constant 1 : i32
          %select_n3A_1139 = arith.select %eq3A_1137, %jit3A_1138, %jit3A_1135 : i32
          %rem3A_1140 = arith.remsi %add3A_1110, %select_n3A_1139 : i32
          %ne3A_1141 = arith.constant 0 : i32
          %ne3A_1142 = arith.cmpi ne, %rem3A_1140, %ne3A_1141 : i32
          %lt3A_1143 = arith.constant 0 : i32
          %lt3A_1144 = arith.cmpi slt, %rem3A_1140, %lt3A_1143 : i32
          %lt3A_1145 = arith.constant 0 : i32
          %lt3A_1146 = arith.cmpi slt, %select_n3A_1139, %lt3A_1145 : i32
          %ne3A_1147 = arith.xori %lt3A_1144, %lt3A_1146 : i1
          %and3A_1148 = arith.andi %ne3A_1147, %ne3A_1142 : i1
          %add3A_1149 = arith.addi %rem3A_1140, %select_n3A_1139 : i32
          %select_n3A_1150 = arith.select %and3A_1148, %add3A_1149, %rem3A_1140 : i32
          %mul3A_1151 = arith.constant 4 : i32
          %mul3A_1152 = arith.muli %select_n3A_1134, %mul3A_1151 : i32
          %add3A_1153 = arith.constant 2 : i32
          %add3A_1154 = arith.addi %mul3A_1152, %add3A_1153 : i32
          %mul3A_1155 = arith.constant 128 : i32
          %mul3A_1156 = arith.muli %add3A_1154, %mul3A_1155 : i32
          %add3A_1157 = arith.addi %mul3A_1156, %select_n3A_1150 : i32
          %mul3A_1158 = arith.constant 1024 : i32
          %mul3A_1159 = arith.muli %add3A_1157, %mul3A_1158 : i32
          %dma_wait3A_1160 = arith.constant 1 : i32
          %dma_wait3A_1161 = arith.constant 1 : i32
          %dma_wait3A_1162 = arith.constant 2048 : i32
          %dma_wait3A_1163 = tpu.memref_slice %arg10[%dma_wait3A_1160, %dma_wait3A_1162] : memref<2x4096xf32, #tpu.memory_space<vmem>> -> memref<1x1024xf32, #tpu.memory_space<vmem>>
          %dma_wait3A_1164 = tpu.memref_squeeze %dma_wait3A_1163 : memref<1x1024xf32, #tpu.memory_space<vmem>> -> memref<1024xf32, #tpu.memory_space<vmem>>
          %dma_wait3A_1165 = tpu.memref_slice %arg5[%mul3A_1159] : memref<104857600xf32, #tpu.memory_space<hbm>> -> memref<1024xf32, #tpu.memory_space<hbm>>
          %dma_wait3A_1166 = tpu.memref_slice %arg13[%dma_wait3A_1161] : memref<2x!tpu.dma_semaphore, #tpu.memory_space<semaphore_mem>> -> memref<1x!tpu.dma_semaphore, #tpu.memory_space<semaphore_mem>>
          %dma_wait3A_1167 = tpu.memref_squeeze %dma_wait3A_1166 : memref<1x!tpu.dma_semaphore, #tpu.memory_space<semaphore_mem>> -> memref<!tpu.dma_semaphore, #tpu.memory_space<semaphore_mem>>
          %dma_wait3A_1168 = tpu.memref_slice %arg5[%mul3A_1159] : memref<104857600xf32, #tpu.memory_space<hbm>> -> memref<1024xf32, #tpu.memory_space<hbm>>
          %dma_wait3A_1169 = arith.constant 2048 : i32
          %dma_wait3A_1170 = tpu.memref_slice %arg10[%dma_wait3A_1160, %dma_wait3A_1169] : memref<2x4096xf32, #tpu.memory_space<vmem>> -> memref<1x1024xf32, #tpu.memory_space<vmem>>
          %dma_wait3A_1171 = tpu.memref_squeeze %dma_wait3A_1170 : memref<1x1024xf32, #tpu.memory_space<vmem>> -> memref<1024xf32, #tpu.memory_space<vmem>>
          tpu.wait_dma2 semaphore(%dma_wait3A_1167 : memref<!tpu.dma_semaphore, #tpu.memory_space<semaphore_mem>>) src(%dma_wait3A_1171 : memref<1024xf32, #tpu.memory_space<vmem>>) dst(%dma_wait3A_1168 : memref<1024xf32, #tpu.memory_space<hbm>>)
          %sub3A_1172 = arith.constant 2 : i32
          %sub3A_1173 = arith.subi %sub3A_559, %sub3A_1172 : i32
          %add3A_1174 = arith.addi %mul3A_2, %sub3A_1173 : i32
          %jit3A_1175 = arith.constant 128 : i32
          %div3A_1176 = arith.divsi %add3A_1174, %jit3A_1175 : i32
          %sign3A_1177 = arith.constant 0 : i32
          %sign3A_1178 = arith.cmpi sgt, %add3A_1174, %sign3A_1177 : i32
          %sign3A_1179 = arith.extui %sign3A_1178 : i1 to i32
          %sign3A_1180 = arith.constant 0 : i32
          %sign3A_1181 = arith.cmpi slt, %add3A_1174, %sign3A_1180 : i32
          %sign3A_1182 = arith.extui %sign3A_1181 : i1 to i32
          %sign3A_1183 = arith.subi %sign3A_1179, %sign3A_1182 : i32
          %sign3A_1184 = arith.constant 0 : i32
          %sign3A_1185 = arith.cmpi sgt, %jit3A_1175, %sign3A_1184 : i32
          %sign3A_1186 = arith.extui %sign3A_1185 : i1 to i32
          %sign3A_1187 = arith.constant 0 : i32
          %sign3A_1188 = arith.cmpi slt, %jit3A_1175, %sign3A_1187 : i32
          %sign3A_1189 = arith.extui %sign3A_1188 : i1 to i32
          %sign3A_1190 = arith.subi %sign3A_1186, %sign3A_1189 : i32
          %ne3A_1191 = arith.cmpi ne, %sign3A_1183, %sign3A_1190 : i32
          %rem3A_1192 = arith.remsi %add3A_1174, %jit3A_1175 : i32
          %ne3A_1193 = arith.constant 0 : i32
          %ne3A_1194 = arith.cmpi ne, %rem3A_1192, %ne3A_1193 : i32
          %and3A_1195 = arith.andi %ne3A_1191, %ne3A_1194 : i1
          %sub3A_1196 = arith.constant 1 : i32
          %sub3A_1197 = arith.subi %div3A_1176, %sub3A_1196 : i32
          %select_n3A_1198 = arith.select %and3A_1195, %sub3A_1197, %div3A_1176 : i32
          %jit3A_1199 = arith.constant 128 : i32
          %eq3A_1200 = arith.constant 0 : i32
          %eq3A_1201 = arith.cmpi eq, %jit3A_1199, %eq3A_1200 : i32
          %jit3A_1202 = arith.constant 1 : i32
          %select_n3A_1203 = arith.select %eq3A_1201, %jit3A_1202, %jit3A_1199 : i32
          %rem3A_1204 = arith.remsi %add3A_1174, %select_n3A_1203 : i32
          %ne3A_1205 = arith.constant 0 : i32
          %ne3A_1206 = arith.cmpi ne, %rem3A_1204, %ne3A_1205 : i32
          %lt3A_1207 = arith.constant 0 : i32
          %lt3A_1208 = arith.cmpi slt, %rem3A_1204, %lt3A_1207 : i32
          %lt3A_1209 = arith.constant 0 : i32
          %lt3A_1210 = arith.cmpi slt, %select_n3A_1203, %lt3A_1209 : i32
          %ne3A_1211 = arith.xori %lt3A_1208, %lt3A_1210 : i1
          %and3A_1212 = arith.andi %ne3A_1211, %ne3A_1206 : i1
          %add3A_1213 = arith.addi %rem3A_1204, %select_n3A_1203 : i32
          %select_n3A_1214 = arith.select %and3A_1212, %add3A_1213, %rem3A_1204 : i32
          %mul3A_1215 = arith.constant 4 : i32
          %mul3A_1216 = arith.muli %select_n3A_1198, %mul3A_1215 : i32
          %add3A_1217 = arith.constant 3 : i32
          %add3A_1218 = arith.addi %mul3A_1216, %add3A_1217 : i32
          %mul3A_1219 = arith.constant 128 : i32
          %mul3A_1220 = arith.muli %add3A_1218, %mul3A_1219 : i32
          %add3A_1221 = arith.addi %mul3A_1220, %select_n3A_1214 : i32
          %mul3A_1222 = arith.constant 1024 : i32
          %mul3A_1223 = arith.muli %add3A_1221, %mul3A_1222 : i32
          %dma_wait3A_1224 = arith.constant 1 : i32
          %dma_wait3A_1225 = arith.constant 1 : i32
          %dma_wait3A_1226 = arith.constant 3072 : i32
          %dma_wait3A_1227 = tpu.memref_slice %arg10[%dma_wait3A_1224, %dma_wait3A_1226] : memref<2x4096xf32, #tpu.memory_space<vmem>> -> memref<1x1024xf32, #tpu.memory_space<vmem>>
          %dma_wait3A_1228 = tpu.memref_squeeze %dma_wait3A_1227 : memref<1x1024xf32, #tpu.memory_space<vmem>> -> memref<1024xf32, #tpu.memory_space<vmem>>
          %dma_wait3A_1229 = tpu.memref_slice %arg5[%mul3A_1223] : memref<104857600xf32, #tpu.memory_space<hbm>> -> memref<1024xf32, #tpu.memory_space<hbm>>
          %dma_wait3A_1230 = tpu.memref_slice %arg13[%dma_wait3A_1225] : memref<2x!tpu.dma_semaphore, #tpu.memory_space<semaphore_mem>> -> memref<1x!tpu.dma_semaphore, #tpu.memory_space<semaphore_mem>>
          %dma_wait3A_1231 = tpu.memref_squeeze %dma_wait3A_1230 : memref<1x!tpu.dma_semaphore, #tpu.memory_space<semaphore_mem>> -> memref<!tpu.dma_semaphore, #tpu.memory_space<semaphore_mem>>
          %dma_wait3A_1232 = tpu.memref_slice %arg5[%mul3A_1223] : memref<104857600xf32, #tpu.memory_space<hbm>> -> memref<1024xf32, #tpu.memory_space<hbm>>
          %dma_wait3A_1233 = arith.constant 3072 : i32
          %dma_wait3A_1234 = tpu.memref_slice %arg10[%dma_wait3A_1224, %dma_wait3A_1233] : memref<2x4096xf32, #tpu.memory_space<vmem>> -> memref<1x1024xf32, #tpu.memory_space<vmem>>
          %dma_wait3A_1235 = tpu.memref_squeeze %dma_wait3A_1234 : memref<1x1024xf32, #tpu.memory_space<vmem>> -> memref<1024xf32, #tpu.memory_space<vmem>>
          tpu.wait_dma2 semaphore(%dma_wait3A_1231 : memref<!tpu.dma_semaphore, #tpu.memory_space<semaphore_mem>>) src(%dma_wait3A_1235 : memref<1024xf32, #tpu.memory_space<vmem>>) dst(%dma_wait3A_1232 : memref<1024xf32, #tpu.memory_space<hbm>>)
        } else {
        }
        %iota3A = tpu.iota {dimensions = array<i32: 0>} : vector<16xi32>
        %add3A_694 = arith.constant 0 : i32
        %add3A_695 = vector.broadcast %add3A_694 : i32 to vector<16xi32>
        %add3A_696 = arith.addi %iota3A, %add3A_695 : vector<16xi32>
        %iota3A_697 = tpu.iota {dimensions = array<i32: 0>} : vector<16xi32>
        %add3A_698 = arith.constant 16 : i32
        %add3A_699 = vector.broadcast %add3A_698 : i32 to vector<16xi32>
        %add3A_700 = arith.addi %iota3A_697, %add3A_699 : vector<16xi32>
        %iota3A_701 = tpu.iota {dimensions = array<i32: 0>} : vector<16xi32>
        %add3A_702 = arith.constant 32 : i32
        %add3A_703 = vector.broadcast %add3A_702 : i32 to vector<16xi32>
        %add3A_704 = arith.addi %iota3A_701, %add3A_703 : vector<16xi32>
        %iota3A_705 = tpu.iota {dimensions = array<i32: 0>} : vector<16xi32>
        %add3A_706 = arith.constant 48 : i32
        %add3A_707 = vector.broadcast %add3A_706 : i32 to vector<16xi32>
        %add3A_708 = arith.addi %iota3A_705, %add3A_707 : vector<16xi32>
        %iota3A_709 = tpu.iota {dimensions = array<i32: 0>} : vector<16xi32>
        %add3A_710 = arith.constant 64 : i32
        %add3A_711 = vector.broadcast %add3A_710 : i32 to vector<16xi32>
        %add3A_712 = arith.addi %iota3A_709, %add3A_711 : vector<16xi32>
        %iota3A_713 = tpu.iota {dimensions = array<i32: 0>} : vector<16xi32>
        %add3A_714 = arith.constant 80 : i32
        %add3A_715 = vector.broadcast %add3A_714 : i32 to vector<16xi32>
        %add3A_716 = arith.addi %iota3A_713, %add3A_715 : vector<16xi32>
        %iota3A_717 = tpu.iota {dimensions = array<i32: 0>} : vector<16xi32>
        %add3A_718 = arith.constant 96 : i32
        %add3A_719 = vector.broadcast %add3A_718 : i32 to vector<16xi32>
        %add3A_720 = arith.addi %iota3A_717, %add3A_719 : vector<16xi32>
        %iota3A_721 = tpu.iota {dimensions = array<i32: 0>} : vector<16xi32>
        %add3A_722 = arith.constant 112 : i32
        %add3A_723 = vector.broadcast %add3A_722 : i32 to vector<16xi32>
        %add3A_724 = arith.addi %iota3A_721, %add3A_723 : vector<16xi32>
        %scan3A_725 = arith.constant 0 : i32
        %scan3A_726 = arith.constant 0 : i32
        %scan3A_727 = arith.constant 32 : i32
        %scan3A_728 = arith.addi %scan3A_726, %scan3A_727 : i32
        %scan3A_729 = arith.constant 1 : i32
        %scan3A_730 = scf.for %scan3A_980 = %scan3A_726 to %scan3A_728 step %scan3A_729 iter_args(%scan3A_981 = %scan3A_725) -> (i32)  : i32 {
          %broadcast_in_dim3A_982 = arith.constant 0 : i32
          %broadcast_in_dim3A_983 = vector.broadcast %broadcast_in_dim3A_982 : i32 to vector<16xi32>
          %add3A_984 = vector.broadcast %scan3A_980 : i32 to vector<16xi32>
          %add3A_985 = arith.addi %broadcast_in_dim3A_983, %add3A_984 : vector<16xi32>
          %jit3A_986 = arith.constant 8 : i32
          %div3A_987 = arith.divsi %scan3A_980, %jit3A_986 : i32
          %sign3A_988 = arith.constant 0 : i32
          %sign3A_989 = arith.cmpi sgt, %scan3A_980, %sign3A_988 : i32
          %sign3A_990 = arith.extui %sign3A_989 : i1 to i32
          %sign3A_991 = arith.constant 0 : i32
          %sign3A_992 = arith.cmpi slt, %scan3A_980, %sign3A_991 : i32
          %sign3A_993 = arith.extui %sign3A_992 : i1 to i32
          %sign3A_994 = arith.subi %sign3A_990, %sign3A_993 : i32
          %sign3A_995 = arith.constant 0 : i32
          %sign3A_996 = arith.cmpi sgt, %jit3A_986, %sign3A_995 : i32
          %sign3A_997 = arith.extui %sign3A_996 : i1 to i32
          %sign3A_998 = arith.constant 0 : i32
          %sign3A_999 = arith.cmpi slt, %jit3A_986, %sign3A_998 : i32
          %sign3A_1000 = arith.extui %sign3A_999 : i1 to i32
          %sign3A_1001 = arith.subi %sign3A_997, %sign3A_1000 : i32
          %ne3A_1002 = arith.cmpi ne, %sign3A_994, %sign3A_1001 : i32
          %rem3A_1003 = arith.remsi %scan3A_980, %jit3A_986 : i32
          %ne3A_1004 = arith.constant 0 : i32
          %ne3A_1005 = arith.cmpi ne, %rem3A_1003, %ne3A_1004 : i32
          %and3A_1006 = arith.andi %ne3A_1002, %ne3A_1005 : i1
          %sub3A_1007 = arith.constant 1 : i32
          %sub3A_1008 = arith.subi %div3A_987, %sub3A_1007 : i32
          %select_n3A_1009 = arith.select %and3A_1006, %sub3A_1008, %div3A_987 : i32
          %mul3A_1010 = arith.constant 1024 : i32
          %mul3A_1011 = arith.muli %select_n3A_1009, %mul3A_1010 : i32
          %jit3A_1012 = arith.constant 8 : i32
          %eq3A_1013 = arith.constant 0 : i32
          %eq3A_1014 = arith.cmpi eq, %jit3A_1012, %eq3A_1013 : i32
          %jit3A_1015 = arith.constant 1 : i32
          %select_n3A_1016 = arith.select %eq3A_1014, %jit3A_1015, %jit3A_1012 : i32
          %rem3A_1017 = arith.remsi %scan3A_980, %select_n3A_1016 : i32
          %ne3A_1018 = arith.constant 0 : i32
          %ne3A_1019 = arith.cmpi ne, %rem3A_1017, %ne3A_1018 : i32
          %lt3A_1020 = arith.constant 0 : i32
          %lt3A_1021 = arith.cmpi slt, %rem3A_1017, %lt3A_1020 : i32
          %lt3A_1022 = arith.constant 0 : i32
          %lt3A_1023 = arith.cmpi slt, %select_n3A_1016, %lt3A_1022 : i32
          %ne3A_1024 = arith.xori %lt3A_1021, %lt3A_1023 : i1
          %and3A_1025 = arith.andi %ne3A_1024, %ne3A_1019 : i1
          %add3A_1026 = arith.addi %rem3A_1017, %select_n3A_1016 : i32
          %select_n3A_1027 = arith.select %and3A_1025, %add3A_1026, %rem3A_1017 : i32
          %mul3A_1028 = arith.constant 128 : i32
          %mul3A_1029 = arith.muli %select_n3A_1027, %mul3A_1028 : i32
          %add3A_1030 = arith.addi %mul3A_1011, %mul3A_1029 : i32
          %gather3A = arith.constant 1 : i32
          %gather3A_1031 = arith.constant 0 : i32
          %gather3A_1032 = arith.constant 0 : i32
          %gather3A_1033 = tpu.memref_slice %arg9[%gather3A, %gather3A_1031, %gather3A_1032] : memref<2x128x32xf32, #tpu.memory_space<vmem>> -> memref<1x128x32xf32, #tpu.memory_space<vmem>>
          %gather3A_1034 = tpu.memref_squeeze %gather3A_1033 : memref<1x128x32xf32, #tpu.memory_space<vmem>> -> memref<128x32xf32, #tpu.memory_space<vmem>>
          %gather3A_1035 = tpu.vector_load_idx %gather3A_1034[%add3A_696, %add3A_985] : memref<128x32xf32, #tpu.memory_space<vmem>>[vector<16xi32>, vector<16xi32>], vector<16xf32>,
          %add3A_1036 = arith.constant 0 : i32
          %add3A_1037 = arith.addi %add3A_1030, %add3A_1036 : i32
          %swap3A = arith.constant 1 : i32
          %swap3A_1038 = arith.index_cast %swap3A : i32 to index
          %swap3A_1039 = arith.index_cast %add3A_1037 : i32 to index
          %swap3A_1040 = tpu.vector_load %arg10[%swap3A_1038, %swap3A_1039] {strides = array<i32>} : memref<2x4096xf32, #tpu.memory_space<vmem>>, vector<16xf32>,
          tpu.vector_store %arg10[%swap3A_1038, %swap3A_1039], %gather3A_1035 {strides = array<i32>} : memref<2x4096xf32, #tpu.memory_space<vmem>>, vector<16xf32>,
          %gather3A_1041 = arith.constant 1 : i32
          %gather3A_1042 = arith.constant 0 : i32
          %gather3A_1043 = arith.constant 0 : i32
          %gather3A_1044 = tpu.memref_slice %arg9[%gather3A_1041, %gather3A_1042, %gather3A_1043] : memref<2x128x32xf32, #tpu.memory_space<vmem>> -> memref<1x128x32xf32, #tpu.memory_space<vmem>>
          %gather3A_1045 = tpu.memref_squeeze %gather3A_1044 : memref<1x128x32xf32, #tpu.memory_space<vmem>> -> memref<128x32xf32, #tpu.memory_space<vmem>>
          %gather3A_1046 = tpu.vector_load_idx %gather3A_1045[%add3A_700, %add3A_985] : memref<128x32xf32, #tpu.memory_space<vmem>>[vector<16xi32>, vector<16xi32>], vector<16xf32>,
          %add3A_1047 = arith.constant 16 : i32
          %add3A_1048 = arith.addi %add3A_1030, %add3A_1047 : i32
          %swap3A_1049 = arith.constant 1 : i32
          %swap3A_1050 = arith.index_cast %swap3A_1049 : i32 to index
          %swap3A_1051 = arith.index_cast %add3A_1048 : i32 to index
          %swap3A_1052 = tpu.vector_load %arg10[%swap3A_1050, %swap3A_1051] {strides = array<i32>} : memref<2x4096xf32, #tpu.memory_space<vmem>>, vector<16xf32>,
          tpu.vector_store %arg10[%swap3A_1050, %swap3A_1051], %gather3A_1046 {strides = array<i32>} : memref<2x4096xf32, #tpu.memory_space<vmem>>, vector<16xf32>,
          %gather3A_1053 = arith.constant 1 : i32
          %gather3A_1054 = arith.constant 0 : i32
          %gather3A_1055 = arith.constant 0 : i32
          %gather3A_1056 = tpu.memref_slice %arg9[%gather3A_1053, %gather3A_1054, %gather3A_1055] : memref<2x128x32xf32, #tpu.memory_space<vmem>> -> memref<1x128x32xf32, #tpu.memory_space<vmem>>
          %gather3A_1057 = tpu.memref_squeeze %gather3A_1056 : memref<1x128x32xf32, #tpu.memory_space<vmem>> -> memref<128x32xf32, #tpu.memory_space<vmem>>
          %gather3A_1058 = tpu.vector_load_idx %gather3A_1057[%add3A_704, %add3A_985] : memref<128x32xf32, #tpu.memory_space<vmem>>[vector<16xi32>, vector<16xi32>], vector<16xf32>,
          %add3A_1059 = arith.constant 32 : i32
          %add3A_1060 = arith.addi %add3A_1030, %add3A_1059 : i32
          %swap3A_1061 = arith.constant 1 : i32
          %swap3A_1062 = arith.index_cast %swap3A_1061 : i32 to index
          %swap3A_1063 = arith.index_cast %add3A_1060 : i32 to index
          %swap3A_1064 = tpu.vector_load %arg10[%swap3A_1062, %swap3A_1063] {strides = array<i32>} : memref<2x4096xf32, #tpu.memory_space<vmem>>, vector<16xf32>,
          tpu.vector_store %arg10[%swap3A_1062, %swap3A_1063], %gather3A_1058 {strides = array<i32>} : memref<2x4096xf32, #tpu.memory_space<vmem>>, vector<16xf32>,
          %gather3A_1065 = arith.constant 1 : i32
          %gather3A_1066 = arith.constant 0 : i32
          %gather3A_1067 = arith.constant 0 : i32
          %gather3A_1068 = tpu.memref_slice %arg9[%gather3A_1065, %gather3A_1066, %gather3A_1067] : memref<2x128x32xf32, #tpu.memory_space<vmem>> -> memref<1x128x32xf32, #tpu.memory_space<vmem>>
          %gather3A_1069 = tpu.memref_squeeze %gather3A_1068 : memref<1x128x32xf32, #tpu.memory_space<vmem>> -> memref<128x32xf32, #tpu.memory_space<vmem>>
          %gather3A_1070 = tpu.vector_load_idx %gather3A_1069[%add3A_708, %add3A_985] : memref<128x32xf32, #tpu.memory_space<vmem>>[vector<16xi32>, vector<16xi32>], vector<16xf32>,
          %add3A_1071 = arith.constant 48 : i32
          %add3A_1072 = arith.addi %add3A_1030, %add3A_1071 : i32
          %swap3A_1073 = arith.constant 1 : i32
          %swap3A_1074 = arith.index_cast %swap3A_1073 : i32 to index
          %swap3A_1075 = arith.index_cast %add3A_1072 : i32 to index
          %swap3A_1076 = tpu.vector_load %arg10[%swap3A_1074, %swap3A_1075] {strides = array<i32>} : memref<2x4096xf32, #tpu.memory_space<vmem>>, vector<16xf32>,
          tpu.vector_store %arg10[%swap3A_1074, %swap3A_1075], %gather3A_1070 {strides = array<i32>} : memref<2x4096xf32, #tpu.memory_space<vmem>>, vector<16xf32>,
          %gather3A_1077 = arith.constant 1 : i32
          %gather3A_1078 = arith.constant 0 : i32
          %gather3A_1079 = arith.constant 0 : i32
          %gather3A_1080 = tpu.memref_slice %arg9[%gather3A_1077, %gather3A_1078, %gather3A_1079] : memref<2x128x32xf32, #tpu.memory_space<vmem>> -> memref<1x128x32xf32, #tpu.memory_space<vmem>>
          %gather3A_1081 = tpu.memref_squeeze %gather3A_1080 : memref<1x128x32xf32, #tpu.memory_space<vmem>> -> memref<128x32xf32, #tpu.memory_space<vmem>>
          %gather3A_1082 = tpu.vector_load_idx %gather3A_1081[%add3A_712, %add3A_985] : memref<128x32xf32, #tpu.memory_space<vmem>>[vector<16xi32>, vector<16xi32>], vector<16xf32>,
          %add3A_1083 = arith.constant 64 : i32
          %add3A_1084 = arith.addi %add3A_1030, %add3A_1083 : i32
          %swap3A_1085 = arith.constant 1 : i32
          %swap3A_1086 = arith.index_cast %swap3A_1085 : i32 to index
          %swap3A_1087 = arith.index_cast %add3A_1084 : i32 to index
          %swap3A_1088 = tpu.vector_load %arg10[%swap3A_1086, %swap3A_1087] {strides = array<i32>} : memref<2x4096xf32, #tpu.memory_space<vmem>>, vector<16xf32>,
          tpu.vector_store %arg10[%swap3A_1086, %swap3A_1087], %gather3A_1082 {strides = array<i32>} : memref<2x4096xf32, #tpu.memory_space<vmem>>, vector<16xf32>,
          %gather3A_1089 = arith.constant 1 : i32
          %gather3A_1090 = arith.constant 0 : i32
          %gather3A_1091 = arith.constant 0 : i32
          %gather3A_1092 = tpu.memref_slice %arg9[%gather3A_1089, %gather3A_1090, %gather3A_1091] : memref<2x128x32xf32, #tpu.memory_space<vmem>> -> memref<1x128x32xf32, #tpu.memory_space<vmem>>
          %gather3A_1093 = tpu.memref_squeeze %gather3A_1092 : memref<1x128x32xf32, #tpu.memory_space<vmem>> -> memref<128x32xf32, #tpu.memory_space<vmem>>
          %gather3A_1094 = tpu.vector_load_idx %gather3A_1093[%add3A_716, %add3A_985] : memref<128x32xf32, #tpu.memory_space<vmem>>[vector<16xi32>, vector<16xi32>], vector<16xf32>,
          %add3A_1095 = arith.constant 80 : i32
          %add3A_1096 = arith.addi %add3A_1030, %add3A_1095 : i32
          %swap3A_1097 = arith.constant 1 : i32
          %swap3A_1098 = arith.index_cast %swap3A_1097 : i32 to index
          %swap3A_1099 = arith.index_cast %add3A_1096 : i32 to index
          %swap3A_1100 = tpu.vector_load %arg10[%swap3A_1098, %swap3A_1099] {strides = array<i32>} : memref<2x4096xf32, #tpu.memory_space<vmem>>, vector<16xf32>,
          tpu.vector_store %arg10[%swap3A_1098, %swap3A_1099], %gather3A_1094 {strides = array<i32>} : memref<2x4096xf32, #tpu.memory_space<vmem>>, vector<16xf32>,
          %gather3A_1101 = arith.constant 1 : i32
          %gather3A_1102 = arith.constant 0 : i32
          %gather3A_1103 = arith.constant 0 : i32
          %gather3A_1104 = tpu.memref_slice %arg9[%gather3A_1101, %gather3A_1102, %gather3A_1103] : memref<2x128x32xf32, #tpu.memory_space<vmem>> -> memref<1x128x32xf32, #tpu.memory_space<vmem>>
          %gather3A_1105 = tpu.memref_squeeze %gather3A_1104 : memref<1x128x32xf32, #tpu.memory_space<vmem>> -> memref<128x32xf32, #tpu.memory_space<vmem>>
          %gather3A_1106 = tpu.vector_load_idx %gather3A_1105[%add3A_720, %add3A_985] : memref<128x32xf32, #tpu.memory_space<vmem>>[vector<16xi32>, vector<16xi32>], vector<16xf32>,
          %add3A_1107 = arith.constant 96 : i32
          %add3A_1108 = arith.addi %add3A_1030, %add3A_1107 : i32
          %swap3A_1109 = arith.constant 1 : i32
          %swap3A_1110 = arith.index_cast %swap3A_1109 : i32 to index
          %swap3A_1111 = arith.index_cast %add3A_1108 : i32 to index
          %swap3A_1112 = tpu.vector_load %arg10[%swap3A_1110, %swap3A_1111] {strides = array<i32>} : memref<2x4096xf32, #tpu.memory_space<vmem>>, vector<16xf32>,
          tpu.vector_store %arg10[%swap3A_1110, %swap3A_1111], %gather3A_1106 {strides = array<i32>} : memref<2x4096xf32, #tpu.memory_space<vmem>>, vector<16xf32>,
          %gather3A_1113 = arith.constant 1 : i32
          %gather3A_1114 = arith.constant 0 : i32
          %gather3A_1115 = arith.constant 0 : i32
          %gather3A_1116 = tpu.memref_slice %arg9[%gather3A_1113, %gather3A_1114, %gather3A_1115] : memref<2x128x32xf32, #tpu.memory_space<vmem>> -> memref<1x128x32xf32, #tpu.memory_space<vmem>>
          %gather3A_1117 = tpu.memref_squeeze %gather3A_1116 : memref<1x128x32xf32, #tpu.memory_space<vmem>> -> memref<128x32xf32, #tpu.memory_space<vmem>>
          %gather3A_1118 = tpu.vector_load_idx %gather3A_1117[%add3A_724, %add3A_985] : memref<128x32xf32, #tpu.memory_space<vmem>>[vector<16xi32>, vector<16xi32>], vector<16xf32>,
          %add3A_1119 = arith.constant 112 : i32
          %add3A_1120 = arith.addi %add3A_1030, %add3A_1119 : i32
          %swap3A_1121 = arith.constant 1 : i32
          %swap3A_1122 = arith.index_cast %swap3A_1121 : i32 to index
          %swap3A_1123 = arith.index_cast %add3A_1120 : i32 to index
          %swap3A_1124 = tpu.vector_load %arg10[%swap3A_1122, %swap3A_1123] {strides = array<i32>} : memref<2x4096xf32, #tpu.memory_space<vmem>>, vector<16xf32>,
          tpu.vector_store %arg10[%swap3A_1122, %swap3A_1123], %gather3A_1118 {strides = array<i32>} : memref<2x4096xf32, #tpu.memory_space<vmem>>, vector<16xf32>,
          %scan3A_1125 = arith.constant 0 : i32
          scf.yield %scan3A_1125 : i32
        }
        %scan3A_731 = arith.constant 32 : i32
        %add3A_732 = arith.addi %mul3A_2, %sub3A_559 : i32
        %jit3A_733 = arith.constant 128 : i32
        %div3A_734 = arith.divsi %add3A_732, %jit3A_733 : i32
        %sign3A_735 = arith.constant 0 : i32
        %sign3A_736 = arith.cmpi sgt, %add3A_732, %sign3A_735 : i32
        %sign3A_737 = arith.extui %sign3A_736 : i1 to i32
        %sign3A_738 = arith.constant 0 : i32
        %sign3A_739 = arith.cmpi slt, %add3A_732, %sign3A_738 : i32
        %sign3A_740 = arith.extui %sign3A_739 : i1 to i32
        %sign3A_741 = arith.subi %sign3A_737, %sign3A_740 : i32
        %sign3A_742 = arith.constant 0 : i32
        %sign3A_743 = arith.cmpi sgt, %jit3A_733, %sign3A_742 : i32
        %sign3A_744 = arith.extui %sign3A_743 : i1 to i32
        %sign3A_745 = arith.constant 0 : i32
        %sign3A_746 = arith.cmpi slt, %jit3A_733, %sign3A_745 : i32
        %sign3A_747 = arith.extui %sign3A_746 : i1 to i32
        %sign3A_748 = arith.subi %sign3A_744, %sign3A_747 : i32
        %ne3A_749 = arith.cmpi ne, %sign3A_741, %sign3A_748 : i32
        %rem3A_750 = arith.remsi %add3A_732, %jit3A_733 : i32
        %ne3A_751 = arith.constant 0 : i32
        %ne3A_752 = arith.cmpi ne, %rem3A_750, %ne3A_751 : i32
        %and3A_753 = arith.andi %ne3A_749, %ne3A_752 : i1
        %sub3A_754 = arith.constant 1 : i32
        %sub3A_755 = arith.subi %div3A_734, %sub3A_754 : i32
        %select_n3A_756 = arith.select %and3A_753, %sub3A_755, %div3A_734 : i32
        %jit3A_757 = arith.constant 128 : i32
        %eq3A_758 = arith.constant 0 : i32
        %eq3A_759 = arith.cmpi eq, %jit3A_757, %eq3A_758 : i32
        %jit3A_760 = arith.constant 1 : i32
        %select_n3A_761 = arith.select %eq3A_759, %jit3A_760, %jit3A_757 : i32
        %rem3A_762 = arith.remsi %add3A_732, %select_n3A_761 : i32
        %ne3A_763 = arith.constant 0 : i32
        %ne3A_764 = arith.cmpi ne, %rem3A_762, %ne3A_763 : i32
        %lt3A_765 = arith.constant 0 : i32
        %lt3A_766 = arith.cmpi slt, %rem3A_762, %lt3A_765 : i32
        %lt3A_767 = arith.constant 0 : i32
        %lt3A_768 = arith.cmpi slt, %select_n3A_761, %lt3A_767 : i32
        %ne3A_769 = arith.xori %lt3A_766, %lt3A_768 : i1
        %and3A_770 = arith.andi %ne3A_769, %ne3A_764 : i1
        %add3A_771 = arith.addi %rem3A_762, %select_n3A_761 : i32
        %select_n3A_772 = arith.select %and3A_770, %add3A_771, %rem3A_762 : i32
        %mul3A_773 = arith.constant 4 : i32
        %mul3A_774 = arith.muli %select_n3A_756, %mul3A_773 : i32
        %add3A_775 = arith.constant 0 : i32
        %add3A_776 = arith.addi %mul3A_774, %add3A_775 : i32
        %mul3A_777 = arith.constant 128 : i32
        %mul3A_778 = arith.muli %add3A_776, %mul3A_777 : i32
        %add3A_779 = arith.addi %mul3A_778, %select_n3A_772 : i32
        %mul3A_780 = arith.constant 1024 : i32
        %mul3A_781 = arith.muli %add3A_779, %mul3A_780 : i32
        %dma_start3A_782 = arith.constant 1 : i32
        %dma_start3A_783 = arith.constant 1 : i32
        %dma_start3A_784 = arith.constant 0 : i32
        %dma_start3A_785 = tpu.memref_slice %arg10[%dma_start3A_782, %dma_start3A_784] : memref<2x4096xf32, #tpu.memory_space<vmem>> -> memref<1x1024xf32, #tpu.memory_space<vmem>>
        %dma_start3A_786 = tpu.memref_squeeze %dma_start3A_785 : memref<1x1024xf32, #tpu.memory_space<vmem>> -> memref<1024xf32, #tpu.memory_space<vmem>>
        %dma_start3A_787 = tpu.memref_slice %arg5[%mul3A_781] : memref<104857600xf32, #tpu.memory_space<hbm>> -> memref<1024xf32, #tpu.memory_space<hbm>>
        %dma_start3A_788 = tpu.memref_slice %arg13[%dma_start3A_783] : memref<2x!tpu.dma_semaphore, #tpu.memory_space<semaphore_mem>> -> memref<1x!tpu.dma_semaphore, #tpu.memory_space<semaphore_mem>>
        %dma_start3A_789 = tpu.memref_squeeze %dma_start3A_788 : memref<1x!tpu.dma_semaphore, #tpu.memory_space<semaphore_mem>> -> memref<!tpu.dma_semaphore, #tpu.memory_space<semaphore_mem>>
        %dma_start3A_790 = tpu.memref_slice %arg5[%mul3A_781] : memref<104857600xf32, #tpu.memory_space<hbm>> -> memref<1024xf32, #tpu.memory_space<hbm>>
        %dma_start3A_791 = arith.constant 0 : i32
        %dma_start3A_792 = tpu.memref_slice %arg10[%dma_start3A_782, %dma_start3A_791] : memref<2x4096xf32, #tpu.memory_space<vmem>> -> memref<1x1024xf32, #tpu.memory_space<vmem>>
        %dma_start3A_793 = tpu.memref_squeeze %dma_start3A_792 : memref<1x1024xf32, #tpu.memory_space<vmem>> -> memref<1024xf32, #tpu.memory_space<vmem>>
        tpu.enqueue_dma source(%dma_start3A_793 : memref<1024xf32, #tpu.memory_space<vmem>>) target(%dma_start3A_790 : memref<1024xf32, #tpu.memory_space<hbm>>) target_semaphore(%dma_start3A_789 : memref<!tpu.dma_semaphore, #tpu.memory_space<semaphore_mem>>)
        %add3A_794 = arith.addi %mul3A_2, %sub3A_559 : i32
        %jit3A_795 = arith.constant 128 : i32
        %div3A_796 = arith.divsi %add3A_794, %jit3A_795 : i32
        %sign3A_797 = arith.constant 0 : i32
        %sign3A_798 = arith.cmpi sgt, %add3A_794, %sign3A_797 : i32
        %sign3A_799 = arith.extui %sign3A_798 : i1 to i32
        %sign3A_800 = arith.constant 0 : i32
        %sign3A_801 = arith.cmpi slt, %add3A_794, %sign3A_800 : i32
        %sign3A_802 = arith.extui %sign3A_801 : i1 to i32
        %sign3A_803 = arith.subi %sign3A_799, %sign3A_802 : i32
        %sign3A_804 = arith.constant 0 : i32
        %sign3A_805 = arith.cmpi sgt, %jit3A_795, %sign3A_804 : i32
        %sign3A_806 = arith.extui %sign3A_805 : i1 to i32
        %sign3A_807 = arith.constant 0 : i32
        %sign3A_808 = arith.cmpi slt, %jit3A_795, %sign3A_807 : i32
        %sign3A_809 = arith.extui %sign3A_808 : i1 to i32
        %sign3A_810 = arith.subi %sign3A_806, %sign3A_809 : i32
        %ne3A_811 = arith.cmpi ne, %sign3A_803, %sign3A_810 : i32
        %rem3A_812 = arith.remsi %add3A_794, %jit3A_795 : i32
        %ne3A_813 = arith.constant 0 : i32
        %ne3A_814 = arith.cmpi ne, %rem3A_812, %ne3A_813 : i32
        %and3A_815 = arith.andi %ne3A_811, %ne3A_814 : i1
        %sub3A_816 = arith.constant 1 : i32
        %sub3A_817 = arith.subi %div3A_796, %sub3A_816 : i32
        %select_n3A_818 = arith.select %and3A_815, %sub3A_817, %div3A_796 : i32
        %jit3A_819 = arith.constant 128 : i32
        %eq3A_820 = arith.constant 0 : i32
        %eq3A_821 = arith.cmpi eq, %jit3A_819, %eq3A_820 : i32
        %jit3A_822 = arith.constant 1 : i32
        %select_n3A_823 = arith.select %eq3A_821, %jit3A_822, %jit3A_819 : i32
        %rem3A_824 = arith.remsi %add3A_794, %select_n3A_823 : i32
        %ne3A_825 = arith.constant 0 : i32
        %ne3A_826 = arith.cmpi ne, %rem3A_824, %ne3A_825 : i32
        %lt3A_827 = arith.constant 0 : i32
        %lt3A_828 = arith.cmpi slt, %rem3A_824, %lt3A_827 : i32
        %lt3A_829 = arith.constant 0 : i32
        %lt3A_830 = arith.cmpi slt, %select_n3A_823, %lt3A_829 : i32
        %ne3A_831 = arith.xori %lt3A_828, %lt3A_830 : i1
        %and3A_832 = arith.andi %ne3A_831, %ne3A_826 : i1
        %add3A_833 = arith.addi %rem3A_824, %select_n3A_823 : i32
        %select_n3A_834 = arith.select %and3A_832, %add3A_833, %rem3A_824 : i32
        %mul3A_835 = arith.constant 4 : i32
        %mul3A_836 = arith.muli %select_n3A_818, %mul3A_835 : i32
        %add3A_837 = arith.constant 1 : i32
        %add3A_838 = arith.addi %mul3A_836, %add3A_837 : i32
        %mul3A_839 = arith.constant 128 : i32
        %mul3A_840 = arith.muli %add3A_838, %mul3A_839 : i32
        %add3A_841 = arith.addi %mul3A_840, %select_n3A_834 : i32
        %mul3A_842 = arith.constant 1024 : i32
        %mul3A_843 = arith.muli %add3A_841, %mul3A_842 : i32
        %dma_start3A_844 = arith.constant 1 : i32
        %dma_start3A_845 = arith.constant 1 : i32
        %dma_start3A_846 = arith.constant 1024 : i32
        %dma_start3A_847 = tpu.memref_slice %arg10[%dma_start3A_844, %dma_start3A_846] : memref<2x4096xf32, #tpu.memory_space<vmem>> -> memref<1x1024xf32, #tpu.memory_space<vmem>>
        %dma_start3A_848 = tpu.memref_squeeze %dma_start3A_847 : memref<1x1024xf32, #tpu.memory_space<vmem>> -> memref<1024xf32, #tpu.memory_space<vmem>>
        %dma_start3A_849 = tpu.memref_slice %arg5[%mul3A_843] : memref<104857600xf32, #tpu.memory_space<hbm>> -> memref<1024xf32, #tpu.memory_space<hbm>>
        %dma_start3A_850 = tpu.memref_slice %arg13[%dma_start3A_845] : memref<2x!tpu.dma_semaphore, #tpu.memory_space<semaphore_mem>> -> memref<1x!tpu.dma_semaphore, #tpu.memory_space<semaphore_mem>>
        %dma_start3A_851 = tpu.memref_squeeze %dma_start3A_850 : memref<1x!tpu.dma_semaphore, #tpu.memory_space<semaphore_mem>> -> memref<!tpu.dma_semaphore, #tpu.memory_space<semaphore_mem>>
        %dma_start3A_852 = tpu.memref_slice %arg5[%mul3A_843] : memref<104857600xf32, #tpu.memory_space<hbm>> -> memref<1024xf32, #tpu.memory_space<hbm>>
        %dma_start3A_853 = arith.constant 1024 : i32
        %dma_start3A_854 = tpu.memref_slice %arg10[%dma_start3A_844, %dma_start3A_853] : memref<2x4096xf32, #tpu.memory_space<vmem>> -> memref<1x1024xf32, #tpu.memory_space<vmem>>
        %dma_start3A_855 = tpu.memref_squeeze %dma_start3A_854 : memref<1x1024xf32, #tpu.memory_space<vmem>> -> memref<1024xf32, #tpu.memory_space<vmem>>
        tpu.enqueue_dma source(%dma_start3A_855 : memref<1024xf32, #tpu.memory_space<vmem>>) target(%dma_start3A_852 : memref<1024xf32, #tpu.memory_space<hbm>>) target_semaphore(%dma_start3A_851 : memref<!tpu.dma_semaphore, #tpu.memory_space<semaphore_mem>>)
        %add3A_856 = arith.addi %mul3A_2, %sub3A_559 : i32
        %jit3A_857 = arith.constant 128 : i32
        %div3A_858 = arith.divsi %add3A_856, %jit3A_857 : i32
        %sign3A_859 = arith.constant 0 : i32
        %sign3A_860 = arith.cmpi sgt, %add3A_856, %sign3A_859 : i32
        %sign3A_861 = arith.extui %sign3A_860 : i1 to i32
        %sign3A_862 = arith.constant 0 : i32
        %sign3A_863 = arith.cmpi slt, %add3A_856, %sign3A_862 : i32
        %sign3A_864 = arith.extui %sign3A_863 : i1 to i32
        %sign3A_865 = arith.subi %sign3A_861, %sign3A_864 : i32
        %sign3A_866 = arith.constant 0 : i32
        %sign3A_867 = arith.cmpi sgt, %jit3A_857, %sign3A_866 : i32
        %sign3A_868 = arith.extui %sign3A_867 : i1 to i32
        %sign3A_869 = arith.constant 0 : i32
        %sign3A_870 = arith.cmpi slt, %jit3A_857, %sign3A_869 : i32
        %sign3A_871 = arith.extui %sign3A_870 : i1 to i32
        %sign3A_872 = arith.subi %sign3A_868, %sign3A_871 : i32
        %ne3A_873 = arith.cmpi ne, %sign3A_865, %sign3A_872 : i32
        %rem3A_874 = arith.remsi %add3A_856, %jit3A_857 : i32
        %ne3A_875 = arith.constant 0 : i32
        %ne3A_876 = arith.cmpi ne, %rem3A_874, %ne3A_875 : i32
        %and3A_877 = arith.andi %ne3A_873, %ne3A_876 : i1
        %sub3A_878 = arith.constant 1 : i32
        %sub3A_879 = arith.subi %div3A_858, %sub3A_878 : i32
        %select_n3A_880 = arith.select %and3A_877, %sub3A_879, %div3A_858 : i32
        %jit3A_881 = arith.constant 128 : i32
        %eq3A_882 = arith.constant 0 : i32
        %eq3A_883 = arith.cmpi eq, %jit3A_881, %eq3A_882 : i32
        %jit3A_884 = arith.constant 1 : i32
        %select_n3A_885 = arith.select %eq3A_883, %jit3A_884, %jit3A_881 : i32
        %rem3A_886 = arith.remsi %add3A_856, %select_n3A_885 : i32
        %ne3A_887 = arith.constant 0 : i32
        %ne3A_888 = arith.cmpi ne, %rem3A_886, %ne3A_887 : i32
        %lt3A_889 = arith.constant 0 : i32
        %lt3A_890 = arith.cmpi slt, %rem3A_886, %lt3A_889 : i32
        %lt3A_891 = arith.constant 0 : i32
        %lt3A_892 = arith.cmpi slt, %select_n3A_885, %lt3A_891 : i32
        %ne3A_893 = arith.xori %lt3A_890, %lt3A_892 : i1
        %and3A_894 = arith.andi %ne3A_893, %ne3A_888 : i1
        %add3A_895 = arith.addi %rem3A_886, %select_n3A_885 : i32
        %select_n3A_896 = arith.select %and3A_894, %add3A_895, %rem3A_886 : i32
        %mul3A_897 = arith.constant 4 : i32
        %mul3A_898 = arith.muli %select_n3A_880, %mul3A_897 : i32
        %add3A_899 = arith.constant 2 : i32
        %add3A_900 = arith.addi %mul3A_898, %add3A_899 : i32
        %mul3A_901 = arith.constant 128 : i32
        %mul3A_902 = arith.muli %add3A_900, %mul3A_901 : i32
        %add3A_903 = arith.addi %mul3A_902, %select_n3A_896 : i32
        %mul3A_904 = arith.constant 1024 : i32
        %mul3A_905 = arith.muli %add3A_903, %mul3A_904 : i32
        %dma_start3A_906 = arith.constant 1 : i32
        %dma_start3A_907 = arith.constant 1 : i32
        %dma_start3A_908 = arith.constant 2048 : i32
        %dma_start3A_909 = tpu.memref_slice %arg10[%dma_start3A_906, %dma_start3A_908] : memref<2x4096xf32, #tpu.memory_space<vmem>> -> memref<1x1024xf32, #tpu.memory_space<vmem>>
        %dma_start3A_910 = tpu.memref_squeeze %dma_start3A_909 : memref<1x1024xf32, #tpu.memory_space<vmem>> -> memref<1024xf32, #tpu.memory_space<vmem>>
        %dma_start3A_911 = tpu.memref_slice %arg5[%mul3A_905] : memref<104857600xf32, #tpu.memory_space<hbm>> -> memref<1024xf32, #tpu.memory_space<hbm>>
        %dma_start3A_912 = tpu.memref_slice %arg13[%dma_start3A_907] : memref<2x!tpu.dma_semaphore, #tpu.memory_space<semaphore_mem>> -> memref<1x!tpu.dma_semaphore, #tpu.memory_space<semaphore_mem>>
        %dma_start3A_913 = tpu.memref_squeeze %dma_start3A_912 : memref<1x!tpu.dma_semaphore, #tpu.memory_space<semaphore_mem>> -> memref<!tpu.dma_semaphore, #tpu.memory_space<semaphore_mem>>
        %dma_start3A_914 = tpu.memref_slice %arg5[%mul3A_905] : memref<104857600xf32, #tpu.memory_space<hbm>> -> memref<1024xf32, #tpu.memory_space<hbm>>
        %dma_start3A_915 = arith.constant 2048 : i32
        %dma_start3A_916 = tpu.memref_slice %arg10[%dma_start3A_906, %dma_start3A_915] : memref<2x4096xf32, #tpu.memory_space<vmem>> -> memref<1x1024xf32, #tpu.memory_space<vmem>>
        %dma_start3A_917 = tpu.memref_squeeze %dma_start3A_916 : memref<1x1024xf32, #tpu.memory_space<vmem>> -> memref<1024xf32, #tpu.memory_space<vmem>>
        tpu.enqueue_dma source(%dma_start3A_917 : memref<1024xf32, #tpu.memory_space<vmem>>) target(%dma_start3A_914 : memref<1024xf32, #tpu.memory_space<hbm>>) target_semaphore(%dma_start3A_913 : memref<!tpu.dma_semaphore, #tpu.memory_space<semaphore_mem>>)
        %add3A_918 = arith.addi %mul3A_2, %sub3A_559 : i32
        %jit3A_919 = arith.constant 128 : i32
        %div3A_920 = arith.divsi %add3A_918, %jit3A_919 : i32
        %sign3A_921 = arith.constant 0 : i32
        %sign3A_922 = arith.cmpi sgt, %add3A_918, %sign3A_921 : i32
        %sign3A_923 = arith.extui %sign3A_922 : i1 to i32
        %sign3A_924 = arith.constant 0 : i32
        %sign3A_925 = arith.cmpi slt, %add3A_918, %sign3A_924 : i32
        %sign3A_926 = arith.extui %sign3A_925 : i1 to i32
        %sign3A_927 = arith.subi %sign3A_923, %sign3A_926 : i32
        %sign3A_928 = arith.constant 0 : i32
        %sign3A_929 = arith.cmpi sgt, %jit3A_919, %sign3A_928 : i32
        %sign3A_930 = arith.extui %sign3A_929 : i1 to i32
        %sign3A_931 = arith.constant 0 : i32
        %sign3A_932 = arith.cmpi slt, %jit3A_919, %sign3A_931 : i32
        %sign3A_933 = arith.extui %sign3A_932 : i1 to i32
        %sign3A_934 = arith.subi %sign3A_930, %sign3A_933 : i32
        %ne3A_935 = arith.cmpi ne, %sign3A_927, %sign3A_934 : i32
        %rem3A_936 = arith.remsi %add3A_918, %jit3A_919 : i32
        %ne3A_937 = arith.constant 0 : i32
        %ne3A_938 = arith.cmpi ne, %rem3A_936, %ne3A_937 : i32
        %and3A_939 = arith.andi %ne3A_935, %ne3A_938 : i1
        %sub3A_940 = arith.constant 1 : i32
        %sub3A_941 = arith.subi %div3A_920, %sub3A_940 : i32
        %select_n3A_942 = arith.select %and3A_939, %sub3A_941, %div3A_920 : i32
        %jit3A_943 = arith.constant 128 : i32
        %eq3A_944 = arith.constant 0 : i32
        %eq3A_945 = arith.cmpi eq, %jit3A_943, %eq3A_944 : i32
        %jit3A_946 = arith.constant 1 : i32
        %select_n3A_947 = arith.select %eq3A_945, %jit3A_946, %jit3A_943 : i32
        %rem3A_948 = arith.remsi %add3A_918, %select_n3A_947 : i32
        %ne3A_949 = arith.constant 0 : i32
        %ne3A_950 = arith.cmpi ne, %rem3A_948, %ne3A_949 : i32
        %lt3A_951 = arith.constant 0 : i32
        %lt3A_952 = arith.cmpi slt, %rem3A_948, %lt3A_951 : i32
        %lt3A_953 = arith.constant 0 : i32
        %lt3A_954 = arith.cmpi slt, %select_n3A_947, %lt3A_953 : i32
        %ne3A_955 = arith.xori %lt3A_952, %lt3A_954 : i1
        %and3A_956 = arith.andi %ne3A_955, %ne3A_950 : i1
        %add3A_957 = arith.addi %rem3A_948, %select_n3A_947 : i32
        %select_n3A_958 = arith.select %and3A_956, %add3A_957, %rem3A_948 : i32
        %mul3A_959 = arith.constant 4 : i32
        %mul3A_960 = arith.muli %select_n3A_942, %mul3A_959 : i32
        %add3A_961 = arith.constant 3 : i32
        %add3A_962 = arith.addi %mul3A_960, %add3A_961 : i32
        %mul3A_963 = arith.constant 128 : i32
        %mul3A_964 = arith.muli %add3A_962, %mul3A_963 : i32
        %add3A_965 = arith.addi %mul3A_964, %select_n3A_958 : i32
        %mul3A_966 = arith.constant 1024 : i32
        %mul3A_967 = arith.muli %add3A_965, %mul3A_966 : i32
        %dma_start3A_968 = arith.constant 1 : i32
        %dma_start3A_969 = arith.constant 1 : i32
        %dma_start3A_970 = arith.constant 3072 : i32
        %dma_start3A_971 = tpu.memref_slice %arg10[%dma_start3A_968, %dma_start3A_970] : memref<2x4096xf32, #tpu.memory_space<vmem>> -> memref<1x1024xf32, #tpu.memory_space<vmem>>
        %dma_start3A_972 = tpu.memref_squeeze %dma_start3A_971 : memref<1x1024xf32, #tpu.memory_space<vmem>> -> memref<1024xf32, #tpu.memory_space<vmem>>
        %dma_start3A_973 = tpu.memref_slice %arg5[%mul3A_967] : memref<104857600xf32, #tpu.memory_space<hbm>> -> memref<1024xf32, #tpu.memory_space<hbm>>
        %dma_start3A_974 = tpu.memref_slice %arg13[%dma_start3A_969] : memref<2x!tpu.dma_semaphore, #tpu.memory_space<semaphore_mem>> -> memref<1x!tpu.dma_semaphore, #tpu.memory_space<semaphore_mem>>
        %dma_start3A_975 = tpu.memref_squeeze %dma_start3A_974 : memref<1x!tpu.dma_semaphore, #tpu.memory_space<semaphore_mem>> -> memref<!tpu.dma_semaphore, #tpu.memory_space<semaphore_mem>>
        %dma_start3A_976 = tpu.memref_slice %arg5[%mul3A_967] : memref<104857600xf32, #tpu.memory_space<hbm>> -> memref<1024xf32, #tpu.memory_space<hbm>>
        %dma_start3A_977 = arith.constant 3072 : i32
        %dma_start3A_978 = tpu.memref_slice %arg10[%dma_start3A_968, %dma_start3A_977] : memref<2x4096xf32, #tpu.memory_space<vmem>> -> memref<1x1024xf32, #tpu.memory_space<vmem>>
        %dma_start3A_979 = tpu.memref_squeeze %dma_start3A_978 : memref<1x1024xf32, #tpu.memory_space<vmem>> -> memref<1024xf32, #tpu.memory_space<vmem>>
        tpu.enqueue_dma source(%dma_start3A_979 : memref<1024xf32, #tpu.memory_space<vmem>>) target(%dma_start3A_976 : memref<1024xf32, #tpu.memory_space<hbm>>) target_semaphore(%dma_start3A_975 : memref<!tpu.dma_semaphore, #tpu.memory_space<semaphore_mem>>)
      } else {
      }
      %add3A_568 = arith.constant 1 : i32
      %add3A_569 = arith.addi %add3A_541, %add3A_568 : i32
      %lt3A_570 = arith.constant 800 : i32
      %lt3A_571 = arith.cmpi slt, %add3A_569, %lt3A_570 : i32
      %convert_element_type3A_572 = arith.extui %lt3A_571 : i1 to i32
      %cond3A_573 = arith.constant 0 : i32
      %cond3A_574 = arith.cmpi ne, %convert_element_type3A_572, %cond3A_573 : i32
      scf.if %cond3A_574 {
        %add3A_655 = arith.addi %mul3A_2, %add3A_569 : i32
        %mul3A_656 = arith.constant 128 : i32
        %mul3A_657 = arith.muli %add3A_655, %mul3A_656 : i32
        %dma_wait3A_658 = arith.constant 0 : i32
        %dma_wait3A_659 = arith.constant 1 : i32
        %dma_wait3A_660 = arith.constant 1 : i32
        %dma_wait3A_661 = arith.constant 0 : i32
        %dma_wait3A_662 = tpu.memref_slice %arg7[%dma_wait3A_659, %dma_wait3A_661] : memref<4x128xi32, #tpu.memory_space<vmem>> -> memref<1x128xi32, #tpu.memory_space<vmem>>
        %dma_wait3A_663 = tpu.memref_squeeze %dma_wait3A_662 : memref<1x128xi32, #tpu.memory_space<vmem>> -> memref<128xi32, #tpu.memory_space<vmem>>
        %dma_wait3A_664 = tpu.memref_slice %arg4[%dma_wait3A_658, %mul3A_657] : memref<1x3276800xi32, #tpu.memory_space<hbm>> -> memref<1x128xi32, #tpu.memory_space<hbm>>
        %dma_wait3A_665 = tpu.memref_squeeze %dma_wait3A_664 : memref<1x128xi32, #tpu.memory_space<hbm>> -> memref<128xi32, #tpu.memory_space<hbm>>
        %dma_wait3A_666 = tpu.memref_slice %arg11[%dma_wait3A_660] : memref<4x!tpu.dma_semaphore, #tpu.memory_space<semaphore_mem>> -> memref<1x!tpu.dma_semaphore, #tpu.memory_space<semaphore_mem>>
        %dma_wait3A_667 = tpu.memref_squeeze %dma_wait3A_666 : memref<1x!tpu.dma_semaphore, #tpu.memory_space<semaphore_mem>> -> memref<!tpu.dma_semaphore, #tpu.memory_space<semaphore_mem>>
        %dma_wait3A_668 = arith.constant 0 : i32
        %dma_wait3A_669 = tpu.memref_slice %arg7[%dma_wait3A_659, %dma_wait3A_668] : memref<4x128xi32, #tpu.memory_space<vmem>> -> memref<1x128xi32, #tpu.memory_space<vmem>>
        %dma_wait3A_670 = tpu.memref_squeeze %dma_wait3A_669 : memref<1x128xi32, #tpu.memory_space<vmem>> -> memref<128xi32, #tpu.memory_space<vmem>>
        %dma_wait3A_671 = tpu.memref_slice %arg4[%dma_wait3A_658, %mul3A_657] : memref<1x3276800xi32, #tpu.memory_space<hbm>> -> memref<1x128xi32, #tpu.memory_space<hbm>>
        %dma_wait3A_672 = tpu.memref_squeeze %dma_wait3A_671 : memref<1x128xi32, #tpu.memory_space<hbm>> -> memref<128xi32, #tpu.memory_space<hbm>>
        tpu.wait_dma2 semaphore(%dma_wait3A_667 : memref<!tpu.dma_semaphore, #tpu.memory_space<semaphore_mem>>) src(%dma_wait3A_672 : memref<128xi32, #tpu.memory_space<hbm>>) dst(%dma_wait3A_670 : memref<128xi32, #tpu.memory_space<vmem>>)
        %scan3A_673 = arith.constant 0 : i32
        %scan3A_674 = arith.constant 0 : i32
        %scan3A_675 = arith.constant 8 : i32
        %scan3A_676 = arith.addi %scan3A_674, %scan3A_675 : i32
        %scan3A_677 = arith.constant 1 : i32
        %scan3A_678 = scf.for %scan3A_695 = %scan3A_674 to %scan3A_676 step %scan3A_677 iter_args(%scan3A_696 = %scan3A_673) -> (i32)  : i32 {
          %mul3A_697 = arith.constant 16 : i32
          %mul3A_698 = arith.muli %scan3A_695, %mul3A_697 : i32
          %get3A = arith.constant 1 : i32
          %get3A_699 = arith.index_cast %get3A : i32 to index
          %get3A_700 = arith.index_cast %mul3A_698 : i32 to index
          %get3A_701 = tpu.vector_load %arg7[%get3A_699, %get3A_700] {strides = array<i32>} : memref<4x128xi32, #tpu.memory_space<vmem>>, vector<16xi32>,
          %min3A = arith.constant 999991 : i32
          %min3A_702 = vector.broadcast %min3A : i32 to vector<16xi32>
          %min3A_703 = arith.minsi %get3A_701, %min3A_702 : vector<16xi32>
          %mul3A_704 = arith.constant 16 : i32
          %mul3A_705 = arith.muli %scan3A_695, %mul3A_704 : i32
          %swap3A = arith.constant 1 : i32
          %swap3A_706 = arith.index_cast %swap3A : i32 to index
          %swap3A_707 = arith.index_cast %mul3A_705 : i32 to index
          %swap3A_708 = tpu.vector_load %arg8[%swap3A_706, %swap3A_707] {strides = array<i32>} : memref<2x128xi32, #tpu.memory_space<vmem>>, vector<16xi32>,
          tpu.vector_store %arg8[%swap3A_706, %swap3A_707], %min3A_703 {strides = array<i32>} : memref<2x128xi32, #tpu.memory_space<vmem>>, vector<16xi32>,
          %scan3A_709 = arith.constant 0 : i32
          scf.yield %scan3A_709 : i32
        }
        %scan3A_679 = arith.constant 8 : i32
        %dma_start3A_680 = arith.constant 1 : i32
        %dma_start3A_681 = arith.constant 1 : i32
        %dma_start3A_682 = arith.constant 1 : i32
        %dma_start3A_683 = arith.constant 0 : i32
        %dma_start3A_684 = arith.constant 0 : i32
        %dma_start3A_685 = tpu.memref_slice %arg9[%dma_start3A_681, %dma_start3A_683, %dma_start3A_684] : memref<2x128x32xf32, #tpu.memory_space<vmem>> -> memref<1x128x32xf32, #tpu.memory_space<vmem>>
        %dma_start3A_686 = tpu.memref_squeeze %dma_start3A_685 : memref<1x128x32xf32, #tpu.memory_space<vmem>> -> memref<128x32xf32, #tpu.memory_space<vmem>>
        %dma_start3A_687 = arith.constant 0 : i32
        %dma_start3A_688 = tpu.memref_slice %arg8[%dma_start3A_680, %dma_start3A_687] : memref<2x128xi32, #tpu.memory_space<vmem>> -> memref<1x128xi32, #tpu.memory_space<vmem>>
        %dma_start3A_689 = tpu.memref_squeeze %dma_start3A_688 : memref<1x128xi32, #tpu.memory_space<vmem>> -> memref<128xi32, #tpu.memory_space<vmem>>
        %dma_start3A_690 = arith.constant 0 : i32
        %dma_start3A_691 = arith.constant 0 : i32
        %dma_start3A_692 = tpu.memref_slice %arg2[%dma_start3A_690, %dma_start3A_691] : memref<999992x32xf32, #tpu.memory_space<hbm>> -> memref<999992x32xf32, #tpu.memory_space<hbm>>
        %dma_start3A_693 = tpu.memref_slice %arg12[%dma_start3A_682] : memref<2x!tpu.dma_semaphore, #tpu.memory_space<semaphore_mem>> -> memref<1x!tpu.dma_semaphore, #tpu.memory_space<semaphore_mem>>
        %dma_start3A_694 = tpu.memref_squeeze %dma_start3A_693 : memref<1x!tpu.dma_semaphore, #tpu.memory_space<semaphore_mem>> -> memref<!tpu.dma_semaphore, #tpu.memory_space<semaphore_mem>>
        tpu.enqueue_indirect_dma source(%dma_start3A_692 : memref<999992x32xf32, #tpu.memory_space<hbm>>) target(%dma_start3A_686 : memref<128x32xf32, #tpu.memory_space<vmem>>) offsets(%dma_start3A_689 : memref<128xi32, #tpu.memory_space<vmem>>) semaphore(%dma_start3A_694 : memref<!tpu.dma_semaphore, #tpu.memory_space<semaphore_mem>>)
      } else {
      }
      %add3A_575 = arith.constant 2 : i32
      %add3A_576 = arith.addi %add3A_569, %add3A_575 : i32
      %lt3A_577 = arith.constant 800 : i32
      %lt3A_578 = arith.cmpi slt, %add3A_576, %lt3A_577 : i32
      %add3A_579 = arith.constant 2 : i32
      %add3A_580 = arith.addi %add3A_569, %add3A_579 : i32
      %ge3A_581 = arith.constant 2 : i32
      %ge3A_582 = arith.cmpi sge, %add3A_580, %ge3A_581 : i32
      %and3A_583 = arith.andi %lt3A_578, %ge3A_582 : i1
      %convert_element_type3A_584 = arith.extui %and3A_583 : i1 to i32
      %cond3A_585 = arith.constant 0 : i32
      %cond3A_586 = arith.cmpi ne, %convert_element_type3A_584, %cond3A_585 : i32
      scf.if %cond3A_586 {
        %add3A_655 = arith.constant 2 : i32
        %add3A_656 = arith.addi %add3A_569, %add3A_655 : i32
        %add3A_657 = arith.addi %mul3A_2, %add3A_656 : i32
        %mul3A_658 = arith.constant 128 : i32
        %mul3A_659 = arith.muli %add3A_657, %mul3A_658 : i32
        %dma_start3A_660 = arith.constant 0 : i32
        %dma_start3A_661 = arith.constant 3 : i32
        %dma_start3A_662 = arith.constant 3 : i32
        %dma_start3A_663 = arith.constant 0 : i32
        %dma_start3A_664 = tpu.memref_slice %arg7[%dma_start3A_661, %dma_start3A_663] : memref<4x128xi32, #tpu.memory_space<vmem>> -> memref<1x128xi32, #tpu.memory_space<vmem>>
        %dma_start3A_665 = tpu.memref_squeeze %dma_start3A_664 : memref<1x128xi32, #tpu.memory_space<vmem>> -> memref<128xi32, #tpu.memory_space<vmem>>
        %dma_start3A_666 = tpu.memref_slice %arg4[%dma_start3A_660, %mul3A_659] : memref<1x3276800xi32, #tpu.memory_space<hbm>> -> memref<1x128xi32, #tpu.memory_space<hbm>>
        %dma_start3A_667 = tpu.memref_squeeze %dma_start3A_666 : memref<1x128xi32, #tpu.memory_space<hbm>> -> memref<128xi32, #tpu.memory_space<hbm>>
        %dma_start3A_668 = tpu.memref_slice %arg11[%dma_start3A_662] : memref<4x!tpu.dma_semaphore, #tpu.memory_space<semaphore_mem>> -> memref<1x!tpu.dma_semaphore, #tpu.memory_space<semaphore_mem>>
        %dma_start3A_669 = tpu.memref_squeeze %dma_start3A_668 : memref<1x!tpu.dma_semaphore, #tpu.memory_space<semaphore_mem>> -> memref<!tpu.dma_semaphore, #tpu.memory_space<semaphore_mem>>
        %dma_start3A_670 = arith.constant 0 : i32
        %dma_start3A_671 = tpu.memref_slice %arg7[%dma_start3A_661, %dma_start3A_670] : memref<4x128xi32, #tpu.memory_space<vmem>> -> memref<1x128xi32, #tpu.memory_space<vmem>>
        %dma_start3A_672 = tpu.memref_squeeze %dma_start3A_671 : memref<1x128xi32, #tpu.memory_space<vmem>> -> memref<128xi32, #tpu.memory_space<vmem>>
        %dma_start3A_673 = tpu.memref_slice %arg4[%dma_start3A_660, %mul3A_659] : memref<1x3276800xi32, #tpu.memory_space<hbm>> -> memref<1x128xi32, #tpu.memory_space<hbm>>
        %dma_start3A_674 = tpu.memref_squeeze %dma_start3A_673 : memref<1x128xi32, #tpu.memory_space<hbm>> -> memref<128xi32, #tpu.memory_space<hbm>>
        tpu.enqueue_dma source(%dma_start3A_674 : memref<128xi32, #tpu.memory_space<hbm>>) target(%dma_start3A_672 : memref<128xi32, #tpu.memory_space<vmem>>) target_semaphore(%dma_start3A_669 : memref<!tpu.dma_semaphore, #tpu.memory_space<semaphore_mem>>)
      } else {
      }
      %sub3A_587 = arith.constant 1 : i32
      %sub3A_588 = arith.subi %add3A_569, %sub3A_587 : i32
      %ge3A_589 = arith.constant 0 : i32
      %ge3A_590 = arith.cmpi sge, %sub3A_588, %ge3A_589 : i32
      %lt3A_591 = arith.constant 800 : i32
      %lt3A_592 = arith.cmpi slt, %sub3A_588, %lt3A_591 : i32
      %and3A_593 = arith.andi %ge3A_590, %lt3A_592 : i1
      %convert_element_type3A_594 = arith.extui %and3A_593 : i1 to i32
      %cond3A_595 = arith.constant 0 : i32
      %cond3A_596 = arith.cmpi ne, %convert_element_type3A_594, %cond3A_595 : i32
      scf.if %cond3A_596 {
        %ge3A_655 = arith.constant 2 : i32
        %ge3A_656 = arith.cmpi sge, %sub3A_588, %ge3A_655 : i32
        %dma_wait3A_657 = arith.constant 0 : i32
        %dma_wait3A_658 = arith.constant 0 : i32
        %dma_wait3A_659 = arith.constant 0 : i32
        %dma_wait3A_660 = arith.constant 0 : i32
        %dma_wait3A_661 = arith.constant 0 : i32
        %dma_wait3A_662 = tpu.memref_slice %arg9[%dma_wait3A_658, %dma_wait3A_660, %dma_wait3A_661] : memref<2x128x32xf32, #tpu.memory_space<vmem>> -> memref<1x128x32xf32, #tpu.memory_space<vmem>>
        %dma_wait3A_663 = tpu.memref_squeeze %dma_wait3A_662 : memref<1x128x32xf32, #tpu.memory_space<vmem>> -> memref<128x32xf32, #tpu.memory_space<vmem>>
        %dma_wait3A_664 = arith.constant 0 : i32
        %dma_wait3A_665 = tpu.memref_slice %arg8[%dma_wait3A_657, %dma_wait3A_664] : memref<2x128xi32, #tpu.memory_space<vmem>> -> memref<1x128xi32, #tpu.memory_space<vmem>>
        %dma_wait3A_666 = tpu.memref_squeeze %dma_wait3A_665 : memref<1x128xi32, #tpu.memory_space<vmem>> -> memref<128xi32, #tpu.memory_space<vmem>>
        %dma_wait3A_667 = arith.constant 0 : i32
        %dma_wait3A_668 = arith.constant 0 : i32
        %dma_wait3A_669 = tpu.memref_slice %arg2[%dma_wait3A_667, %dma_wait3A_668] : memref<999992x32xf32, #tpu.memory_space<hbm>> -> memref<999992x32xf32, #tpu.memory_space<hbm>>
        %dma_wait3A_670 = tpu.memref_slice %arg12[%dma_wait3A_659] : memref<2x!tpu.dma_semaphore, #tpu.memory_space<semaphore_mem>> -> memref<1x!tpu.dma_semaphore, #tpu.memory_space<semaphore_mem>>
        %dma_wait3A_671 = tpu.memref_squeeze %dma_wait3A_670 : memref<1x!tpu.dma_semaphore, #tpu.memory_space<semaphore_mem>> -> memref<!tpu.dma_semaphore, #tpu.memory_space<semaphore_mem>>
        tpu.wait_indirect_dma semaphore(%dma_wait3A_671 : memref<!tpu.dma_semaphore, #tpu.memory_space<semaphore_mem>>) src(%dma_wait3A_669 : memref<999992x32xf32, #tpu.memory_space<hbm>>) dst(%dma_wait3A_663 : memref<128x32xf32, #tpu.memory_space<vmem>>)
        %broadcast_in_dim3A = arith.constant 0 : i32
        %broadcast_in_dim3A_672 = vector.broadcast %broadcast_in_dim3A : i32 to vector<16xi32>
        %scan3A_673 = arith.constant 0 : i32
        %scan3A_674 = arith.constant 8 : i32
        %scan3A_675 = arith.addi %scan3A_673, %scan3A_674 : i32
        %scan3A_676 = arith.constant 1 : i32
        %scan3A_677 = scf.for %scan3A_980 = %scan3A_673 to %scan3A_675 step %scan3A_676 iter_args(%scan3A_981 = %broadcast_in_dim3A_672) -> (vector<16xi32>)  : i32 {
          %mul3A_982 = arith.constant 16 : i32
          %mul3A_983 = arith.muli %scan3A_980, %mul3A_982 : i32
          %get3A = arith.constant 0 : i32
          %get3A_984 = arith.index_cast %get3A : i32 to index
          %get3A_985 = arith.index_cast %mul3A_983 : i32 to index
          %get3A_986 = tpu.vector_load %arg7[%get3A_984, %get3A_985] {strides = array<i32>} : memref<4x128xi32, #tpu.memory_space<vmem>>, vector<16xi32>,
          %max3A = arith.maxsi %scan3A_981, %get3A_986 : vector<16xi32>
          scf.yield %max3A : vector<16xi32>
        }
        %scan3A_678 = arith.constant 8 : i32
        %reduce_max3A = arith.constant true
        %reduce_max3A_679 = vector.broadcast %reduce_max3A : i1 to vector<16xi1>
        %reduce_max3A_680 = arith.constant -2147483648 : i32
        %reduce_max3A_681 = vector.broadcast %reduce_max3A_680 : i32 to vector<16xi32>
        %reduce_max3A_682 = arith.xori %scan3A_677, %reduce_max3A_681 : vector<16xi32>
        %reduce_max3A_683 = tpu.scan <max>, %reduce_max3A_682 masked %reduce_max3A_679 : vector<16xi32>, vector<16xi1> -> vector<16xi32>
        %reduce_max3A_684 = arith.xori %reduce_max3A_683, %reduce_max3A_681 : vector<16xi32>
        %reduce_max3A_685 = vector.extract %reduce_max3A_684[15] : i32 from vector<16xi32>
        %ge3A_686 = arith.constant 999992 : i32
        %ge3A_687 = arith.cmpi sge, %reduce_max3A_685, %ge3A_686 : i32
        %convert_element_type3A_688 = arith.extui %ge3A_687 : i1 to i32
        %cond3A_689 = arith.constant 0 : i32
        %cond3A_690 = arith.cmpi ne, %convert_element_type3A_688, %cond3A_689 : i32
        scf.if %cond3A_690 {
          %scan3A_980 = arith.constant 0 : i32
          %scan3A_981 = arith.constant 0 : i32
          %scan3A_982 = arith.constant 8 : i32
          %scan3A_983 = arith.addi %scan3A_981, %scan3A_982 : i32
          %scan3A_984 = arith.constant 1 : i32
          %scan3A_985 = scf.for %scan3A_987 = %scan3A_981 to %scan3A_983 step %scan3A_984 iter_args(%scan3A_988 = %scan3A_980) -> (i32)  : i32 {
            %mul3A_989 = arith.constant 16 : i32
            %mul3A_990 = arith.muli %scan3A_987, %mul3A_989 : i32
            %get3A = arith.constant 0 : i32
            %get3A_991 = arith.index_cast %get3A : i32 to index
            %get3A_992 = arith.index_cast %mul3A_990 : i32 to index
            %get3A_993 = tpu.vector_load %arg7[%get3A_991, %get3A_992] {strides = array<i32>} : memref<4x128xi32, #tpu.memory_space<vmem>>, vector<16xi32>,
            %ge3A_994 = arith.constant 999992 : i32
            %ge3A_995 = vector.broadcast %ge3A_994 : i32 to vector<16xi32>
            %ge3A_996 = arith.cmpi sge, %get3A_993, %ge3A_995 : vector<16xi32>
            %sub3A_997 = arith.constant 999992 : i32
            %sub3A_998 = vector.broadcast %sub3A_997 : i32 to vector<16xi32>
            %sub3A_999 = arith.subi %get3A_993, %sub3A_998 : vector<16xi32>
            %jit3A_1000 = arith.constant 0 : i32
            %jit3A_1001 = arith.constant 7 : i32
            %max3A = vector.broadcast %jit3A_1000 : i32 to vector<16xi32>
            %max3A_1002 = arith.maxsi %max3A, %sub3A_999 : vector<16xi32>
            %min3A = vector.broadcast %jit3A_1001 : i32 to vector<16xi32>
            %min3A_1003 = arith.minsi %min3A, %max3A_1002 : vector<16xi32>
            %iota3A_1004 = tpu.iota {dimensions = array<i32: 0>} : vector<16xi32>
            %mul3A_1005 = arith.constant 16 : i32
            %mul3A_1006 = arith.muli %scan3A_987, %mul3A_1005 : i32
            %add3A_1007 = vector.broadcast %mul3A_1006 : i32 to vector<16xi32>
            %add3A_1008 = arith.addi %iota3A_1004, %add3A_1007 : vector<16xi32>
            %scan3A_1009 = arith.constant 0 : i32
            %scan3A_1010 = arith.constant 0 : i32
            %scan3A_1011 = arith.constant 32 : i32
            %scan3A_1012 = arith.addi %scan3A_1010, %scan3A_1011 : i32
            %scan3A_1013 = arith.constant 1 : i32
            %scan3A_1014 = scf.for %scan3A_1016 = %scan3A_1010 to %scan3A_1012 step %scan3A_1013 iter_args(%scan3A_1017 = %scan3A_1009) -> (i32)  : i32 {
              %broadcast_in_dim3A_1018 = arith.constant 0 : i32
              %broadcast_in_dim3A_1019 = vector.broadcast %broadcast_in_dim3A_1018 : i32 to vector<16xi32>
              %add3A_1020 = vector.broadcast %scan3A_1016 : i32 to vector<16xi32>
              %add3A_1021 = arith.addi %broadcast_in_dim3A_1019, %add3A_1020 : vector<16xi32>
              %gather3A = tpu.vector_load_idx %arg6[%min3A_1003, %add3A_1021] masked %ge3A_996 : memref<8x32xf32, #tpu.memory_space<vmem>>[vector<16xi32>, vector<16xi32>], vector<16xf32>, vector<16xi1>
              %scatter3A = arith.constant 0 : i32
              %scatter3A_1022 = arith.constant 0 : i32
              %scatter3A_1023 = arith.constant 0 : i32
              %scatter3A_1024 = tpu.memref_slice %arg9[%scatter3A, %scatter3A_1022, %scatter3A_1023] : memref<2x128x32xf32, #tpu.memory_space<vmem>> -> memref<1x128x32xf32, #tpu.memory_space<vmem>>
              %scatter3A_1025 = tpu.memref_squeeze %scatter3A_1024 : memref<1x128x32xf32, #tpu.memory_space<vmem>> -> memref<128x32xf32, #tpu.memory_space<vmem>>
              tpu.vector_store_idx %scatter3A_1025[%add3A_1008, %add3A_1021], %gather3A masked %ge3A_996 : memref<128x32xf32, #tpu.memory_space<vmem>>[vector<16xi32>, vector<16xi32>], vector<16xf32>, vector<16xi1>
              %scan3A_1026 = arith.constant 0 : i32
              scf.yield %scan3A_1026 : i32
            }
            %scan3A_1015 = arith.constant 32 : i32
            scf.yield %scan3A_1014 : i32
          }
          %scan3A_986 = arith.constant 8 : i32
        } else {
        }
        %convert_element_type3A_691 = arith.extui %ge3A_656 : i1 to i32
        %cond3A_692 = arith.constant 0 : i32
        %cond3A_693 = arith.cmpi ne, %convert_element_type3A_691, %cond3A_692 : i32
        scf.if %cond3A_693 {
          %sub3A_980 = arith.constant 2 : i32
          %sub3A_981 = arith.subi %sub3A_588, %sub3A_980 : i32
          %add3A_982 = arith.addi %mul3A_2, %sub3A_981 : i32
          %jit3A_983 = arith.constant 128 : i32
          %div3A_984 = arith.divsi %add3A_982, %jit3A_983 : i32
          %sign3A_985 = arith.constant 0 : i32
          %sign3A_986 = arith.cmpi sgt, %add3A_982, %sign3A_985 : i32
          %sign3A_987 = arith.extui %sign3A_986 : i1 to i32
          %sign3A_988 = arith.constant 0 : i32
          %sign3A_989 = arith.cmpi slt, %add3A_982, %sign3A_988 : i32
          %sign3A_990 = arith.extui %sign3A_989 : i1 to i32
          %sign3A_991 = arith.subi %sign3A_987, %sign3A_990 : i32
          %sign3A_992 = arith.constant 0 : i32
          %sign3A_993 = arith.cmpi sgt, %jit3A_983, %sign3A_992 : i32
          %sign3A_994 = arith.extui %sign3A_993 : i1 to i32
          %sign3A_995 = arith.constant 0 : i32
          %sign3A_996 = arith.cmpi slt, %jit3A_983, %sign3A_995 : i32
          %sign3A_997 = arith.extui %sign3A_996 : i1 to i32
          %sign3A_998 = arith.subi %sign3A_994, %sign3A_997 : i32
          %ne3A_999 = arith.cmpi ne, %sign3A_991, %sign3A_998 : i32
          %rem3A_1000 = arith.remsi %add3A_982, %jit3A_983 : i32
          %ne3A_1001 = arith.constant 0 : i32
          %ne3A_1002 = arith.cmpi ne, %rem3A_1000, %ne3A_1001 : i32
          %and3A_1003 = arith.andi %ne3A_999, %ne3A_1002 : i1
          %sub3A_1004 = arith.constant 1 : i32
          %sub3A_1005 = arith.subi %div3A_984, %sub3A_1004 : i32
          %select_n3A_1006 = arith.select %and3A_1003, %sub3A_1005, %div3A_984 : i32
          %jit3A_1007 = arith.constant 128 : i32
          %eq3A_1008 = arith.constant 0 : i32
          %eq3A_1009 = arith.cmpi eq, %jit3A_1007, %eq3A_1008 : i32
          %jit3A_1010 = arith.constant 1 : i32
          %select_n3A_1011 = arith.select %eq3A_1009, %jit3A_1010, %jit3A_1007 : i32
          %rem3A_1012 = arith.remsi %add3A_982, %select_n3A_1011 : i32
          %ne3A_1013 = arith.constant 0 : i32
          %ne3A_1014 = arith.cmpi ne, %rem3A_1012, %ne3A_1013 : i32
          %lt3A_1015 = arith.constant 0 : i32
          %lt3A_1016 = arith.cmpi slt, %rem3A_1012, %lt3A_1015 : i32
          %lt3A_1017 = arith.constant 0 : i32
          %lt3A_1018 = arith.cmpi slt, %select_n3A_1011, %lt3A_1017 : i32
          %ne3A_1019 = arith.xori %lt3A_1016, %lt3A_1018 : i1
          %and3A_1020 = arith.andi %ne3A_1019, %ne3A_1014 : i1
          %add3A_1021 = arith.addi %rem3A_1012, %select_n3A_1011 : i32
          %select_n3A_1022 = arith.select %and3A_1020, %add3A_1021, %rem3A_1012 : i32
          %mul3A_1023 = arith.constant 4 : i32
          %mul3A_1024 = arith.muli %select_n3A_1006, %mul3A_1023 : i32
          %add3A_1025 = arith.constant 0 : i32
          %add3A_1026 = arith.addi %mul3A_1024, %add3A_1025 : i32
          %mul3A_1027 = arith.constant 128 : i32
          %mul3A_1028 = arith.muli %add3A_1026, %mul3A_1027 : i32
          %add3A_1029 = arith.addi %mul3A_1028, %select_n3A_1022 : i32
          %mul3A_1030 = arith.constant 1024 : i32
          %mul3A_1031 = arith.muli %add3A_1029, %mul3A_1030 : i32
          %dma_wait3A_1032 = arith.constant 0 : i32
          %dma_wait3A_1033 = arith.constant 0 : i32
          %dma_wait3A_1034 = arith.constant 0 : i32
          %dma_wait3A_1035 = tpu.memref_slice %arg10[%dma_wait3A_1032, %dma_wait3A_1034] : memref<2x4096xf32, #tpu.memory_space<vmem>> -> memref<1x1024xf32, #tpu.memory_space<vmem>>
          %dma_wait3A_1036 = tpu.memref_squeeze %dma_wait3A_1035 : memref<1x1024xf32, #tpu.memory_space<vmem>> -> memref<1024xf32, #tpu.memory_space<vmem>>
          %dma_wait3A_1037 = tpu.memref_slice %arg5[%mul3A_1031] : memref<104857600xf32, #tpu.memory_space<hbm>> -> memref<1024xf32, #tpu.memory_space<hbm>>
          %dma_wait3A_1038 = tpu.memref_slice %arg13[%dma_wait3A_1033] : memref<2x!tpu.dma_semaphore, #tpu.memory_space<semaphore_mem>> -> memref<1x!tpu.dma_semaphore, #tpu.memory_space<semaphore_mem>>
          %dma_wait3A_1039 = tpu.memref_squeeze %dma_wait3A_1038 : memref<1x!tpu.dma_semaphore, #tpu.memory_space<semaphore_mem>> -> memref<!tpu.dma_semaphore, #tpu.memory_space<semaphore_mem>>
          %dma_wait3A_1040 = tpu.memref_slice %arg5[%mul3A_1031] : memref<104857600xf32, #tpu.memory_space<hbm>> -> memref<1024xf32, #tpu.memory_space<hbm>>
          %dma_wait3A_1041 = arith.constant 0 : i32
          %dma_wait3A_1042 = tpu.memref_slice %arg10[%dma_wait3A_1032, %dma_wait3A_1041] : memref<2x4096xf32, #tpu.memory_space<vmem>> -> memref<1x1024xf32, #tpu.memory_space<vmem>>
          %dma_wait3A_1043 = tpu.memref_squeeze %dma_wait3A_1042 : memref<1x1024xf32, #tpu.memory_space<vmem>> -> memref<1024xf32, #tpu.memory_space<vmem>>
          tpu.wait_dma2 semaphore(%dma_wait3A_1039 : memref<!tpu.dma_semaphore, #tpu.memory_space<semaphore_mem>>) src(%dma_wait3A_1043 : memref<1024xf32, #tpu.memory_space<vmem>>) dst(%dma_wait3A_1040 : memref<1024xf32, #tpu.memory_space<hbm>>)
          %sub3A_1044 = arith.constant 2 : i32
          %sub3A_1045 = arith.subi %sub3A_588, %sub3A_1044 : i32
          %add3A_1046 = arith.addi %mul3A_2, %sub3A_1045 : i32
          %jit3A_1047 = arith.constant 128 : i32
          %div3A_1048 = arith.divsi %add3A_1046, %jit3A_1047 : i32
          %sign3A_1049 = arith.constant 0 : i32
          %sign3A_1050 = arith.cmpi sgt, %add3A_1046, %sign3A_1049 : i32
          %sign3A_1051 = arith.extui %sign3A_1050 : i1 to i32
          %sign3A_1052 = arith.constant 0 : i32
          %sign3A_1053 = arith.cmpi slt, %add3A_1046, %sign3A_1052 : i32
          %sign3A_1054 = arith.extui %sign3A_1053 : i1 to i32
          %sign3A_1055 = arith.subi %sign3A_1051, %sign3A_1054 : i32
          %sign3A_1056 = arith.constant 0 : i32
          %sign3A_1057 = arith.cmpi sgt, %jit3A_1047, %sign3A_1056 : i32
          %sign3A_1058 = arith.extui %sign3A_1057 : i1 to i32
          %sign3A_1059 = arith.constant 0 : i32
          %sign3A_1060 = arith.cmpi slt, %jit3A_1047, %sign3A_1059 : i32
          %sign3A_1061 = arith.extui %sign3A_1060 : i1 to i32
          %sign3A_1062 = arith.subi %sign3A_1058, %sign3A_1061 : i32
          %ne3A_1063 = arith.cmpi ne, %sign3A_1055, %sign3A_1062 : i32
          %rem3A_1064 = arith.remsi %add3A_1046, %jit3A_1047 : i32
          %ne3A_1065 = arith.constant 0 : i32
          %ne3A_1066 = arith.cmpi ne, %rem3A_1064, %ne3A_1065 : i32
          %and3A_1067 = arith.andi %ne3A_1063, %ne3A_1066 : i1
          %sub3A_1068 = arith.constant 1 : i32
          %sub3A_1069 = arith.subi %div3A_1048, %sub3A_1068 : i32
          %select_n3A_1070 = arith.select %and3A_1067, %sub3A_1069, %div3A_1048 : i32
          %jit3A_1071 = arith.constant 128 : i32
          %eq3A_1072 = arith.constant 0 : i32
          %eq3A_1073 = arith.cmpi eq, %jit3A_1071, %eq3A_1072 : i32
          %jit3A_1074 = arith.constant 1 : i32
          %select_n3A_1075 = arith.select %eq3A_1073, %jit3A_1074, %jit3A_1071 : i32
          %rem3A_1076 = arith.remsi %add3A_1046, %select_n3A_1075 : i32
          %ne3A_1077 = arith.constant 0 : i32
          %ne3A_1078 = arith.cmpi ne, %rem3A_1076, %ne3A_1077 : i32
          %lt3A_1079 = arith.constant 0 : i32
          %lt3A_1080 = arith.cmpi slt, %rem3A_1076, %lt3A_1079 : i32
          %lt3A_1081 = arith.constant 0 : i32
          %lt3A_1082 = arith.cmpi slt, %select_n3A_1075, %lt3A_1081 : i32
          %ne3A_1083 = arith.xori %lt3A_1080, %lt3A_1082 : i1
          %and3A_1084 = arith.andi %ne3A_1083, %ne3A_1078 : i1
          %add3A_1085 = arith.addi %rem3A_1076, %select_n3A_1075 : i32
          %select_n3A_1086 = arith.select %and3A_1084, %add3A_1085, %rem3A_1076 : i32
          %mul3A_1087 = arith.constant 4 : i32
          %mul3A_1088 = arith.muli %select_n3A_1070, %mul3A_1087 : i32
          %add3A_1089 = arith.constant 1 : i32
          %add3A_1090 = arith.addi %mul3A_1088, %add3A_1089 : i32
          %mul3A_1091 = arith.constant 128 : i32
          %mul3A_1092 = arith.muli %add3A_1090, %mul3A_1091 : i32
          %add3A_1093 = arith.addi %mul3A_1092, %select_n3A_1086 : i32
          %mul3A_1094 = arith.constant 1024 : i32
          %mul3A_1095 = arith.muli %add3A_1093, %mul3A_1094 : i32
          %dma_wait3A_1096 = arith.constant 0 : i32
          %dma_wait3A_1097 = arith.constant 0 : i32
          %dma_wait3A_1098 = arith.constant 1024 : i32
          %dma_wait3A_1099 = tpu.memref_slice %arg10[%dma_wait3A_1096, %dma_wait3A_1098] : memref<2x4096xf32, #tpu.memory_space<vmem>> -> memref<1x1024xf32, #tpu.memory_space<vmem>>
          %dma_wait3A_1100 = tpu.memref_squeeze %dma_wait3A_1099 : memref<1x1024xf32, #tpu.memory_space<vmem>> -> memref<1024xf32, #tpu.memory_space<vmem>>
          %dma_wait3A_1101 = tpu.memref_slice %arg5[%mul3A_1095] : memref<104857600xf32, #tpu.memory_space<hbm>> -> memref<1024xf32, #tpu.memory_space<hbm>>
          %dma_wait3A_1102 = tpu.memref_slice %arg13[%dma_wait3A_1097] : memref<2x!tpu.dma_semaphore, #tpu.memory_space<semaphore_mem>> -> memref<1x!tpu.dma_semaphore, #tpu.memory_space<semaphore_mem>>
          %dma_wait3A_1103 = tpu.memref_squeeze %dma_wait3A_1102 : memref<1x!tpu.dma_semaphore, #tpu.memory_space<semaphore_mem>> -> memref<!tpu.dma_semaphore, #tpu.memory_space<semaphore_mem>>
          %dma_wait3A_1104 = tpu.memref_slice %arg5[%mul3A_1095] : memref<104857600xf32, #tpu.memory_space<hbm>> -> memref<1024xf32, #tpu.memory_space<hbm>>
          %dma_wait3A_1105 = arith.constant 1024 : i32
          %dma_wait3A_1106 = tpu.memref_slice %arg10[%dma_wait3A_1096, %dma_wait3A_1105] : memref<2x4096xf32, #tpu.memory_space<vmem>> -> memref<1x1024xf32, #tpu.memory_space<vmem>>
          %dma_wait3A_1107 = tpu.memref_squeeze %dma_wait3A_1106 : memref<1x1024xf32, #tpu.memory_space<vmem>> -> memref<1024xf32, #tpu.memory_space<vmem>>
          tpu.wait_dma2 semaphore(%dma_wait3A_1103 : memref<!tpu.dma_semaphore, #tpu.memory_space<semaphore_mem>>) src(%dma_wait3A_1107 : memref<1024xf32, #tpu.memory_space<vmem>>) dst(%dma_wait3A_1104 : memref<1024xf32, #tpu.memory_space<hbm>>)
          %sub3A_1108 = arith.constant 2 : i32
          %sub3A_1109 = arith.subi %sub3A_588, %sub3A_1108 : i32
          %add3A_1110 = arith.addi %mul3A_2, %sub3A_1109 : i32
          %jit3A_1111 = arith.constant 128 : i32
          %div3A_1112 = arith.divsi %add3A_1110, %jit3A_1111 : i32
          %sign3A_1113 = arith.constant 0 : i32
          %sign3A_1114 = arith.cmpi sgt, %add3A_1110, %sign3A_1113 : i32
          %sign3A_1115 = arith.extui %sign3A_1114 : i1 to i32
          %sign3A_1116 = arith.constant 0 : i32
          %sign3A_1117 = arith.cmpi slt, %add3A_1110, %sign3A_1116 : i32
          %sign3A_1118 = arith.extui %sign3A_1117 : i1 to i32
          %sign3A_1119 = arith.subi %sign3A_1115, %sign3A_1118 : i32
          %sign3A_1120 = arith.constant 0 : i32
          %sign3A_1121 = arith.cmpi sgt, %jit3A_1111, %sign3A_1120 : i32
          %sign3A_1122 = arith.extui %sign3A_1121 : i1 to i32
          %sign3A_1123 = arith.constant 0 : i32
          %sign3A_1124 = arith.cmpi slt, %jit3A_1111, %sign3A_1123 : i32
          %sign3A_1125 = arith.extui %sign3A_1124 : i1 to i32
          %sign3A_1126 = arith.subi %sign3A_1122, %sign3A_1125 : i32
          %ne3A_1127 = arith.cmpi ne, %sign3A_1119, %sign3A_1126 : i32
          %rem3A_1128 = arith.remsi %add3A_1110, %jit3A_1111 : i32
          %ne3A_1129 = arith.constant 0 : i32
          %ne3A_1130 = arith.cmpi ne, %rem3A_1128, %ne3A_1129 : i32
          %and3A_1131 = arith.andi %ne3A_1127, %ne3A_1130 : i1
          %sub3A_1132 = arith.constant 1 : i32
          %sub3A_1133 = arith.subi %div3A_1112, %sub3A_1132 : i32
          %select_n3A_1134 = arith.select %and3A_1131, %sub3A_1133, %div3A_1112 : i32
          %jit3A_1135 = arith.constant 128 : i32
          %eq3A_1136 = arith.constant 0 : i32
          %eq3A_1137 = arith.cmpi eq, %jit3A_1135, %eq3A_1136 : i32
          %jit3A_1138 = arith.constant 1 : i32
          %select_n3A_1139 = arith.select %eq3A_1137, %jit3A_1138, %jit3A_1135 : i32
          %rem3A_1140 = arith.remsi %add3A_1110, %select_n3A_1139 : i32
          %ne3A_1141 = arith.constant 0 : i32
          %ne3A_1142 = arith.cmpi ne, %rem3A_1140, %ne3A_1141 : i32
          %lt3A_1143 = arith.constant 0 : i32
          %lt3A_1144 = arith.cmpi slt, %rem3A_1140, %lt3A_1143 : i32
          %lt3A_1145 = arith.constant 0 : i32
          %lt3A_1146 = arith.cmpi slt, %select_n3A_1139, %lt3A_1145 : i32
          %ne3A_1147 = arith.xori %lt3A_1144, %lt3A_1146 : i1
          %and3A_1148 = arith.andi %ne3A_1147, %ne3A_1142 : i1
          %add3A_1149 = arith.addi %rem3A_1140, %select_n3A_1139 : i32
          %select_n3A_1150 = arith.select %and3A_1148, %add3A_1149, %rem3A_1140 : i32
          %mul3A_1151 = arith.constant 4 : i32
          %mul3A_1152 = arith.muli %select_n3A_1134, %mul3A_1151 : i32
          %add3A_1153 = arith.constant 2 : i32
          %add3A_1154 = arith.addi %mul3A_1152, %add3A_1153 : i32
          %mul3A_1155 = arith.constant 128 : i32
          %mul3A_1156 = arith.muli %add3A_1154, %mul3A_1155 : i32
          %add3A_1157 = arith.addi %mul3A_1156, %select_n3A_1150 : i32
          %mul3A_1158 = arith.constant 1024 : i32
          %mul3A_1159 = arith.muli %add3A_1157, %mul3A_1158 : i32
          %dma_wait3A_1160 = arith.constant 0 : i32
          %dma_wait3A_1161 = arith.constant 0 : i32
          %dma_wait3A_1162 = arith.constant 2048 : i32
          %dma_wait3A_1163 = tpu.memref_slice %arg10[%dma_wait3A_1160, %dma_wait3A_1162] : memref<2x4096xf32, #tpu.memory_space<vmem>> -> memref<1x1024xf32, #tpu.memory_space<vmem>>
          %dma_wait3A_1164 = tpu.memref_squeeze %dma_wait3A_1163 : memref<1x1024xf32, #tpu.memory_space<vmem>> -> memref<1024xf32, #tpu.memory_space<vmem>>
          %dma_wait3A_1165 = tpu.memref_slice %arg5[%mul3A_1159] : memref<104857600xf32, #tpu.memory_space<hbm>> -> memref<1024xf32, #tpu.memory_space<hbm>>
          %dma_wait3A_1166 = tpu.memref_slice %arg13[%dma_wait3A_1161] : memref<2x!tpu.dma_semaphore, #tpu.memory_space<semaphore_mem>> -> memref<1x!tpu.dma_semaphore, #tpu.memory_space<semaphore_mem>>
          %dma_wait3A_1167 = tpu.memref_squeeze %dma_wait3A_1166 : memref<1x!tpu.dma_semaphore, #tpu.memory_space<semaphore_mem>> -> memref<!tpu.dma_semaphore, #tpu.memory_space<semaphore_mem>>
          %dma_wait3A_1168 = tpu.memref_slice %arg5[%mul3A_1159] : memref<104857600xf32, #tpu.memory_space<hbm>> -> memref<1024xf32, #tpu.memory_space<hbm>>
          %dma_wait3A_1169 = arith.constant 2048 : i32
          %dma_wait3A_1170 = tpu.memref_slice %arg10[%dma_wait3A_1160, %dma_wait3A_1169] : memref<2x4096xf32, #tpu.memory_space<vmem>> -> memref<1x1024xf32, #tpu.memory_space<vmem>>
          %dma_wait3A_1171 = tpu.memref_squeeze %dma_wait3A_1170 : memref<1x1024xf32, #tpu.memory_space<vmem>> -> memref<1024xf32, #tpu.memory_space<vmem>>
          tpu.wait_dma2 semaphore(%dma_wait3A_1167 : memref<!tpu.dma_semaphore, #tpu.memory_space<semaphore_mem>>) src(%dma_wait3A_1171 : memref<1024xf32, #tpu.memory_space<vmem>>) dst(%dma_wait3A_1168 : memref<1024xf32, #tpu.memory_space<hbm>>)
          %sub3A_1172 = arith.constant 2 : i32
          %sub3A_1173 = arith.subi %sub3A_588, %sub3A_1172 : i32
          %add3A_1174 = arith.addi %mul3A_2, %sub3A_1173 : i32
          %jit3A_1175 = arith.constant 128 : i32
          %div3A_1176 = arith.divsi %add3A_1174, %jit3A_1175 : i32
          %sign3A_1177 = arith.constant 0 : i32
          %sign3A_1178 = arith.cmpi sgt, %add3A_1174, %sign3A_1177 : i32
          %sign3A_1179 = arith.extui %sign3A_1178 : i1 to i32
          %sign3A_1180 = arith.constant 0 : i32
          %sign3A_1181 = arith.cmpi slt, %add3A_1174, %sign3A_1180 : i32
          %sign3A_1182 = arith.extui %sign3A_1181 : i1 to i32
          %sign3A_1183 = arith.subi %sign3A_1179, %sign3A_1182 : i32
          %sign3A_1184 = arith.constant 0 : i32
          %sign3A_1185 = arith.cmpi sgt, %jit3A_1175, %sign3A_1184 : i32
          %sign3A_1186 = arith.extui %sign3A_1185 : i1 to i32
          %sign3A_1187 = arith.constant 0 : i32
          %sign3A_1188 = arith.cmpi slt, %jit3A_1175, %sign3A_1187 : i32
          %sign3A_1189 = arith.extui %sign3A_1188 : i1 to i32
          %sign3A_1190 = arith.subi %sign3A_1186, %sign3A_1189 : i32
          %ne3A_1191 = arith.cmpi ne, %sign3A_1183, %sign3A_1190 : i32
          %rem3A_1192 = arith.remsi %add3A_1174, %jit3A_1175 : i32
          %ne3A_1193 = arith.constant 0 : i32
          %ne3A_1194 = arith.cmpi ne, %rem3A_1192, %ne3A_1193 : i32
          %and3A_1195 = arith.andi %ne3A_1191, %ne3A_1194 : i1
          %sub3A_1196 = arith.constant 1 : i32
          %sub3A_1197 = arith.subi %div3A_1176, %sub3A_1196 : i32
          %select_n3A_1198 = arith.select %and3A_1195, %sub3A_1197, %div3A_1176 : i32
          %jit3A_1199 = arith.constant 128 : i32
          %eq3A_1200 = arith.constant 0 : i32
          %eq3A_1201 = arith.cmpi eq, %jit3A_1199, %eq3A_1200 : i32
          %jit3A_1202 = arith.constant 1 : i32
          %select_n3A_1203 = arith.select %eq3A_1201, %jit3A_1202, %jit3A_1199 : i32
          %rem3A_1204 = arith.remsi %add3A_1174, %select_n3A_1203 : i32
          %ne3A_1205 = arith.constant 0 : i32
          %ne3A_1206 = arith.cmpi ne, %rem3A_1204, %ne3A_1205 : i32
          %lt3A_1207 = arith.constant 0 : i32
          %lt3A_1208 = arith.cmpi slt, %rem3A_1204, %lt3A_1207 : i32
          %lt3A_1209 = arith.constant 0 : i32
          %lt3A_1210 = arith.cmpi slt, %select_n3A_1203, %lt3A_1209 : i32
          %ne3A_1211 = arith.xori %lt3A_1208, %lt3A_1210 : i1
          %and3A_1212 = arith.andi %ne3A_1211, %ne3A_1206 : i1
          %add3A_1213 = arith.addi %rem3A_1204, %select_n3A_1203 : i32
          %select_n3A_1214 = arith.select %and3A_1212, %add3A_1213, %rem3A_1204 : i32
          %mul3A_1215 = arith.constant 4 : i32
          %mul3A_1216 = arith.muli %select_n3A_1198, %mul3A_1215 : i32
          %add3A_1217 = arith.constant 3 : i32
          %add3A_1218 = arith.addi %mul3A_1216, %add3A_1217 : i32
          %mul3A_1219 = arith.constant 128 : i32
          %mul3A_1220 = arith.muli %add3A_1218, %mul3A_1219 : i32
          %add3A_1221 = arith.addi %mul3A_1220, %select_n3A_1214 : i32
          %mul3A_1222 = arith.constant 1024 : i32
          %mul3A_1223 = arith.muli %add3A_1221, %mul3A_1222 : i32
          %dma_wait3A_1224 = arith.constant 0 : i32
          %dma_wait3A_1225 = arith.constant 0 : i32
          %dma_wait3A_1226 = arith.constant 3072 : i32
          %dma_wait3A_1227 = tpu.memref_slice %arg10[%dma_wait3A_1224, %dma_wait3A_1226] : memref<2x4096xf32, #tpu.memory_space<vmem>> -> memref<1x1024xf32, #tpu.memory_space<vmem>>
          %dma_wait3A_1228 = tpu.memref_squeeze %dma_wait3A_1227 : memref<1x1024xf32, #tpu.memory_space<vmem>> -> memref<1024xf32, #tpu.memory_space<vmem>>
          %dma_wait3A_1229 = tpu.memref_slice %arg5[%mul3A_1223] : memref<104857600xf32, #tpu.memory_space<hbm>> -> memref<1024xf32, #tpu.memory_space<hbm>>
          %dma_wait3A_1230 = tpu.memref_slice %arg13[%dma_wait3A_1225] : memref<2x!tpu.dma_semaphore, #tpu.memory_space<semaphore_mem>> -> memref<1x!tpu.dma_semaphore, #tpu.memory_space<semaphore_mem>>
          %dma_wait3A_1231 = tpu.memref_squeeze %dma_wait3A_1230 : memref<1x!tpu.dma_semaphore, #tpu.memory_space<semaphore_mem>> -> memref<!tpu.dma_semaphore, #tpu.memory_space<semaphore_mem>>
          %dma_wait3A_1232 = tpu.memref_slice %arg5[%mul3A_1223] : memref<104857600xf32, #tpu.memory_space<hbm>> -> memref<1024xf32, #tpu.memory_space<hbm>>
          %dma_wait3A_1233 = arith.constant 3072 : i32
          %dma_wait3A_1234 = tpu.memref_slice %arg10[%dma_wait3A_1224, %dma_wait3A_1233] : memref<2x4096xf32, #tpu.memory_space<vmem>> -> memref<1x1024xf32, #tpu.memory_space<vmem>>
          %dma_wait3A_1235 = tpu.memref_squeeze %dma_wait3A_1234 : memref<1x1024xf32, #tpu.memory_space<vmem>> -> memref<1024xf32, #tpu.memory_space<vmem>>
          tpu.wait_dma2 semaphore(%dma_wait3A_1231 : memref<!tpu.dma_semaphore, #tpu.memory_space<semaphore_mem>>) src(%dma_wait3A_1235 : memref<1024xf32, #tpu.memory_space<vmem>>) dst(%dma_wait3A_1232 : memref<1024xf32, #tpu.memory_space<hbm>>)
        } else {
        }
        %iota3A = tpu.iota {dimensions = array<i32: 0>} : vector<16xi32>
        %add3A_694 = arith.constant 0 : i32
        %add3A_695 = vector.broadcast %add3A_694 : i32 to vector<16xi32>
        %add3A_696 = arith.addi %iota3A, %add3A_695 : vector<16xi32>
        %iota3A_697 = tpu.iota {dimensions = array<i32: 0>} : vector<16xi32>
        %add3A_698 = arith.constant 16 : i32
        %add3A_699 = vector.broadcast %add3A_698 : i32 to vector<16xi32>
        %add3A_700 = arith.addi %iota3A_697, %add3A_699 : vector<16xi32>
        %iota3A_701 = tpu.iota {dimensions = array<i32: 0>} : vector<16xi32>
        %add3A_702 = arith.constant 32 : i32
        %add3A_703 = vector.broadcast %add3A_702 : i32 to vector<16xi32>
        %add3A_704 = arith.addi %iota3A_701, %add3A_703 : vector<16xi32>
        %iota3A_705 = tpu.iota {dimensions = array<i32: 0>} : vector<16xi32>
        %add3A_706 = arith.constant 48 : i32
        %add3A_707 = vector.broadcast %add3A_706 : i32 to vector<16xi32>
        %add3A_708 = arith.addi %iota3A_705, %add3A_707 : vector<16xi32>
        %iota3A_709 = tpu.iota {dimensions = array<i32: 0>} : vector<16xi32>
        %add3A_710 = arith.constant 64 : i32
        %add3A_711 = vector.broadcast %add3A_710 : i32 to vector<16xi32>
        %add3A_712 = arith.addi %iota3A_709, %add3A_711 : vector<16xi32>
        %iota3A_713 = tpu.iota {dimensions = array<i32: 0>} : vector<16xi32>
        %add3A_714 = arith.constant 80 : i32
        %add3A_715 = vector.broadcast %add3A_714 : i32 to vector<16xi32>
        %add3A_716 = arith.addi %iota3A_713, %add3A_715 : vector<16xi32>
        %iota3A_717 = tpu.iota {dimensions = array<i32: 0>} : vector<16xi32>
        %add3A_718 = arith.constant 96 : i32
        %add3A_719 = vector.broadcast %add3A_718 : i32 to vector<16xi32>
        %add3A_720 = arith.addi %iota3A_717, %add3A_719 : vector<16xi32>
        %iota3A_721 = tpu.iota {dimensions = array<i32: 0>} : vector<16xi32>
        %add3A_722 = arith.constant 112 : i32
        %add3A_723 = vector.broadcast %add3A_722 : i32 to vector<16xi32>
        %add3A_724 = arith.addi %iota3A_721, %add3A_723 : vector<16xi32>
        %scan3A_725 = arith.constant 0 : i32
        %scan3A_726 = arith.constant 0 : i32
        %scan3A_727 = arith.constant 32 : i32
        %scan3A_728 = arith.addi %scan3A_726, %scan3A_727 : i32
        %scan3A_729 = arith.constant 1 : i32
        %scan3A_730 = scf.for %scan3A_980 = %scan3A_726 to %scan3A_728 step %scan3A_729 iter_args(%scan3A_981 = %scan3A_725) -> (i32)  : i32 {
          %broadcast_in_dim3A_982 = arith.constant 0 : i32
          %broadcast_in_dim3A_983 = vector.broadcast %broadcast_in_dim3A_982 : i32 to vector<16xi32>
          %add3A_984 = vector.broadcast %scan3A_980 : i32 to vector<16xi32>
          %add3A_985 = arith.addi %broadcast_in_dim3A_983, %add3A_984 : vector<16xi32>
          %jit3A_986 = arith.constant 8 : i32
          %div3A_987 = arith.divsi %scan3A_980, %jit3A_986 : i32
          %sign3A_988 = arith.constant 0 : i32
          %sign3A_989 = arith.cmpi sgt, %scan3A_980, %sign3A_988 : i32
          %sign3A_990 = arith.extui %sign3A_989 : i1 to i32
          %sign3A_991 = arith.constant 0 : i32
          %sign3A_992 = arith.cmpi slt, %scan3A_980, %sign3A_991 : i32
          %sign3A_993 = arith.extui %sign3A_992 : i1 to i32
          %sign3A_994 = arith.subi %sign3A_990, %sign3A_993 : i32
          %sign3A_995 = arith.constant 0 : i32
          %sign3A_996 = arith.cmpi sgt, %jit3A_986, %sign3A_995 : i32
          %sign3A_997 = arith.extui %sign3A_996 : i1 to i32
          %sign3A_998 = arith.constant 0 : i32
          %sign3A_999 = arith.cmpi slt, %jit3A_986, %sign3A_998 : i32
          %sign3A_1000 = arith.extui %sign3A_999 : i1 to i32
          %sign3A_1001 = arith.subi %sign3A_997, %sign3A_1000 : i32
          %ne3A_1002 = arith.cmpi ne, %sign3A_994, %sign3A_1001 : i32
          %rem3A_1003 = arith.remsi %scan3A_980, %jit3A_986 : i32
          %ne3A_1004 = arith.constant 0 : i32
          %ne3A_1005 = arith.cmpi ne, %rem3A_1003, %ne3A_1004 : i32
          %and3A_1006 = arith.andi %ne3A_1002, %ne3A_1005 : i1
          %sub3A_1007 = arith.constant 1 : i32
          %sub3A_1008 = arith.subi %div3A_987, %sub3A_1007 : i32
          %select_n3A_1009 = arith.select %and3A_1006, %sub3A_1008, %div3A_987 : i32
          %mul3A_1010 = arith.constant 1024 : i32
          %mul3A_1011 = arith.muli %select_n3A_1009, %mul3A_1010 : i32
          %jit3A_1012 = arith.constant 8 : i32
          %eq3A_1013 = arith.constant 0 : i32
          %eq3A_1014 = arith.cmpi eq, %jit3A_1012, %eq3A_1013 : i32
          %jit3A_1015 = arith.constant 1 : i32
          %select_n3A_1016 = arith.select %eq3A_1014, %jit3A_1015, %jit3A_1012 : i32
          %rem3A_1017 = arith.remsi %scan3A_980, %select_n3A_1016 : i32
          %ne3A_1018 = arith.constant 0 : i32
          %ne3A_1019 = arith.cmpi ne, %rem3A_1017, %ne3A_1018 : i32
          %lt3A_1020 = arith.constant 0 : i32
          %lt3A_1021 = arith.cmpi slt, %rem3A_1017, %lt3A_1020 : i32
          %lt3A_1022 = arith.constant 0 : i32
          %lt3A_1023 = arith.cmpi slt, %select_n3A_1016, %lt3A_1022 : i32
          %ne3A_1024 = arith.xori %lt3A_1021, %lt3A_1023 : i1
          %and3A_1025 = arith.andi %ne3A_1024, %ne3A_1019 : i1
          %add3A_1026 = arith.addi %rem3A_1017, %select_n3A_1016 : i32
          %select_n3A_1027 = arith.select %and3A_1025, %add3A_1026, %rem3A_1017 : i32
          %mul3A_1028 = arith.constant 128 : i32
          %mul3A_1029 = arith.muli %select_n3A_1027, %mul3A_1028 : i32
          %add3A_1030 = arith.addi %mul3A_1011, %mul3A_1029 : i32
          %gather3A = arith.constant 0 : i32
          %gather3A_1031 = arith.constant 0 : i32
          %gather3A_1032 = arith.constant 0 : i32
          %gather3A_1033 = tpu.memref_slice %arg9[%gather3A, %gather3A_1031, %gather3A_1032] : memref<2x128x32xf32, #tpu.memory_space<vmem>> -> memref<1x128x32xf32, #tpu.memory_space<vmem>>
          %gather3A_1034 = tpu.memref_squeeze %gather3A_1033 : memref<1x128x32xf32, #tpu.memory_space<vmem>> -> memref<128x32xf32, #tpu.memory_space<vmem>>
          %gather3A_1035 = tpu.vector_load_idx %gather3A_1034[%add3A_696, %add3A_985] : memref<128x32xf32, #tpu.memory_space<vmem>>[vector<16xi32>, vector<16xi32>], vector<16xf32>,
          %add3A_1036 = arith.constant 0 : i32
          %add3A_1037 = arith.addi %add3A_1030, %add3A_1036 : i32
          %swap3A = arith.constant 0 : i32
          %swap3A_1038 = arith.index_cast %swap3A : i32 to index
          %swap3A_1039 = arith.index_cast %add3A_1037 : i32 to index
          %swap3A_1040 = tpu.vector_load %arg10[%swap3A_1038, %swap3A_1039] {strides = array<i32>} : memref<2x4096xf32, #tpu.memory_space<vmem>>, vector<16xf32>,
          tpu.vector_store %arg10[%swap3A_1038, %swap3A_1039], %gather3A_1035 {strides = array<i32>} : memref<2x4096xf32, #tpu.memory_space<vmem>>, vector<16xf32>,
          %gather3A_1041 = arith.constant 0 : i32
          %gather3A_1042 = arith.constant 0 : i32
          %gather3A_1043 = arith.constant 0 : i32
          %gather3A_1044 = tpu.memref_slice %arg9[%gather3A_1041, %gather3A_1042, %gather3A_1043] : memref<2x128x32xf32, #tpu.memory_space<vmem>> -> memref<1x128x32xf32, #tpu.memory_space<vmem>>
          %gather3A_1045 = tpu.memref_squeeze %gather3A_1044 : memref<1x128x32xf32, #tpu.memory_space<vmem>> -> memref<128x32xf32, #tpu.memory_space<vmem>>
          %gather3A_1046 = tpu.vector_load_idx %gather3A_1045[%add3A_700, %add3A_985] : memref<128x32xf32, #tpu.memory_space<vmem>>[vector<16xi32>, vector<16xi32>], vector<16xf32>,
          %add3A_1047 = arith.constant 16 : i32
          %add3A_1048 = arith.addi %add3A_1030, %add3A_1047 : i32
          %swap3A_1049 = arith.constant 0 : i32
          %swap3A_1050 = arith.index_cast %swap3A_1049 : i32 to index
          %swap3A_1051 = arith.index_cast %add3A_1048 : i32 to index
          %swap3A_1052 = tpu.vector_load %arg10[%swap3A_1050, %swap3A_1051] {strides = array<i32>} : memref<2x4096xf32, #tpu.memory_space<vmem>>, vector<16xf32>,
          tpu.vector_store %arg10[%swap3A_1050, %swap3A_1051], %gather3A_1046 {strides = array<i32>} : memref<2x4096xf32, #tpu.memory_space<vmem>>, vector<16xf32>,
          %gather3A_1053 = arith.constant 0 : i32
          %gather3A_1054 = arith.constant 0 : i32
          %gather3A_1055 = arith.constant 0 : i32
          %gather3A_1056 = tpu.memref_slice %arg9[%gather3A_1053, %gather3A_1054, %gather3A_1055] : memref<2x128x32xf32, #tpu.memory_space<vmem>> -> memref<1x128x32xf32, #tpu.memory_space<vmem>>
          %gather3A_1057 = tpu.memref_squeeze %gather3A_1056 : memref<1x128x32xf32, #tpu.memory_space<vmem>> -> memref<128x32xf32, #tpu.memory_space<vmem>>
          %gather3A_1058 = tpu.vector_load_idx %gather3A_1057[%add3A_704, %add3A_985] : memref<128x32xf32, #tpu.memory_space<vmem>>[vector<16xi32>, vector<16xi32>], vector<16xf32>,
          %add3A_1059 = arith.constant 32 : i32
          %add3A_1060 = arith.addi %add3A_1030, %add3A_1059 : i32
          %swap3A_1061 = arith.constant 0 : i32
          %swap3A_1062 = arith.index_cast %swap3A_1061 : i32 to index
          %swap3A_1063 = arith.index_cast %add3A_1060 : i32 to index
          %swap3A_1064 = tpu.vector_load %arg10[%swap3A_1062, %swap3A_1063] {strides = array<i32>} : memref<2x4096xf32, #tpu.memory_space<vmem>>, vector<16xf32>,
          tpu.vector_store %arg10[%swap3A_1062, %swap3A_1063], %gather3A_1058 {strides = array<i32>} : memref<2x4096xf32, #tpu.memory_space<vmem>>, vector<16xf32>,
          %gather3A_1065 = arith.constant 0 : i32
          %gather3A_1066 = arith.constant 0 : i32
          %gather3A_1067 = arith.constant 0 : i32
          %gather3A_1068 = tpu.memref_slice %arg9[%gather3A_1065, %gather3A_1066, %gather3A_1067] : memref<2x128x32xf32, #tpu.memory_space<vmem>> -> memref<1x128x32xf32, #tpu.memory_space<vmem>>
          %gather3A_1069 = tpu.memref_squeeze %gather3A_1068 : memref<1x128x32xf32, #tpu.memory_space<vmem>> -> memref<128x32xf32, #tpu.memory_space<vmem>>
          %gather3A_1070 = tpu.vector_load_idx %gather3A_1069[%add3A_708, %add3A_985] : memref<128x32xf32, #tpu.memory_space<vmem>>[vector<16xi32>, vector<16xi32>], vector<16xf32>,
          %add3A_1071 = arith.constant 48 : i32
          %add3A_1072 = arith.addi %add3A_1030, %add3A_1071 : i32
          %swap3A_1073 = arith.constant 0 : i32
          %swap3A_1074 = arith.index_cast %swap3A_1073 : i32 to index
          %swap3A_1075 = arith.index_cast %add3A_1072 : i32 to index
          %swap3A_1076 = tpu.vector_load %arg10[%swap3A_1074, %swap3A_1075] {strides = array<i32>} : memref<2x4096xf32, #tpu.memory_space<vmem>>, vector<16xf32>,
          tpu.vector_store %arg10[%swap3A_1074, %swap3A_1075], %gather3A_1070 {strides = array<i32>} : memref<2x4096xf32, #tpu.memory_space<vmem>>, vector<16xf32>,
          %gather3A_1077 = arith.constant 0 : i32
          %gather3A_1078 = arith.constant 0 : i32
          %gather3A_1079 = arith.constant 0 : i32
          %gather3A_1080 = tpu.memref_slice %arg9[%gather3A_1077, %gather3A_1078, %gather3A_1079] : memref<2x128x32xf32, #tpu.memory_space<vmem>> -> memref<1x128x32xf32, #tpu.memory_space<vmem>>
          %gather3A_1081 = tpu.memref_squeeze %gather3A_1080 : memref<1x128x32xf32, #tpu.memory_space<vmem>> -> memref<128x32xf32, #tpu.memory_space<vmem>>
          %gather3A_1082 = tpu.vector_load_idx %gather3A_1081[%add3A_712, %add3A_985] : memref<128x32xf32, #tpu.memory_space<vmem>>[vector<16xi32>, vector<16xi32>], vector<16xf32>,
          %add3A_1083 = arith.constant 64 : i32
          %add3A_1084 = arith.addi %add3A_1030, %add3A_1083 : i32
          %swap3A_1085 = arith.constant 0 : i32
          %swap3A_1086 = arith.index_cast %swap3A_1085 : i32 to index
          %swap3A_1087 = arith.index_cast %add3A_1084 : i32 to index
          %swap3A_1088 = tpu.vector_load %arg10[%swap3A_1086, %swap3A_1087] {strides = array<i32>} : memref<2x4096xf32, #tpu.memory_space<vmem>>, vector<16xf32>,
          tpu.vector_store %arg10[%swap3A_1086, %swap3A_1087], %gather3A_1082 {strides = array<i32>} : memref<2x4096xf32, #tpu.memory_space<vmem>>, vector<16xf32>,
          %gather3A_1089 = arith.constant 0 : i32
          %gather3A_1090 = arith.constant 0 : i32
          %gather3A_1091 = arith.constant 0 : i32
          %gather3A_1092 = tpu.memref_slice %arg9[%gather3A_1089, %gather3A_1090, %gather3A_1091] : memref<2x128x32xf32, #tpu.memory_space<vmem>> -> memref<1x128x32xf32, #tpu.memory_space<vmem>>
          %gather3A_1093 = tpu.memref_squeeze %gather3A_1092 : memref<1x128x32xf32, #tpu.memory_space<vmem>> -> memref<128x32xf32, #tpu.memory_space<vmem>>
          %gather3A_1094 = tpu.vector_load_idx %gather3A_1093[%add3A_716, %add3A_985] : memref<128x32xf32, #tpu.memory_space<vmem>>[vector<16xi32>, vector<16xi32>], vector<16xf32>,
          %add3A_1095 = arith.constant 80 : i32
          %add3A_1096 = arith.addi %add3A_1030, %add3A_1095 : i32
          %swap3A_1097 = arith.constant 0 : i32
          %swap3A_1098 = arith.index_cast %swap3A_1097 : i32 to index
          %swap3A_1099 = arith.index_cast %add3A_1096 : i32 to index
          %swap3A_1100 = tpu.vector_load %arg10[%swap3A_1098, %swap3A_1099] {strides = array<i32>} : memref<2x4096xf32, #tpu.memory_space<vmem>>, vector<16xf32>,
          tpu.vector_store %arg10[%swap3A_1098, %swap3A_1099], %gather3A_1094 {strides = array<i32>} : memref<2x4096xf32, #tpu.memory_space<vmem>>, vector<16xf32>,
          %gather3A_1101 = arith.constant 0 : i32
          %gather3A_1102 = arith.constant 0 : i32
          %gather3A_1103 = arith.constant 0 : i32
          %gather3A_1104 = tpu.memref_slice %arg9[%gather3A_1101, %gather3A_1102, %gather3A_1103] : memref<2x128x32xf32, #tpu.memory_space<vmem>> -> memref<1x128x32xf32, #tpu.memory_space<vmem>>
          %gather3A_1105 = tpu.memref_squeeze %gather3A_1104 : memref<1x128x32xf32, #tpu.memory_space<vmem>> -> memref<128x32xf32, #tpu.memory_space<vmem>>
          %gather3A_1106 = tpu.vector_load_idx %gather3A_1105[%add3A_720, %add3A_985] : memref<128x32xf32, #tpu.memory_space<vmem>>[vector<16xi32>, vector<16xi32>], vector<16xf32>,
          %add3A_1107 = arith.constant 96 : i32
          %add3A_1108 = arith.addi %add3A_1030, %add3A_1107 : i32
          %swap3A_1109 = arith.constant 0 : i32
          %swap3A_1110 = arith.index_cast %swap3A_1109 : i32 to index
          %swap3A_1111 = arith.index_cast %add3A_1108 : i32 to index
          %swap3A_1112 = tpu.vector_load %arg10[%swap3A_1110, %swap3A_1111] {strides = array<i32>} : memref<2x4096xf32, #tpu.memory_space<vmem>>, vector<16xf32>,
          tpu.vector_store %arg10[%swap3A_1110, %swap3A_1111], %gather3A_1106 {strides = array<i32>} : memref<2x4096xf32, #tpu.memory_space<vmem>>, vector<16xf32>,
          %gather3A_1113 = arith.constant 0 : i32
          %gather3A_1114 = arith.constant 0 : i32
          %gather3A_1115 = arith.constant 0 : i32
          %gather3A_1116 = tpu.memref_slice %arg9[%gather3A_1113, %gather3A_1114, %gather3A_1115] : memref<2x128x32xf32, #tpu.memory_space<vmem>> -> memref<1x128x32xf32, #tpu.memory_space<vmem>>
          %gather3A_1117 = tpu.memref_squeeze %gather3A_1116 : memref<1x128x32xf32, #tpu.memory_space<vmem>> -> memref<128x32xf32, #tpu.memory_space<vmem>>
          %gather3A_1118 = tpu.vector_load_idx %gather3A_1117[%add3A_724, %add3A_985] : memref<128x32xf32, #tpu.memory_space<vmem>>[vector<16xi32>, vector<16xi32>], vector<16xf32>,
          %add3A_1119 = arith.constant 112 : i32
          %add3A_1120 = arith.addi %add3A_1030, %add3A_1119 : i32
          %swap3A_1121 = arith.constant 0 : i32
          %swap3A_1122 = arith.index_cast %swap3A_1121 : i32 to index
          %swap3A_1123 = arith.index_cast %add3A_1120 : i32 to index
          %swap3A_1124 = tpu.vector_load %arg10[%swap3A_1122, %swap3A_1123] {strides = array<i32>} : memref<2x4096xf32, #tpu.memory_space<vmem>>, vector<16xf32>,
          tpu.vector_store %arg10[%swap3A_1122, %swap3A_1123], %gather3A_1118 {strides = array<i32>} : memref<2x4096xf32, #tpu.memory_space<vmem>>, vector<16xf32>,
          %scan3A_1125 = arith.constant 0 : i32
          scf.yield %scan3A_1125 : i32
        }
        %scan3A_731 = arith.constant 32 : i32
        %add3A_732 = arith.addi %mul3A_2, %sub3A_588 : i32
        %jit3A_733 = arith.constant 128 : i32
        %div3A_734 = arith.divsi %add3A_732, %jit3A_733 : i32
        %sign3A_735 = arith.constant 0 : i32
        %sign3A_736 = arith.cmpi sgt, %add3A_732, %sign3A_735 : i32
        %sign3A_737 = arith.extui %sign3A_736 : i1 to i32
        %sign3A_738 = arith.constant 0 : i32
        %sign3A_739 = arith.cmpi slt, %add3A_732, %sign3A_738 : i32
        %sign3A_740 = arith.extui %sign3A_739 : i1 to i32
        %sign3A_741 = arith.subi %sign3A_737, %sign3A_740 : i32
        %sign3A_742 = arith.constant 0 : i32
        %sign3A_743 = arith.cmpi sgt, %jit3A_733, %sign3A_742 : i32
        %sign3A_744 = arith.extui %sign3A_743 : i1 to i32
        %sign3A_745 = arith.constant 0 : i32
        %sign3A_746 = arith.cmpi slt, %jit3A_733, %sign3A_745 : i32
        %sign3A_747 = arith.extui %sign3A_746 : i1 to i32
        %sign3A_748 = arith.subi %sign3A_744, %sign3A_747 : i32
        %ne3A_749 = arith.cmpi ne, %sign3A_741, %sign3A_748 : i32
        %rem3A_750 = arith.remsi %add3A_732, %jit3A_733 : i32
        %ne3A_751 = arith.constant 0 : i32
        %ne3A_752 = arith.cmpi ne, %rem3A_750, %ne3A_751 : i32
        %and3A_753 = arith.andi %ne3A_749, %ne3A_752 : i1
        %sub3A_754 = arith.constant 1 : i32
        %sub3A_755 = arith.subi %div3A_734, %sub3A_754 : i32
        %select_n3A_756 = arith.select %and3A_753, %sub3A_755, %div3A_734 : i32
        %jit3A_757 = arith.constant 128 : i32
        %eq3A_758 = arith.constant 0 : i32
        %eq3A_759 = arith.cmpi eq, %jit3A_757, %eq3A_758 : i32
        %jit3A_760 = arith.constant 1 : i32
        %select_n3A_761 = arith.select %eq3A_759, %jit3A_760, %jit3A_757 : i32
        %rem3A_762 = arith.remsi %add3A_732, %select_n3A_761 : i32
        %ne3A_763 = arith.constant 0 : i32
        %ne3A_764 = arith.cmpi ne, %rem3A_762, %ne3A_763 : i32
        %lt3A_765 = arith.constant 0 : i32
        %lt3A_766 = arith.cmpi slt, %rem3A_762, %lt3A_765 : i32
        %lt3A_767 = arith.constant 0 : i32
        %lt3A_768 = arith.cmpi slt, %select_n3A_761, %lt3A_767 : i32
        %ne3A_769 = arith.xori %lt3A_766, %lt3A_768 : i1
        %and3A_770 = arith.andi %ne3A_769, %ne3A_764 : i1
        %add3A_771 = arith.addi %rem3A_762, %select_n3A_761 : i32
        %select_n3A_772 = arith.select %and3A_770, %add3A_771, %rem3A_762 : i32
        %mul3A_773 = arith.constant 4 : i32
        %mul3A_774 = arith.muli %select_n3A_756, %mul3A_773 : i32
        %add3A_775 = arith.constant 0 : i32
        %add3A_776 = arith.addi %mul3A_774, %add3A_775 : i32
        %mul3A_777 = arith.constant 128 : i32
        %mul3A_778 = arith.muli %add3A_776, %mul3A_777 : i32
        %add3A_779 = arith.addi %mul3A_778, %select_n3A_772 : i32
        %mul3A_780 = arith.constant 1024 : i32
        %mul3A_781 = arith.muli %add3A_779, %mul3A_780 : i32
        %dma_start3A_782 = arith.constant 0 : i32
        %dma_start3A_783 = arith.constant 0 : i32
        %dma_start3A_784 = arith.constant 0 : i32
        %dma_start3A_785 = tpu.memref_slice %arg10[%dma_start3A_782, %dma_start3A_784] : memref<2x4096xf32, #tpu.memory_space<vmem>> -> memref<1x1024xf32, #tpu.memory_space<vmem>>
        %dma_start3A_786 = tpu.memref_squeeze %dma_start3A_785 : memref<1x1024xf32, #tpu.memory_space<vmem>> -> memref<1024xf32, #tpu.memory_space<vmem>>
        %dma_start3A_787 = tpu.memref_slice %arg5[%mul3A_781] : memref<104857600xf32, #tpu.memory_space<hbm>> -> memref<1024xf32, #tpu.memory_space<hbm>>
        %dma_start3A_788 = tpu.memref_slice %arg13[%dma_start3A_783] : memref<2x!tpu.dma_semaphore, #tpu.memory_space<semaphore_mem>> -> memref<1x!tpu.dma_semaphore, #tpu.memory_space<semaphore_mem>>
        %dma_start3A_789 = tpu.memref_squeeze %dma_start3A_788 : memref<1x!tpu.dma_semaphore, #tpu.memory_space<semaphore_mem>> -> memref<!tpu.dma_semaphore, #tpu.memory_space<semaphore_mem>>
        %dma_start3A_790 = tpu.memref_slice %arg5[%mul3A_781] : memref<104857600xf32, #tpu.memory_space<hbm>> -> memref<1024xf32, #tpu.memory_space<hbm>>
        %dma_start3A_791 = arith.constant 0 : i32
        %dma_start3A_792 = tpu.memref_slice %arg10[%dma_start3A_782, %dma_start3A_791] : memref<2x4096xf32, #tpu.memory_space<vmem>> -> memref<1x1024xf32, #tpu.memory_space<vmem>>
        %dma_start3A_793 = tpu.memref_squeeze %dma_start3A_792 : memref<1x1024xf32, #tpu.memory_space<vmem>> -> memref<1024xf32, #tpu.memory_space<vmem>>
        tpu.enqueue_dma source(%dma_start3A_793 : memref<1024xf32, #tpu.memory_space<vmem>>) target(%dma_start3A_790 : memref<1024xf32, #tpu.memory_space<hbm>>) target_semaphore(%dma_start3A_789 : memref<!tpu.dma_semaphore, #tpu.memory_space<semaphore_mem>>)
        %add3A_794 = arith.addi %mul3A_2, %sub3A_588 : i32
        %jit3A_795 = arith.constant 128 : i32
        %div3A_796 = arith.divsi %add3A_794, %jit3A_795 : i32
        %sign3A_797 = arith.constant 0 : i32
        %sign3A_798 = arith.cmpi sgt, %add3A_794, %sign3A_797 : i32
        %sign3A_799 = arith.extui %sign3A_798 : i1 to i32
        %sign3A_800 = arith.constant 0 : i32
        %sign3A_801 = arith.cmpi slt, %add3A_794, %sign3A_800 : i32
        %sign3A_802 = arith.extui %sign3A_801 : i1 to i32
        %sign3A_803 = arith.subi %sign3A_799, %sign3A_802 : i32
        %sign3A_804 = arith.constant 0 : i32
        %sign3A_805 = arith.cmpi sgt, %jit3A_795, %sign3A_804 : i32
        %sign3A_806 = arith.extui %sign3A_805 : i1 to i32
        %sign3A_807 = arith.constant 0 : i32
        %sign3A_808 = arith.cmpi slt, %jit3A_795, %sign3A_807 : i32
        %sign3A_809 = arith.extui %sign3A_808 : i1 to i32
        %sign3A_810 = arith.subi %sign3A_806, %sign3A_809 : i32
        %ne3A_811 = arith.cmpi ne, %sign3A_803, %sign3A_810 : i32
        %rem3A_812 = arith.remsi %add3A_794, %jit3A_795 : i32
        %ne3A_813 = arith.constant 0 : i32
        %ne3A_814 = arith.cmpi ne, %rem3A_812, %ne3A_813 : i32
        %and3A_815 = arith.andi %ne3A_811, %ne3A_814 : i1
        %sub3A_816 = arith.constant 1 : i32
        %sub3A_817 = arith.subi %div3A_796, %sub3A_816 : i32
        %select_n3A_818 = arith.select %and3A_815, %sub3A_817, %div3A_796 : i32
        %jit3A_819 = arith.constant 128 : i32
        %eq3A_820 = arith.constant 0 : i32
        %eq3A_821 = arith.cmpi eq, %jit3A_819, %eq3A_820 : i32
        %jit3A_822 = arith.constant 1 : i32
        %select_n3A_823 = arith.select %eq3A_821, %jit3A_822, %jit3A_819 : i32
        %rem3A_824 = arith.remsi %add3A_794, %select_n3A_823 : i32
        %ne3A_825 = arith.constant 0 : i32
        %ne3A_826 = arith.cmpi ne, %rem3A_824, %ne3A_825 : i32
        %lt3A_827 = arith.constant 0 : i32
        %lt3A_828 = arith.cmpi slt, %rem3A_824, %lt3A_827 : i32
        %lt3A_829 = arith.constant 0 : i32
        %lt3A_830 = arith.cmpi slt, %select_n3A_823, %lt3A_829 : i32
        %ne3A_831 = arith.xori %lt3A_828, %lt3A_830 : i1
        %and3A_832 = arith.andi %ne3A_831, %ne3A_826 : i1
        %add3A_833 = arith.addi %rem3A_824, %select_n3A_823 : i32
        %select_n3A_834 = arith.select %and3A_832, %add3A_833, %rem3A_824 : i32
        %mul3A_835 = arith.constant 4 : i32
        %mul3A_836 = arith.muli %select_n3A_818, %mul3A_835 : i32
        %add3A_837 = arith.constant 1 : i32
        %add3A_838 = arith.addi %mul3A_836, %add3A_837 : i32
        %mul3A_839 = arith.constant 128 : i32
        %mul3A_840 = arith.muli %add3A_838, %mul3A_839 : i32
        %add3A_841 = arith.addi %mul3A_840, %select_n3A_834 : i32
        %mul3A_842 = arith.constant 1024 : i32
        %mul3A_843 = arith.muli %add3A_841, %mul3A_842 : i32
        %dma_start3A_844 = arith.constant 0 : i32
        %dma_start3A_845 = arith.constant 0 : i32
        %dma_start3A_846 = arith.constant 1024 : i32
        %dma_start3A_847 = tpu.memref_slice %arg10[%dma_start3A_844, %dma_start3A_846] : memref<2x4096xf32, #tpu.memory_space<vmem>> -> memref<1x1024xf32, #tpu.memory_space<vmem>>
        %dma_start3A_848 = tpu.memref_squeeze %dma_start3A_847 : memref<1x1024xf32, #tpu.memory_space<vmem>> -> memref<1024xf32, #tpu.memory_space<vmem>>
        %dma_start3A_849 = tpu.memref_slice %arg5[%mul3A_843] : memref<104857600xf32, #tpu.memory_space<hbm>> -> memref<1024xf32, #tpu.memory_space<hbm>>
        %dma_start3A_850 = tpu.memref_slice %arg13[%dma_start3A_845] : memref<2x!tpu.dma_semaphore, #tpu.memory_space<semaphore_mem>> -> memref<1x!tpu.dma_semaphore, #tpu.memory_space<semaphore_mem>>
        %dma_start3A_851 = tpu.memref_squeeze %dma_start3A_850 : memref<1x!tpu.dma_semaphore, #tpu.memory_space<semaphore_mem>> -> memref<!tpu.dma_semaphore, #tpu.memory_space<semaphore_mem>>
        %dma_start3A_852 = tpu.memref_slice %arg5[%mul3A_843] : memref<104857600xf32, #tpu.memory_space<hbm>> -> memref<1024xf32, #tpu.memory_space<hbm>>
        %dma_start3A_853 = arith.constant 1024 : i32
        %dma_start3A_854 = tpu.memref_slice %arg10[%dma_start3A_844, %dma_start3A_853] : memref<2x4096xf32, #tpu.memory_space<vmem>> -> memref<1x1024xf32, #tpu.memory_space<vmem>>
        %dma_start3A_855 = tpu.memref_squeeze %dma_start3A_854 : memref<1x1024xf32, #tpu.memory_space<vmem>> -> memref<1024xf32, #tpu.memory_space<vmem>>
        tpu.enqueue_dma source(%dma_start3A_855 : memref<1024xf32, #tpu.memory_space<vmem>>) target(%dma_start3A_852 : memref<1024xf32, #tpu.memory_space<hbm>>) target_semaphore(%dma_start3A_851 : memref<!tpu.dma_semaphore, #tpu.memory_space<semaphore_mem>>)
        %add3A_856 = arith.addi %mul3A_2, %sub3A_588 : i32
        %jit3A_857 = arith.constant 128 : i32
        %div3A_858 = arith.divsi %add3A_856, %jit3A_857 : i32
        %sign3A_859 = arith.constant 0 : i32
        %sign3A_860 = arith.cmpi sgt, %add3A_856, %sign3A_859 : i32
        %sign3A_861 = arith.extui %sign3A_860 : i1 to i32
        %sign3A_862 = arith.constant 0 : i32
        %sign3A_863 = arith.cmpi slt, %add3A_856, %sign3A_862 : i32
        %sign3A_864 = arith.extui %sign3A_863 : i1 to i32
        %sign3A_865 = arith.subi %sign3A_861, %sign3A_864 : i32
        %sign3A_866 = arith.constant 0 : i32
        %sign3A_867 = arith.cmpi sgt, %jit3A_857, %sign3A_866 : i32
        %sign3A_868 = arith.extui %sign3A_867 : i1 to i32
        %sign3A_869 = arith.constant 0 : i32
        %sign3A_870 = arith.cmpi slt, %jit3A_857, %sign3A_869 : i32
        %sign3A_871 = arith.extui %sign3A_870 : i1 to i32
        %sign3A_872 = arith.subi %sign3A_868, %sign3A_871 : i32
        %ne3A_873 = arith.cmpi ne, %sign3A_865, %sign3A_872 : i32
        %rem3A_874 = arith.remsi %add3A_856, %jit3A_857 : i32
        %ne3A_875 = arith.constant 0 : i32
        %ne3A_876 = arith.cmpi ne, %rem3A_874, %ne3A_875 : i32
        %and3A_877 = arith.andi %ne3A_873, %ne3A_876 : i1
        %sub3A_878 = arith.constant 1 : i32
        %sub3A_879 = arith.subi %div3A_858, %sub3A_878 : i32
        %select_n3A_880 = arith.select %and3A_877, %sub3A_879, %div3A_858 : i32
        %jit3A_881 = arith.constant 128 : i32
        %eq3A_882 = arith.constant 0 : i32
        %eq3A_883 = arith.cmpi eq, %jit3A_881, %eq3A_882 : i32
        %jit3A_884 = arith.constant 1 : i32
        %select_n3A_885 = arith.select %eq3A_883, %jit3A_884, %jit3A_881 : i32
        %rem3A_886 = arith.remsi %add3A_856, %select_n3A_885 : i32
        %ne3A_887 = arith.constant 0 : i32
        %ne3A_888 = arith.cmpi ne, %rem3A_886, %ne3A_887 : i32
        %lt3A_889 = arith.constant 0 : i32
        %lt3A_890 = arith.cmpi slt, %rem3A_886, %lt3A_889 : i32
        %lt3A_891 = arith.constant 0 : i32
        %lt3A_892 = arith.cmpi slt, %select_n3A_885, %lt3A_891 : i32
        %ne3A_893 = arith.xori %lt3A_890, %lt3A_892 : i1
        %and3A_894 = arith.andi %ne3A_893, %ne3A_888 : i1
        %add3A_895 = arith.addi %rem3A_886, %select_n3A_885 : i32
        %select_n3A_896 = arith.select %and3A_894, %add3A_895, %rem3A_886 : i32
        %mul3A_897 = arith.constant 4 : i32
        %mul3A_898 = arith.muli %select_n3A_880, %mul3A_897 : i32
        %add3A_899 = arith.constant 2 : i32
        %add3A_900 = arith.addi %mul3A_898, %add3A_899 : i32
        %mul3A_901 = arith.constant 128 : i32
        %mul3A_902 = arith.muli %add3A_900, %mul3A_901 : i32
        %add3A_903 = arith.addi %mul3A_902, %select_n3A_896 : i32
        %mul3A_904 = arith.constant 1024 : i32
        %mul3A_905 = arith.muli %add3A_903, %mul3A_904 : i32
        %dma_start3A_906 = arith.constant 0 : i32
        %dma_start3A_907 = arith.constant 0 : i32
        %dma_start3A_908 = arith.constant 2048 : i32
        %dma_start3A_909 = tpu.memref_slice %arg10[%dma_start3A_906, %dma_start3A_908] : memref<2x4096xf32, #tpu.memory_space<vmem>> -> memref<1x1024xf32, #tpu.memory_space<vmem>>
        %dma_start3A_910 = tpu.memref_squeeze %dma_start3A_909 : memref<1x1024xf32, #tpu.memory_space<vmem>> -> memref<1024xf32, #tpu.memory_space<vmem>>
        %dma_start3A_911 = tpu.memref_slice %arg5[%mul3A_905] : memref<104857600xf32, #tpu.memory_space<hbm>> -> memref<1024xf32, #tpu.memory_space<hbm>>
        %dma_start3A_912 = tpu.memref_slice %arg13[%dma_start3A_907] : memref<2x!tpu.dma_semaphore, #tpu.memory_space<semaphore_mem>> -> memref<1x!tpu.dma_semaphore, #tpu.memory_space<semaphore_mem>>
        %dma_start3A_913 = tpu.memref_squeeze %dma_start3A_912 : memref<1x!tpu.dma_semaphore, #tpu.memory_space<semaphore_mem>> -> memref<!tpu.dma_semaphore, #tpu.memory_space<semaphore_mem>>
        %dma_start3A_914 = tpu.memref_slice %arg5[%mul3A_905] : memref<104857600xf32, #tpu.memory_space<hbm>> -> memref<1024xf32, #tpu.memory_space<hbm>>
        %dma_start3A_915 = arith.constant 2048 : i32
        %dma_start3A_916 = tpu.memref_slice %arg10[%dma_start3A_906, %dma_start3A_915] : memref<2x4096xf32, #tpu.memory_space<vmem>> -> memref<1x1024xf32, #tpu.memory_space<vmem>>
        %dma_start3A_917 = tpu.memref_squeeze %dma_start3A_916 : memref<1x1024xf32, #tpu.memory_space<vmem>> -> memref<1024xf32, #tpu.memory_space<vmem>>
        tpu.enqueue_dma source(%dma_start3A_917 : memref<1024xf32, #tpu.memory_space<vmem>>) target(%dma_start3A_914 : memref<1024xf32, #tpu.memory_space<hbm>>) target_semaphore(%dma_start3A_913 : memref<!tpu.dma_semaphore, #tpu.memory_space<semaphore_mem>>)
        %add3A_918 = arith.addi %mul3A_2, %sub3A_588 : i32
        %jit3A_919 = arith.constant 128 : i32
        %div3A_920 = arith.divsi %add3A_918, %jit3A_919 : i32
        %sign3A_921 = arith.constant 0 : i32
        %sign3A_922 = arith.cmpi sgt, %add3A_918, %sign3A_921 : i32
        %sign3A_923 = arith.extui %sign3A_922 : i1 to i32
        %sign3A_924 = arith.constant 0 : i32
        %sign3A_925 = arith.cmpi slt, %add3A_918, %sign3A_924 : i32
        %sign3A_926 = arith.extui %sign3A_925 : i1 to i32
        %sign3A_927 = arith.subi %sign3A_923, %sign3A_926 : i32
        %sign3A_928 = arith.constant 0 : i32
        %sign3A_929 = arith.cmpi sgt, %jit3A_919, %sign3A_928 : i32
        %sign3A_930 = arith.extui %sign3A_929 : i1 to i32
        %sign3A_931 = arith.constant 0 : i32
        %sign3A_932 = arith.cmpi slt, %jit3A_919, %sign3A_931 : i32
        %sign3A_933 = arith.extui %sign3A_932 : i1 to i32
        %sign3A_934 = arith.subi %sign3A_930, %sign3A_933 : i32
        %ne3A_935 = arith.cmpi ne, %sign3A_927, %sign3A_934 : i32
        %rem3A_936 = arith.remsi %add3A_918, %jit3A_919 : i32
        %ne3A_937 = arith.constant 0 : i32
        %ne3A_938 = arith.cmpi ne, %rem3A_936, %ne3A_937 : i32
        %and3A_939 = arith.andi %ne3A_935, %ne3A_938 : i1
        %sub3A_940 = arith.constant 1 : i32
        %sub3A_941 = arith.subi %div3A_920, %sub3A_940 : i32
        %select_n3A_942 = arith.select %and3A_939, %sub3A_941, %div3A_920 : i32
        %jit3A_943 = arith.constant 128 : i32
        %eq3A_944 = arith.constant 0 : i32
        %eq3A_945 = arith.cmpi eq, %jit3A_943, %eq3A_944 : i32
        %jit3A_946 = arith.constant 1 : i32
        %select_n3A_947 = arith.select %eq3A_945, %jit3A_946, %jit3A_943 : i32
        %rem3A_948 = arith.remsi %add3A_918, %select_n3A_947 : i32
        %ne3A_949 = arith.constant 0 : i32
        %ne3A_950 = arith.cmpi ne, %rem3A_948, %ne3A_949 : i32
        %lt3A_951 = arith.constant 0 : i32
        %lt3A_952 = arith.cmpi slt, %rem3A_948, %lt3A_951 : i32
        %lt3A_953 = arith.constant 0 : i32
        %lt3A_954 = arith.cmpi slt, %select_n3A_947, %lt3A_953 : i32
        %ne3A_955 = arith.xori %lt3A_952, %lt3A_954 : i1
        %and3A_956 = arith.andi %ne3A_955, %ne3A_950 : i1
        %add3A_957 = arith.addi %rem3A_948, %select_n3A_947 : i32
        %select_n3A_958 = arith.select %and3A_956, %add3A_957, %rem3A_948 : i32
        %mul3A_959 = arith.constant 4 : i32
        %mul3A_960 = arith.muli %select_n3A_942, %mul3A_959 : i32
        %add3A_961 = arith.constant 3 : i32
        %add3A_962 = arith.addi %mul3A_960, %add3A_961 : i32
        %mul3A_963 = arith.constant 128 : i32
        %mul3A_964 = arith.muli %add3A_962, %mul3A_963 : i32
        %add3A_965 = arith.addi %mul3A_964, %select_n3A_958 : i32
        %mul3A_966 = arith.constant 1024 : i32
        %mul3A_967 = arith.muli %add3A_965, %mul3A_966 : i32
        %dma_start3A_968 = arith.constant 0 : i32
        %dma_start3A_969 = arith.constant 0 : i32
        %dma_start3A_970 = arith.constant 3072 : i32
        %dma_start3A_971 = tpu.memref_slice %arg10[%dma_start3A_968, %dma_start3A_970] : memref<2x4096xf32, #tpu.memory_space<vmem>> -> memref<1x1024xf32, #tpu.memory_space<vmem>>
        %dma_start3A_972 = tpu.memref_squeeze %dma_start3A_971 : memref<1x1024xf32, #tpu.memory_space<vmem>> -> memref<1024xf32, #tpu.memory_space<vmem>>
        %dma_start3A_973 = tpu.memref_slice %arg5[%mul3A_967] : memref<104857600xf32, #tpu.memory_space<hbm>> -> memref<1024xf32, #tpu.memory_space<hbm>>
        %dma_start3A_974 = tpu.memref_slice %arg13[%dma_start3A_969] : memref<2x!tpu.dma_semaphore, #tpu.memory_space<semaphore_mem>> -> memref<1x!tpu.dma_semaphore, #tpu.memory_space<semaphore_mem>>
        %dma_start3A_975 = tpu.memref_squeeze %dma_start3A_974 : memref<1x!tpu.dma_semaphore, #tpu.memory_space<semaphore_mem>> -> memref<!tpu.dma_semaphore, #tpu.memory_space<semaphore_mem>>
        %dma_start3A_976 = tpu.memref_slice %arg5[%mul3A_967] : memref<104857600xf32, #tpu.memory_space<hbm>> -> memref<1024xf32, #tpu.memory_space<hbm>>
        %dma_start3A_977 = arith.constant 3072 : i32
        %dma_start3A_978 = tpu.memref_slice %arg10[%dma_start3A_968, %dma_start3A_977] : memref<2x4096xf32, #tpu.memory_space<vmem>> -> memref<1x1024xf32, #tpu.memory_space<vmem>>
        %dma_start3A_979 = tpu.memref_squeeze %dma_start3A_978 : memref<1x1024xf32, #tpu.memory_space<vmem>> -> memref<1024xf32, #tpu.memory_space<vmem>>
        tpu.enqueue_dma source(%dma_start3A_979 : memref<1024xf32, #tpu.memory_space<vmem>>) target(%dma_start3A_976 : memref<1024xf32, #tpu.memory_space<hbm>>) target_semaphore(%dma_start3A_975 : memref<!tpu.dma_semaphore, #tpu.memory_space<semaphore_mem>>)
      } else {
      }
      %add3A_597 = arith.constant 2 : i32
      %add3A_598 = arith.addi %add3A_541, %add3A_597 : i32
      %lt3A_599 = arith.constant 800 : i32
      %lt3A_600 = arith.cmpi slt, %add3A_598, %lt3A_599 : i32
      %convert_element_type3A_601 = arith.extui %lt3A_600 : i1 to i32
      %cond3A_602 = arith.constant 0 : i32
      %cond3A_603 = arith.cmpi ne, %convert_element_type3A_601, %cond3A_602 : i32
      scf.if %cond3A_603 {
        %add3A_655 = arith.addi %mul3A_2, %add3A_598 : i32
        %mul3A_656 = arith.constant 128 : i32
        %mul3A_657 = arith.muli %add3A_655, %mul3A_656 : i32
        %dma_wait3A_658 = arith.constant 0 : i32
        %dma_wait3A_659 = arith.constant 2 : i32
        %dma_wait3A_660 = arith.constant 2 : i32
        %dma_wait3A_661 = arith.constant 0 : i32
        %dma_wait3A_662 = tpu.memref_slice %arg7[%dma_wait3A_659, %dma_wait3A_661] : memref<4x128xi32, #tpu.memory_space<vmem>> -> memref<1x128xi32, #tpu.memory_space<vmem>>
        %dma_wait3A_663 = tpu.memref_squeeze %dma_wait3A_662 : memref<1x128xi32, #tpu.memory_space<vmem>> -> memref<128xi32, #tpu.memory_space<vmem>>
        %dma_wait3A_664 = tpu.memref_slice %arg4[%dma_wait3A_658, %mul3A_657] : memref<1x3276800xi32, #tpu.memory_space<hbm>> -> memref<1x128xi32, #tpu.memory_space<hbm>>
        %dma_wait3A_665 = tpu.memref_squeeze %dma_wait3A_664 : memref<1x128xi32, #tpu.memory_space<hbm>> -> memref<128xi32, #tpu.memory_space<hbm>>
        %dma_wait3A_666 = tpu.memref_slice %arg11[%dma_wait3A_660] : memref<4x!tpu.dma_semaphore, #tpu.memory_space<semaphore_mem>> -> memref<1x!tpu.dma_semaphore, #tpu.memory_space<semaphore_mem>>
        %dma_wait3A_667 = tpu.memref_squeeze %dma_wait3A_666 : memref<1x!tpu.dma_semaphore, #tpu.memory_space<semaphore_mem>> -> memref<!tpu.dma_semaphore, #tpu.memory_space<semaphore_mem>>
        %dma_wait3A_668 = arith.constant 0 : i32
        %dma_wait3A_669 = tpu.memref_slice %arg7[%dma_wait3A_659, %dma_wait3A_668] : memref<4x128xi32, #tpu.memory_space<vmem>> -> memref<1x128xi32, #tpu.memory_space<vmem>>
        %dma_wait3A_670 = tpu.memref_squeeze %dma_wait3A_669 : memref<1x128xi32, #tpu.memory_space<vmem>> -> memref<128xi32, #tpu.memory_space<vmem>>
        %dma_wait3A_671 = tpu.memref_slice %arg4[%dma_wait3A_658, %mul3A_657] : memref<1x3276800xi32, #tpu.memory_space<hbm>> -> memref<1x128xi32, #tpu.memory_space<hbm>>
        %dma_wait3A_672 = tpu.memref_squeeze %dma_wait3A_671 : memref<1x128xi32, #tpu.memory_space<hbm>> -> memref<128xi32, #tpu.memory_space<hbm>>
        tpu.wait_dma2 semaphore(%dma_wait3A_667 : memref<!tpu.dma_semaphore, #tpu.memory_space<semaphore_mem>>) src(%dma_wait3A_672 : memref<128xi32, #tpu.memory_space<hbm>>) dst(%dma_wait3A_670 : memref<128xi32, #tpu.memory_space<vmem>>)
        %scan3A_673 = arith.constant 0 : i32
        %scan3A_674 = arith.constant 0 : i32
        %scan3A_675 = arith.constant 8 : i32
        %scan3A_676 = arith.addi %scan3A_674, %scan3A_675 : i32
        %scan3A_677 = arith.constant 1 : i32
        %scan3A_678 = scf.for %scan3A_695 = %scan3A_674 to %scan3A_676 step %scan3A_677 iter_args(%scan3A_696 = %scan3A_673) -> (i32)  : i32 {
          %mul3A_697 = arith.constant 16 : i32
          %mul3A_698 = arith.muli %scan3A_695, %mul3A_697 : i32
          %get3A = arith.constant 2 : i32
          %get3A_699 = arith.index_cast %get3A : i32 to index
          %get3A_700 = arith.index_cast %mul3A_698 : i32 to index
          %get3A_701 = tpu.vector_load %arg7[%get3A_699, %get3A_700] {strides = array<i32>} : memref<4x128xi32, #tpu.memory_space<vmem>>, vector<16xi32>,
          %min3A = arith.constant 999991 : i32
          %min3A_702 = vector.broadcast %min3A : i32 to vector<16xi32>
          %min3A_703 = arith.minsi %get3A_701, %min3A_702 : vector<16xi32>
          %mul3A_704 = arith.constant 16 : i32
          %mul3A_705 = arith.muli %scan3A_695, %mul3A_704 : i32
          %swap3A = arith.constant 0 : i32
          %swap3A_706 = arith.index_cast %swap3A : i32 to index
          %swap3A_707 = arith.index_cast %mul3A_705 : i32 to index
          %swap3A_708 = tpu.vector_load %arg8[%swap3A_706, %swap3A_707] {strides = array<i32>} : memref<2x128xi32, #tpu.memory_space<vmem>>, vector<16xi32>,
          tpu.vector_store %arg8[%swap3A_706, %swap3A_707], %min3A_703 {strides = array<i32>} : memref<2x128xi32, #tpu.memory_space<vmem>>, vector<16xi32>,
          %scan3A_709 = arith.constant 0 : i32
          scf.yield %scan3A_709 : i32
        }
        %scan3A_679 = arith.constant 8 : i32
        %dma_start3A_680 = arith.constant 0 : i32
        %dma_start3A_681 = arith.constant 0 : i32
        %dma_start3A_682 = arith.constant 0 : i32
        %dma_start3A_683 = arith.constant 0 : i32
        %dma_start3A_684 = arith.constant 0 : i32
        %dma_start3A_685 = tpu.memref_slice %arg9[%dma_start3A_681, %dma_start3A_683, %dma_start3A_684] : memref<2x128x32xf32, #tpu.memory_space<vmem>> -> memref<1x128x32xf32, #tpu.memory_space<vmem>>
        %dma_start3A_686 = tpu.memref_squeeze %dma_start3A_685 : memref<1x128x32xf32, #tpu.memory_space<vmem>> -> memref<128x32xf32, #tpu.memory_space<vmem>>
        %dma_start3A_687 = arith.constant 0 : i32
        %dma_start3A_688 = tpu.memref_slice %arg8[%dma_start3A_680, %dma_start3A_687] : memref<2x128xi32, #tpu.memory_space<vmem>> -> memref<1x128xi32, #tpu.memory_space<vmem>>
        %dma_start3A_689 = tpu.memref_squeeze %dma_start3A_688 : memref<1x128xi32, #tpu.memory_space<vmem>> -> memref<128xi32, #tpu.memory_space<vmem>>
        %dma_start3A_690 = arith.constant 0 : i32
        %dma_start3A_691 = arith.constant 0 : i32
        %dma_start3A_692 = tpu.memref_slice %arg2[%dma_start3A_690, %dma_start3A_691] : memref<999992x32xf32, #tpu.memory_space<hbm>> -> memref<999992x32xf32, #tpu.memory_space<hbm>>
        %dma_start3A_693 = tpu.memref_slice %arg12[%dma_start3A_682] : memref<2x!tpu.dma_semaphore, #tpu.memory_space<semaphore_mem>> -> memref<1x!tpu.dma_semaphore, #tpu.memory_space<semaphore_mem>>
        %dma_start3A_694 = tpu.memref_squeeze %dma_start3A_693 : memref<1x!tpu.dma_semaphore, #tpu.memory_space<semaphore_mem>> -> memref<!tpu.dma_semaphore, #tpu.memory_space<semaphore_mem>>
        tpu.enqueue_indirect_dma source(%dma_start3A_692 : memref<999992x32xf32, #tpu.memory_space<hbm>>) target(%dma_start3A_686 : memref<128x32xf32, #tpu.memory_space<vmem>>) offsets(%dma_start3A_689 : memref<128xi32, #tpu.memory_space<vmem>>) semaphore(%dma_start3A_694 : memref<!tpu.dma_semaphore, #tpu.memory_space<semaphore_mem>>)
      } else {
      }
      %add3A_604 = arith.constant 2 : i32
      %add3A_605 = arith.addi %add3A_598, %add3A_604 : i32
      %lt3A_606 = arith.constant 800 : i32
      %lt3A_607 = arith.cmpi slt, %add3A_605, %lt3A_606 : i32
      %add3A_608 = arith.constant 2 : i32
      %add3A_609 = arith.addi %add3A_598, %add3A_608 : i32
      %ge3A_610 = arith.constant 2 : i32
      %ge3A_611 = arith.cmpi sge, %add3A_609, %ge3A_610 : i32
      %and3A_612 = arith.andi %lt3A_607, %ge3A_611 : i1
      %convert_element_type3A_613 = arith.extui %and3A_612 : i1 to i32
      %cond3A_614 = arith.constant 0 : i32
      %cond3A_615 = arith.cmpi ne, %convert_element_type3A_613, %cond3A_614 : i32
      scf.if %cond3A_615 {
        %add3A_655 = arith.constant 2 : i32
        %add3A_656 = arith.addi %add3A_598, %add3A_655 : i32
        %add3A_657 = arith.addi %mul3A_2, %add3A_656 : i32
        %mul3A_658 = arith.constant 128 : i32
        %mul3A_659 = arith.muli %add3A_657, %mul3A_658 : i32
        %dma_start3A_660 = arith.constant 0 : i32
        %dma_start3A_661 = arith.constant 0 : i32
        %dma_start3A_662 = arith.constant 0 : i32
        %dma_start3A_663 = arith.constant 0 : i32
        %dma_start3A_664 = tpu.memref_slice %arg7[%dma_start3A_661, %dma_start3A_663] : memref<4x128xi32, #tpu.memory_space<vmem>> -> memref<1x128xi32, #tpu.memory_space<vmem>>
        %dma_start3A_665 = tpu.memref_squeeze %dma_start3A_664 : memref<1x128xi32, #tpu.memory_space<vmem>> -> memref<128xi32, #tpu.memory_space<vmem>>
        %dma_start3A_666 = tpu.memref_slice %arg4[%dma_start3A_660, %mul3A_659] : memref<1x3276800xi32, #tpu.memory_space<hbm>> -> memref<1x128xi32, #tpu.memory_space<hbm>>
        %dma_start3A_667 = tpu.memref_squeeze %dma_start3A_666 : memref<1x128xi32, #tpu.memory_space<hbm>> -> memref<128xi32, #tpu.memory_space<hbm>>
        %dma_start3A_668 = tpu.memref_slice %arg11[%dma_start3A_662] : memref<4x!tpu.dma_semaphore, #tpu.memory_space<semaphore_mem>> -> memref<1x!tpu.dma_semaphore, #tpu.memory_space<semaphore_mem>>
        %dma_start3A_669 = tpu.memref_squeeze %dma_start3A_668 : memref<1x!tpu.dma_semaphore, #tpu.memory_space<semaphore_mem>> -> memref<!tpu.dma_semaphore, #tpu.memory_space<semaphore_mem>>
        %dma_start3A_670 = arith.constant 0 : i32
        %dma_start3A_671 = tpu.memref_slice %arg7[%dma_start3A_661, %dma_start3A_670] : memref<4x128xi32, #tpu.memory_space<vmem>> -> memref<1x128xi32, #tpu.memory_space<vmem>>
        %dma_start3A_672 = tpu.memref_squeeze %dma_start3A_671 : memref<1x128xi32, #tpu.memory_space<vmem>> -> memref<128xi32, #tpu.memory_space<vmem>>
        %dma_start3A_673 = tpu.memref_slice %arg4[%dma_start3A_660, %mul3A_659] : memref<1x3276800xi32, #tpu.memory_space<hbm>> -> memref<1x128xi32, #tpu.memory_space<hbm>>
        %dma_start3A_674 = tpu.memref_squeeze %dma_start3A_673 : memref<1x128xi32, #tpu.memory_space<hbm>> -> memref<128xi32, #tpu.memory_space<hbm>>
        tpu.enqueue_dma source(%dma_start3A_674 : memref<128xi32, #tpu.memory_space<hbm>>) target(%dma_start3A_672 : memref<128xi32, #tpu.memory_space<vmem>>) target_semaphore(%dma_start3A_669 : memref<!tpu.dma_semaphore, #tpu.memory_space<semaphore_mem>>)
      } else {
      }
      %sub3A_616 = arith.constant 1 : i32
      %sub3A_617 = arith.subi %add3A_598, %sub3A_616 : i32
      %ge3A_618 = arith.constant 0 : i32
      %ge3A_619 = arith.cmpi sge, %sub3A_617, %ge3A_618 : i32
      %lt3A_620 = arith.constant 800 : i32
      %lt3A_621 = arith.cmpi slt, %sub3A_617, %lt3A_620 : i32
      %and3A_622 = arith.andi %ge3A_619, %lt3A_621 : i1
      %convert_element_type3A_623 = arith.extui %and3A_622 : i1 to i32
      %cond3A_624 = arith.constant 0 : i32
      %cond3A_625 = arith.cmpi ne, %convert_element_type3A_623, %cond3A_624 : i32
      scf.if %cond3A_625 {
        %ge3A_655 = arith.constant 2 : i32
        %ge3A_656 = arith.cmpi sge, %sub3A_617, %ge3A_655 : i32
        %dma_wait3A_657 = arith.constant 1 : i32
        %dma_wait3A_658 = arith.constant 1 : i32
        %dma_wait3A_659 = arith.constant 1 : i32
        %dma_wait3A_660 = arith.constant 0 : i32
        %dma_wait3A_661 = arith.constant 0 : i32
        %dma_wait3A_662 = tpu.memref_slice %arg9[%dma_wait3A_658, %dma_wait3A_660, %dma_wait3A_661] : memref<2x128x32xf32, #tpu.memory_space<vmem>> -> memref<1x128x32xf32, #tpu.memory_space<vmem>>
        %dma_wait3A_663 = tpu.memref_squeeze %dma_wait3A_662 : memref<1x128x32xf32, #tpu.memory_space<vmem>> -> memref<128x32xf32, #tpu.memory_space<vmem>>
        %dma_wait3A_664 = arith.constant 0 : i32
        %dma_wait3A_665 = tpu.memref_slice %arg8[%dma_wait3A_657, %dma_wait3A_664] : memref<2x128xi32, #tpu.memory_space<vmem>> -> memref<1x128xi32, #tpu.memory_space<vmem>>
        %dma_wait3A_666 = tpu.memref_squeeze %dma_wait3A_665 : memref<1x128xi32, #tpu.memory_space<vmem>> -> memref<128xi32, #tpu.memory_space<vmem>>
        %dma_wait3A_667 = arith.constant 0 : i32
        %dma_wait3A_668 = arith.constant 0 : i32
        %dma_wait3A_669 = tpu.memref_slice %arg2[%dma_wait3A_667, %dma_wait3A_668] : memref<999992x32xf32, #tpu.memory_space<hbm>> -> memref<999992x32xf32, #tpu.memory_space<hbm>>
        %dma_wait3A_670 = tpu.memref_slice %arg12[%dma_wait3A_659] : memref<2x!tpu.dma_semaphore, #tpu.memory_space<semaphore_mem>> -> memref<1x!tpu.dma_semaphore, #tpu.memory_space<semaphore_mem>>
        %dma_wait3A_671 = tpu.memref_squeeze %dma_wait3A_670 : memref<1x!tpu.dma_semaphore, #tpu.memory_space<semaphore_mem>> -> memref<!tpu.dma_semaphore, #tpu.memory_space<semaphore_mem>>
        tpu.wait_indirect_dma semaphore(%dma_wait3A_671 : memref<!tpu.dma_semaphore, #tpu.memory_space<semaphore_mem>>) src(%dma_wait3A_669 : memref<999992x32xf32, #tpu.memory_space<hbm>>) dst(%dma_wait3A_663 : memref<128x32xf32, #tpu.memory_space<vmem>>)
        %broadcast_in_dim3A = arith.constant 0 : i32
        %broadcast_in_dim3A_672 = vector.broadcast %broadcast_in_dim3A : i32 to vector<16xi32>
        %scan3A_673 = arith.constant 0 : i32
        %scan3A_674 = arith.constant 8 : i32
        %scan3A_675 = arith.addi %scan3A_673, %scan3A_674 : i32
        %scan3A_676 = arith.constant 1 : i32
        %scan3A_677 = scf.for %scan3A_980 = %scan3A_673 to %scan3A_675 step %scan3A_676 iter_args(%scan3A_981 = %broadcast_in_dim3A_672) -> (vector<16xi32>)  : i32 {
          %mul3A_982 = arith.constant 16 : i32
          %mul3A_983 = arith.muli %scan3A_980, %mul3A_982 : i32
          %get3A = arith.constant 1 : i32
          %get3A_984 = arith.index_cast %get3A : i32 to index
          %get3A_985 = arith.index_cast %mul3A_983 : i32 to index
          %get3A_986 = tpu.vector_load %arg7[%get3A_984, %get3A_985] {strides = array<i32>} : memref<4x128xi32, #tpu.memory_space<vmem>>, vector<16xi32>,
          %max3A = arith.maxsi %scan3A_981, %get3A_986 : vector<16xi32>
          scf.yield %max3A : vector<16xi32>
        }
        %scan3A_678 = arith.constant 8 : i32
        %reduce_max3A = arith.constant true
        %reduce_max3A_679 = vector.broadcast %reduce_max3A : i1 to vector<16xi1>
        %reduce_max3A_680 = arith.constant -2147483648 : i32
        %reduce_max3A_681 = vector.broadcast %reduce_max3A_680 : i32 to vector<16xi32>
        %reduce_max3A_682 = arith.xori %scan3A_677, %reduce_max3A_681 : vector<16xi32>
        %reduce_max3A_683 = tpu.scan <max>, %reduce_max3A_682 masked %reduce_max3A_679 : vector<16xi32>, vector<16xi1> -> vector<16xi32>
        %reduce_max3A_684 = arith.xori %reduce_max3A_683, %reduce_max3A_681 : vector<16xi32>
        %reduce_max3A_685 = vector.extract %reduce_max3A_684[15] : i32 from vector<16xi32>
        %ge3A_686 = arith.constant 999992 : i32
        %ge3A_687 = arith.cmpi sge, %reduce_max3A_685, %ge3A_686 : i32
        %convert_element_type3A_688 = arith.extui %ge3A_687 : i1 to i32
        %cond3A_689 = arith.constant 0 : i32
        %cond3A_690 = arith.cmpi ne, %convert_element_type3A_688, %cond3A_689 : i32
        scf.if %cond3A_690 {
          %scan3A_980 = arith.constant 0 : i32
          %scan3A_981 = arith.constant 0 : i32
          %scan3A_982 = arith.constant 8 : i32
          %scan3A_983 = arith.addi %scan3A_981, %scan3A_982 : i32
          %scan3A_984 = arith.constant 1 : i32
          %scan3A_985 = scf.for %scan3A_987 = %scan3A_981 to %scan3A_983 step %scan3A_984 iter_args(%scan3A_988 = %scan3A_980) -> (i32)  : i32 {
            %mul3A_989 = arith.constant 16 : i32
            %mul3A_990 = arith.muli %scan3A_987, %mul3A_989 : i32
            %get3A = arith.constant 1 : i32
            %get3A_991 = arith.index_cast %get3A : i32 to index
            %get3A_992 = arith.index_cast %mul3A_990 : i32 to index
            %get3A_993 = tpu.vector_load %arg7[%get3A_991, %get3A_992] {strides = array<i32>} : memref<4x128xi32, #tpu.memory_space<vmem>>, vector<16xi32>,
            %ge3A_994 = arith.constant 999992 : i32
            %ge3A_995 = vector.broadcast %ge3A_994 : i32 to vector<16xi32>
            %ge3A_996 = arith.cmpi sge, %get3A_993, %ge3A_995 : vector<16xi32>
            %sub3A_997 = arith.constant 999992 : i32
            %sub3A_998 = vector.broadcast %sub3A_997 : i32 to vector<16xi32>
            %sub3A_999 = arith.subi %get3A_993, %sub3A_998 : vector<16xi32>
            %jit3A_1000 = arith.constant 0 : i32
            %jit3A_1001 = arith.constant 7 : i32
            %max3A = vector.broadcast %jit3A_1000 : i32 to vector<16xi32>
            %max3A_1002 = arith.maxsi %max3A, %sub3A_999 : vector<16xi32>
            %min3A = vector.broadcast %jit3A_1001 : i32 to vector<16xi32>
            %min3A_1003 = arith.minsi %min3A, %max3A_1002 : vector<16xi32>
            %iota3A_1004 = tpu.iota {dimensions = array<i32: 0>} : vector<16xi32>
            %mul3A_1005 = arith.constant 16 : i32
            %mul3A_1006 = arith.muli %scan3A_987, %mul3A_1005 : i32
            %add3A_1007 = vector.broadcast %mul3A_1006 : i32 to vector<16xi32>
            %add3A_1008 = arith.addi %iota3A_1004, %add3A_1007 : vector<16xi32>
            %scan3A_1009 = arith.constant 0 : i32
            %scan3A_1010 = arith.constant 0 : i32
            %scan3A_1011 = arith.constant 32 : i32
            %scan3A_1012 = arith.addi %scan3A_1010, %scan3A_1011 : i32
            %scan3A_1013 = arith.constant 1 : i32
            %scan3A_1014 = scf.for %scan3A_1016 = %scan3A_1010 to %scan3A_1012 step %scan3A_1013 iter_args(%scan3A_1017 = %scan3A_1009) -> (i32)  : i32 {
              %broadcast_in_dim3A_1018 = arith.constant 0 : i32
              %broadcast_in_dim3A_1019 = vector.broadcast %broadcast_in_dim3A_1018 : i32 to vector<16xi32>
              %add3A_1020 = vector.broadcast %scan3A_1016 : i32 to vector<16xi32>
              %add3A_1021 = arith.addi %broadcast_in_dim3A_1019, %add3A_1020 : vector<16xi32>
              %gather3A = tpu.vector_load_idx %arg6[%min3A_1003, %add3A_1021] masked %ge3A_996 : memref<8x32xf32, #tpu.memory_space<vmem>>[vector<16xi32>, vector<16xi32>], vector<16xf32>, vector<16xi1>
              %scatter3A = arith.constant 1 : i32
              %scatter3A_1022 = arith.constant 0 : i32
              %scatter3A_1023 = arith.constant 0 : i32
              %scatter3A_1024 = tpu.memref_slice %arg9[%scatter3A, %scatter3A_1022, %scatter3A_1023] : memref<2x128x32xf32, #tpu.memory_space<vmem>> -> memref<1x128x32xf32, #tpu.memory_space<vmem>>
              %scatter3A_1025 = tpu.memref_squeeze %scatter3A_1024 : memref<1x128x32xf32, #tpu.memory_space<vmem>> -> memref<128x32xf32, #tpu.memory_space<vmem>>
              tpu.vector_store_idx %scatter3A_1025[%add3A_1008, %add3A_1021], %gather3A masked %ge3A_996 : memref<128x32xf32, #tpu.memory_space<vmem>>[vector<16xi32>, vector<16xi32>], vector<16xf32>, vector<16xi1>
              %scan3A_1026 = arith.constant 0 : i32
              scf.yield %scan3A_1026 : i32
            }
            %scan3A_1015 = arith.constant 32 : i32
            scf.yield %scan3A_1014 : i32
          }
          %scan3A_986 = arith.constant 8 : i32
        } else {
        }
        %convert_element_type3A_691 = arith.extui %ge3A_656 : i1 to i32
        %cond3A_692 = arith.constant 0 : i32
        %cond3A_693 = arith.cmpi ne, %convert_element_type3A_691, %cond3A_692 : i32
        scf.if %cond3A_693 {
          %sub3A_980 = arith.constant 2 : i32
          %sub3A_981 = arith.subi %sub3A_617, %sub3A_980 : i32
          %add3A_982 = arith.addi %mul3A_2, %sub3A_981 : i32
          %jit3A_983 = arith.constant 128 : i32
          %div3A_984 = arith.divsi %add3A_982, %jit3A_983 : i32
          %sign3A_985 = arith.constant 0 : i32
          %sign3A_986 = arith.cmpi sgt, %add3A_982, %sign3A_985 : i32
          %sign3A_987 = arith.extui %sign3A_986 : i1 to i32
          %sign3A_988 = arith.constant 0 : i32
          %sign3A_989 = arith.cmpi slt, %add3A_982, %sign3A_988 : i32
          %sign3A_990 = arith.extui %sign3A_989 : i1 to i32
          %sign3A_991 = arith.subi %sign3A_987, %sign3A_990 : i32
          %sign3A_992 = arith.constant 0 : i32
          %sign3A_993 = arith.cmpi sgt, %jit3A_983, %sign3A_992 : i32
          %sign3A_994 = arith.extui %sign3A_993 : i1 to i32
          %sign3A_995 = arith.constant 0 : i32
          %sign3A_996 = arith.cmpi slt, %jit3A_983, %sign3A_995 : i32
          %sign3A_997 = arith.extui %sign3A_996 : i1 to i32
          %sign3A_998 = arith.subi %sign3A_994, %sign3A_997 : i32
          %ne3A_999 = arith.cmpi ne, %sign3A_991, %sign3A_998 : i32
          %rem3A_1000 = arith.remsi %add3A_982, %jit3A_983 : i32
          %ne3A_1001 = arith.constant 0 : i32
          %ne3A_1002 = arith.cmpi ne, %rem3A_1000, %ne3A_1001 : i32
          %and3A_1003 = arith.andi %ne3A_999, %ne3A_1002 : i1
          %sub3A_1004 = arith.constant 1 : i32
          %sub3A_1005 = arith.subi %div3A_984, %sub3A_1004 : i32
          %select_n3A_1006 = arith.select %and3A_1003, %sub3A_1005, %div3A_984 : i32
          %jit3A_1007 = arith.constant 128 : i32
          %eq3A_1008 = arith.constant 0 : i32
          %eq3A_1009 = arith.cmpi eq, %jit3A_1007, %eq3A_1008 : i32
          %jit3A_1010 = arith.constant 1 : i32
          %select_n3A_1011 = arith.select %eq3A_1009, %jit3A_1010, %jit3A_1007 : i32
          %rem3A_1012 = arith.remsi %add3A_982, %select_n3A_1011 : i32
          %ne3A_1013 = arith.constant 0 : i32
          %ne3A_1014 = arith.cmpi ne, %rem3A_1012, %ne3A_1013 : i32
          %lt3A_1015 = arith.constant 0 : i32
          %lt3A_1016 = arith.cmpi slt, %rem3A_1012, %lt3A_1015 : i32
          %lt3A_1017 = arith.constant 0 : i32
          %lt3A_1018 = arith.cmpi slt, %select_n3A_1011, %lt3A_1017 : i32
          %ne3A_1019 = arith.xori %lt3A_1016, %lt3A_1018 : i1
          %and3A_1020 = arith.andi %ne3A_1019, %ne3A_1014 : i1
          %add3A_1021 = arith.addi %rem3A_1012, %select_n3A_1011 : i32
          %select_n3A_1022 = arith.select %and3A_1020, %add3A_1021, %rem3A_1012 : i32
          %mul3A_1023 = arith.constant 4 : i32
          %mul3A_1024 = arith.muli %select_n3A_1006, %mul3A_1023 : i32
          %add3A_1025 = arith.constant 0 : i32
          %add3A_1026 = arith.addi %mul3A_1024, %add3A_1025 : i32
          %mul3A_1027 = arith.constant 128 : i32
          %mul3A_1028 = arith.muli %add3A_1026, %mul3A_1027 : i32
          %add3A_1029 = arith.addi %mul3A_1028, %select_n3A_1022 : i32
          %mul3A_1030 = arith.constant 1024 : i32
          %mul3A_1031 = arith.muli %add3A_1029, %mul3A_1030 : i32
          %dma_wait3A_1032 = arith.constant 1 : i32
          %dma_wait3A_1033 = arith.constant 1 : i32
          %dma_wait3A_1034 = arith.constant 0 : i32
          %dma_wait3A_1035 = tpu.memref_slice %arg10[%dma_wait3A_1032, %dma_wait3A_1034] : memref<2x4096xf32, #tpu.memory_space<vmem>> -> memref<1x1024xf32, #tpu.memory_space<vmem>>
          %dma_wait3A_1036 = tpu.memref_squeeze %dma_wait3A_1035 : memref<1x1024xf32, #tpu.memory_space<vmem>> -> memref<1024xf32, #tpu.memory_space<vmem>>
          %dma_wait3A_1037 = tpu.memref_slice %arg5[%mul3A_1031] : memref<104857600xf32, #tpu.memory_space<hbm>> -> memref<1024xf32, #tpu.memory_space<hbm>>
          %dma_wait3A_1038 = tpu.memref_slice %arg13[%dma_wait3A_1033] : memref<2x!tpu.dma_semaphore, #tpu.memory_space<semaphore_mem>> -> memref<1x!tpu.dma_semaphore, #tpu.memory_space<semaphore_mem>>
          %dma_wait3A_1039 = tpu.memref_squeeze %dma_wait3A_1038 : memref<1x!tpu.dma_semaphore, #tpu.memory_space<semaphore_mem>> -> memref<!tpu.dma_semaphore, #tpu.memory_space<semaphore_mem>>
          %dma_wait3A_1040 = tpu.memref_slice %arg5[%mul3A_1031] : memref<104857600xf32, #tpu.memory_space<hbm>> -> memref<1024xf32, #tpu.memory_space<hbm>>
          %dma_wait3A_1041 = arith.constant 0 : i32
          %dma_wait3A_1042 = tpu.memref_slice %arg10[%dma_wait3A_1032, %dma_wait3A_1041] : memref<2x4096xf32, #tpu.memory_space<vmem>> -> memref<1x1024xf32, #tpu.memory_space<vmem>>
          %dma_wait3A_1043 = tpu.memref_squeeze %dma_wait3A_1042 : memref<1x1024xf32, #tpu.memory_space<vmem>> -> memref<1024xf32, #tpu.memory_space<vmem>>
          tpu.wait_dma2 semaphore(%dma_wait3A_1039 : memref<!tpu.dma_semaphore, #tpu.memory_space<semaphore_mem>>) src(%dma_wait3A_1043 : memref<1024xf32, #tpu.memory_space<vmem>>) dst(%dma_wait3A_1040 : memref<1024xf32, #tpu.memory_space<hbm>>)
          %sub3A_1044 = arith.constant 2 : i32
          %sub3A_1045 = arith.subi %sub3A_617, %sub3A_1044 : i32
          %add3A_1046 = arith.addi %mul3A_2, %sub3A_1045 : i32
          %jit3A_1047 = arith.constant 128 : i32
          %div3A_1048 = arith.divsi %add3A_1046, %jit3A_1047 : i32
          %sign3A_1049 = arith.constant 0 : i32
          %sign3A_1050 = arith.cmpi sgt, %add3A_1046, %sign3A_1049 : i32
          %sign3A_1051 = arith.extui %sign3A_1050 : i1 to i32
          %sign3A_1052 = arith.constant 0 : i32
          %sign3A_1053 = arith.cmpi slt, %add3A_1046, %sign3A_1052 : i32
          %sign3A_1054 = arith.extui %sign3A_1053 : i1 to i32
          %sign3A_1055 = arith.subi %sign3A_1051, %sign3A_1054 : i32
          %sign3A_1056 = arith.constant 0 : i32
          %sign3A_1057 = arith.cmpi sgt, %jit3A_1047, %sign3A_1056 : i32
          %sign3A_1058 = arith.extui %sign3A_1057 : i1 to i32
          %sign3A_1059 = arith.constant 0 : i32
          %sign3A_1060 = arith.cmpi slt, %jit3A_1047, %sign3A_1059 : i32
          %sign3A_1061 = arith.extui %sign3A_1060 : i1 to i32
          %sign3A_1062 = arith.subi %sign3A_1058, %sign3A_1061 : i32
          %ne3A_1063 = arith.cmpi ne, %sign3A_1055, %sign3A_1062 : i32
          %rem3A_1064 = arith.remsi %add3A_1046, %jit3A_1047 : i32
          %ne3A_1065 = arith.constant 0 : i32
          %ne3A_1066 = arith.cmpi ne, %rem3A_1064, %ne3A_1065 : i32
          %and3A_1067 = arith.andi %ne3A_1063, %ne3A_1066 : i1
          %sub3A_1068 = arith.constant 1 : i32
          %sub3A_1069 = arith.subi %div3A_1048, %sub3A_1068 : i32
          %select_n3A_1070 = arith.select %and3A_1067, %sub3A_1069, %div3A_1048 : i32
          %jit3A_1071 = arith.constant 128 : i32
          %eq3A_1072 = arith.constant 0 : i32
          %eq3A_1073 = arith.cmpi eq, %jit3A_1071, %eq3A_1072 : i32
          %jit3A_1074 = arith.constant 1 : i32
          %select_n3A_1075 = arith.select %eq3A_1073, %jit3A_1074, %jit3A_1071 : i32
          %rem3A_1076 = arith.remsi %add3A_1046, %select_n3A_1075 : i32
          %ne3A_1077 = arith.constant 0 : i32
          %ne3A_1078 = arith.cmpi ne, %rem3A_1076, %ne3A_1077 : i32
          %lt3A_1079 = arith.constant 0 : i32
          %lt3A_1080 = arith.cmpi slt, %rem3A_1076, %lt3A_1079 : i32
          %lt3A_1081 = arith.constant 0 : i32
          %lt3A_1082 = arith.cmpi slt, %select_n3A_1075, %lt3A_1081 : i32
          %ne3A_1083 = arith.xori %lt3A_1080, %lt3A_1082 : i1
          %and3A_1084 = arith.andi %ne3A_1083, %ne3A_1078 : i1
          %add3A_1085 = arith.addi %rem3A_1076, %select_n3A_1075 : i32
          %select_n3A_1086 = arith.select %and3A_1084, %add3A_1085, %rem3A_1076 : i32
          %mul3A_1087 = arith.constant 4 : i32
          %mul3A_1088 = arith.muli %select_n3A_1070, %mul3A_1087 : i32
          %add3A_1089 = arith.constant 1 : i32
          %add3A_1090 = arith.addi %mul3A_1088, %add3A_1089 : i32
          %mul3A_1091 = arith.constant 128 : i32
          %mul3A_1092 = arith.muli %add3A_1090, %mul3A_1091 : i32
          %add3A_1093 = arith.addi %mul3A_1092, %select_n3A_1086 : i32
          %mul3A_1094 = arith.constant 1024 : i32
          %mul3A_1095 = arith.muli %add3A_1093, %mul3A_1094 : i32
          %dma_wait3A_1096 = arith.constant 1 : i32
          %dma_wait3A_1097 = arith.constant 1 : i32
          %dma_wait3A_1098 = arith.constant 1024 : i32
          %dma_wait3A_1099 = tpu.memref_slice %arg10[%dma_wait3A_1096, %dma_wait3A_1098] : memref<2x4096xf32, #tpu.memory_space<vmem>> -> memref<1x1024xf32, #tpu.memory_space<vmem>>
          %dma_wait3A_1100 = tpu.memref_squeeze %dma_wait3A_1099 : memref<1x1024xf32, #tpu.memory_space<vmem>> -> memref<1024xf32, #tpu.memory_space<vmem>>
          %dma_wait3A_1101 = tpu.memref_slice %arg5[%mul3A_1095] : memref<104857600xf32, #tpu.memory_space<hbm>> -> memref<1024xf32, #tpu.memory_space<hbm>>
          %dma_wait3A_1102 = tpu.memref_slice %arg13[%dma_wait3A_1097] : memref<2x!tpu.dma_semaphore, #tpu.memory_space<semaphore_mem>> -> memref<1x!tpu.dma_semaphore, #tpu.memory_space<semaphore_mem>>
          %dma_wait3A_1103 = tpu.memref_squeeze %dma_wait3A_1102 : memref<1x!tpu.dma_semaphore, #tpu.memory_space<semaphore_mem>> -> memref<!tpu.dma_semaphore, #tpu.memory_space<semaphore_mem>>
          %dma_wait3A_1104 = tpu.memref_slice %arg5[%mul3A_1095] : memref<104857600xf32, #tpu.memory_space<hbm>> -> memref<1024xf32, #tpu.memory_space<hbm>>
          %dma_wait3A_1105 = arith.constant 1024 : i32
          %dma_wait3A_1106 = tpu.memref_slice %arg10[%dma_wait3A_1096, %dma_wait3A_1105] : memref<2x4096xf32, #tpu.memory_space<vmem>> -> memref<1x1024xf32, #tpu.memory_space<vmem>>
          %dma_wait3A_1107 = tpu.memref_squeeze %dma_wait3A_1106 : memref<1x1024xf32, #tpu.memory_space<vmem>> -> memref<1024xf32, #tpu.memory_space<vmem>>
          tpu.wait_dma2 semaphore(%dma_wait3A_1103 : memref<!tpu.dma_semaphore, #tpu.memory_space<semaphore_mem>>) src(%dma_wait3A_1107 : memref<1024xf32, #tpu.memory_space<vmem>>) dst(%dma_wait3A_1104 : memref<1024xf32, #tpu.memory_space<hbm>>)
          %sub3A_1108 = arith.constant 2 : i32
          %sub3A_1109 = arith.subi %sub3A_617, %sub3A_1108 : i32
          %add3A_1110 = arith.addi %mul3A_2, %sub3A_1109 : i32
          %jit3A_1111 = arith.constant 128 : i32
          %div3A_1112 = arith.divsi %add3A_1110, %jit3A_1111 : i32
          %sign3A_1113 = arith.constant 0 : i32
          %sign3A_1114 = arith.cmpi sgt, %add3A_1110, %sign3A_1113 : i32
          %sign3A_1115 = arith.extui %sign3A_1114 : i1 to i32
          %sign3A_1116 = arith.constant 0 : i32
          %sign3A_1117 = arith.cmpi slt, %add3A_1110, %sign3A_1116 : i32
          %sign3A_1118 = arith.extui %sign3A_1117 : i1 to i32
          %sign3A_1119 = arith.subi %sign3A_1115, %sign3A_1118 : i32
          %sign3A_1120 = arith.constant 0 : i32
          %sign3A_1121 = arith.cmpi sgt, %jit3A_1111, %sign3A_1120 : i32
          %sign3A_1122 = arith.extui %sign3A_1121 : i1 to i32
          %sign3A_1123 = arith.constant 0 : i32
          %sign3A_1124 = arith.cmpi slt, %jit3A_1111, %sign3A_1123 : i32
          %sign3A_1125 = arith.extui %sign3A_1124 : i1 to i32
          %sign3A_1126 = arith.subi %sign3A_1122, %sign3A_1125 : i32
          %ne3A_1127 = arith.cmpi ne, %sign3A_1119, %sign3A_1126 : i32
          %rem3A_1128 = arith.remsi %add3A_1110, %jit3A_1111 : i32
          %ne3A_1129 = arith.constant 0 : i32
          %ne3A_1130 = arith.cmpi ne, %rem3A_1128, %ne3A_1129 : i32
          %and3A_1131 = arith.andi %ne3A_1127, %ne3A_1130 : i1
          %sub3A_1132 = arith.constant 1 : i32
          %sub3A_1133 = arith.subi %div3A_1112, %sub3A_1132 : i32
          %select_n3A_1134 = arith.select %and3A_1131, %sub3A_1133, %div3A_1112 : i32
          %jit3A_1135 = arith.constant 128 : i32
          %eq3A_1136 = arith.constant 0 : i32
          %eq3A_1137 = arith.cmpi eq, %jit3A_1135, %eq3A_1136 : i32
          %jit3A_1138 = arith.constant 1 : i32
          %select_n3A_1139 = arith.select %eq3A_1137, %jit3A_1138, %jit3A_1135 : i32
          %rem3A_1140 = arith.remsi %add3A_1110, %select_n3A_1139 : i32
          %ne3A_1141 = arith.constant 0 : i32
          %ne3A_1142 = arith.cmpi ne, %rem3A_1140, %ne3A_1141 : i32
          %lt3A_1143 = arith.constant 0 : i32
          %lt3A_1144 = arith.cmpi slt, %rem3A_1140, %lt3A_1143 : i32
          %lt3A_1145 = arith.constant 0 : i32
          %lt3A_1146 = arith.cmpi slt, %select_n3A_1139, %lt3A_1145 : i32
          %ne3A_1147 = arith.xori %lt3A_1144, %lt3A_1146 : i1
          %and3A_1148 = arith.andi %ne3A_1147, %ne3A_1142 : i1
          %add3A_1149 = arith.addi %rem3A_1140, %select_n3A_1139 : i32
          %select_n3A_1150 = arith.select %and3A_1148, %add3A_1149, %rem3A_1140 : i32
          %mul3A_1151 = arith.constant 4 : i32
          %mul3A_1152 = arith.muli %select_n3A_1134, %mul3A_1151 : i32
          %add3A_1153 = arith.constant 2 : i32
          %add3A_1154 = arith.addi %mul3A_1152, %add3A_1153 : i32
          %mul3A_1155 = arith.constant 128 : i32
          %mul3A_1156 = arith.muli %add3A_1154, %mul3A_1155 : i32
          %add3A_1157 = arith.addi %mul3A_1156, %select_n3A_1150 : i32
          %mul3A_1158 = arith.constant 1024 : i32
          %mul3A_1159 = arith.muli %add3A_1157, %mul3A_1158 : i32
          %dma_wait3A_1160 = arith.constant 1 : i32
          %dma_wait3A_1161 = arith.constant 1 : i32
          %dma_wait3A_1162 = arith.constant 2048 : i32
          %dma_wait3A_1163 = tpu.memref_slice %arg10[%dma_wait3A_1160, %dma_wait3A_1162] : memref<2x4096xf32, #tpu.memory_space<vmem>> -> memref<1x1024xf32, #tpu.memory_space<vmem>>
          %dma_wait3A_1164 = tpu.memref_squeeze %dma_wait3A_1163 : memref<1x1024xf32, #tpu.memory_space<vmem>> -> memref<1024xf32, #tpu.memory_space<vmem>>
          %dma_wait3A_1165 = tpu.memref_slice %arg5[%mul3A_1159] : memref<104857600xf32, #tpu.memory_space<hbm>> -> memref<1024xf32, #tpu.memory_space<hbm>>
          %dma_wait3A_1166 = tpu.memref_slice %arg13[%dma_wait3A_1161] : memref<2x!tpu.dma_semaphore, #tpu.memory_space<semaphore_mem>> -> memref<1x!tpu.dma_semaphore, #tpu.memory_space<semaphore_mem>>
          %dma_wait3A_1167 = tpu.memref_squeeze %dma_wait3A_1166 : memref<1x!tpu.dma_semaphore, #tpu.memory_space<semaphore_mem>> -> memref<!tpu.dma_semaphore, #tpu.memory_space<semaphore_mem>>
          %dma_wait3A_1168 = tpu.memref_slice %arg5[%mul3A_1159] : memref<104857600xf32, #tpu.memory_space<hbm>> -> memref<1024xf32, #tpu.memory_space<hbm>>
          %dma_wait3A_1169 = arith.constant 2048 : i32
          %dma_wait3A_1170 = tpu.memref_slice %arg10[%dma_wait3A_1160, %dma_wait3A_1169] : memref<2x4096xf32, #tpu.memory_space<vmem>> -> memref<1x1024xf32, #tpu.memory_space<vmem>>
          %dma_wait3A_1171 = tpu.memref_squeeze %dma_wait3A_1170 : memref<1x1024xf32, #tpu.memory_space<vmem>> -> memref<1024xf32, #tpu.memory_space<vmem>>
          tpu.wait_dma2 semaphore(%dma_wait3A_1167 : memref<!tpu.dma_semaphore, #tpu.memory_space<semaphore_mem>>) src(%dma_wait3A_1171 : memref<1024xf32, #tpu.memory_space<vmem>>) dst(%dma_wait3A_1168 : memref<1024xf32, #tpu.memory_space<hbm>>)
          %sub3A_1172 = arith.constant 2 : i32
          %sub3A_1173 = arith.subi %sub3A_617, %sub3A_1172 : i32
          %add3A_1174 = arith.addi %mul3A_2, %sub3A_1173 : i32
          %jit3A_1175 = arith.constant 128 : i32
          %div3A_1176 = arith.divsi %add3A_1174, %jit3A_1175 : i32
          %sign3A_1177 = arith.constant 0 : i32
          %sign3A_1178 = arith.cmpi sgt, %add3A_1174, %sign3A_1177 : i32
          %sign3A_1179 = arith.extui %sign3A_1178 : i1 to i32
          %sign3A_1180 = arith.constant 0 : i32
          %sign3A_1181 = arith.cmpi slt, %add3A_1174, %sign3A_1180 : i32
          %sign3A_1182 = arith.extui %sign3A_1181 : i1 to i32
          %sign3A_1183 = arith.subi %sign3A_1179, %sign3A_1182 : i32
          %sign3A_1184 = arith.constant 0 : i32
          %sign3A_1185 = arith.cmpi sgt, %jit3A_1175, %sign3A_1184 : i32
          %sign3A_1186 = arith.extui %sign3A_1185 : i1 to i32
          %sign3A_1187 = arith.constant 0 : i32
          %sign3A_1188 = arith.cmpi slt, %jit3A_1175, %sign3A_1187 : i32
          %sign3A_1189 = arith.extui %sign3A_1188 : i1 to i32
          %sign3A_1190 = arith.subi %sign3A_1186, %sign3A_1189 : i32
          %ne3A_1191 = arith.cmpi ne, %sign3A_1183, %sign3A_1190 : i32
          %rem3A_1192 = arith.remsi %add3A_1174, %jit3A_1175 : i32
          %ne3A_1193 = arith.constant 0 : i32
          %ne3A_1194 = arith.cmpi ne, %rem3A_1192, %ne3A_1193 : i32
          %and3A_1195 = arith.andi %ne3A_1191, %ne3A_1194 : i1
          %sub3A_1196 = arith.constant 1 : i32
          %sub3A_1197 = arith.subi %div3A_1176, %sub3A_1196 : i32
          %select_n3A_1198 = arith.select %and3A_1195, %sub3A_1197, %div3A_1176 : i32
          %jit3A_1199 = arith.constant 128 : i32
          %eq3A_1200 = arith.constant 0 : i32
          %eq3A_1201 = arith.cmpi eq, %jit3A_1199, %eq3A_1200 : i32
          %jit3A_1202 = arith.constant 1 : i32
          %select_n3A_1203 = arith.select %eq3A_1201, %jit3A_1202, %jit3A_1199 : i32
          %rem3A_1204 = arith.remsi %add3A_1174, %select_n3A_1203 : i32
          %ne3A_1205 = arith.constant 0 : i32
          %ne3A_1206 = arith.cmpi ne, %rem3A_1204, %ne3A_1205 : i32
          %lt3A_1207 = arith.constant 0 : i32
          %lt3A_1208 = arith.cmpi slt, %rem3A_1204, %lt3A_1207 : i32
          %lt3A_1209 = arith.constant 0 : i32
          %lt3A_1210 = arith.cmpi slt, %select_n3A_1203, %lt3A_1209 : i32
          %ne3A_1211 = arith.xori %lt3A_1208, %lt3A_1210 : i1
          %and3A_1212 = arith.andi %ne3A_1211, %ne3A_1206 : i1
          %add3A_1213 = arith.addi %rem3A_1204, %select_n3A_1203 : i32
          %select_n3A_1214 = arith.select %and3A_1212, %add3A_1213, %rem3A_1204 : i32
          %mul3A_1215 = arith.constant 4 : i32
          %mul3A_1216 = arith.muli %select_n3A_1198, %mul3A_1215 : i32
          %add3A_1217 = arith.constant 3 : i32
          %add3A_1218 = arith.addi %mul3A_1216, %add3A_1217 : i32
          %mul3A_1219 = arith.constant 128 : i32
          %mul3A_1220 = arith.muli %add3A_1218, %mul3A_1219 : i32
          %add3A_1221 = arith.addi %mul3A_1220, %select_n3A_1214 : i32
          %mul3A_1222 = arith.constant 1024 : i32
          %mul3A_1223 = arith.muli %add3A_1221, %mul3A_1222 : i32
          %dma_wait3A_1224 = arith.constant 1 : i32
          %dma_wait3A_1225 = arith.constant 1 : i32
          %dma_wait3A_1226 = arith.constant 3072 : i32
          %dma_wait3A_1227 = tpu.memref_slice %arg10[%dma_wait3A_1224, %dma_wait3A_1226] : memref<2x4096xf32, #tpu.memory_space<vmem>> -> memref<1x1024xf32, #tpu.memory_space<vmem>>
          %dma_wait3A_1228 = tpu.memref_squeeze %dma_wait3A_1227 : memref<1x1024xf32, #tpu.memory_space<vmem>> -> memref<1024xf32, #tpu.memory_space<vmem>>
          %dma_wait3A_1229 = tpu.memref_slice %arg5[%mul3A_1223] : memref<104857600xf32, #tpu.memory_space<hbm>> -> memref<1024xf32, #tpu.memory_space<hbm>>
          %dma_wait3A_1230 = tpu.memref_slice %arg13[%dma_wait3A_1225] : memref<2x!tpu.dma_semaphore, #tpu.memory_space<semaphore_mem>> -> memref<1x!tpu.dma_semaphore, #tpu.memory_space<semaphore_mem>>
          %dma_wait3A_1231 = tpu.memref_squeeze %dma_wait3A_1230 : memref<1x!tpu.dma_semaphore, #tpu.memory_space<semaphore_mem>> -> memref<!tpu.dma_semaphore, #tpu.memory_space<semaphore_mem>>
          %dma_wait3A_1232 = tpu.memref_slice %arg5[%mul3A_1223] : memref<104857600xf32, #tpu.memory_space<hbm>> -> memref<1024xf32, #tpu.memory_space<hbm>>
          %dma_wait3A_1233 = arith.constant 3072 : i32
          %dma_wait3A_1234 = tpu.memref_slice %arg10[%dma_wait3A_1224, %dma_wait3A_1233] : memref<2x4096xf32, #tpu.memory_space<vmem>> -> memref<1x1024xf32, #tpu.memory_space<vmem>>
          %dma_wait3A_1235 = tpu.memref_squeeze %dma_wait3A_1234 : memref<1x1024xf32, #tpu.memory_space<vmem>> -> memref<1024xf32, #tpu.memory_space<vmem>>
          tpu.wait_dma2 semaphore(%dma_wait3A_1231 : memref<!tpu.dma_semaphore, #tpu.memory_space<semaphore_mem>>) src(%dma_wait3A_1235 : memref<1024xf32, #tpu.memory_space<vmem>>) dst(%dma_wait3A_1232 : memref<1024xf32, #tpu.memory_space<hbm>>)
        } else {
        }
        %iota3A = tpu.iota {dimensions = array<i32: 0>} : vector<16xi32>
        %add3A_694 = arith.constant 0 : i32
        %add3A_695 = vector.broadcast %add3A_694 : i32 to vector<16xi32>
        %add3A_696 = arith.addi %iota3A, %add3A_695 : vector<16xi32>
        %iota3A_697 = tpu.iota {dimensions = array<i32: 0>} : vector<16xi32>
        %add3A_698 = arith.constant 16 : i32
        %add3A_699 = vector.broadcast %add3A_698 : i32 to vector<16xi32>
        %add3A_700 = arith.addi %iota3A_697, %add3A_699 : vector<16xi32>
        %iota3A_701 = tpu.iota {dimensions = array<i32: 0>} : vector<16xi32>
        %add3A_702 = arith.constant 32 : i32
        %add3A_703 = vector.broadcast %add3A_702 : i32 to vector<16xi32>
        %add3A_704 = arith.addi %iota3A_701, %add3A_703 : vector<16xi32>
        %iota3A_705 = tpu.iota {dimensions = array<i32: 0>} : vector<16xi32>
        %add3A_706 = arith.constant 48 : i32
        %add3A_707 = vector.broadcast %add3A_706 : i32 to vector<16xi32>
        %add3A_708 = arith.addi %iota3A_705, %add3A_707 : vector<16xi32>
        %iota3A_709 = tpu.iota {dimensions = array<i32: 0>} : vector<16xi32>
        %add3A_710 = arith.constant 64 : i32
        %add3A_711 = vector.broadcast %add3A_710 : i32 to vector<16xi32>
        %add3A_712 = arith.addi %iota3A_709, %add3A_711 : vector<16xi32>
        %iota3A_713 = tpu.iota {dimensions = array<i32: 0>} : vector<16xi32>
        %add3A_714 = arith.constant 80 : i32
        %add3A_715 = vector.broadcast %add3A_714 : i32 to vector<16xi32>
        %add3A_716 = arith.addi %iota3A_713, %add3A_715 : vector<16xi32>
        %iota3A_717 = tpu.iota {dimensions = array<i32: 0>} : vector<16xi32>
        %add3A_718 = arith.constant 96 : i32
        %add3A_719 = vector.broadcast %add3A_718 : i32 to vector<16xi32>
        %add3A_720 = arith.addi %iota3A_717, %add3A_719 : vector<16xi32>
        %iota3A_721 = tpu.iota {dimensions = array<i32: 0>} : vector<16xi32>
        %add3A_722 = arith.constant 112 : i32
        %add3A_723 = vector.broadcast %add3A_722 : i32 to vector<16xi32>
        %add3A_724 = arith.addi %iota3A_721, %add3A_723 : vector<16xi32>
        %scan3A_725 = arith.constant 0 : i32
        %scan3A_726 = arith.constant 0 : i32
        %scan3A_727 = arith.constant 32 : i32
        %scan3A_728 = arith.addi %scan3A_726, %scan3A_727 : i32
        %scan3A_729 = arith.constant 1 : i32
        %scan3A_730 = scf.for %scan3A_980 = %scan3A_726 to %scan3A_728 step %scan3A_729 iter_args(%scan3A_981 = %scan3A_725) -> (i32)  : i32 {
          %broadcast_in_dim3A_982 = arith.constant 0 : i32
          %broadcast_in_dim3A_983 = vector.broadcast %broadcast_in_dim3A_982 : i32 to vector<16xi32>
          %add3A_984 = vector.broadcast %scan3A_980 : i32 to vector<16xi32>
          %add3A_985 = arith.addi %broadcast_in_dim3A_983, %add3A_984 : vector<16xi32>
          %jit3A_986 = arith.constant 8 : i32
          %div3A_987 = arith.divsi %scan3A_980, %jit3A_986 : i32
          %sign3A_988 = arith.constant 0 : i32
          %sign3A_989 = arith.cmpi sgt, %scan3A_980, %sign3A_988 : i32
          %sign3A_990 = arith.extui %sign3A_989 : i1 to i32
          %sign3A_991 = arith.constant 0 : i32
          %sign3A_992 = arith.cmpi slt, %scan3A_980, %sign3A_991 : i32
          %sign3A_993 = arith.extui %sign3A_992 : i1 to i32
          %sign3A_994 = arith.subi %sign3A_990, %sign3A_993 : i32
          %sign3A_995 = arith.constant 0 : i32
          %sign3A_996 = arith.cmpi sgt, %jit3A_986, %sign3A_995 : i32
          %sign3A_997 = arith.extui %sign3A_996 : i1 to i32
          %sign3A_998 = arith.constant 0 : i32
          %sign3A_999 = arith.cmpi slt, %jit3A_986, %sign3A_998 : i32
          %sign3A_1000 = arith.extui %sign3A_999 : i1 to i32
          %sign3A_1001 = arith.subi %sign3A_997, %sign3A_1000 : i32
          %ne3A_1002 = arith.cmpi ne, %sign3A_994, %sign3A_1001 : i32
          %rem3A_1003 = arith.remsi %scan3A_980, %jit3A_986 : i32
          %ne3A_1004 = arith.constant 0 : i32
          %ne3A_1005 = arith.cmpi ne, %rem3A_1003, %ne3A_1004 : i32
          %and3A_1006 = arith.andi %ne3A_1002, %ne3A_1005 : i1
          %sub3A_1007 = arith.constant 1 : i32
          %sub3A_1008 = arith.subi %div3A_987, %sub3A_1007 : i32
          %select_n3A_1009 = arith.select %and3A_1006, %sub3A_1008, %div3A_987 : i32
          %mul3A_1010 = arith.constant 1024 : i32
          %mul3A_1011 = arith.muli %select_n3A_1009, %mul3A_1010 : i32
          %jit3A_1012 = arith.constant 8 : i32
          %eq3A_1013 = arith.constant 0 : i32
          %eq3A_1014 = arith.cmpi eq, %jit3A_1012, %eq3A_1013 : i32
          %jit3A_1015 = arith.constant 1 : i32
          %select_n3A_1016 = arith.select %eq3A_1014, %jit3A_1015, %jit3A_1012 : i32
          %rem3A_1017 = arith.remsi %scan3A_980, %select_n3A_1016 : i32
          %ne3A_1018 = arith.constant 0 : i32
          %ne3A_1019 = arith.cmpi ne, %rem3A_1017, %ne3A_1018 : i32
          %lt3A_1020 = arith.constant 0 : i32
          %lt3A_1021 = arith.cmpi slt, %rem3A_1017, %lt3A_1020 : i32
          %lt3A_1022 = arith.constant 0 : i32
          %lt3A_1023 = arith.cmpi slt, %select_n3A_1016, %lt3A_1022 : i32
          %ne3A_1024 = arith.xori %lt3A_1021, %lt3A_1023 : i1
          %and3A_1025 = arith.andi %ne3A_1024, %ne3A_1019 : i1
          %add3A_1026 = arith.addi %rem3A_1017, %select_n3A_1016 : i32
          %select_n3A_1027 = arith.select %and3A_1025, %add3A_1026, %rem3A_1017 : i32
          %mul3A_1028 = arith.constant 128 : i32
          %mul3A_1029 = arith.muli %select_n3A_1027, %mul3A_1028 : i32
          %add3A_1030 = arith.addi %mul3A_1011, %mul3A_1029 : i32
          %gather3A = arith.constant 1 : i32
          %gather3A_1031 = arith.constant 0 : i32
          %gather3A_1032 = arith.constant 0 : i32
          %gather3A_1033 = tpu.memref_slice %arg9[%gather3A, %gather3A_1031, %gather3A_1032] : memref<2x128x32xf32, #tpu.memory_space<vmem>> -> memref<1x128x32xf32, #tpu.memory_space<vmem>>
          %gather3A_1034 = tpu.memref_squeeze %gather3A_1033 : memref<1x128x32xf32, #tpu.memory_space<vmem>> -> memref<128x32xf32, #tpu.memory_space<vmem>>
          %gather3A_1035 = tpu.vector_load_idx %gather3A_1034[%add3A_696, %add3A_985] : memref<128x32xf32, #tpu.memory_space<vmem>>[vector<16xi32>, vector<16xi32>], vector<16xf32>,
          %add3A_1036 = arith.constant 0 : i32
          %add3A_1037 = arith.addi %add3A_1030, %add3A_1036 : i32
          %swap3A = arith.constant 1 : i32
          %swap3A_1038 = arith.index_cast %swap3A : i32 to index
          %swap3A_1039 = arith.index_cast %add3A_1037 : i32 to index
          %swap3A_1040 = tpu.vector_load %arg10[%swap3A_1038, %swap3A_1039] {strides = array<i32>} : memref<2x4096xf32, #tpu.memory_space<vmem>>, vector<16xf32>,
          tpu.vector_store %arg10[%swap3A_1038, %swap3A_1039], %gather3A_1035 {strides = array<i32>} : memref<2x4096xf32, #tpu.memory_space<vmem>>, vector<16xf32>,
          %gather3A_1041 = arith.constant 1 : i32
          %gather3A_1042 = arith.constant 0 : i32
          %gather3A_1043 = arith.constant 0 : i32
          %gather3A_1044 = tpu.memref_slice %arg9[%gather3A_1041, %gather3A_1042, %gather3A_1043] : memref<2x128x32xf32, #tpu.memory_space<vmem>> -> memref<1x128x32xf32, #tpu.memory_space<vmem>>
          %gather3A_1045 = tpu.memref_squeeze %gather3A_1044 : memref<1x128x32xf32, #tpu.memory_space<vmem>> -> memref<128x32xf32, #tpu.memory_space<vmem>>
          %gather3A_1046 = tpu.vector_load_idx %gather3A_1045[%add3A_700, %add3A_985] : memref<128x32xf32, #tpu.memory_space<vmem>>[vector<16xi32>, vector<16xi32>], vector<16xf32>,
          %add3A_1047 = arith.constant 16 : i32
          %add3A_1048 = arith.addi %add3A_1030, %add3A_1047 : i32
          %swap3A_1049 = arith.constant 1 : i32
          %swap3A_1050 = arith.index_cast %swap3A_1049 : i32 to index
          %swap3A_1051 = arith.index_cast %add3A_1048 : i32 to index
          %swap3A_1052 = tpu.vector_load %arg10[%swap3A_1050, %swap3A_1051] {strides = array<i32>} : memref<2x4096xf32, #tpu.memory_space<vmem>>, vector<16xf32>,
          tpu.vector_store %arg10[%swap3A_1050, %swap3A_1051], %gather3A_1046 {strides = array<i32>} : memref<2x4096xf32, #tpu.memory_space<vmem>>, vector<16xf32>,
          %gather3A_1053 = arith.constant 1 : i32
          %gather3A_1054 = arith.constant 0 : i32
          %gather3A_1055 = arith.constant 0 : i32
          %gather3A_1056 = tpu.memref_slice %arg9[%gather3A_1053, %gather3A_1054, %gather3A_1055] : memref<2x128x32xf32, #tpu.memory_space<vmem>> -> memref<1x128x32xf32, #tpu.memory_space<vmem>>
          %gather3A_1057 = tpu.memref_squeeze %gather3A_1056 : memref<1x128x32xf32, #tpu.memory_space<vmem>> -> memref<128x32xf32, #tpu.memory_space<vmem>>
          %gather3A_1058 = tpu.vector_load_idx %gather3A_1057[%add3A_704, %add3A_985] : memref<128x32xf32, #tpu.memory_space<vmem>>[vector<16xi32>, vector<16xi32>], vector<16xf32>,
          %add3A_1059 = arith.constant 32 : i32
          %add3A_1060 = arith.addi %add3A_1030, %add3A_1059 : i32
          %swap3A_1061 = arith.constant 1 : i32
          %swap3A_1062 = arith.index_cast %swap3A_1061 : i32 to index
          %swap3A_1063 = arith.index_cast %add3A_1060 : i32 to index
          %swap3A_1064 = tpu.vector_load %arg10[%swap3A_1062, %swap3A_1063] {strides = array<i32>} : memref<2x4096xf32, #tpu.memory_space<vmem>>, vector<16xf32>,
          tpu.vector_store %arg10[%swap3A_1062, %swap3A_1063], %gather3A_1058 {strides = array<i32>} : memref<2x4096xf32, #tpu.memory_space<vmem>>, vector<16xf32>,
          %gather3A_1065 = arith.constant 1 : i32
          %gather3A_1066 = arith.constant 0 : i32
          %gather3A_1067 = arith.constant 0 : i32
          %gather3A_1068 = tpu.memref_slice %arg9[%gather3A_1065, %gather3A_1066, %gather3A_1067] : memref<2x128x32xf32, #tpu.memory_space<vmem>> -> memref<1x128x32xf32, #tpu.memory_space<vmem>>
          %gather3A_1069 = tpu.memref_squeeze %gather3A_1068 : memref<1x128x32xf32, #tpu.memory_space<vmem>> -> memref<128x32xf32, #tpu.memory_space<vmem>>
          %gather3A_1070 = tpu.vector_load_idx %gather3A_1069[%add3A_708, %add3A_985] : memref<128x32xf32, #tpu.memory_space<vmem>>[vector<16xi32>, vector<16xi32>], vector<16xf32>,
          %add3A_1071 = arith.constant 48 : i32
          %add3A_1072 = arith.addi %add3A_1030, %add3A_1071 : i32
          %swap3A_1073 = arith.constant 1 : i32
          %swap3A_1074 = arith.index_cast %swap3A_1073 : i32 to index
          %swap3A_1075 = arith.index_cast %add3A_1072 : i32 to index
          %swap3A_1076 = tpu.vector_load %arg10[%swap3A_1074, %swap3A_1075] {strides = array<i32>} : memref<2x4096xf32, #tpu.memory_space<vmem>>, vector<16xf32>,
          tpu.vector_store %arg10[%swap3A_1074, %swap3A_1075], %gather3A_1070 {strides = array<i32>} : memref<2x4096xf32, #tpu.memory_space<vmem>>, vector<16xf32>,
          %gather3A_1077 = arith.constant 1 : i32
          %gather3A_1078 = arith.constant 0 : i32
          %gather3A_1079 = arith.constant 0 : i32
          %gather3A_1080 = tpu.memref_slice %arg9[%gather3A_1077, %gather3A_1078, %gather3A_1079] : memref<2x128x32xf32, #tpu.memory_space<vmem>> -> memref<1x128x32xf32, #tpu.memory_space<vmem>>
          %gather3A_1081 = tpu.memref_squeeze %gather3A_1080 : memref<1x128x32xf32, #tpu.memory_space<vmem>> -> memref<128x32xf32, #tpu.memory_space<vmem>>
          %gather3A_1082 = tpu.vector_load_idx %gather3A_1081[%add3A_712, %add3A_985] : memref<128x32xf32, #tpu.memory_space<vmem>>[vector<16xi32>, vector<16xi32>], vector<16xf32>,
          %add3A_1083 = arith.constant 64 : i32
          %add3A_1084 = arith.addi %add3A_1030, %add3A_1083 : i32
          %swap3A_1085 = arith.constant 1 : i32
          %swap3A_1086 = arith.index_cast %swap3A_1085 : i32 to index
          %swap3A_1087 = arith.index_cast %add3A_1084 : i32 to index
          %swap3A_1088 = tpu.vector_load %arg10[%swap3A_1086, %swap3A_1087] {strides = array<i32>} : memref<2x4096xf32, #tpu.memory_space<vmem>>, vector<16xf32>,
          tpu.vector_store %arg10[%swap3A_1086, %swap3A_1087], %gather3A_1082 {strides = array<i32>} : memref<2x4096xf32, #tpu.memory_space<vmem>>, vector<16xf32>,
          %gather3A_1089 = arith.constant 1 : i32
          %gather3A_1090 = arith.constant 0 : i32
          %gather3A_1091 = arith.constant 0 : i32
          %gather3A_1092 = tpu.memref_slice %arg9[%gather3A_1089, %gather3A_1090, %gather3A_1091] : memref<2x128x32xf32, #tpu.memory_space<vmem>> -> memref<1x128x32xf32, #tpu.memory_space<vmem>>
          %gather3A_1093 = tpu.memref_squeeze %gather3A_1092 : memref<1x128x32xf32, #tpu.memory_space<vmem>> -> memref<128x32xf32, #tpu.memory_space<vmem>>
          %gather3A_1094 = tpu.vector_load_idx %gather3A_1093[%add3A_716, %add3A_985] : memref<128x32xf32, #tpu.memory_space<vmem>>[vector<16xi32>, vector<16xi32>], vector<16xf32>,
          %add3A_1095 = arith.constant 80 : i32
          %add3A_1096 = arith.addi %add3A_1030, %add3A_1095 : i32
          %swap3A_1097 = arith.constant 1 : i32
          %swap3A_1098 = arith.index_cast %swap3A_1097 : i32 to index
          %swap3A_1099 = arith.index_cast %add3A_1096 : i32 to index
          %swap3A_1100 = tpu.vector_load %arg10[%swap3A_1098, %swap3A_1099] {strides = array<i32>} : memref<2x4096xf32, #tpu.memory_space<vmem>>, vector<16xf32>,
          tpu.vector_store %arg10[%swap3A_1098, %swap3A_1099], %gather3A_1094 {strides = array<i32>} : memref<2x4096xf32, #tpu.memory_space<vmem>>, vector<16xf32>,
          %gather3A_1101 = arith.constant 1 : i32
          %gather3A_1102 = arith.constant 0 : i32
          %gather3A_1103 = arith.constant 0 : i32
          %gather3A_1104 = tpu.memref_slice %arg9[%gather3A_1101, %gather3A_1102, %gather3A_1103] : memref<2x128x32xf32, #tpu.memory_space<vmem>> -> memref<1x128x32xf32, #tpu.memory_space<vmem>>
          %gather3A_1105 = tpu.memref_squeeze %gather3A_1104 : memref<1x128x32xf32, #tpu.memory_space<vmem>> -> memref<128x32xf32, #tpu.memory_space<vmem>>
          %gather3A_1106 = tpu.vector_load_idx %gather3A_1105[%add3A_720, %add3A_985] : memref<128x32xf32, #tpu.memory_space<vmem>>[vector<16xi32>, vector<16xi32>], vector<16xf32>,
          %add3A_1107 = arith.constant 96 : i32
          %add3A_1108 = arith.addi %add3A_1030, %add3A_1107 : i32
          %swap3A_1109 = arith.constant 1 : i32
          %swap3A_1110 = arith.index_cast %swap3A_1109 : i32 to index
          %swap3A_1111 = arith.index_cast %add3A_1108 : i32 to index
          %swap3A_1112 = tpu.vector_load %arg10[%swap3A_1110, %swap3A_1111] {strides = array<i32>} : memref<2x4096xf32, #tpu.memory_space<vmem>>, vector<16xf32>,
          tpu.vector_store %arg10[%swap3A_1110, %swap3A_1111], %gather3A_1106 {strides = array<i32>} : memref<2x4096xf32, #tpu.memory_space<vmem>>, vector<16xf32>,
          %gather3A_1113 = arith.constant 1 : i32
          %gather3A_1114 = arith.constant 0 : i32
          %gather3A_1115 = arith.constant 0 : i32
          %gather3A_1116 = tpu.memref_slice %arg9[%gather3A_1113, %gather3A_1114, %gather3A_1115] : memref<2x128x32xf32, #tpu.memory_space<vmem>> -> memref<1x128x32xf32, #tpu.memory_space<vmem>>
          %gather3A_1117 = tpu.memref_squeeze %gather3A_1116 : memref<1x128x32xf32, #tpu.memory_space<vmem>> -> memref<128x32xf32, #tpu.memory_space<vmem>>
          %gather3A_1118 = tpu.vector_load_idx %gather3A_1117[%add3A_724, %add3A_985] : memref<128x32xf32, #tpu.memory_space<vmem>>[vector<16xi32>, vector<16xi32>], vector<16xf32>,
          %add3A_1119 = arith.constant 112 : i32
          %add3A_1120 = arith.addi %add3A_1030, %add3A_1119 : i32
          %swap3A_1121 = arith.constant 1 : i32
          %swap3A_1122 = arith.index_cast %swap3A_1121 : i32 to index
          %swap3A_1123 = arith.index_cast %add3A_1120 : i32 to index
          %swap3A_1124 = tpu.vector_load %arg10[%swap3A_1122, %swap3A_1123] {strides = array<i32>} : memref<2x4096xf32, #tpu.memory_space<vmem>>, vector<16xf32>,
          tpu.vector_store %arg10[%swap3A_1122, %swap3A_1123], %gather3A_1118 {strides = array<i32>} : memref<2x4096xf32, #tpu.memory_space<vmem>>, vector<16xf32>,
          %scan3A_1125 = arith.constant 0 : i32
          scf.yield %scan3A_1125 : i32
        }
        %scan3A_731 = arith.constant 32 : i32
        %add3A_732 = arith.addi %mul3A_2, %sub3A_617 : i32
        %jit3A_733 = arith.constant 128 : i32
        %div3A_734 = arith.divsi %add3A_732, %jit3A_733 : i32
        %sign3A_735 = arith.constant 0 : i32
        %sign3A_736 = arith.cmpi sgt, %add3A_732, %sign3A_735 : i32
        %sign3A_737 = arith.extui %sign3A_736 : i1 to i32
        %sign3A_738 = arith.constant 0 : i32
        %sign3A_739 = arith.cmpi slt, %add3A_732, %sign3A_738 : i32
        %sign3A_740 = arith.extui %sign3A_739 : i1 to i32
        %sign3A_741 = arith.subi %sign3A_737, %sign3A_740 : i32
        %sign3A_742 = arith.constant 0 : i32
        %sign3A_743 = arith.cmpi sgt, %jit3A_733, %sign3A_742 : i32
        %sign3A_744 = arith.extui %sign3A_743 : i1 to i32
        %sign3A_745 = arith.constant 0 : i32
        %sign3A_746 = arith.cmpi slt, %jit3A_733, %sign3A_745 : i32
        %sign3A_747 = arith.extui %sign3A_746 : i1 to i32
        %sign3A_748 = arith.subi %sign3A_744, %sign3A_747 : i32
        %ne3A_749 = arith.cmpi ne, %sign3A_741, %sign3A_748 : i32
        %rem3A_750 = arith.remsi %add3A_732, %jit3A_733 : i32
        %ne3A_751 = arith.constant 0 : i32
        %ne3A_752 = arith.cmpi ne, %rem3A_750, %ne3A_751 : i32
        %and3A_753 = arith.andi %ne3A_749, %ne3A_752 : i1
        %sub3A_754 = arith.constant 1 : i32
        %sub3A_755 = arith.subi %div3A_734, %sub3A_754 : i32
        %select_n3A_756 = arith.select %and3A_753, %sub3A_755, %div3A_734 : i32
        %jit3A_757 = arith.constant 128 : i32
        %eq3A_758 = arith.constant 0 : i32
        %eq3A_759 = arith.cmpi eq, %jit3A_757, %eq3A_758 : i32
        %jit3A_760 = arith.constant 1 : i32
        %select_n3A_761 = arith.select %eq3A_759, %jit3A_760, %jit3A_757 : i32
        %rem3A_762 = arith.remsi %add3A_732, %select_n3A_761 : i32
        %ne3A_763 = arith.constant 0 : i32
        %ne3A_764 = arith.cmpi ne, %rem3A_762, %ne3A_763 : i32
        %lt3A_765 = arith.constant 0 : i32
        %lt3A_766 = arith.cmpi slt, %rem3A_762, %lt3A_765 : i32
        %lt3A_767 = arith.constant 0 : i32
        %lt3A_768 = arith.cmpi slt, %select_n3A_761, %lt3A_767 : i32
        %ne3A_769 = arith.xori %lt3A_766, %lt3A_768 : i1
        %and3A_770 = arith.andi %ne3A_769, %ne3A_764 : i1
        %add3A_771 = arith.addi %rem3A_762, %select_n3A_761 : i32
        %select_n3A_772 = arith.select %and3A_770, %add3A_771, %rem3A_762 : i32
        %mul3A_773 = arith.constant 4 : i32
        %mul3A_774 = arith.muli %select_n3A_756, %mul3A_773 : i32
        %add3A_775 = arith.constant 0 : i32
        %add3A_776 = arith.addi %mul3A_774, %add3A_775 : i32
        %mul3A_777 = arith.constant 128 : i32
        %mul3A_778 = arith.muli %add3A_776, %mul3A_777 : i32
        %add3A_779 = arith.addi %mul3A_778, %select_n3A_772 : i32
        %mul3A_780 = arith.constant 1024 : i32
        %mul3A_781 = arith.muli %add3A_779, %mul3A_780 : i32
        %dma_start3A_782 = arith.constant 1 : i32
        %dma_start3A_783 = arith.constant 1 : i32
        %dma_start3A_784 = arith.constant 0 : i32
        %dma_start3A_785 = tpu.memref_slice %arg10[%dma_start3A_782, %dma_start3A_784] : memref<2x4096xf32, #tpu.memory_space<vmem>> -> memref<1x1024xf32, #tpu.memory_space<vmem>>
        %dma_start3A_786 = tpu.memref_squeeze %dma_start3A_785 : memref<1x1024xf32, #tpu.memory_space<vmem>> -> memref<1024xf32, #tpu.memory_space<vmem>>
        %dma_start3A_787 = tpu.memref_slice %arg5[%mul3A_781] : memref<104857600xf32, #tpu.memory_space<hbm>> -> memref<1024xf32, #tpu.memory_space<hbm>>
        %dma_start3A_788 = tpu.memref_slice %arg13[%dma_start3A_783] : memref<2x!tpu.dma_semaphore, #tpu.memory_space<semaphore_mem>> -> memref<1x!tpu.dma_semaphore, #tpu.memory_space<semaphore_mem>>
        %dma_start3A_789 = tpu.memref_squeeze %dma_start3A_788 : memref<1x!tpu.dma_semaphore, #tpu.memory_space<semaphore_mem>> -> memref<!tpu.dma_semaphore, #tpu.memory_space<semaphore_mem>>
        %dma_start3A_790 = tpu.memref_slice %arg5[%mul3A_781] : memref<104857600xf32, #tpu.memory_space<hbm>> -> memref<1024xf32, #tpu.memory_space<hbm>>
        %dma_start3A_791 = arith.constant 0 : i32
        %dma_start3A_792 = tpu.memref_slice %arg10[%dma_start3A_782, %dma_start3A_791] : memref<2x4096xf32, #tpu.memory_space<vmem>> -> memref<1x1024xf32, #tpu.memory_space<vmem>>
        %dma_start3A_793 = tpu.memref_squeeze %dma_start3A_792 : memref<1x1024xf32, #tpu.memory_space<vmem>> -> memref<1024xf32, #tpu.memory_space<vmem>>
        tpu.enqueue_dma source(%dma_start3A_793 : memref<1024xf32, #tpu.memory_space<vmem>>) target(%dma_start3A_790 : memref<1024xf32, #tpu.memory_space<hbm>>) target_semaphore(%dma_start3A_789 : memref<!tpu.dma_semaphore, #tpu.memory_space<semaphore_mem>>)
        %add3A_794 = arith.addi %mul3A_2, %sub3A_617 : i32
        %jit3A_795 = arith.constant 128 : i32
        %div3A_796 = arith.divsi %add3A_794, %jit3A_795 : i32
        %sign3A_797 = arith.constant 0 : i32
        %sign3A_798 = arith.cmpi sgt, %add3A_794, %sign3A_797 : i32
        %sign3A_799 = arith.extui %sign3A_798 : i1 to i32
        %sign3A_800 = arith.constant 0 : i32
        %sign3A_801 = arith.cmpi slt, %add3A_794, %sign3A_800 : i32
        %sign3A_802 = arith.extui %sign3A_801 : i1 to i32
        %sign3A_803 = arith.subi %sign3A_799, %sign3A_802 : i32
        %sign3A_804 = arith.constant 0 : i32
        %sign3A_805 = arith.cmpi sgt, %jit3A_795, %sign3A_804 : i32
        %sign3A_806 = arith.extui %sign3A_805 : i1 to i32
        %sign3A_807 = arith.constant 0 : i32
        %sign3A_808 = arith.cmpi slt, %jit3A_795, %sign3A_807 : i32
        %sign3A_809 = arith.extui %sign3A_808 : i1 to i32
        %sign3A_810 = arith.subi %sign3A_806, %sign3A_809 : i32
        %ne3A_811 = arith.cmpi ne, %sign3A_803, %sign3A_810 : i32
        %rem3A_812 = arith.remsi %add3A_794, %jit3A_795 : i32
        %ne3A_813 = arith.constant 0 : i32
        %ne3A_814 = arith.cmpi ne, %rem3A_812, %ne3A_813 : i32
        %and3A_815 = arith.andi %ne3A_811, %ne3A_814 : i1
        %sub3A_816 = arith.constant 1 : i32
        %sub3A_817 = arith.subi %div3A_796, %sub3A_816 : i32
        %select_n3A_818 = arith.select %and3A_815, %sub3A_817, %div3A_796 : i32
        %jit3A_819 = arith.constant 128 : i32
        %eq3A_820 = arith.constant 0 : i32
        %eq3A_821 = arith.cmpi eq, %jit3A_819, %eq3A_820 : i32
        %jit3A_822 = arith.constant 1 : i32
        %select_n3A_823 = arith.select %eq3A_821, %jit3A_822, %jit3A_819 : i32
        %rem3A_824 = arith.remsi %add3A_794, %select_n3A_823 : i32
        %ne3A_825 = arith.constant 0 : i32
        %ne3A_826 = arith.cmpi ne, %rem3A_824, %ne3A_825 : i32
        %lt3A_827 = arith.constant 0 : i32
        %lt3A_828 = arith.cmpi slt, %rem3A_824, %lt3A_827 : i32
        %lt3A_829 = arith.constant 0 : i32
        %lt3A_830 = arith.cmpi slt, %select_n3A_823, %lt3A_829 : i32
        %ne3A_831 = arith.xori %lt3A_828, %lt3A_830 : i1
        %and3A_832 = arith.andi %ne3A_831, %ne3A_826 : i1
        %add3A_833 = arith.addi %rem3A_824, %select_n3A_823 : i32
        %select_n3A_834 = arith.select %and3A_832, %add3A_833, %rem3A_824 : i32
        %mul3A_835 = arith.constant 4 : i32
        %mul3A_836 = arith.muli %select_n3A_818, %mul3A_835 : i32
        %add3A_837 = arith.constant 1 : i32
        %add3A_838 = arith.addi %mul3A_836, %add3A_837 : i32
        %mul3A_839 = arith.constant 128 : i32
        %mul3A_840 = arith.muli %add3A_838, %mul3A_839 : i32
        %add3A_841 = arith.addi %mul3A_840, %select_n3A_834 : i32
        %mul3A_842 = arith.constant 1024 : i32
        %mul3A_843 = arith.muli %add3A_841, %mul3A_842 : i32
        %dma_start3A_844 = arith.constant 1 : i32
        %dma_start3A_845 = arith.constant 1 : i32
        %dma_start3A_846 = arith.constant 1024 : i32
        %dma_start3A_847 = tpu.memref_slice %arg10[%dma_start3A_844, %dma_start3A_846] : memref<2x4096xf32, #tpu.memory_space<vmem>> -> memref<1x1024xf32, #tpu.memory_space<vmem>>
        %dma_start3A_848 = tpu.memref_squeeze %dma_start3A_847 : memref<1x1024xf32, #tpu.memory_space<vmem>> -> memref<1024xf32, #tpu.memory_space<vmem>>
        %dma_start3A_849 = tpu.memref_slice %arg5[%mul3A_843] : memref<104857600xf32, #tpu.memory_space<hbm>> -> memref<1024xf32, #tpu.memory_space<hbm>>
        %dma_start3A_850 = tpu.memref_slice %arg13[%dma_start3A_845] : memref<2x!tpu.dma_semaphore, #tpu.memory_space<semaphore_mem>> -> memref<1x!tpu.dma_semaphore, #tpu.memory_space<semaphore_mem>>
        %dma_start3A_851 = tpu.memref_squeeze %dma_start3A_850 : memref<1x!tpu.dma_semaphore, #tpu.memory_space<semaphore_mem>> -> memref<!tpu.dma_semaphore, #tpu.memory_space<semaphore_mem>>
        %dma_start3A_852 = tpu.memref_slice %arg5[%mul3A_843] : memref<104857600xf32, #tpu.memory_space<hbm>> -> memref<1024xf32, #tpu.memory_space<hbm>>
        %dma_start3A_853 = arith.constant 1024 : i32
        %dma_start3A_854 = tpu.memref_slice %arg10[%dma_start3A_844, %dma_start3A_853] : memref<2x4096xf32, #tpu.memory_space<vmem>> -> memref<1x1024xf32, #tpu.memory_space<vmem>>
        %dma_start3A_855 = tpu.memref_squeeze %dma_start3A_854 : memref<1x1024xf32, #tpu.memory_space<vmem>> -> memref<1024xf32, #tpu.memory_space<vmem>>
        tpu.enqueue_dma source(%dma_start3A_855 : memref<1024xf32, #tpu.memory_space<vmem>>) target(%dma_start3A_852 : memref<1024xf32, #tpu.memory_space<hbm>>) target_semaphore(%dma_start3A_851 : memref<!tpu.dma_semaphore, #tpu.memory_space<semaphore_mem>>)
        %add3A_856 = arith.addi %mul3A_2, %sub3A_617 : i32
        %jit3A_857 = arith.constant 128 : i32
        %div3A_858 = arith.divsi %add3A_856, %jit3A_857 : i32
        %sign3A_859 = arith.constant 0 : i32
        %sign3A_860 = arith.cmpi sgt, %add3A_856, %sign3A_859 : i32
        %sign3A_861 = arith.extui %sign3A_860 : i1 to i32
        %sign3A_862 = arith.constant 0 : i32
        %sign3A_863 = arith.cmpi slt, %add3A_856, %sign3A_862 : i32
        %sign3A_864 = arith.extui %sign3A_863 : i1 to i32
        %sign3A_865 = arith.subi %sign3A_861, %sign3A_864 : i32
        %sign3A_866 = arith.constant 0 : i32
        %sign3A_867 = arith.cmpi sgt, %jit3A_857, %sign3A_866 : i32
        %sign3A_868 = arith.extui %sign3A_867 : i1 to i32
        %sign3A_869 = arith.constant 0 : i32
        %sign3A_870 = arith.cmpi slt, %jit3A_857, %sign3A_869 : i32
        %sign3A_871 = arith.extui %sign3A_870 : i1 to i32
        %sign3A_872 = arith.subi %sign3A_868, %sign3A_871 : i32
        %ne3A_873 = arith.cmpi ne, %sign3A_865, %sign3A_872 : i32
        %rem3A_874 = arith.remsi %add3A_856, %jit3A_857 : i32
        %ne3A_875 = arith.constant 0 : i32
        %ne3A_876 = arith.cmpi ne, %rem3A_874, %ne3A_875 : i32
        %and3A_877 = arith.andi %ne3A_873, %ne3A_876 : i1
        %sub3A_878 = arith.constant 1 : i32
        %sub3A_879 = arith.subi %div3A_858, %sub3A_878 : i32
        %select_n3A_880 = arith.select %and3A_877, %sub3A_879, %div3A_858 : i32
        %jit3A_881 = arith.constant 128 : i32
        %eq3A_882 = arith.constant 0 : i32
        %eq3A_883 = arith.cmpi eq, %jit3A_881, %eq3A_882 : i32
        %jit3A_884 = arith.constant 1 : i32
        %select_n3A_885 = arith.select %eq3A_883, %jit3A_884, %jit3A_881 : i32
        %rem3A_886 = arith.remsi %add3A_856, %select_n3A_885 : i32
        %ne3A_887 = arith.constant 0 : i32
        %ne3A_888 = arith.cmpi ne, %rem3A_886, %ne3A_887 : i32
        %lt3A_889 = arith.constant 0 : i32
        %lt3A_890 = arith.cmpi slt, %rem3A_886, %lt3A_889 : i32
        %lt3A_891 = arith.constant 0 : i32
        %lt3A_892 = arith.cmpi slt, %select_n3A_885, %lt3A_891 : i32
        %ne3A_893 = arith.xori %lt3A_890, %lt3A_892 : i1
        %and3A_894 = arith.andi %ne3A_893, %ne3A_888 : i1
        %add3A_895 = arith.addi %rem3A_886, %select_n3A_885 : i32
        %select_n3A_896 = arith.select %and3A_894, %add3A_895, %rem3A_886 : i32
        %mul3A_897 = arith.constant 4 : i32
        %mul3A_898 = arith.muli %select_n3A_880, %mul3A_897 : i32
        %add3A_899 = arith.constant 2 : i32
        %add3A_900 = arith.addi %mul3A_898, %add3A_899 : i32
        %mul3A_901 = arith.constant 128 : i32
        %mul3A_902 = arith.muli %add3A_900, %mul3A_901 : i32
        %add3A_903 = arith.addi %mul3A_902, %select_n3A_896 : i32
        %mul3A_904 = arith.constant 1024 : i32
        %mul3A_905 = arith.muli %add3A_903, %mul3A_904 : i32
        %dma_start3A_906 = arith.constant 1 : i32
        %dma_start3A_907 = arith.constant 1 : i32
        %dma_start3A_908 = arith.constant 2048 : i32
        %dma_start3A_909 = tpu.memref_slice %arg10[%dma_start3A_906, %dma_start3A_908] : memref<2x4096xf32, #tpu.memory_space<vmem>> -> memref<1x1024xf32, #tpu.memory_space<vmem>>
        %dma_start3A_910 = tpu.memref_squeeze %dma_start3A_909 : memref<1x1024xf32, #tpu.memory_space<vmem>> -> memref<1024xf32, #tpu.memory_space<vmem>>
        %dma_start3A_911 = tpu.memref_slice %arg5[%mul3A_905] : memref<104857600xf32, #tpu.memory_space<hbm>> -> memref<1024xf32, #tpu.memory_space<hbm>>
        %dma_start3A_912 = tpu.memref_slice %arg13[%dma_start3A_907] : memref<2x!tpu.dma_semaphore, #tpu.memory_space<semaphore_mem>> -> memref<1x!tpu.dma_semaphore, #tpu.memory_space<semaphore_mem>>
        %dma_start3A_913 = tpu.memref_squeeze %dma_start3A_912 : memref<1x!tpu.dma_semaphore, #tpu.memory_space<semaphore_mem>> -> memref<!tpu.dma_semaphore, #tpu.memory_space<semaphore_mem>>
        %dma_start3A_914 = tpu.memref_slice %arg5[%mul3A_905] : memref<104857600xf32, #tpu.memory_space<hbm>> -> memref<1024xf32, #tpu.memory_space<hbm>>
        %dma_start3A_915 = arith.constant 2048 : i32
        %dma_start3A_916 = tpu.memref_slice %arg10[%dma_start3A_906, %dma_start3A_915] : memref<2x4096xf32, #tpu.memory_space<vmem>> -> memref<1x1024xf32, #tpu.memory_space<vmem>>
        %dma_start3A_917 = tpu.memref_squeeze %dma_start3A_916 : memref<1x1024xf32, #tpu.memory_space<vmem>> -> memref<1024xf32, #tpu.memory_space<vmem>>
        tpu.enqueue_dma source(%dma_start3A_917 : memref<1024xf32, #tpu.memory_space<vmem>>) target(%dma_start3A_914 : memref<1024xf32, #tpu.memory_space<hbm>>) target_semaphore(%dma_start3A_913 : memref<!tpu.dma_semaphore, #tpu.memory_space<semaphore_mem>>)
        %add3A_918 = arith.addi %mul3A_2, %sub3A_617 : i32
        %jit3A_919 = arith.constant 128 : i32
        %div3A_920 = arith.divsi %add3A_918, %jit3A_919 : i32
        %sign3A_921 = arith.constant 0 : i32
        %sign3A_922 = arith.cmpi sgt, %add3A_918, %sign3A_921 : i32
        %sign3A_923 = arith.extui %sign3A_922 : i1 to i32
        %sign3A_924 = arith.constant 0 : i32
        %sign3A_925 = arith.cmpi slt, %add3A_918, %sign3A_924 : i32
        %sign3A_926 = arith.extui %sign3A_925 : i1 to i32
        %sign3A_927 = arith.subi %sign3A_923, %sign3A_926 : i32
        %sign3A_928 = arith.constant 0 : i32
        %sign3A_929 = arith.cmpi sgt, %jit3A_919, %sign3A_928 : i32
        %sign3A_930 = arith.extui %sign3A_929 : i1 to i32
        %sign3A_931 = arith.constant 0 : i32
        %sign3A_932 = arith.cmpi slt, %jit3A_919, %sign3A_931 : i32
        %sign3A_933 = arith.extui %sign3A_932 : i1 to i32
        %sign3A_934 = arith.subi %sign3A_930, %sign3A_933 : i32
        %ne3A_935 = arith.cmpi ne, %sign3A_927, %sign3A_934 : i32
        %rem3A_936 = arith.remsi %add3A_918, %jit3A_919 : i32
        %ne3A_937 = arith.constant 0 : i32
        %ne3A_938 = arith.cmpi ne, %rem3A_936, %ne3A_937 : i32
        %and3A_939 = arith.andi %ne3A_935, %ne3A_938 : i1
        %sub3A_940 = arith.constant 1 : i32
        %sub3A_941 = arith.subi %div3A_920, %sub3A_940 : i32
        %select_n3A_942 = arith.select %and3A_939, %sub3A_941, %div3A_920 : i32
        %jit3A_943 = arith.constant 128 : i32
        %eq3A_944 = arith.constant 0 : i32
        %eq3A_945 = arith.cmpi eq, %jit3A_943, %eq3A_944 : i32
        %jit3A_946 = arith.constant 1 : i32
        %select_n3A_947 = arith.select %eq3A_945, %jit3A_946, %jit3A_943 : i32
        %rem3A_948 = arith.remsi %add3A_918, %select_n3A_947 : i32
        %ne3A_949 = arith.constant 0 : i32
        %ne3A_950 = arith.cmpi ne, %rem3A_948, %ne3A_949 : i32
        %lt3A_951 = arith.constant 0 : i32
        %lt3A_952 = arith.cmpi slt, %rem3A_948, %lt3A_951 : i32
        %lt3A_953 = arith.constant 0 : i32
        %lt3A_954 = arith.cmpi slt, %select_n3A_947, %lt3A_953 : i32
        %ne3A_955 = arith.xori %lt3A_952, %lt3A_954 : i1
        %and3A_956 = arith.andi %ne3A_955, %ne3A_950 : i1
        %add3A_957 = arith.addi %rem3A_948, %select_n3A_947 : i32
        %select_n3A_958 = arith.select %and3A_956, %add3A_957, %rem3A_948 : i32
        %mul3A_959 = arith.constant 4 : i32
        %mul3A_960 = arith.muli %select_n3A_942, %mul3A_959 : i32
        %add3A_961 = arith.constant 3 : i32
        %add3A_962 = arith.addi %mul3A_960, %add3A_961 : i32
        %mul3A_963 = arith.constant 128 : i32
        %mul3A_964 = arith.muli %add3A_962, %mul3A_963 : i32
        %add3A_965 = arith.addi %mul3A_964, %select_n3A_958 : i32
        %mul3A_966 = arith.constant 1024 : i32
        %mul3A_967 = arith.muli %add3A_965, %mul3A_966 : i32
        %dma_start3A_968 = arith.constant 1 : i32
        %dma_start3A_969 = arith.constant 1 : i32
        %dma_start3A_970 = arith.constant 3072 : i32
        %dma_start3A_971 = tpu.memref_slice %arg10[%dma_start3A_968, %dma_start3A_970] : memref<2x4096xf32, #tpu.memory_space<vmem>> -> memref<1x1024xf32, #tpu.memory_space<vmem>>
        %dma_start3A_972 = tpu.memref_squeeze %dma_start3A_971 : memref<1x1024xf32, #tpu.memory_space<vmem>> -> memref<1024xf32, #tpu.memory_space<vmem>>
        %dma_start3A_973 = tpu.memref_slice %arg5[%mul3A_967] : memref<104857600xf32, #tpu.memory_space<hbm>> -> memref<1024xf32, #tpu.memory_space<hbm>>
        %dma_start3A_974 = tpu.memref_slice %arg13[%dma_start3A_969] : memref<2x!tpu.dma_semaphore, #tpu.memory_space<semaphore_mem>> -> memref<1x!tpu.dma_semaphore, #tpu.memory_space<semaphore_mem>>
        %dma_start3A_975 = tpu.memref_squeeze %dma_start3A_974 : memref<1x!tpu.dma_semaphore, #tpu.memory_space<semaphore_mem>> -> memref<!tpu.dma_semaphore, #tpu.memory_space<semaphore_mem>>
        %dma_start3A_976 = tpu.memref_slice %arg5[%mul3A_967] : memref<104857600xf32, #tpu.memory_space<hbm>> -> memref<1024xf32, #tpu.memory_space<hbm>>
        %dma_start3A_977 = arith.constant 3072 : i32
        %dma_start3A_978 = tpu.memref_slice %arg10[%dma_start3A_968, %dma_start3A_977] : memref<2x4096xf32, #tpu.memory_space<vmem>> -> memref<1x1024xf32, #tpu.memory_space<vmem>>
        %dma_start3A_979 = tpu.memref_squeeze %dma_start3A_978 : memref<1x1024xf32, #tpu.memory_space<vmem>> -> memref<1024xf32, #tpu.memory_space<vmem>>
        tpu.enqueue_dma source(%dma_start3A_979 : memref<1024xf32, #tpu.memory_space<vmem>>) target(%dma_start3A_976 : memref<1024xf32, #tpu.memory_space<hbm>>) target_semaphore(%dma_start3A_975 : memref<!tpu.dma_semaphore, #tpu.memory_space<semaphore_mem>>)
      } else {
      }
      %add3A_626 = arith.constant 3 : i32
      %add3A_627 = arith.addi %add3A_541, %add3A_626 : i32
      %lt3A_628 = arith.constant 800 : i32
      %lt3A_629 = arith.cmpi slt, %add3A_627, %lt3A_628 : i32
      %convert_element_type3A_630 = arith.extui %lt3A_629 : i1 to i32
      %cond3A_631 = arith.constant 0 : i32
      %cond3A_632 = arith.cmpi ne, %convert_element_type3A_630, %cond3A_631 : i32
      scf.if %cond3A_632 {
        %add3A_655 = arith.addi %mul3A_2, %add3A_627 : i32
        %mul3A_656 = arith.constant 128 : i32
        %mul3A_657 = arith.muli %add3A_655, %mul3A_656 : i32
        %dma_wait3A_658 = arith.constant 0 : i32
        %dma_wait3A_659 = arith.constant 3 : i32
        %dma_wait3A_660 = arith.constant 3 : i32
        %dma_wait3A_661 = arith.constant 0 : i32
        %dma_wait3A_662 = tpu.memref_slice %arg7[%dma_wait3A_659, %dma_wait3A_661] : memref<4x128xi32, #tpu.memory_space<vmem>> -> memref<1x128xi32, #tpu.memory_space<vmem>>
        %dma_wait3A_663 = tpu.memref_squeeze %dma_wait3A_662 : memref<1x128xi32, #tpu.memory_space<vmem>> -> memref<128xi32, #tpu.memory_space<vmem>>
        %dma_wait3A_664 = tpu.memref_slice %arg4[%dma_wait3A_658, %mul3A_657] : memref<1x3276800xi32, #tpu.memory_space<hbm>> -> memref<1x128xi32, #tpu.memory_space<hbm>>
        %dma_wait3A_665 = tpu.memref_squeeze %dma_wait3A_664 : memref<1x128xi32, #tpu.memory_space<hbm>> -> memref<128xi32, #tpu.memory_space<hbm>>
        %dma_wait3A_666 = tpu.memref_slice %arg11[%dma_wait3A_660] : memref<4x!tpu.dma_semaphore, #tpu.memory_space<semaphore_mem>> -> memref<1x!tpu.dma_semaphore, #tpu.memory_space<semaphore_mem>>
        %dma_wait3A_667 = tpu.memref_squeeze %dma_wait3A_666 : memref<1x!tpu.dma_semaphore, #tpu.memory_space<semaphore_mem>> -> memref<!tpu.dma_semaphore, #tpu.memory_space<semaphore_mem>>
        %dma_wait3A_668 = arith.constant 0 : i32
        %dma_wait3A_669 = tpu.memref_slice %arg7[%dma_wait3A_659, %dma_wait3A_668] : memref<4x128xi32, #tpu.memory_space<vmem>> -> memref<1x128xi32, #tpu.memory_space<vmem>>
        %dma_wait3A_670 = tpu.memref_squeeze %dma_wait3A_669 : memref<1x128xi32, #tpu.memory_space<vmem>> -> memref<128xi32, #tpu.memory_space<vmem>>
        %dma_wait3A_671 = tpu.memref_slice %arg4[%dma_wait3A_658, %mul3A_657] : memref<1x3276800xi32, #tpu.memory_space<hbm>> -> memref<1x128xi32, #tpu.memory_space<hbm>>
        %dma_wait3A_672 = tpu.memref_squeeze %dma_wait3A_671 : memref<1x128xi32, #tpu.memory_space<hbm>> -> memref<128xi32, #tpu.memory_space<hbm>>
        tpu.wait_dma2 semaphore(%dma_wait3A_667 : memref<!tpu.dma_semaphore, #tpu.memory_space<semaphore_mem>>) src(%dma_wait3A_672 : memref<128xi32, #tpu.memory_space<hbm>>) dst(%dma_wait3A_670 : memref<128xi32, #tpu.memory_space<vmem>>)
        %scan3A_673 = arith.constant 0 : i32
        %scan3A_674 = arith.constant 0 : i32
        %scan3A_675 = arith.constant 8 : i32
        %scan3A_676 = arith.addi %scan3A_674, %scan3A_675 : i32
        %scan3A_677 = arith.constant 1 : i32
        %scan3A_678 = scf.for %scan3A_695 = %scan3A_674 to %scan3A_676 step %scan3A_677 iter_args(%scan3A_696 = %scan3A_673) -> (i32)  : i32 {
          %mul3A_697 = arith.constant 16 : i32
          %mul3A_698 = arith.muli %scan3A_695, %mul3A_697 : i32
          %get3A = arith.constant 3 : i32
          %get3A_699 = arith.index_cast %get3A : i32 to index
          %get3A_700 = arith.index_cast %mul3A_698 : i32 to index
          %get3A_701 = tpu.vector_load %arg7[%get3A_699, %get3A_700] {strides = array<i32>} : memref<4x128xi32, #tpu.memory_space<vmem>>, vector<16xi32>,
          %min3A = arith.constant 999991 : i32
          %min3A_702 = vector.broadcast %min3A : i32 to vector<16xi32>
          %min3A_703 = arith.minsi %get3A_701, %min3A_702 : vector<16xi32>
          %mul3A_704 = arith.constant 16 : i32
          %mul3A_705 = arith.muli %scan3A_695, %mul3A_704 : i32
          %swap3A = arith.constant 1 : i32
          %swap3A_706 = arith.index_cast %swap3A : i32 to index
          %swap3A_707 = arith.index_cast %mul3A_705 : i32 to index
          %swap3A_708 = tpu.vector_load %arg8[%swap3A_706, %swap3A_707] {strides = array<i32>} : memref<2x128xi32, #tpu.memory_space<vmem>>, vector<16xi32>,
          tpu.vector_store %arg8[%swap3A_706, %swap3A_707], %min3A_703 {strides = array<i32>} : memref<2x128xi32, #tpu.memory_space<vmem>>, vector<16xi32>,
          %scan3A_709 = arith.constant 0 : i32
          scf.yield %scan3A_709 : i32
        }
        %scan3A_679 = arith.constant 8 : i32
        %dma_start3A_680 = arith.constant 1 : i32
        %dma_start3A_681 = arith.constant 1 : i32
        %dma_start3A_682 = arith.constant 1 : i32
        %dma_start3A_683 = arith.constant 0 : i32
        %dma_start3A_684 = arith.constant 0 : i32
        %dma_start3A_685 = tpu.memref_slice %arg9[%dma_start3A_681, %dma_start3A_683, %dma_start3A_684] : memref<2x128x32xf32, #tpu.memory_space<vmem>> -> memref<1x128x32xf32, #tpu.memory_space<vmem>>
        %dma_start3A_686 = tpu.memref_squeeze %dma_start3A_685 : memref<1x128x32xf32, #tpu.memory_space<vmem>> -> memref<128x32xf32, #tpu.memory_space<vmem>>
        %dma_start3A_687 = arith.constant 0 : i32
        %dma_start3A_688 = tpu.memref_slice %arg8[%dma_start3A_680, %dma_start3A_687] : memref<2x128xi32, #tpu.memory_space<vmem>> -> memref<1x128xi32, #tpu.memory_space<vmem>>
        %dma_start3A_689 = tpu.memref_squeeze %dma_start3A_688 : memref<1x128xi32, #tpu.memory_space<vmem>> -> memref<128xi32, #tpu.memory_space<vmem>>
        %dma_start3A_690 = arith.constant 0 : i32
        %dma_start3A_691 = arith.constant 0 : i32
        %dma_start3A_692 = tpu.memref_slice %arg2[%dma_start3A_690, %dma_start3A_691] : memref<999992x32xf32, #tpu.memory_space<hbm>> -> memref<999992x32xf32, #tpu.memory_space<hbm>>
        %dma_start3A_693 = tpu.memref_slice %arg12[%dma_start3A_682] : memref<2x!tpu.dma_semaphore, #tpu.memory_space<semaphore_mem>> -> memref<1x!tpu.dma_semaphore, #tpu.memory_space<semaphore_mem>>
        %dma_start3A_694 = tpu.memref_squeeze %dma_start3A_693 : memref<1x!tpu.dma_semaphore, #tpu.memory_space<semaphore_mem>> -> memref<!tpu.dma_semaphore, #tpu.memory_space<semaphore_mem>>
        tpu.enqueue_indirect_dma source(%dma_start3A_692 : memref<999992x32xf32, #tpu.memory_space<hbm>>) target(%dma_start3A_686 : memref<128x32xf32, #tpu.memory_space<vmem>>) offsets(%dma_start3A_689 : memref<128xi32, #tpu.memory_space<vmem>>) semaphore(%dma_start3A_694 : memref<!tpu.dma_semaphore, #tpu.memory_space<semaphore_mem>>)
      } else {
      }
      %add3A_633 = arith.constant 2 : i32
      %add3A_634 = arith.addi %add3A_627, %add3A_633 : i32
      %lt3A_635 = arith.constant 800 : i32
      %lt3A_636 = arith.cmpi slt, %add3A_634, %lt3A_635 : i32
      %add3A_637 = arith.constant 2 : i32
      %add3A_638 = arith.addi %add3A_627, %add3A_637 : i32
      %ge3A_639 = arith.constant 2 : i32
      %ge3A_640 = arith.cmpi sge, %add3A_638, %ge3A_639 : i32
      %and3A_641 = arith.andi %lt3A_636, %ge3A_640 : i1
      %convert_element_type3A_642 = arith.extui %and3A_641 : i1 to i32
      %cond3A_643 = arith.constant 0 : i32
      %cond3A_644 = arith.cmpi ne, %convert_element_type3A_642, %cond3A_643 : i32
      scf.if %cond3A_644 {
        %add3A_655 = arith.constant 2 : i32
        %add3A_656 = arith.addi %add3A_627, %add3A_655 : i32
        %add3A_657 = arith.addi %mul3A_2, %add3A_656 : i32
        %mul3A_658 = arith.constant 128 : i32
        %mul3A_659 = arith.muli %add3A_657, %mul3A_658 : i32
        %dma_start3A_660 = arith.constant 0 : i32
        %dma_start3A_661 = arith.constant 1 : i32
        %dma_start3A_662 = arith.constant 1 : i32
        %dma_start3A_663 = arith.constant 0 : i32
        %dma_start3A_664 = tpu.memref_slice %arg7[%dma_start3A_661, %dma_start3A_663] : memref<4x128xi32, #tpu.memory_space<vmem>> -> memref<1x128xi32, #tpu.memory_space<vmem>>
        %dma_start3A_665 = tpu.memref_squeeze %dma_start3A_664 : memref<1x128xi32, #tpu.memory_space<vmem>> -> memref<128xi32, #tpu.memory_space<vmem>>
        %dma_start3A_666 = tpu.memref_slice %arg4[%dma_start3A_660, %mul3A_659] : memref<1x3276800xi32, #tpu.memory_space<hbm>> -> memref<1x128xi32, #tpu.memory_space<hbm>>
        %dma_start3A_667 = tpu.memref_squeeze %dma_start3A_666 : memref<1x128xi32, #tpu.memory_space<hbm>> -> memref<128xi32, #tpu.memory_space<hbm>>
        %dma_start3A_668 = tpu.memref_slice %arg11[%dma_start3A_662] : memref<4x!tpu.dma_semaphore, #tpu.memory_space<semaphore_mem>> -> memref<1x!tpu.dma_semaphore, #tpu.memory_space<semaphore_mem>>
        %dma_start3A_669 = tpu.memref_squeeze %dma_start3A_668 : memref<1x!tpu.dma_semaphore, #tpu.memory_space<semaphore_mem>> -> memref<!tpu.dma_semaphore, #tpu.memory_space<semaphore_mem>>
        %dma_start3A_670 = arith.constant 0 : i32
        %dma_start3A_671 = tpu.memref_slice %arg7[%dma_start3A_661, %dma_start3A_670] : memref<4x128xi32, #tpu.memory_space<vmem>> -> memref<1x128xi32, #tpu.memory_space<vmem>>
        %dma_start3A_672 = tpu.memref_squeeze %dma_start3A_671 : memref<1x128xi32, #tpu.memory_space<vmem>> -> memref<128xi32, #tpu.memory_space<vmem>>
        %dma_start3A_673 = tpu.memref_slice %arg4[%dma_start3A_660, %mul3A_659] : memref<1x3276800xi32, #tpu.memory_space<hbm>> -> memref<1x128xi32, #tpu.memory_space<hbm>>
        %dma_start3A_674 = tpu.memref_squeeze %dma_start3A_673 : memref<1x128xi32, #tpu.memory_space<hbm>> -> memref<128xi32, #tpu.memory_space<hbm>>
        tpu.enqueue_dma source(%dma_start3A_674 : memref<128xi32, #tpu.memory_space<hbm>>) target(%dma_start3A_672 : memref<128xi32, #tpu.memory_space<vmem>>) target_semaphore(%dma_start3A_669 : memref<!tpu.dma_semaphore, #tpu.memory_space<semaphore_mem>>)
      } else {
      }
      %sub3A_645 = arith.constant 1 : i32
      %sub3A_646 = arith.subi %add3A_627, %sub3A_645 : i32
      %ge3A_647 = arith.constant 0 : i32
      %ge3A_648 = arith.cmpi sge, %sub3A_646, %ge3A_647 : i32
      %lt3A_649 = arith.constant 800 : i32
      %lt3A_650 = arith.cmpi slt, %sub3A_646, %lt3A_649 : i32
      %and3A_651 = arith.andi %ge3A_648, %lt3A_650 : i1
      %convert_element_type3A_652 = arith.extui %and3A_651 : i1 to i32
      %cond3A_653 = arith.constant 0 : i32
      %cond3A_654 = arith.cmpi ne, %convert_element_type3A_652, %cond3A_653 : i32
      scf.if %cond3A_654 {
        %ge3A_655 = arith.constant 2 : i32
        %ge3A_656 = arith.cmpi sge, %sub3A_646, %ge3A_655 : i32
        %dma_wait3A_657 = arith.constant 0 : i32
        %dma_wait3A_658 = arith.constant 0 : i32
        %dma_wait3A_659 = arith.constant 0 : i32
        %dma_wait3A_660 = arith.constant 0 : i32
        %dma_wait3A_661 = arith.constant 0 : i32
        %dma_wait3A_662 = tpu.memref_slice %arg9[%dma_wait3A_658, %dma_wait3A_660, %dma_wait3A_661] : memref<2x128x32xf32, #tpu.memory_space<vmem>> -> memref<1x128x32xf32, #tpu.memory_space<vmem>>
        %dma_wait3A_663 = tpu.memref_squeeze %dma_wait3A_662 : memref<1x128x32xf32, #tpu.memory_space<vmem>> -> memref<128x32xf32, #tpu.memory_space<vmem>>
        %dma_wait3A_664 = arith.constant 0 : i32
        %dma_wait3A_665 = tpu.memref_slice %arg8[%dma_wait3A_657, %dma_wait3A_664] : memref<2x128xi32, #tpu.memory_space<vmem>> -> memref<1x128xi32, #tpu.memory_space<vmem>>
        %dma_wait3A_666 = tpu.memref_squeeze %dma_wait3A_665 : memref<1x128xi32, #tpu.memory_space<vmem>> -> memref<128xi32, #tpu.memory_space<vmem>>
        %dma_wait3A_667 = arith.constant 0 : i32
        %dma_wait3A_668 = arith.constant 0 : i32
        %dma_wait3A_669 = tpu.memref_slice %arg2[%dma_wait3A_667, %dma_wait3A_668] : memref<999992x32xf32, #tpu.memory_space<hbm>> -> memref<999992x32xf32, #tpu.memory_space<hbm>>
        %dma_wait3A_670 = tpu.memref_slice %arg12[%dma_wait3A_659] : memref<2x!tpu.dma_semaphore, #tpu.memory_space<semaphore_mem>> -> memref<1x!tpu.dma_semaphore, #tpu.memory_space<semaphore_mem>>
        %dma_wait3A_671 = tpu.memref_squeeze %dma_wait3A_670 : memref<1x!tpu.dma_semaphore, #tpu.memory_space<semaphore_mem>> -> memref<!tpu.dma_semaphore, #tpu.memory_space<semaphore_mem>>
        tpu.wait_indirect_dma semaphore(%dma_wait3A_671 : memref<!tpu.dma_semaphore, #tpu.memory_space<semaphore_mem>>) src(%dma_wait3A_669 : memref<999992x32xf32, #tpu.memory_space<hbm>>) dst(%dma_wait3A_663 : memref<128x32xf32, #tpu.memory_space<vmem>>)
        %broadcast_in_dim3A = arith.constant 0 : i32
        %broadcast_in_dim3A_672 = vector.broadcast %broadcast_in_dim3A : i32 to vector<16xi32>
        %scan3A_673 = arith.constant 0 : i32
        %scan3A_674 = arith.constant 8 : i32
        %scan3A_675 = arith.addi %scan3A_673, %scan3A_674 : i32
        %scan3A_676 = arith.constant 1 : i32
        %scan3A_677 = scf.for %scan3A_980 = %scan3A_673 to %scan3A_675 step %scan3A_676 iter_args(%scan3A_981 = %broadcast_in_dim3A_672) -> (vector<16xi32>)  : i32 {
          %mul3A_982 = arith.constant 16 : i32
          %mul3A_983 = arith.muli %scan3A_980, %mul3A_982 : i32
          %get3A = arith.constant 2 : i32
          %get3A_984 = arith.index_cast %get3A : i32 to index
          %get3A_985 = arith.index_cast %mul3A_983 : i32 to index
          %get3A_986 = tpu.vector_load %arg7[%get3A_984, %get3A_985] {strides = array<i32>} : memref<4x128xi32, #tpu.memory_space<vmem>>, vector<16xi32>,
          %max3A = arith.maxsi %scan3A_981, %get3A_986 : vector<16xi32>
          scf.yield %max3A : vector<16xi32>
        }
        %scan3A_678 = arith.constant 8 : i32
        %reduce_max3A = arith.constant true
        %reduce_max3A_679 = vector.broadcast %reduce_max3A : i1 to vector<16xi1>
        %reduce_max3A_680 = arith.constant -2147483648 : i32
        %reduce_max3A_681 = vector.broadcast %reduce_max3A_680 : i32 to vector<16xi32>
        %reduce_max3A_682 = arith.xori %scan3A_677, %reduce_max3A_681 : vector<16xi32>
        %reduce_max3A_683 = tpu.scan <max>, %reduce_max3A_682 masked %reduce_max3A_679 : vector<16xi32>, vector<16xi1> -> vector<16xi32>
        %reduce_max3A_684 = arith.xori %reduce_max3A_683, %reduce_max3A_681 : vector<16xi32>
        %reduce_max3A_685 = vector.extract %reduce_max3A_684[15] : i32 from vector<16xi32>
        %ge3A_686 = arith.constant 999992 : i32
        %ge3A_687 = arith.cmpi sge, %reduce_max3A_685, %ge3A_686 : i32
        %convert_element_type3A_688 = arith.extui %ge3A_687 : i1 to i32
        %cond3A_689 = arith.constant 0 : i32
        %cond3A_690 = arith.cmpi ne, %convert_element_type3A_688, %cond3A_689 : i32
        scf.if %cond3A_690 {
          %scan3A_980 = arith.constant 0 : i32
          %scan3A_981 = arith.constant 0 : i32
          %scan3A_982 = arith.constant 8 : i32
          %scan3A_983 = arith.addi %scan3A_981, %scan3A_982 : i32
          %scan3A_984 = arith.constant 1 : i32
          %scan3A_985 = scf.for %scan3A_987 = %scan3A_981 to %scan3A_983 step %scan3A_984 iter_args(%scan3A_988 = %scan3A_980) -> (i32)  : i32 {
            %mul3A_989 = arith.constant 16 : i32
            %mul3A_990 = arith.muli %scan3A_987, %mul3A_989 : i32
            %get3A = arith.constant 2 : i32
            %get3A_991 = arith.index_cast %get3A : i32 to index
            %get3A_992 = arith.index_cast %mul3A_990 : i32 to index
            %get3A_993 = tpu.vector_load %arg7[%get3A_991, %get3A_992] {strides = array<i32>} : memref<4x128xi32, #tpu.memory_space<vmem>>, vector<16xi32>,
            %ge3A_994 = arith.constant 999992 : i32
            %ge3A_995 = vector.broadcast %ge3A_994 : i32 to vector<16xi32>
            %ge3A_996 = arith.cmpi sge, %get3A_993, %ge3A_995 : vector<16xi32>
            %sub3A_997 = arith.constant 999992 : i32
            %sub3A_998 = vector.broadcast %sub3A_997 : i32 to vector<16xi32>
            %sub3A_999 = arith.subi %get3A_993, %sub3A_998 : vector<16xi32>
            %jit3A_1000 = arith.constant 0 : i32
            %jit3A_1001 = arith.constant 7 : i32
            %max3A = vector.broadcast %jit3A_1000 : i32 to vector<16xi32>
            %max3A_1002 = arith.maxsi %max3A, %sub3A_999 : vector<16xi32>
            %min3A = vector.broadcast %jit3A_1001 : i32 to vector<16xi32>
            %min3A_1003 = arith.minsi %min3A, %max3A_1002 : vector<16xi32>
            %iota3A_1004 = tpu.iota {dimensions = array<i32: 0>} : vector<16xi32>
            %mul3A_1005 = arith.constant 16 : i32
            %mul3A_1006 = arith.muli %scan3A_987, %mul3A_1005 : i32
            %add3A_1007 = vector.broadcast %mul3A_1006 : i32 to vector<16xi32>
            %add3A_1008 = arith.addi %iota3A_1004, %add3A_1007 : vector<16xi32>
            %scan3A_1009 = arith.constant 0 : i32
            %scan3A_1010 = arith.constant 0 : i32
            %scan3A_1011 = arith.constant 32 : i32
            %scan3A_1012 = arith.addi %scan3A_1010, %scan3A_1011 : i32
            %scan3A_1013 = arith.constant 1 : i32
            %scan3A_1014 = scf.for %scan3A_1016 = %scan3A_1010 to %scan3A_1012 step %scan3A_1013 iter_args(%scan3A_1017 = %scan3A_1009) -> (i32)  : i32 {
              %broadcast_in_dim3A_1018 = arith.constant 0 : i32
              %broadcast_in_dim3A_1019 = vector.broadcast %broadcast_in_dim3A_1018 : i32 to vector<16xi32>
              %add3A_1020 = vector.broadcast %scan3A_1016 : i32 to vector<16xi32>
              %add3A_1021 = arith.addi %broadcast_in_dim3A_1019, %add3A_1020 : vector<16xi32>
              %gather3A = tpu.vector_load_idx %arg6[%min3A_1003, %add3A_1021] masked %ge3A_996 : memref<8x32xf32, #tpu.memory_space<vmem>>[vector<16xi32>, vector<16xi32>], vector<16xf32>, vector<16xi1>
              %scatter3A = arith.constant 0 : i32
              %scatter3A_1022 = arith.constant 0 : i32
              %scatter3A_1023 = arith.constant 0 : i32
              %scatter3A_1024 = tpu.memref_slice %arg9[%scatter3A, %scatter3A_1022, %scatter3A_1023] : memref<2x128x32xf32, #tpu.memory_space<vmem>> -> memref<1x128x32xf32, #tpu.memory_space<vmem>>
              %scatter3A_1025 = tpu.memref_squeeze %scatter3A_1024 : memref<1x128x32xf32, #tpu.memory_space<vmem>> -> memref<128x32xf32, #tpu.memory_space<vmem>>
              tpu.vector_store_idx %scatter3A_1025[%add3A_1008, %add3A_1021], %gather3A masked %ge3A_996 : memref<128x32xf32, #tpu.memory_space<vmem>>[vector<16xi32>, vector<16xi32>], vector<16xf32>, vector<16xi1>
              %scan3A_1026 = arith.constant 0 : i32
              scf.yield %scan3A_1026 : i32
            }
            %scan3A_1015 = arith.constant 32 : i32
            scf.yield %scan3A_1014 : i32
          }
          %scan3A_986 = arith.constant 8 : i32
        } else {
        }
        %convert_element_type3A_691 = arith.extui %ge3A_656 : i1 to i32
        %cond3A_692 = arith.constant 0 : i32
        %cond3A_693 = arith.cmpi ne, %convert_element_type3A_691, %cond3A_692 : i32
        scf.if %cond3A_693 {
          %sub3A_980 = arith.constant 2 : i32
          %sub3A_981 = arith.subi %sub3A_646, %sub3A_980 : i32
          %add3A_982 = arith.addi %mul3A_2, %sub3A_981 : i32
          %jit3A_983 = arith.constant 128 : i32
          %div3A_984 = arith.divsi %add3A_982, %jit3A_983 : i32
          %sign3A_985 = arith.constant 0 : i32
          %sign3A_986 = arith.cmpi sgt, %add3A_982, %sign3A_985 : i32
          %sign3A_987 = arith.extui %sign3A_986 : i1 to i32
          %sign3A_988 = arith.constant 0 : i32
          %sign3A_989 = arith.cmpi slt, %add3A_982, %sign3A_988 : i32
          %sign3A_990 = arith.extui %sign3A_989 : i1 to i32
          %sign3A_991 = arith.subi %sign3A_987, %sign3A_990 : i32
          %sign3A_992 = arith.constant 0 : i32
          %sign3A_993 = arith.cmpi sgt, %jit3A_983, %sign3A_992 : i32
          %sign3A_994 = arith.extui %sign3A_993 : i1 to i32
          %sign3A_995 = arith.constant 0 : i32
          %sign3A_996 = arith.cmpi slt, %jit3A_983, %sign3A_995 : i32
          %sign3A_997 = arith.extui %sign3A_996 : i1 to i32
          %sign3A_998 = arith.subi %sign3A_994, %sign3A_997 : i32
          %ne3A_999 = arith.cmpi ne, %sign3A_991, %sign3A_998 : i32
          %rem3A_1000 = arith.remsi %add3A_982, %jit3A_983 : i32
          %ne3A_1001 = arith.constant 0 : i32
          %ne3A_1002 = arith.cmpi ne, %rem3A_1000, %ne3A_1001 : i32
          %and3A_1003 = arith.andi %ne3A_999, %ne3A_1002 : i1
          %sub3A_1004 = arith.constant 1 : i32
          %sub3A_1005 = arith.subi %div3A_984, %sub3A_1004 : i32
          %select_n3A_1006 = arith.select %and3A_1003, %sub3A_1005, %div3A_984 : i32
          %jit3A_1007 = arith.constant 128 : i32
          %eq3A_1008 = arith.constant 0 : i32
          %eq3A_1009 = arith.cmpi eq, %jit3A_1007, %eq3A_1008 : i32
          %jit3A_1010 = arith.constant 1 : i32
          %select_n3A_1011 = arith.select %eq3A_1009, %jit3A_1010, %jit3A_1007 : i32
          %rem3A_1012 = arith.remsi %add3A_982, %select_n3A_1011 : i32
          %ne3A_1013 = arith.constant 0 : i32
          %ne3A_1014 = arith.cmpi ne, %rem3A_1012, %ne3A_1013 : i32
          %lt3A_1015 = arith.constant 0 : i32
          %lt3A_1016 = arith.cmpi slt, %rem3A_1012, %lt3A_1015 : i32
          %lt3A_1017 = arith.constant 0 : i32
          %lt3A_1018 = arith.cmpi slt, %select_n3A_1011, %lt3A_1017 : i32
          %ne3A_1019 = arith.xori %lt3A_1016, %lt3A_1018 : i1
          %and3A_1020 = arith.andi %ne3A_1019, %ne3A_1014 : i1
          %add3A_1021 = arith.addi %rem3A_1012, %select_n3A_1011 : i32
          %select_n3A_1022 = arith.select %and3A_1020, %add3A_1021, %rem3A_1012 : i32
          %mul3A_1023 = arith.constant 4 : i32
          %mul3A_1024 = arith.muli %select_n3A_1006, %mul3A_1023 : i32
          %add3A_1025 = arith.constant 0 : i32
          %add3A_1026 = arith.addi %mul3A_1024, %add3A_1025 : i32
          %mul3A_1027 = arith.constant 128 : i32
          %mul3A_1028 = arith.muli %add3A_1026, %mul3A_1027 : i32
          %add3A_1029 = arith.addi %mul3A_1028, %select_n3A_1022 : i32
          %mul3A_1030 = arith.constant 1024 : i32
          %mul3A_1031 = arith.muli %add3A_1029, %mul3A_1030 : i32
          %dma_wait3A_1032 = arith.constant 0 : i32
          %dma_wait3A_1033 = arith.constant 0 : i32
          %dma_wait3A_1034 = arith.constant 0 : i32
          %dma_wait3A_1035 = tpu.memref_slice %arg10[%dma_wait3A_1032, %dma_wait3A_1034] : memref<2x4096xf32, #tpu.memory_space<vmem>> -> memref<1x1024xf32, #tpu.memory_space<vmem>>
          %dma_wait3A_1036 = tpu.memref_squeeze %dma_wait3A_1035 : memref<1x1024xf32, #tpu.memory_space<vmem>> -> memref<1024xf32, #tpu.memory_space<vmem>>
          %dma_wait3A_1037 = tpu.memref_slice %arg5[%mul3A_1031] : memref<104857600xf32, #tpu.memory_space<hbm>> -> memref<1024xf32, #tpu.memory_space<hbm>>
          %dma_wait3A_1038 = tpu.memref_slice %arg13[%dma_wait3A_1033] : memref<2x!tpu.dma_semaphore, #tpu.memory_space<semaphore_mem>> -> memref<1x!tpu.dma_semaphore, #tpu.memory_space<semaphore_mem>>
          %dma_wait3A_1039 = tpu.memref_squeeze %dma_wait3A_1038 : memref<1x!tpu.dma_semaphore, #tpu.memory_space<semaphore_mem>> -> memref<!tpu.dma_semaphore, #tpu.memory_space<semaphore_mem>>
          %dma_wait3A_1040 = tpu.memref_slice %arg5[%mul3A_1031] : memref<104857600xf32, #tpu.memory_space<hbm>> -> memref<1024xf32, #tpu.memory_space<hbm>>
          %dma_wait3A_1041 = arith.constant 0 : i32
          %dma_wait3A_1042 = tpu.memref_slice %arg10[%dma_wait3A_1032, %dma_wait3A_1041] : memref<2x4096xf32, #tpu.memory_space<vmem>> -> memref<1x1024xf32, #tpu.memory_space<vmem>>
          %dma_wait3A_1043 = tpu.memref_squeeze %dma_wait3A_1042 : memref<1x1024xf32, #tpu.memory_space<vmem>> -> memref<1024xf32, #tpu.memory_space<vmem>>
          tpu.wait_dma2 semaphore(%dma_wait3A_1039 : memref<!tpu.dma_semaphore, #tpu.memory_space<semaphore_mem>>) src(%dma_wait3A_1043 : memref<1024xf32, #tpu.memory_space<vmem>>) dst(%dma_wait3A_1040 : memref<1024xf32, #tpu.memory_space<hbm>>)
          %sub3A_1044 = arith.constant 2 : i32
          %sub3A_1045 = arith.subi %sub3A_646, %sub3A_1044 : i32
          %add3A_1046 = arith.addi %mul3A_2, %sub3A_1045 : i32
          %jit3A_1047 = arith.constant 128 : i32
          %div3A_1048 = arith.divsi %add3A_1046, %jit3A_1047 : i32
          %sign3A_1049 = arith.constant 0 : i32
          %sign3A_1050 = arith.cmpi sgt, %add3A_1046, %sign3A_1049 : i32
          %sign3A_1051 = arith.extui %sign3A_1050 : i1 to i32
          %sign3A_1052 = arith.constant 0 : i32
          %sign3A_1053 = arith.cmpi slt, %add3A_1046, %sign3A_1052 : i32
          %sign3A_1054 = arith.extui %sign3A_1053 : i1 to i32
          %sign3A_1055 = arith.subi %sign3A_1051, %sign3A_1054 : i32
          %sign3A_1056 = arith.constant 0 : i32
          %sign3A_1057 = arith.cmpi sgt, %jit3A_1047, %sign3A_1056 : i32
          %sign3A_1058 = arith.extui %sign3A_1057 : i1 to i32
          %sign3A_1059 = arith.constant 0 : i32
          %sign3A_1060 = arith.cmpi slt, %jit3A_1047, %sign3A_1059 : i32
          %sign3A_1061 = arith.extui %sign3A_1060 : i1 to i32
          %sign3A_1062 = arith.subi %sign3A_1058, %sign3A_1061 : i32
          %ne3A_1063 = arith.cmpi ne, %sign3A_1055, %sign3A_1062 : i32
          %rem3A_1064 = arith.remsi %add3A_1046, %jit3A_1047 : i32
          %ne3A_1065 = arith.constant 0 : i32
          %ne3A_1066 = arith.cmpi ne, %rem3A_1064, %ne3A_1065 : i32
          %and3A_1067 = arith.andi %ne3A_1063, %ne3A_1066 : i1
          %sub3A_1068 = arith.constant 1 : i32
          %sub3A_1069 = arith.subi %div3A_1048, %sub3A_1068 : i32
          %select_n3A_1070 = arith.select %and3A_1067, %sub3A_1069, %div3A_1048 : i32
          %jit3A_1071 = arith.constant 128 : i32
          %eq3A_1072 = arith.constant 0 : i32
          %eq3A_1073 = arith.cmpi eq, %jit3A_1071, %eq3A_1072 : i32
          %jit3A_1074 = arith.constant 1 : i32
          %select_n3A_1075 = arith.select %eq3A_1073, %jit3A_1074, %jit3A_1071 : i32
          %rem3A_1076 = arith.remsi %add3A_1046, %select_n3A_1075 : i32
          %ne3A_1077 = arith.constant 0 : i32
          %ne3A_1078 = arith.cmpi ne, %rem3A_1076, %ne3A_1077 : i32
          %lt3A_1079 = arith.constant 0 : i32
          %lt3A_1080 = arith.cmpi slt, %rem3A_1076, %lt3A_1079 : i32
          %lt3A_1081 = arith.constant 0 : i32
          %lt3A_1082 = arith.cmpi slt, %select_n3A_1075, %lt3A_1081 : i32
          %ne3A_1083 = arith.xori %lt3A_1080, %lt3A_1082 : i1
          %and3A_1084 = arith.andi %ne3A_1083, %ne3A_1078 : i1
          %add3A_1085 = arith.addi %rem3A_1076, %select_n3A_1075 : i32
          %select_n3A_1086 = arith.select %and3A_1084, %add3A_1085, %rem3A_1076 : i32
          %mul3A_1087 = arith.constant 4 : i32
          %mul3A_1088 = arith.muli %select_n3A_1070, %mul3A_1087 : i32
          %add3A_1089 = arith.constant 1 : i32
          %add3A_1090 = arith.addi %mul3A_1088, %add3A_1089 : i32
          %mul3A_1091 = arith.constant 128 : i32
          %mul3A_1092 = arith.muli %add3A_1090, %mul3A_1091 : i32
          %add3A_1093 = arith.addi %mul3A_1092, %select_n3A_1086 : i32
          %mul3A_1094 = arith.constant 1024 : i32
          %mul3A_1095 = arith.muli %add3A_1093, %mul3A_1094 : i32
          %dma_wait3A_1096 = arith.constant 0 : i32
          %dma_wait3A_1097 = arith.constant 0 : i32
          %dma_wait3A_1098 = arith.constant 1024 : i32
          %dma_wait3A_1099 = tpu.memref_slice %arg10[%dma_wait3A_1096, %dma_wait3A_1098] : memref<2x4096xf32, #tpu.memory_space<vmem>> -> memref<1x1024xf32, #tpu.memory_space<vmem>>
          %dma_wait3A_1100 = tpu.memref_squeeze %dma_wait3A_1099 : memref<1x1024xf32, #tpu.memory_space<vmem>> -> memref<1024xf32, #tpu.memory_space<vmem>>
          %dma_wait3A_1101 = tpu.memref_slice %arg5[%mul3A_1095] : memref<104857600xf32, #tpu.memory_space<hbm>> -> memref<1024xf32, #tpu.memory_space<hbm>>
          %dma_wait3A_1102 = tpu.memref_slice %arg13[%dma_wait3A_1097] : memref<2x!tpu.dma_semaphore, #tpu.memory_space<semaphore_mem>> -> memref<1x!tpu.dma_semaphore, #tpu.memory_space<semaphore_mem>>
          %dma_wait3A_1103 = tpu.memref_squeeze %dma_wait3A_1102 : memref<1x!tpu.dma_semaphore, #tpu.memory_space<semaphore_mem>> -> memref<!tpu.dma_semaphore, #tpu.memory_space<semaphore_mem>>
          %dma_wait3A_1104 = tpu.memref_slice %arg5[%mul3A_1095] : memref<104857600xf32, #tpu.memory_space<hbm>> -> memref<1024xf32, #tpu.memory_space<hbm>>
          %dma_wait3A_1105 = arith.constant 1024 : i32
          %dma_wait3A_1106 = tpu.memref_slice %arg10[%dma_wait3A_1096, %dma_wait3A_1105] : memref<2x4096xf32, #tpu.memory_space<vmem>> -> memref<1x1024xf32, #tpu.memory_space<vmem>>
          %dma_wait3A_1107 = tpu.memref_squeeze %dma_wait3A_1106 : memref<1x1024xf32, #tpu.memory_space<vmem>> -> memref<1024xf32, #tpu.memory_space<vmem>>
          tpu.wait_dma2 semaphore(%dma_wait3A_1103 : memref<!tpu.dma_semaphore, #tpu.memory_space<semaphore_mem>>) src(%dma_wait3A_1107 : memref<1024xf32, #tpu.memory_space<vmem>>) dst(%dma_wait3A_1104 : memref<1024xf32, #tpu.memory_space<hbm>>)
          %sub3A_1108 = arith.constant 2 : i32
          %sub3A_1109 = arith.subi %sub3A_646, %sub3A_1108 : i32
          %add3A_1110 = arith.addi %mul3A_2, %sub3A_1109 : i32
          %jit3A_1111 = arith.constant 128 : i32
          %div3A_1112 = arith.divsi %add3A_1110, %jit3A_1111 : i32
          %sign3A_1113 = arith.constant 0 : i32
          %sign3A_1114 = arith.cmpi sgt, %add3A_1110, %sign3A_1113 : i32
          %sign3A_1115 = arith.extui %sign3A_1114 : i1 to i32
          %sign3A_1116 = arith.constant 0 : i32
          %sign3A_1117 = arith.cmpi slt, %add3A_1110, %sign3A_1116 : i32
          %sign3A_1118 = arith.extui %sign3A_1117 : i1 to i32
          %sign3A_1119 = arith.subi %sign3A_1115, %sign3A_1118 : i32
          %sign3A_1120 = arith.constant 0 : i32
          %sign3A_1121 = arith.cmpi sgt, %jit3A_1111, %sign3A_1120 : i32
          %sign3A_1122 = arith.extui %sign3A_1121 : i1 to i32
          %sign3A_1123 = arith.constant 0 : i32
          %sign3A_1124 = arith.cmpi slt, %jit3A_1111, %sign3A_1123 : i32
          %sign3A_1125 = arith.extui %sign3A_1124 : i1 to i32
          %sign3A_1126 = arith.subi %sign3A_1122, %sign3A_1125 : i32
          %ne3A_1127 = arith.cmpi ne, %sign3A_1119, %sign3A_1126 : i32
          %rem3A_1128 = arith.remsi %add3A_1110, %jit3A_1111 : i32
          %ne3A_1129 = arith.constant 0 : i32
          %ne3A_1130 = arith.cmpi ne, %rem3A_1128, %ne3A_1129 : i32
          %and3A_1131 = arith.andi %ne3A_1127, %ne3A_1130 : i1
          %sub3A_1132 = arith.constant 1 : i32
          %sub3A_1133 = arith.subi %div3A_1112, %sub3A_1132 : i32
          %select_n3A_1134 = arith.select %and3A_1131, %sub3A_1133, %div3A_1112 : i32
          %jit3A_1135 = arith.constant 128 : i32
          %eq3A_1136 = arith.constant 0 : i32
          %eq3A_1137 = arith.cmpi eq, %jit3A_1135, %eq3A_1136 : i32
          %jit3A_1138 = arith.constant 1 : i32
          %select_n3A_1139 = arith.select %eq3A_1137, %jit3A_1138, %jit3A_1135 : i32
          %rem3A_1140 = arith.remsi %add3A_1110, %select_n3A_1139 : i32
          %ne3A_1141 = arith.constant 0 : i32
          %ne3A_1142 = arith.cmpi ne, %rem3A_1140, %ne3A_1141 : i32
          %lt3A_1143 = arith.constant 0 : i32
          %lt3A_1144 = arith.cmpi slt, %rem3A_1140, %lt3A_1143 : i32
          %lt3A_1145 = arith.constant 0 : i32
          %lt3A_1146 = arith.cmpi slt, %select_n3A_1139, %lt3A_1145 : i32
          %ne3A_1147 = arith.xori %lt3A_1144, %lt3A_1146 : i1
          %and3A_1148 = arith.andi %ne3A_1147, %ne3A_1142 : i1
          %add3A_1149 = arith.addi %rem3A_1140, %select_n3A_1139 : i32
          %select_n3A_1150 = arith.select %and3A_1148, %add3A_1149, %rem3A_1140 : i32
          %mul3A_1151 = arith.constant 4 : i32
          %mul3A_1152 = arith.muli %select_n3A_1134, %mul3A_1151 : i32
          %add3A_1153 = arith.constant 2 : i32
          %add3A_1154 = arith.addi %mul3A_1152, %add3A_1153 : i32
          %mul3A_1155 = arith.constant 128 : i32
          %mul3A_1156 = arith.muli %add3A_1154, %mul3A_1155 : i32
          %add3A_1157 = arith.addi %mul3A_1156, %select_n3A_1150 : i32
          %mul3A_1158 = arith.constant 1024 : i32
          %mul3A_1159 = arith.muli %add3A_1157, %mul3A_1158 : i32
          %dma_wait3A_1160 = arith.constant 0 : i32
          %dma_wait3A_1161 = arith.constant 0 : i32
          %dma_wait3A_1162 = arith.constant 2048 : i32
          %dma_wait3A_1163 = tpu.memref_slice %arg10[%dma_wait3A_1160, %dma_wait3A_1162] : memref<2x4096xf32, #tpu.memory_space<vmem>> -> memref<1x1024xf32, #tpu.memory_space<vmem>>
          %dma_wait3A_1164 = tpu.memref_squeeze %dma_wait3A_1163 : memref<1x1024xf32, #tpu.memory_space<vmem>> -> memref<1024xf32, #tpu.memory_space<vmem>>
          %dma_wait3A_1165 = tpu.memref_slice %arg5[%mul3A_1159] : memref<104857600xf32, #tpu.memory_space<hbm>> -> memref<1024xf32, #tpu.memory_space<hbm>>
          %dma_wait3A_1166 = tpu.memref_slice %arg13[%dma_wait3A_1161] : memref<2x!tpu.dma_semaphore, #tpu.memory_space<semaphore_mem>> -> memref<1x!tpu.dma_semaphore, #tpu.memory_space<semaphore_mem>>
          %dma_wait3A_1167 = tpu.memref_squeeze %dma_wait3A_1166 : memref<1x!tpu.dma_semaphore, #tpu.memory_space<semaphore_mem>> -> memref<!tpu.dma_semaphore, #tpu.memory_space<semaphore_mem>>
          %dma_wait3A_1168 = tpu.memref_slice %arg5[%mul3A_1159] : memref<104857600xf32, #tpu.memory_space<hbm>> -> memref<1024xf32, #tpu.memory_space<hbm>>
          %dma_wait3A_1169 = arith.constant 2048 : i32
          %dma_wait3A_1170 = tpu.memref_slice %arg10[%dma_wait3A_1160, %dma_wait3A_1169] : memref<2x4096xf32, #tpu.memory_space<vmem>> -> memref<1x1024xf32, #tpu.memory_space<vmem>>
          %dma_wait3A_1171 = tpu.memref_squeeze %dma_wait3A_1170 : memref<1x1024xf32, #tpu.memory_space<vmem>> -> memref<1024xf32, #tpu.memory_space<vmem>>
          tpu.wait_dma2 semaphore(%dma_wait3A_1167 : memref<!tpu.dma_semaphore, #tpu.memory_space<semaphore_mem>>) src(%dma_wait3A_1171 : memref<1024xf32, #tpu.memory_space<vmem>>) dst(%dma_wait3A_1168 : memref<1024xf32, #tpu.memory_space<hbm>>)
          %sub3A_1172 = arith.constant 2 : i32
          %sub3A_1173 = arith.subi %sub3A_646, %sub3A_1172 : i32
          %add3A_1174 = arith.addi %mul3A_2, %sub3A_1173 : i32
          %jit3A_1175 = arith.constant 128 : i32
          %div3A_1176 = arith.divsi %add3A_1174, %jit3A_1175 : i32
          %sign3A_1177 = arith.constant 0 : i32
          %sign3A_1178 = arith.cmpi sgt, %add3A_1174, %sign3A_1177 : i32
          %sign3A_1179 = arith.extui %sign3A_1178 : i1 to i32
          %sign3A_1180 = arith.constant 0 : i32
          %sign3A_1181 = arith.cmpi slt, %add3A_1174, %sign3A_1180 : i32
          %sign3A_1182 = arith.extui %sign3A_1181 : i1 to i32
          %sign3A_1183 = arith.subi %sign3A_1179, %sign3A_1182 : i32
          %sign3A_1184 = arith.constant 0 : i32
          %sign3A_1185 = arith.cmpi sgt, %jit3A_1175, %sign3A_1184 : i32
          %sign3A_1186 = arith.extui %sign3A_1185 : i1 to i32
          %sign3A_1187 = arith.constant 0 : i32
          %sign3A_1188 = arith.cmpi slt, %jit3A_1175, %sign3A_1187 : i32
          %sign3A_1189 = arith.extui %sign3A_1188 : i1 to i32
          %sign3A_1190 = arith.subi %sign3A_1186, %sign3A_1189 : i32
          %ne3A_1191 = arith.cmpi ne, %sign3A_1183, %sign3A_1190 : i32
          %rem3A_1192 = arith.remsi %add3A_1174, %jit3A_1175 : i32
          %ne3A_1193 = arith.constant 0 : i32
          %ne3A_1194 = arith.cmpi ne, %rem3A_1192, %ne3A_1193 : i32
          %and3A_1195 = arith.andi %ne3A_1191, %ne3A_1194 : i1
          %sub3A_1196 = arith.constant 1 : i32
          %sub3A_1197 = arith.subi %div3A_1176, %sub3A_1196 : i32
          %select_n3A_1198 = arith.select %and3A_1195, %sub3A_1197, %div3A_1176 : i32
          %jit3A_1199 = arith.constant 128 : i32
          %eq3A_1200 = arith.constant 0 : i32
          %eq3A_1201 = arith.cmpi eq, %jit3A_1199, %eq3A_1200 : i32
          %jit3A_1202 = arith.constant 1 : i32
          %select_n3A_1203 = arith.select %eq3A_1201, %jit3A_1202, %jit3A_1199 : i32
          %rem3A_1204 = arith.remsi %add3A_1174, %select_n3A_1203 : i32
          %ne3A_1205 = arith.constant 0 : i32
          %ne3A_1206 = arith.cmpi ne, %rem3A_1204, %ne3A_1205 : i32
          %lt3A_1207 = arith.constant 0 : i32
          %lt3A_1208 = arith.cmpi slt, %rem3A_1204, %lt3A_1207 : i32
          %lt3A_1209 = arith.constant 0 : i32
          %lt3A_1210 = arith.cmpi slt, %select_n3A_1203, %lt3A_1209 : i32
          %ne3A_1211 = arith.xori %lt3A_1208, %lt3A_1210 : i1
          %and3A_1212 = arith.andi %ne3A_1211, %ne3A_1206 : i1
          %add3A_1213 = arith.addi %rem3A_1204, %select_n3A_1203 : i32
          %select_n3A_1214 = arith.select %and3A_1212, %add3A_1213, %rem3A_1204 : i32
          %mul3A_1215 = arith.constant 4 : i32
          %mul3A_1216 = arith.muli %select_n3A_1198, %mul3A_1215 : i32
          %add3A_1217 = arith.constant 3 : i32
          %add3A_1218 = arith.addi %mul3A_1216, %add3A_1217 : i32
          %mul3A_1219 = arith.constant 128 : i32
          %mul3A_1220 = arith.muli %add3A_1218, %mul3A_1219 : i32
          %add3A_1221 = arith.addi %mul3A_1220, %select_n3A_1214 : i32
          %mul3A_1222 = arith.constant 1024 : i32
          %mul3A_1223 = arith.muli %add3A_1221, %mul3A_1222 : i32
          %dma_wait3A_1224 = arith.constant 0 : i32
          %dma_wait3A_1225 = arith.constant 0 : i32
          %dma_wait3A_1226 = arith.constant 3072 : i32
          %dma_wait3A_1227 = tpu.memref_slice %arg10[%dma_wait3A_1224, %dma_wait3A_1226] : memref<2x4096xf32, #tpu.memory_space<vmem>> -> memref<1x1024xf32, #tpu.memory_space<vmem>>
          %dma_wait3A_1228 = tpu.memref_squeeze %dma_wait3A_1227 : memref<1x1024xf32, #tpu.memory_space<vmem>> -> memref<1024xf32, #tpu.memory_space<vmem>>
          %dma_wait3A_1229 = tpu.memref_slice %arg5[%mul3A_1223] : memref<104857600xf32, #tpu.memory_space<hbm>> -> memref<1024xf32, #tpu.memory_space<hbm>>
          %dma_wait3A_1230 = tpu.memref_slice %arg13[%dma_wait3A_1225] : memref<2x!tpu.dma_semaphore, #tpu.memory_space<semaphore_mem>> -> memref<1x!tpu.dma_semaphore, #tpu.memory_space<semaphore_mem>>
          %dma_wait3A_1231 = tpu.memref_squeeze %dma_wait3A_1230 : memref<1x!tpu.dma_semaphore, #tpu.memory_space<semaphore_mem>> -> memref<!tpu.dma_semaphore, #tpu.memory_space<semaphore_mem>>
          %dma_wait3A_1232 = tpu.memref_slice %arg5[%mul3A_1223] : memref<104857600xf32, #tpu.memory_space<hbm>> -> memref<1024xf32, #tpu.memory_space<hbm>>
          %dma_wait3A_1233 = arith.constant 3072 : i32
          %dma_wait3A_1234 = tpu.memref_slice %arg10[%dma_wait3A_1224, %dma_wait3A_1233] : memref<2x4096xf32, #tpu.memory_space<vmem>> -> memref<1x1024xf32, #tpu.memory_space<vmem>>
          %dma_wait3A_1235 = tpu.memref_squeeze %dma_wait3A_1234 : memref<1x1024xf32, #tpu.memory_space<vmem>> -> memref<1024xf32, #tpu.memory_space<vmem>>
          tpu.wait_dma2 semaphore(%dma_wait3A_1231 : memref<!tpu.dma_semaphore, #tpu.memory_space<semaphore_mem>>) src(%dma_wait3A_1235 : memref<1024xf32, #tpu.memory_space<vmem>>) dst(%dma_wait3A_1232 : memref<1024xf32, #tpu.memory_space<hbm>>)
        } else {
        }
        %iota3A = tpu.iota {dimensions = array<i32: 0>} : vector<16xi32>
        %add3A_694 = arith.constant 0 : i32
        %add3A_695 = vector.broadcast %add3A_694 : i32 to vector<16xi32>
        %add3A_696 = arith.addi %iota3A, %add3A_695 : vector<16xi32>
        %iota3A_697 = tpu.iota {dimensions = array<i32: 0>} : vector<16xi32>
        %add3A_698 = arith.constant 16 : i32
        %add3A_699 = vector.broadcast %add3A_698 : i32 to vector<16xi32>
        %add3A_700 = arith.addi %iota3A_697, %add3A_699 : vector<16xi32>
        %iota3A_701 = tpu.iota {dimensions = array<i32: 0>} : vector<16xi32>
        %add3A_702 = arith.constant 32 : i32
        %add3A_703 = vector.broadcast %add3A_702 : i32 to vector<16xi32>
        %add3A_704 = arith.addi %iota3A_701, %add3A_703 : vector<16xi32>
        %iota3A_705 = tpu.iota {dimensions = array<i32: 0>} : vector<16xi32>
        %add3A_706 = arith.constant 48 : i32
        %add3A_707 = vector.broadcast %add3A_706 : i32 to vector<16xi32>
        %add3A_708 = arith.addi %iota3A_705, %add3A_707 : vector<16xi32>
        %iota3A_709 = tpu.iota {dimensions = array<i32: 0>} : vector<16xi32>
        %add3A_710 = arith.constant 64 : i32
        %add3A_711 = vector.broadcast %add3A_710 : i32 to vector<16xi32>
        %add3A_712 = arith.addi %iota3A_709, %add3A_711 : vector<16xi32>
        %iota3A_713 = tpu.iota {dimensions = array<i32: 0>} : vector<16xi32>
        %add3A_714 = arith.constant 80 : i32
        %add3A_715 = vector.broadcast %add3A_714 : i32 to vector<16xi32>
        %add3A_716 = arith.addi %iota3A_713, %add3A_715 : vector<16xi32>
        %iota3A_717 = tpu.iota {dimensions = array<i32: 0>} : vector<16xi32>
        %add3A_718 = arith.constant 96 : i32
        %add3A_719 = vector.broadcast %add3A_718 : i32 to vector<16xi32>
        %add3A_720 = arith.addi %iota3A_717, %add3A_719 : vector<16xi32>
        %iota3A_721 = tpu.iota {dimensions = array<i32: 0>} : vector<16xi32>
        %add3A_722 = arith.constant 112 : i32
        %add3A_723 = vector.broadcast %add3A_722 : i32 to vector<16xi32>
        %add3A_724 = arith.addi %iota3A_721, %add3A_723 : vector<16xi32>
        %scan3A_725 = arith.constant 0 : i32
        %scan3A_726 = arith.constant 0 : i32
        %scan3A_727 = arith.constant 32 : i32
        %scan3A_728 = arith.addi %scan3A_726, %scan3A_727 : i32
        %scan3A_729 = arith.constant 1 : i32
        %scan3A_730 = scf.for %scan3A_980 = %scan3A_726 to %scan3A_728 step %scan3A_729 iter_args(%scan3A_981 = %scan3A_725) -> (i32)  : i32 {
          %broadcast_in_dim3A_982 = arith.constant 0 : i32
          %broadcast_in_dim3A_983 = vector.broadcast %broadcast_in_dim3A_982 : i32 to vector<16xi32>
          %add3A_984 = vector.broadcast %scan3A_980 : i32 to vector<16xi32>
          %add3A_985 = arith.addi %broadcast_in_dim3A_983, %add3A_984 : vector<16xi32>
          %jit3A_986 = arith.constant 8 : i32
          %div3A_987 = arith.divsi %scan3A_980, %jit3A_986 : i32
          %sign3A_988 = arith.constant 0 : i32
          %sign3A_989 = arith.cmpi sgt, %scan3A_980, %sign3A_988 : i32
          %sign3A_990 = arith.extui %sign3A_989 : i1 to i32
          %sign3A_991 = arith.constant 0 : i32
          %sign3A_992 = arith.cmpi slt, %scan3A_980, %sign3A_991 : i32
          %sign3A_993 = arith.extui %sign3A_992 : i1 to i32
          %sign3A_994 = arith.subi %sign3A_990, %sign3A_993 : i32
          %sign3A_995 = arith.constant 0 : i32
          %sign3A_996 = arith.cmpi sgt, %jit3A_986, %sign3A_995 : i32
          %sign3A_997 = arith.extui %sign3A_996 : i1 to i32
          %sign3A_998 = arith.constant 0 : i32
          %sign3A_999 = arith.cmpi slt, %jit3A_986, %sign3A_998 : i32
          %sign3A_1000 = arith.extui %sign3A_999 : i1 to i32
          %sign3A_1001 = arith.subi %sign3A_997, %sign3A_1000 : i32
          %ne3A_1002 = arith.cmpi ne, %sign3A_994, %sign3A_1001 : i32
          %rem3A_1003 = arith.remsi %scan3A_980, %jit3A_986 : i32
          %ne3A_1004 = arith.constant 0 : i32
          %ne3A_1005 = arith.cmpi ne, %rem3A_1003, %ne3A_1004 : i32
          %and3A_1006 = arith.andi %ne3A_1002, %ne3A_1005 : i1
          %sub3A_1007 = arith.constant 1 : i32
          %sub3A_1008 = arith.subi %div3A_987, %sub3A_1007 : i32
          %select_n3A_1009 = arith.select %and3A_1006, %sub3A_1008, %div3A_987 : i32
          %mul3A_1010 = arith.constant 1024 : i32
          %mul3A_1011 = arith.muli %select_n3A_1009, %mul3A_1010 : i32
          %jit3A_1012 = arith.constant 8 : i32
          %eq3A_1013 = arith.constant 0 : i32
          %eq3A_1014 = arith.cmpi eq, %jit3A_1012, %eq3A_1013 : i32
          %jit3A_1015 = arith.constant 1 : i32
          %select_n3A_1016 = arith.select %eq3A_1014, %jit3A_1015, %jit3A_1012 : i32
          %rem3A_1017 = arith.remsi %scan3A_980, %select_n3A_1016 : i32
          %ne3A_1018 = arith.constant 0 : i32
          %ne3A_1019 = arith.cmpi ne, %rem3A_1017, %ne3A_1018 : i32
          %lt3A_1020 = arith.constant 0 : i32
          %lt3A_1021 = arith.cmpi slt, %rem3A_1017, %lt3A_1020 : i32
          %lt3A_1022 = arith.constant 0 : i32
          %lt3A_1023 = arith.cmpi slt, %select_n3A_1016, %lt3A_1022 : i32
          %ne3A_1024 = arith.xori %lt3A_1021, %lt3A_1023 : i1
          %and3A_1025 = arith.andi %ne3A_1024, %ne3A_1019 : i1
          %add3A_1026 = arith.addi %rem3A_1017, %select_n3A_1016 : i32
          %select_n3A_1027 = arith.select %and3A_1025, %add3A_1026, %rem3A_1017 : i32
          %mul3A_1028 = arith.constant 128 : i32
          %mul3A_1029 = arith.muli %select_n3A_1027, %mul3A_1028 : i32
          %add3A_1030 = arith.addi %mul3A_1011, %mul3A_1029 : i32
          %gather3A = arith.constant 0 : i32
          %gather3A_1031 = arith.constant 0 : i32
          %gather3A_1032 = arith.constant 0 : i32
          %gather3A_1033 = tpu.memref_slice %arg9[%gather3A, %gather3A_1031, %gather3A_1032] : memref<2x128x32xf32, #tpu.memory_space<vmem>> -> memref<1x128x32xf32, #tpu.memory_space<vmem>>
          %gather3A_1034 = tpu.memref_squeeze %gather3A_1033 : memref<1x128x32xf32, #tpu.memory_space<vmem>> -> memref<128x32xf32, #tpu.memory_space<vmem>>
          %gather3A_1035 = tpu.vector_load_idx %gather3A_1034[%add3A_696, %add3A_985] : memref<128x32xf32, #tpu.memory_space<vmem>>[vector<16xi32>, vector<16xi32>], vector<16xf32>,
          %add3A_1036 = arith.constant 0 : i32
          %add3A_1037 = arith.addi %add3A_1030, %add3A_1036 : i32
          %swap3A = arith.constant 0 : i32
          %swap3A_1038 = arith.index_cast %swap3A : i32 to index
          %swap3A_1039 = arith.index_cast %add3A_1037 : i32 to index
          %swap3A_1040 = tpu.vector_load %arg10[%swap3A_1038, %swap3A_1039] {strides = array<i32>} : memref<2x4096xf32, #tpu.memory_space<vmem>>, vector<16xf32>,
          tpu.vector_store %arg10[%swap3A_1038, %swap3A_1039], %gather3A_1035 {strides = array<i32>} : memref<2x4096xf32, #tpu.memory_space<vmem>>, vector<16xf32>,
          %gather3A_1041 = arith.constant 0 : i32
          %gather3A_1042 = arith.constant 0 : i32
          %gather3A_1043 = arith.constant 0 : i32
          %gather3A_1044 = tpu.memref_slice %arg9[%gather3A_1041, %gather3A_1042, %gather3A_1043] : memref<2x128x32xf32, #tpu.memory_space<vmem>> -> memref<1x128x32xf32, #tpu.memory_space<vmem>>
          %gather3A_1045 = tpu.memref_squeeze %gather3A_1044 : memref<1x128x32xf32, #tpu.memory_space<vmem>> -> memref<128x32xf32, #tpu.memory_space<vmem>>
          %gather3A_1046 = tpu.vector_load_idx %gather3A_1045[%add3A_700, %add3A_985] : memref<128x32xf32, #tpu.memory_space<vmem>>[vector<16xi32>, vector<16xi32>], vector<16xf32>,
          %add3A_1047 = arith.constant 16 : i32
          %add3A_1048 = arith.addi %add3A_1030, %add3A_1047 : i32
          %swap3A_1049 = arith.constant 0 : i32
          %swap3A_1050 = arith.index_cast %swap3A_1049 : i32 to index
          %swap3A_1051 = arith.index_cast %add3A_1048 : i32 to index
          %swap3A_1052 = tpu.vector_load %arg10[%swap3A_1050, %swap3A_1051] {strides = array<i32>} : memref<2x4096xf32, #tpu.memory_space<vmem>>, vector<16xf32>,
          tpu.vector_store %arg10[%swap3A_1050, %swap3A_1051], %gather3A_1046 {strides = array<i32>} : memref<2x4096xf32, #tpu.memory_space<vmem>>, vector<16xf32>,
          %gather3A_1053 = arith.constant 0 : i32
          %gather3A_1054 = arith.constant 0 : i32
          %gather3A_1055 = arith.constant 0 : i32
          %gather3A_1056 = tpu.memref_slice %arg9[%gather3A_1053, %gather3A_1054, %gather3A_1055] : memref<2x128x32xf32, #tpu.memory_space<vmem>> -> memref<1x128x32xf32, #tpu.memory_space<vmem>>
          %gather3A_1057 = tpu.memref_squeeze %gather3A_1056 : memref<1x128x32xf32, #tpu.memory_space<vmem>> -> memref<128x32xf32, #tpu.memory_space<vmem>>
          %gather3A_1058 = tpu.vector_load_idx %gather3A_1057[%add3A_704, %add3A_985] : memref<128x32xf32, #tpu.memory_space<vmem>>[vector<16xi32>, vector<16xi32>], vector<16xf32>,
          %add3A_1059 = arith.constant 32 : i32
          %add3A_1060 = arith.addi %add3A_1030, %add3A_1059 : i32
          %swap3A_1061 = arith.constant 0 : i32
          %swap3A_1062 = arith.index_cast %swap3A_1061 : i32 to index
          %swap3A_1063 = arith.index_cast %add3A_1060 : i32 to index
          %swap3A_1064 = tpu.vector_load %arg10[%swap3A_1062, %swap3A_1063] {strides = array<i32>} : memref<2x4096xf32, #tpu.memory_space<vmem>>, vector<16xf32>,
          tpu.vector_store %arg10[%swap3A_1062, %swap3A_1063], %gather3A_1058 {strides = array<i32>} : memref<2x4096xf32, #tpu.memory_space<vmem>>, vector<16xf32>,
          %gather3A_1065 = arith.constant 0 : i32
          %gather3A_1066 = arith.constant 0 : i32
          %gather3A_1067 = arith.constant 0 : i32
          %gather3A_1068 = tpu.memref_slice %arg9[%gather3A_1065, %gather3A_1066, %gather3A_1067] : memref<2x128x32xf32, #tpu.memory_space<vmem>> -> memref<1x128x32xf32, #tpu.memory_space<vmem>>
          %gather3A_1069 = tpu.memref_squeeze %gather3A_1068 : memref<1x128x32xf32, #tpu.memory_space<vmem>> -> memref<128x32xf32, #tpu.memory_space<vmem>>
          %gather3A_1070 = tpu.vector_load_idx %gather3A_1069[%add3A_708, %add3A_985] : memref<128x32xf32, #tpu.memory_space<vmem>>[vector<16xi32>, vector<16xi32>], vector<16xf32>,
          %add3A_1071 = arith.constant 48 : i32
          %add3A_1072 = arith.addi %add3A_1030, %add3A_1071 : i32
          %swap3A_1073 = arith.constant 0 : i32
          %swap3A_1074 = arith.index_cast %swap3A_1073 : i32 to index
          %swap3A_1075 = arith.index_cast %add3A_1072 : i32 to index
          %swap3A_1076 = tpu.vector_load %arg10[%swap3A_1074, %swap3A_1075] {strides = array<i32>} : memref<2x4096xf32, #tpu.memory_space<vmem>>, vector<16xf32>,
          tpu.vector_store %arg10[%swap3A_1074, %swap3A_1075], %gather3A_1070 {strides = array<i32>} : memref<2x4096xf32, #tpu.memory_space<vmem>>, vector<16xf32>,
          %gather3A_1077 = arith.constant 0 : i32
          %gather3A_1078 = arith.constant 0 : i32
          %gather3A_1079 = arith.constant 0 : i32
          %gather3A_1080 = tpu.memref_slice %arg9[%gather3A_1077, %gather3A_1078, %gather3A_1079] : memref<2x128x32xf32, #tpu.memory_space<vmem>> -> memref<1x128x32xf32, #tpu.memory_space<vmem>>
          %gather3A_1081 = tpu.memref_squeeze %gather3A_1080 : memref<1x128x32xf32, #tpu.memory_space<vmem>> -> memref<128x32xf32, #tpu.memory_space<vmem>>
          %gather3A_1082 = tpu.vector_load_idx %gather3A_1081[%add3A_712, %add3A_985] : memref<128x32xf32, #tpu.memory_space<vmem>>[vector<16xi32>, vector<16xi32>], vector<16xf32>,
          %add3A_1083 = arith.constant 64 : i32
          %add3A_1084 = arith.addi %add3A_1030, %add3A_1083 : i32
          %swap3A_1085 = arith.constant 0 : i32
          %swap3A_1086 = arith.index_cast %swap3A_1085 : i32 to index
          %swap3A_1087 = arith.index_cast %add3A_1084 : i32 to index
          %swap3A_1088 = tpu.vector_load %arg10[%swap3A_1086, %swap3A_1087] {strides = array<i32>} : memref<2x4096xf32, #tpu.memory_space<vmem>>, vector<16xf32>,
          tpu.vector_store %arg10[%swap3A_1086, %swap3A_1087], %gather3A_1082 {strides = array<i32>} : memref<2x4096xf32, #tpu.memory_space<vmem>>, vector<16xf32>,
          %gather3A_1089 = arith.constant 0 : i32
          %gather3A_1090 = arith.constant 0 : i32
          %gather3A_1091 = arith.constant 0 : i32
          %gather3A_1092 = tpu.memref_slice %arg9[%gather3A_1089, %gather3A_1090, %gather3A_1091] : memref<2x128x32xf32, #tpu.memory_space<vmem>> -> memref<1x128x32xf32, #tpu.memory_space<vmem>>
          %gather3A_1093 = tpu.memref_squeeze %gather3A_1092 : memref<1x128x32xf32, #tpu.memory_space<vmem>> -> memref<128x32xf32, #tpu.memory_space<vmem>>
          %gather3A_1094 = tpu.vector_load_idx %gather3A_1093[%add3A_716, %add3A_985] : memref<128x32xf32, #tpu.memory_space<vmem>>[vector<16xi32>, vector<16xi32>], vector<16xf32>,
          %add3A_1095 = arith.constant 80 : i32
          %add3A_1096 = arith.addi %add3A_1030, %add3A_1095 : i32
          %swap3A_1097 = arith.constant 0 : i32
          %swap3A_1098 = arith.index_cast %swap3A_1097 : i32 to index
          %swap3A_1099 = arith.index_cast %add3A_1096 : i32 to index
          %swap3A_1100 = tpu.vector_load %arg10[%swap3A_1098, %swap3A_1099] {strides = array<i32>} : memref<2x4096xf32, #tpu.memory_space<vmem>>, vector<16xf32>,
          tpu.vector_store %arg10[%swap3A_1098, %swap3A_1099], %gather3A_1094 {strides = array<i32>} : memref<2x4096xf32, #tpu.memory_space<vmem>>, vector<16xf32>,
          %gather3A_1101 = arith.constant 0 : i32
          %gather3A_1102 = arith.constant 0 : i32
          %gather3A_1103 = arith.constant 0 : i32
          %gather3A_1104 = tpu.memref_slice %arg9[%gather3A_1101, %gather3A_1102, %gather3A_1103] : memref<2x128x32xf32, #tpu.memory_space<vmem>> -> memref<1x128x32xf32, #tpu.memory_space<vmem>>
          %gather3A_1105 = tpu.memref_squeeze %gather3A_1104 : memref<1x128x32xf32, #tpu.memory_space<vmem>> -> memref<128x32xf32, #tpu.memory_space<vmem>>
          %gather3A_1106 = tpu.vector_load_idx %gather3A_1105[%add3A_720, %add3A_985] : memref<128x32xf32, #tpu.memory_space<vmem>>[vector<16xi32>, vector<16xi32>], vector<16xf32>,
          %add3A_1107 = arith.constant 96 : i32
          %add3A_1108 = arith.addi %add3A_1030, %add3A_1107 : i32
          %swap3A_1109 = arith.constant 0 : i32
          %swap3A_1110 = arith.index_cast %swap3A_1109 : i32 to index
          %swap3A_1111 = arith.index_cast %add3A_1108 : i32 to index
          %swap3A_1112 = tpu.vector_load %arg10[%swap3A_1110, %swap3A_1111] {strides = array<i32>} : memref<2x4096xf32, #tpu.memory_space<vmem>>, vector<16xf32>,
          tpu.vector_store %arg10[%swap3A_1110, %swap3A_1111], %gather3A_1106 {strides = array<i32>} : memref<2x4096xf32, #tpu.memory_space<vmem>>, vector<16xf32>,
          %gather3A_1113 = arith.constant 0 : i32
          %gather3A_1114 = arith.constant 0 : i32
          %gather3A_1115 = arith.constant 0 : i32
          %gather3A_1116 = tpu.memref_slice %arg9[%gather3A_1113, %gather3A_1114, %gather3A_1115] : memref<2x128x32xf32, #tpu.memory_space<vmem>> -> memref<1x128x32xf32, #tpu.memory_space<vmem>>
          %gather3A_1117 = tpu.memref_squeeze %gather3A_1116 : memref<1x128x32xf32, #tpu.memory_space<vmem>> -> memref<128x32xf32, #tpu.memory_space<vmem>>
          %gather3A_1118 = tpu.vector_load_idx %gather3A_1117[%add3A_724, %add3A_985] : memref<128x32xf32, #tpu.memory_space<vmem>>[vector<16xi32>, vector<16xi32>], vector<16xf32>,
          %add3A_1119 = arith.constant 112 : i32
          %add3A_1120 = arith.addi %add3A_1030, %add3A_1119 : i32
          %swap3A_1121 = arith.constant 0 : i32
          %swap3A_1122 = arith.index_cast %swap3A_1121 : i32 to index
          %swap3A_1123 = arith.index_cast %add3A_1120 : i32 to index
          %swap3A_1124 = tpu.vector_load %arg10[%swap3A_1122, %swap3A_1123] {strides = array<i32>} : memref<2x4096xf32, #tpu.memory_space<vmem>>, vector<16xf32>,
          tpu.vector_store %arg10[%swap3A_1122, %swap3A_1123], %gather3A_1118 {strides = array<i32>} : memref<2x4096xf32, #tpu.memory_space<vmem>>, vector<16xf32>,
          %scan3A_1125 = arith.constant 0 : i32
          scf.yield %scan3A_1125 : i32
        }
        %scan3A_731 = arith.constant 32 : i32
        %add3A_732 = arith.addi %mul3A_2, %sub3A_646 : i32
        %jit3A_733 = arith.constant 128 : i32
        %div3A_734 = arith.divsi %add3A_732, %jit3A_733 : i32
        %sign3A_735 = arith.constant 0 : i32
        %sign3A_736 = arith.cmpi sgt, %add3A_732, %sign3A_735 : i32
        %sign3A_737 = arith.extui %sign3A_736 : i1 to i32
        %sign3A_738 = arith.constant 0 : i32
        %sign3A_739 = arith.cmpi slt, %add3A_732, %sign3A_738 : i32
        %sign3A_740 = arith.extui %sign3A_739 : i1 to i32
        %sign3A_741 = arith.subi %sign3A_737, %sign3A_740 : i32
        %sign3A_742 = arith.constant 0 : i32
        %sign3A_743 = arith.cmpi sgt, %jit3A_733, %sign3A_742 : i32
        %sign3A_744 = arith.extui %sign3A_743 : i1 to i32
        %sign3A_745 = arith.constant 0 : i32
        %sign3A_746 = arith.cmpi slt, %jit3A_733, %sign3A_745 : i32
        %sign3A_747 = arith.extui %sign3A_746 : i1 to i32
        %sign3A_748 = arith.subi %sign3A_744, %sign3A_747 : i32
        %ne3A_749 = arith.cmpi ne, %sign3A_741, %sign3A_748 : i32
        %rem3A_750 = arith.remsi %add3A_732, %jit3A_733 : i32
        %ne3A_751 = arith.constant 0 : i32
        %ne3A_752 = arith.cmpi ne, %rem3A_750, %ne3A_751 : i32
        %and3A_753 = arith.andi %ne3A_749, %ne3A_752 : i1
        %sub3A_754 = arith.constant 1 : i32
        %sub3A_755 = arith.subi %div3A_734, %sub3A_754 : i32
        %select_n3A_756 = arith.select %and3A_753, %sub3A_755, %div3A_734 : i32
        %jit3A_757 = arith.constant 128 : i32
        %eq3A_758 = arith.constant 0 : i32
        %eq3A_759 = arith.cmpi eq, %jit3A_757, %eq3A_758 : i32
        %jit3A_760 = arith.constant 1 : i32
        %select_n3A_761 = arith.select %eq3A_759, %jit3A_760, %jit3A_757 : i32
        %rem3A_762 = arith.remsi %add3A_732, %select_n3A_761 : i32
        %ne3A_763 = arith.constant 0 : i32
        %ne3A_764 = arith.cmpi ne, %rem3A_762, %ne3A_763 : i32
        %lt3A_765 = arith.constant 0 : i32
        %lt3A_766 = arith.cmpi slt, %rem3A_762, %lt3A_765 : i32
        %lt3A_767 = arith.constant 0 : i32
        %lt3A_768 = arith.cmpi slt, %select_n3A_761, %lt3A_767 : i32
        %ne3A_769 = arith.xori %lt3A_766, %lt3A_768 : i1
        %and3A_770 = arith.andi %ne3A_769, %ne3A_764 : i1
        %add3A_771 = arith.addi %rem3A_762, %select_n3A_761 : i32
        %select_n3A_772 = arith.select %and3A_770, %add3A_771, %rem3A_762 : i32
        %mul3A_773 = arith.constant 4 : i32
        %mul3A_774 = arith.muli %select_n3A_756, %mul3A_773 : i32
        %add3A_775 = arith.constant 0 : i32
        %add3A_776 = arith.addi %mul3A_774, %add3A_775 : i32
        %mul3A_777 = arith.constant 128 : i32
        %mul3A_778 = arith.muli %add3A_776, %mul3A_777 : i32
        %add3A_779 = arith.addi %mul3A_778, %select_n3A_772 : i32
        %mul3A_780 = arith.constant 1024 : i32
        %mul3A_781 = arith.muli %add3A_779, %mul3A_780 : i32
        %dma_start3A_782 = arith.constant 0 : i32
        %dma_start3A_783 = arith.constant 0 : i32
        %dma_start3A_784 = arith.constant 0 : i32
        %dma_start3A_785 = tpu.memref_slice %arg10[%dma_start3A_782, %dma_start3A_784] : memref<2x4096xf32, #tpu.memory_space<vmem>> -> memref<1x1024xf32, #tpu.memory_space<vmem>>
        %dma_start3A_786 = tpu.memref_squeeze %dma_start3A_785 : memref<1x1024xf32, #tpu.memory_space<vmem>> -> memref<1024xf32, #tpu.memory_space<vmem>>
        %dma_start3A_787 = tpu.memref_slice %arg5[%mul3A_781] : memref<104857600xf32, #tpu.memory_space<hbm>> -> memref<1024xf32, #tpu.memory_space<hbm>>
        %dma_start3A_788 = tpu.memref_slice %arg13[%dma_start3A_783] : memref<2x!tpu.dma_semaphore, #tpu.memory_space<semaphore_mem>> -> memref<1x!tpu.dma_semaphore, #tpu.memory_space<semaphore_mem>>
        %dma_start3A_789 = tpu.memref_squeeze %dma_start3A_788 : memref<1x!tpu.dma_semaphore, #tpu.memory_space<semaphore_mem>> -> memref<!tpu.dma_semaphore, #tpu.memory_space<semaphore_mem>>
        %dma_start3A_790 = tpu.memref_slice %arg5[%mul3A_781] : memref<104857600xf32, #tpu.memory_space<hbm>> -> memref<1024xf32, #tpu.memory_space<hbm>>
        %dma_start3A_791 = arith.constant 0 : i32
        %dma_start3A_792 = tpu.memref_slice %arg10[%dma_start3A_782, %dma_start3A_791] : memref<2x4096xf32, #tpu.memory_space<vmem>> -> memref<1x1024xf32, #tpu.memory_space<vmem>>
        %dma_start3A_793 = tpu.memref_squeeze %dma_start3A_792 : memref<1x1024xf32, #tpu.memory_space<vmem>> -> memref<1024xf32, #tpu.memory_space<vmem>>
        tpu.enqueue_dma source(%dma_start3A_793 : memref<1024xf32, #tpu.memory_space<vmem>>) target(%dma_start3A_790 : memref<1024xf32, #tpu.memory_space<hbm>>) target_semaphore(%dma_start3A_789 : memref<!tpu.dma_semaphore, #tpu.memory_space<semaphore_mem>>)
        %add3A_794 = arith.addi %mul3A_2, %sub3A_646 : i32
        %jit3A_795 = arith.constant 128 : i32
        %div3A_796 = arith.divsi %add3A_794, %jit3A_795 : i32
        %sign3A_797 = arith.constant 0 : i32
        %sign3A_798 = arith.cmpi sgt, %add3A_794, %sign3A_797 : i32
        %sign3A_799 = arith.extui %sign3A_798 : i1 to i32
        %sign3A_800 = arith.constant 0 : i32
        %sign3A_801 = arith.cmpi slt, %add3A_794, %sign3A_800 : i32
        %sign3A_802 = arith.extui %sign3A_801 : i1 to i32
        %sign3A_803 = arith.subi %sign3A_799, %sign3A_802 : i32
        %sign3A_804 = arith.constant 0 : i32
        %sign3A_805 = arith.cmpi sgt, %jit3A_795, %sign3A_804 : i32
        %sign3A_806 = arith.extui %sign3A_805 : i1 to i32
        %sign3A_807 = arith.constant 0 : i32
        %sign3A_808 = arith.cmpi slt, %jit3A_795, %sign3A_807 : i32
        %sign3A_809 = arith.extui %sign3A_808 : i1 to i32
        %sign3A_810 = arith.subi %sign3A_806, %sign3A_809 : i32
        %ne3A_811 = arith.cmpi ne, %sign3A_803, %sign3A_810 : i32
        %rem3A_812 = arith.remsi %add3A_794, %jit3A_795 : i32
        %ne3A_813 = arith.constant 0 : i32
        %ne3A_814 = arith.cmpi ne, %rem3A_812, %ne3A_813 : i32
        %and3A_815 = arith.andi %ne3A_811, %ne3A_814 : i1
        %sub3A_816 = arith.constant 1 : i32
        %sub3A_817 = arith.subi %div3A_796, %sub3A_816 : i32
        %select_n3A_818 = arith.select %and3A_815, %sub3A_817, %div3A_796 : i32
        %jit3A_819 = arith.constant 128 : i32
        %eq3A_820 = arith.constant 0 : i32
        %eq3A_821 = arith.cmpi eq, %jit3A_819, %eq3A_820 : i32
        %jit3A_822 = arith.constant 1 : i32
        %select_n3A_823 = arith.select %eq3A_821, %jit3A_822, %jit3A_819 : i32
        %rem3A_824 = arith.remsi %add3A_794, %select_n3A_823 : i32
        %ne3A_825 = arith.constant 0 : i32
        %ne3A_826 = arith.cmpi ne, %rem3A_824, %ne3A_825 : i32
        %lt3A_827 = arith.constant 0 : i32
        %lt3A_828 = arith.cmpi slt, %rem3A_824, %lt3A_827 : i32
        %lt3A_829 = arith.constant 0 : i32
        %lt3A_830 = arith.cmpi slt, %select_n3A_823, %lt3A_829 : i32
        %ne3A_831 = arith.xori %lt3A_828, %lt3A_830 : i1
        %and3A_832 = arith.andi %ne3A_831, %ne3A_826 : i1
        %add3A_833 = arith.addi %rem3A_824, %select_n3A_823 : i32
        %select_n3A_834 = arith.select %and3A_832, %add3A_833, %rem3A_824 : i32
        %mul3A_835 = arith.constant 4 : i32
        %mul3A_836 = arith.muli %select_n3A_818, %mul3A_835 : i32
        %add3A_837 = arith.constant 1 : i32
        %add3A_838 = arith.addi %mul3A_836, %add3A_837 : i32
        %mul3A_839 = arith.constant 128 : i32
        %mul3A_840 = arith.muli %add3A_838, %mul3A_839 : i32
        %add3A_841 = arith.addi %mul3A_840, %select_n3A_834 : i32
        %mul3A_842 = arith.constant 1024 : i32
        %mul3A_843 = arith.muli %add3A_841, %mul3A_842 : i32
        %dma_start3A_844 = arith.constant 0 : i32
        %dma_start3A_845 = arith.constant 0 : i32
        %dma_start3A_846 = arith.constant 1024 : i32
        %dma_start3A_847 = tpu.memref_slice %arg10[%dma_start3A_844, %dma_start3A_846] : memref<2x4096xf32, #tpu.memory_space<vmem>> -> memref<1x1024xf32, #tpu.memory_space<vmem>>
        %dma_start3A_848 = tpu.memref_squeeze %dma_start3A_847 : memref<1x1024xf32, #tpu.memory_space<vmem>> -> memref<1024xf32, #tpu.memory_space<vmem>>
        %dma_start3A_849 = tpu.memref_slice %arg5[%mul3A_843] : memref<104857600xf32, #tpu.memory_space<hbm>> -> memref<1024xf32, #tpu.memory_space<hbm>>
        %dma_start3A_850 = tpu.memref_slice %arg13[%dma_start3A_845] : memref<2x!tpu.dma_semaphore, #tpu.memory_space<semaphore_mem>> -> memref<1x!tpu.dma_semaphore, #tpu.memory_space<semaphore_mem>>
        %dma_start3A_851 = tpu.memref_squeeze %dma_start3A_850 : memref<1x!tpu.dma_semaphore, #tpu.memory_space<semaphore_mem>> -> memref<!tpu.dma_semaphore, #tpu.memory_space<semaphore_mem>>
        %dma_start3A_852 = tpu.memref_slice %arg5[%mul3A_843] : memref<104857600xf32, #tpu.memory_space<hbm>> -> memref<1024xf32, #tpu.memory_space<hbm>>
        %dma_start3A_853 = arith.constant 1024 : i32
        %dma_start3A_854 = tpu.memref_slice %arg10[%dma_start3A_844, %dma_start3A_853] : memref<2x4096xf32, #tpu.memory_space<vmem>> -> memref<1x1024xf32, #tpu.memory_space<vmem>>
        %dma_start3A_855 = tpu.memref_squeeze %dma_start3A_854 : memref<1x1024xf32, #tpu.memory_space<vmem>> -> memref<1024xf32, #tpu.memory_space<vmem>>
        tpu.enqueue_dma source(%dma_start3A_855 : memref<1024xf32, #tpu.memory_space<vmem>>) target(%dma_start3A_852 : memref<1024xf32, #tpu.memory_space<hbm>>) target_semaphore(%dma_start3A_851 : memref<!tpu.dma_semaphore, #tpu.memory_space<semaphore_mem>>)
        %add3A_856 = arith.addi %mul3A_2, %sub3A_646 : i32
        %jit3A_857 = arith.constant 128 : i32
        %div3A_858 = arith.divsi %add3A_856, %jit3A_857 : i32
        %sign3A_859 = arith.constant 0 : i32
        %sign3A_860 = arith.cmpi sgt, %add3A_856, %sign3A_859 : i32
        %sign3A_861 = arith.extui %sign3A_860 : i1 to i32
        %sign3A_862 = arith.constant 0 : i32
        %sign3A_863 = arith.cmpi slt, %add3A_856, %sign3A_862 : i32
        %sign3A_864 = arith.extui %sign3A_863 : i1 to i32
        %sign3A_865 = arith.subi %sign3A_861, %sign3A_864 : i32
        %sign3A_866 = arith.constant 0 : i32
        %sign3A_867 = arith.cmpi sgt, %jit3A_857, %sign3A_866 : i32
        %sign3A_868 = arith.extui %sign3A_867 : i1 to i32
        %sign3A_869 = arith.constant 0 : i32
        %sign3A_870 = arith.cmpi slt, %jit3A_857, %sign3A_869 : i32
        %sign3A_871 = arith.extui %sign3A_870 : i1 to i32
        %sign3A_872 = arith.subi %sign3A_868, %sign3A_871 : i32
        %ne3A_873 = arith.cmpi ne, %sign3A_865, %sign3A_872 : i32
        %rem3A_874 = arith.remsi %add3A_856, %jit3A_857 : i32
        %ne3A_875 = arith.constant 0 : i32
        %ne3A_876 = arith.cmpi ne, %rem3A_874, %ne3A_875 : i32
        %and3A_877 = arith.andi %ne3A_873, %ne3A_876 : i1
        %sub3A_878 = arith.constant 1 : i32
        %sub3A_879 = arith.subi %div3A_858, %sub3A_878 : i32
        %select_n3A_880 = arith.select %and3A_877, %sub3A_879, %div3A_858 : i32
        %jit3A_881 = arith.constant 128 : i32
        %eq3A_882 = arith.constant 0 : i32
        %eq3A_883 = arith.cmpi eq, %jit3A_881, %eq3A_882 : i32
        %jit3A_884 = arith.constant 1 : i32
        %select_n3A_885 = arith.select %eq3A_883, %jit3A_884, %jit3A_881 : i32
        %rem3A_886 = arith.remsi %add3A_856, %select_n3A_885 : i32
        %ne3A_887 = arith.constant 0 : i32
        %ne3A_888 = arith.cmpi ne, %rem3A_886, %ne3A_887 : i32
        %lt3A_889 = arith.constant 0 : i32
        %lt3A_890 = arith.cmpi slt, %rem3A_886, %lt3A_889 : i32
        %lt3A_891 = arith.constant 0 : i32
        %lt3A_892 = arith.cmpi slt, %select_n3A_885, %lt3A_891 : i32
        %ne3A_893 = arith.xori %lt3A_890, %lt3A_892 : i1
        %and3A_894 = arith.andi %ne3A_893, %ne3A_888 : i1
        %add3A_895 = arith.addi %rem3A_886, %select_n3A_885 : i32
        %select_n3A_896 = arith.select %and3A_894, %add3A_895, %rem3A_886 : i32
        %mul3A_897 = arith.constant 4 : i32
        %mul3A_898 = arith.muli %select_n3A_880, %mul3A_897 : i32
        %add3A_899 = arith.constant 2 : i32
        %add3A_900 = arith.addi %mul3A_898, %add3A_899 : i32
        %mul3A_901 = arith.constant 128 : i32
        %mul3A_902 = arith.muli %add3A_900, %mul3A_901 : i32
        %add3A_903 = arith.addi %mul3A_902, %select_n3A_896 : i32
        %mul3A_904 = arith.constant 1024 : i32
        %mul3A_905 = arith.muli %add3A_903, %mul3A_904 : i32
        %dma_start3A_906 = arith.constant 0 : i32
        %dma_start3A_907 = arith.constant 0 : i32
        %dma_start3A_908 = arith.constant 2048 : i32
        %dma_start3A_909 = tpu.memref_slice %arg10[%dma_start3A_906, %dma_start3A_908] : memref<2x4096xf32, #tpu.memory_space<vmem>> -> memref<1x1024xf32, #tpu.memory_space<vmem>>
        %dma_start3A_910 = tpu.memref_squeeze %dma_start3A_909 : memref<1x1024xf32, #tpu.memory_space<vmem>> -> memref<1024xf32, #tpu.memory_space<vmem>>
        %dma_start3A_911 = tpu.memref_slice %arg5[%mul3A_905] : memref<104857600xf32, #tpu.memory_space<hbm>> -> memref<1024xf32, #tpu.memory_space<hbm>>
        %dma_start3A_912 = tpu.memref_slice %arg13[%dma_start3A_907] : memref<2x!tpu.dma_semaphore, #tpu.memory_space<semaphore_mem>> -> memref<1x!tpu.dma_semaphore, #tpu.memory_space<semaphore_mem>>
        %dma_start3A_913 = tpu.memref_squeeze %dma_start3A_912 : memref<1x!tpu.dma_semaphore, #tpu.memory_space<semaphore_mem>> -> memref<!tpu.dma_semaphore, #tpu.memory_space<semaphore_mem>>
        %dma_start3A_914 = tpu.memref_slice %arg5[%mul3A_905] : memref<104857600xf32, #tpu.memory_space<hbm>> -> memref<1024xf32, #tpu.memory_space<hbm>>
        %dma_start3A_915 = arith.constant 2048 : i32
        %dma_start3A_916 = tpu.memref_slice %arg10[%dma_start3A_906, %dma_start3A_915] : memref<2x4096xf32, #tpu.memory_space<vmem>> -> memref<1x1024xf32, #tpu.memory_space<vmem>>
        %dma_start3A_917 = tpu.memref_squeeze %dma_start3A_916 : memref<1x1024xf32, #tpu.memory_space<vmem>> -> memref<1024xf32, #tpu.memory_space<vmem>>
        tpu.enqueue_dma source(%dma_start3A_917 : memref<1024xf32, #tpu.memory_space<vmem>>) target(%dma_start3A_914 : memref<1024xf32, #tpu.memory_space<hbm>>) target_semaphore(%dma_start3A_913 : memref<!tpu.dma_semaphore, #tpu.memory_space<semaphore_mem>>)
        %add3A_918 = arith.addi %mul3A_2, %sub3A_646 : i32
        %jit3A_919 = arith.constant 128 : i32
        %div3A_920 = arith.divsi %add3A_918, %jit3A_919 : i32
        %sign3A_921 = arith.constant 0 : i32
        %sign3A_922 = arith.cmpi sgt, %add3A_918, %sign3A_921 : i32
        %sign3A_923 = arith.extui %sign3A_922 : i1 to i32
        %sign3A_924 = arith.constant 0 : i32
        %sign3A_925 = arith.cmpi slt, %add3A_918, %sign3A_924 : i32
        %sign3A_926 = arith.extui %sign3A_925 : i1 to i32
        %sign3A_927 = arith.subi %sign3A_923, %sign3A_926 : i32
        %sign3A_928 = arith.constant 0 : i32
        %sign3A_929 = arith.cmpi sgt, %jit3A_919, %sign3A_928 : i32
        %sign3A_930 = arith.extui %sign3A_929 : i1 to i32
        %sign3A_931 = arith.constant 0 : i32
        %sign3A_932 = arith.cmpi slt, %jit3A_919, %sign3A_931 : i32
        %sign3A_933 = arith.extui %sign3A_932 : i1 to i32
        %sign3A_934 = arith.subi %sign3A_930, %sign3A_933 : i32
        %ne3A_935 = arith.cmpi ne, %sign3A_927, %sign3A_934 : i32
        %rem3A_936 = arith.remsi %add3A_918, %jit3A_919 : i32
        %ne3A_937 = arith.constant 0 : i32
        %ne3A_938 = arith.cmpi ne, %rem3A_936, %ne3A_937 : i32
        %and3A_939 = arith.andi %ne3A_935, %ne3A_938 : i1
        %sub3A_940 = arith.constant 1 : i32
        %sub3A_941 = arith.subi %div3A_920, %sub3A_940 : i32
        %select_n3A_942 = arith.select %and3A_939, %sub3A_941, %div3A_920 : i32
        %jit3A_943 = arith.constant 128 : i32
        %eq3A_944 = arith.constant 0 : i32
        %eq3A_945 = arith.cmpi eq, %jit3A_943, %eq3A_944 : i32
        %jit3A_946 = arith.constant 1 : i32
        %select_n3A_947 = arith.select %eq3A_945, %jit3A_946, %jit3A_943 : i32
        %rem3A_948 = arith.remsi %add3A_918, %select_n3A_947 : i32
        %ne3A_949 = arith.constant 0 : i32
        %ne3A_950 = arith.cmpi ne, %rem3A_948, %ne3A_949 : i32
        %lt3A_951 = arith.constant 0 : i32
        %lt3A_952 = arith.cmpi slt, %rem3A_948, %lt3A_951 : i32
        %lt3A_953 = arith.constant 0 : i32
        %lt3A_954 = arith.cmpi slt, %select_n3A_947, %lt3A_953 : i32
        %ne3A_955 = arith.xori %lt3A_952, %lt3A_954 : i1
        %and3A_956 = arith.andi %ne3A_955, %ne3A_950 : i1
        %add3A_957 = arith.addi %rem3A_948, %select_n3A_947 : i32
        %select_n3A_958 = arith.select %and3A_956, %add3A_957, %rem3A_948 : i32
        %mul3A_959 = arith.constant 4 : i32
        %mul3A_960 = arith.muli %select_n3A_942, %mul3A_959 : i32
        %add3A_961 = arith.constant 3 : i32
        %add3A_962 = arith.addi %mul3A_960, %add3A_961 : i32
        %mul3A_963 = arith.constant 128 : i32
        %mul3A_964 = arith.muli %add3A_962, %mul3A_963 : i32
        %add3A_965 = arith.addi %mul3A_964, %select_n3A_958 : i32
        %mul3A_966 = arith.constant 1024 : i32
        %mul3A_967 = arith.muli %add3A_965, %mul3A_966 : i32
        %dma_start3A_968 = arith.constant 0 : i32
        %dma_start3A_969 = arith.constant 0 : i32
        %dma_start3A_970 = arith.constant 3072 : i32
        %dma_start3A_971 = tpu.memref_slice %arg10[%dma_start3A_968, %dma_start3A_970] : memref<2x4096xf32, #tpu.memory_space<vmem>> -> memref<1x1024xf32, #tpu.memory_space<vmem>>
        %dma_start3A_972 = tpu.memref_squeeze %dma_start3A_971 : memref<1x1024xf32, #tpu.memory_space<vmem>> -> memref<1024xf32, #tpu.memory_space<vmem>>
        %dma_start3A_973 = tpu.memref_slice %arg5[%mul3A_967] : memref<104857600xf32, #tpu.memory_space<hbm>> -> memref<1024xf32, #tpu.memory_space<hbm>>
        %dma_start3A_974 = tpu.memref_slice %arg13[%dma_start3A_969] : memref<2x!tpu.dma_semaphore, #tpu.memory_space<semaphore_mem>> -> memref<1x!tpu.dma_semaphore, #tpu.memory_space<semaphore_mem>>
        %dma_start3A_975 = tpu.memref_squeeze %dma_start3A_974 : memref<1x!tpu.dma_semaphore, #tpu.memory_space<semaphore_mem>> -> memref<!tpu.dma_semaphore, #tpu.memory_space<semaphore_mem>>
        %dma_start3A_976 = tpu.memref_slice %arg5[%mul3A_967] : memref<104857600xf32, #tpu.memory_space<hbm>> -> memref<1024xf32, #tpu.memory_space<hbm>>
        %dma_start3A_977 = arith.constant 3072 : i32
        %dma_start3A_978 = tpu.memref_slice %arg10[%dma_start3A_968, %dma_start3A_977] : memref<2x4096xf32, #tpu.memory_space<vmem>> -> memref<1x1024xf32, #tpu.memory_space<vmem>>
        %dma_start3A_979 = tpu.memref_squeeze %dma_start3A_978 : memref<1x1024xf32, #tpu.memory_space<vmem>> -> memref<1024xf32, #tpu.memory_space<vmem>>
        tpu.enqueue_dma source(%dma_start3A_979 : memref<1024xf32, #tpu.memory_space<vmem>>) target(%dma_start3A_976 : memref<1024xf32, #tpu.memory_space<hbm>>) target_semaphore(%dma_start3A_975 : memref<!tpu.dma_semaphore, #tpu.memory_space<semaphore_mem>>)
      } else {
      }
    }
    %scan3A_43 = arith.constant 201 : i32
    %add3A_44 = arith.constant 798 : i32
    %add3A_45 = arith.addi %mul3A_2, %add3A_44 : i32
    %jit3A = arith.constant 128 : i32
    %div3A = arith.divsi %add3A_45, %jit3A : i32
    %sign3A = arith.constant 0 : i32
    %sign3A_46 = arith.cmpi sgt, %add3A_45, %sign3A : i32
    %sign3A_47 = arith.extui %sign3A_46 : i1 to i32
    %sign3A_48 = arith.constant 0 : i32
    %sign3A_49 = arith.cmpi slt, %add3A_45, %sign3A_48 : i32
    %sign3A_50 = arith.extui %sign3A_49 : i1 to i32
    %sign3A_51 = arith.subi %sign3A_47, %sign3A_50 : i32
    %sign3A_52 = arith.constant 0 : i32
    %sign3A_53 = arith.cmpi sgt, %jit3A, %sign3A_52 : i32
    %sign3A_54 = arith.extui %sign3A_53 : i1 to i32
    %sign3A_55 = arith.constant 0 : i32
    %sign3A_56 = arith.cmpi slt, %jit3A, %sign3A_55 : i32
    %sign3A_57 = arith.extui %sign3A_56 : i1 to i32
    %sign3A_58 = arith.subi %sign3A_54, %sign3A_57 : i32
    %ne3A = arith.cmpi ne, %sign3A_51, %sign3A_58 : i32
    %rem3A = arith.remsi %add3A_45, %jit3A : i32
    %ne3A_59 = arith.constant 0 : i32
    %ne3A_60 = arith.cmpi ne, %rem3A, %ne3A_59 : i32
    %and3A = arith.andi %ne3A, %ne3A_60 : i1
    %sub3A = arith.constant 1 : i32
    %sub3A_61 = arith.subi %div3A, %sub3A : i32
    %select_n3A = arith.select %and3A, %sub3A_61, %div3A : i32
    %jit3A_62 = arith.constant 128 : i32
    %eq3A = arith.constant 0 : i32
    %eq3A_63 = arith.cmpi eq, %jit3A_62, %eq3A : i32
    %jit3A_64 = arith.constant 1 : i32
    %select_n3A_65 = arith.select %eq3A_63, %jit3A_64, %jit3A_62 : i32
    %rem3A_66 = arith.remsi %add3A_45, %select_n3A_65 : i32
    %ne3A_67 = arith.constant 0 : i32
    %ne3A_68 = arith.cmpi ne, %rem3A_66, %ne3A_67 : i32
    %lt3A = arith.constant 0 : i32
    %lt3A_69 = arith.cmpi slt, %rem3A_66, %lt3A : i32
    %lt3A_70 = arith.constant 0 : i32
    %lt3A_71 = arith.cmpi slt, %select_n3A_65, %lt3A_70 : i32
    %ne3A_72 = arith.xori %lt3A_69, %lt3A_71 : i1
    %and3A_73 = arith.andi %ne3A_72, %ne3A_68 : i1
    %add3A_74 = arith.addi %rem3A_66, %select_n3A_65 : i32
    %select_n3A_75 = arith.select %and3A_73, %add3A_74, %rem3A_66 : i32
    %mul3A_76 = arith.constant 4 : i32
    %mul3A_77 = arith.muli %select_n3A, %mul3A_76 : i32
    %add3A_78 = arith.constant 0 : i32
    %add3A_79 = arith.addi %mul3A_77, %add3A_78 : i32
    %mul3A_80 = arith.constant 128 : i32
    %mul3A_81 = arith.muli %add3A_79, %mul3A_80 : i32
    %add3A_82 = arith.addi %mul3A_81, %select_n3A_75 : i32
    %mul3A_83 = arith.constant 1024 : i32
    %mul3A_84 = arith.muli %add3A_82, %mul3A_83 : i32
    %dma_wait3A = arith.constant 0 : i32
    %dma_wait3A_85 = arith.constant 0 : i32
    %dma_wait3A_86 = arith.constant 0 : i32
    %dma_wait3A_87 = tpu.memref_slice %arg10[%dma_wait3A, %dma_wait3A_86] : memref<2x4096xf32, #tpu.memory_space<vmem>> -> memref<1x1024xf32, #tpu.memory_space<vmem>>
    %dma_wait3A_88 = tpu.memref_squeeze %dma_wait3A_87 : memref<1x1024xf32, #tpu.memory_space<vmem>> -> memref<1024xf32, #tpu.memory_space<vmem>>
    %dma_wait3A_89 = tpu.memref_slice %arg5[%mul3A_84] : memref<104857600xf32, #tpu.memory_space<hbm>> -> memref<1024xf32, #tpu.memory_space<hbm>>
    %dma_wait3A_90 = tpu.memref_slice %arg13[%dma_wait3A_85] : memref<2x!tpu.dma_semaphore, #tpu.memory_space<semaphore_mem>> -> memref<1x!tpu.dma_semaphore, #tpu.memory_space<semaphore_mem>>
    %dma_wait3A_91 = tpu.memref_squeeze %dma_wait3A_90 : memref<1x!tpu.dma_semaphore, #tpu.memory_space<semaphore_mem>> -> memref<!tpu.dma_semaphore, #tpu.memory_space<semaphore_mem>>
    %dma_wait3A_92 = tpu.memref_slice %arg5[%mul3A_84] : memref<104857600xf32, #tpu.memory_space<hbm>> -> memref<1024xf32, #tpu.memory_space<hbm>>
    %dma_wait3A_93 = arith.constant 0 : i32
    %dma_wait3A_94 = tpu.memref_slice %arg10[%dma_wait3A, %dma_wait3A_93] : memref<2x4096xf32, #tpu.memory_space<vmem>> -> memref<1x1024xf32, #tpu.memory_space<vmem>>
    %dma_wait3A_95 = tpu.memref_squeeze %dma_wait3A_94 : memref<1x1024xf32, #tpu.memory_space<vmem>> -> memref<1024xf32, #tpu.memory_space<vmem>>
    tpu.wait_dma2 semaphore(%dma_wait3A_91 : memref<!tpu.dma_semaphore, #tpu.memory_space<semaphore_mem>>) src(%dma_wait3A_95 : memref<1024xf32, #tpu.memory_space<vmem>>) dst(%dma_wait3A_92 : memref<1024xf32, #tpu.memory_space<hbm>>)
    %add3A_96 = arith.constant 798 : i32
    %add3A_97 = arith.addi %mul3A_2, %add3A_96 : i32
    %jit3A_98 = arith.constant 128 : i32
    %div3A_99 = arith.divsi %add3A_97, %jit3A_98 : i32
    %sign3A_100 = arith.constant 0 : i32
    %sign3A_101 = arith.cmpi sgt, %add3A_97, %sign3A_100 : i32
    %sign3A_102 = arith.extui %sign3A_101 : i1 to i32
    %sign3A_103 = arith.constant 0 : i32
    %sign3A_104 = arith.cmpi slt, %add3A_97, %sign3A_103 : i32
    %sign3A_105 = arith.extui %sign3A_104 : i1 to i32
    %sign3A_106 = arith.subi %sign3A_102, %sign3A_105 : i32
    %sign3A_107 = arith.constant 0 : i32
    %sign3A_108 = arith.cmpi sgt, %jit3A_98, %sign3A_107 : i32
    %sign3A_109 = arith.extui %sign3A_108 : i1 to i32
    %sign3A_110 = arith.constant 0 : i32
    %sign3A_111 = arith.cmpi slt, %jit3A_98, %sign3A_110 : i32
    %sign3A_112 = arith.extui %sign3A_111 : i1 to i32
    %sign3A_113 = arith.subi %sign3A_109, %sign3A_112 : i32
    %ne3A_114 = arith.cmpi ne, %sign3A_106, %sign3A_113 : i32
    %rem3A_115 = arith.remsi %add3A_97, %jit3A_98 : i32
    %ne3A_116 = arith.constant 0 : i32
    %ne3A_117 = arith.cmpi ne, %rem3A_115, %ne3A_116 : i32
    %and3A_118 = arith.andi %ne3A_114, %ne3A_117 : i1
    %sub3A_119 = arith.constant 1 : i32
    %sub3A_120 = arith.subi %div3A_99, %sub3A_119 : i32
    %select_n3A_121 = arith.select %and3A_118, %sub3A_120, %div3A_99 : i32
    %jit3A_122 = arith.constant 128 : i32
    %eq3A_123 = arith.constant 0 : i32
    %eq3A_124 = arith.cmpi eq, %jit3A_122, %eq3A_123 : i32
    %jit3A_125 = arith.constant 1 : i32
    %select_n3A_126 = arith.select %eq3A_124, %jit3A_125, %jit3A_122 : i32
    %rem3A_127 = arith.remsi %add3A_97, %select_n3A_126 : i32
    %ne3A_128 = arith.constant 0 : i32
    %ne3A_129 = arith.cmpi ne, %rem3A_127, %ne3A_128 : i32
    %lt3A_130 = arith.constant 0 : i32
    %lt3A_131 = arith.cmpi slt, %rem3A_127, %lt3A_130 : i32
    %lt3A_132 = arith.constant 0 : i32
    %lt3A_133 = arith.cmpi slt, %select_n3A_126, %lt3A_132 : i32
    %ne3A_134 = arith.xori %lt3A_131, %lt3A_133 : i1
    %and3A_135 = arith.andi %ne3A_134, %ne3A_129 : i1
    %add3A_136 = arith.addi %rem3A_127, %select_n3A_126 : i32
    %select_n3A_137 = arith.select %and3A_135, %add3A_136, %rem3A_127 : i32
    %mul3A_138 = arith.constant 4 : i32
    %mul3A_139 = arith.muli %select_n3A_121, %mul3A_138 : i32
    %add3A_140 = arith.constant 1 : i32
    %add3A_141 = arith.addi %mul3A_139, %add3A_140 : i32
    %mul3A_142 = arith.constant 128 : i32
    %mul3A_143 = arith.muli %add3A_141, %mul3A_142 : i32
    %add3A_144 = arith.addi %mul3A_143, %select_n3A_137 : i32
    %mul3A_145 = arith.constant 1024 : i32
    %mul3A_146 = arith.muli %add3A_144, %mul3A_145 : i32
    %dma_wait3A_147 = arith.constant 0 : i32
    %dma_wait3A_148 = arith.constant 0 : i32
    %dma_wait3A_149 = arith.constant 1024 : i32
    %dma_wait3A_150 = tpu.memref_slice %arg10[%dma_wait3A_147, %dma_wait3A_149] : memref<2x4096xf32, #tpu.memory_space<vmem>> -> memref<1x1024xf32, #tpu.memory_space<vmem>>
    %dma_wait3A_151 = tpu.memref_squeeze %dma_wait3A_150 : memref<1x1024xf32, #tpu.memory_space<vmem>> -> memref<1024xf32, #tpu.memory_space<vmem>>
    %dma_wait3A_152 = tpu.memref_slice %arg5[%mul3A_146] : memref<104857600xf32, #tpu.memory_space<hbm>> -> memref<1024xf32, #tpu.memory_space<hbm>>
    %dma_wait3A_153 = tpu.memref_slice %arg13[%dma_wait3A_148] : memref<2x!tpu.dma_semaphore, #tpu.memory_space<semaphore_mem>> -> memref<1x!tpu.dma_semaphore, #tpu.memory_space<semaphore_mem>>
    %dma_wait3A_154 = tpu.memref_squeeze %dma_wait3A_153 : memref<1x!tpu.dma_semaphore, #tpu.memory_space<semaphore_mem>> -> memref<!tpu.dma_semaphore, #tpu.memory_space<semaphore_mem>>
    %dma_wait3A_155 = tpu.memref_slice %arg5[%mul3A_146] : memref<104857600xf32, #tpu.memory_space<hbm>> -> memref<1024xf32, #tpu.memory_space<hbm>>
    %dma_wait3A_156 = arith.constant 1024 : i32
    %dma_wait3A_157 = tpu.memref_slice %arg10[%dma_wait3A_147, %dma_wait3A_156] : memref<2x4096xf32, #tpu.memory_space<vmem>> -> memref<1x1024xf32, #tpu.memory_space<vmem>>
    %dma_wait3A_158 = tpu.memref_squeeze %dma_wait3A_157 : memref<1x1024xf32, #tpu.memory_space<vmem>> -> memref<1024xf32, #tpu.memory_space<vmem>>
    tpu.wait_dma2 semaphore(%dma_wait3A_154 : memref<!tpu.dma_semaphore, #tpu.memory_space<semaphore_mem>>) src(%dma_wait3A_158 : memref<1024xf32, #tpu.memory_space<vmem>>) dst(%dma_wait3A_155 : memref<1024xf32, #tpu.memory_space<hbm>>)
    %add3A_159 = arith.constant 798 : i32
    %add3A_160 = arith.addi %mul3A_2, %add3A_159 : i32
    %jit3A_161 = arith.constant 128 : i32
    %div3A_162 = arith.divsi %add3A_160, %jit3A_161 : i32
    %sign3A_163 = arith.constant 0 : i32
    %sign3A_164 = arith.cmpi sgt, %add3A_160, %sign3A_163 : i32
    %sign3A_165 = arith.extui %sign3A_164 : i1 to i32
    %sign3A_166 = arith.constant 0 : i32
    %sign3A_167 = arith.cmpi slt, %add3A_160, %sign3A_166 : i32
    %sign3A_168 = arith.extui %sign3A_167 : i1 to i32
    %sign3A_169 = arith.subi %sign3A_165, %sign3A_168 : i32
    %sign3A_170 = arith.constant 0 : i32
    %sign3A_171 = arith.cmpi sgt, %jit3A_161, %sign3A_170 : i32
    %sign3A_172 = arith.extui %sign3A_171 : i1 to i32
    %sign3A_173 = arith.constant 0 : i32
    %sign3A_174 = arith.cmpi slt, %jit3A_161, %sign3A_173 : i32
    %sign3A_175 = arith.extui %sign3A_174 : i1 to i32
    %sign3A_176 = arith.subi %sign3A_172, %sign3A_175 : i32
    %ne3A_177 = arith.cmpi ne, %sign3A_169, %sign3A_176 : i32
    %rem3A_178 = arith.remsi %add3A_160, %jit3A_161 : i32
    %ne3A_179 = arith.constant 0 : i32
    %ne3A_180 = arith.cmpi ne, %rem3A_178, %ne3A_179 : i32
    %and3A_181 = arith.andi %ne3A_177, %ne3A_180 : i1
    %sub3A_182 = arith.constant 1 : i32
    %sub3A_183 = arith.subi %div3A_162, %sub3A_182 : i32
    %select_n3A_184 = arith.select %and3A_181, %sub3A_183, %div3A_162 : i32
    %jit3A_185 = arith.constant 128 : i32
    %eq3A_186 = arith.constant 0 : i32
    %eq3A_187 = arith.cmpi eq, %jit3A_185, %eq3A_186 : i32
    %jit3A_188 = arith.constant 1 : i32
    %select_n3A_189 = arith.select %eq3A_187, %jit3A_188, %jit3A_185 : i32
    %rem3A_190 = arith.remsi %add3A_160, %select_n3A_189 : i32
    %ne3A_191 = arith.constant 0 : i32
    %ne3A_192 = arith.cmpi ne, %rem3A_190, %ne3A_191 : i32
    %lt3A_193 = arith.constant 0 : i32
    %lt3A_194 = arith.cmpi slt, %rem3A_190, %lt3A_193 : i32
    %lt3A_195 = arith.constant 0 : i32
    %lt3A_196 = arith.cmpi slt, %select_n3A_189, %lt3A_195 : i32
    %ne3A_197 = arith.xori %lt3A_194, %lt3A_196 : i1
    %and3A_198 = arith.andi %ne3A_197, %ne3A_192 : i1
    %add3A_199 = arith.addi %rem3A_190, %select_n3A_189 : i32
    %select_n3A_200 = arith.select %and3A_198, %add3A_199, %rem3A_190 : i32
    %mul3A_201 = arith.constant 4 : i32
    %mul3A_202 = arith.muli %select_n3A_184, %mul3A_201 : i32
    %add3A_203 = arith.constant 2 : i32
    %add3A_204 = arith.addi %mul3A_202, %add3A_203 : i32
    %mul3A_205 = arith.constant 128 : i32
    %mul3A_206 = arith.muli %add3A_204, %mul3A_205 : i32
    %add3A_207 = arith.addi %mul3A_206, %select_n3A_200 : i32
    %mul3A_208 = arith.constant 1024 : i32
    %mul3A_209 = arith.muli %add3A_207, %mul3A_208 : i32
    %dma_wait3A_210 = arith.constant 0 : i32
    %dma_wait3A_211 = arith.constant 0 : i32
    %dma_wait3A_212 = arith.constant 2048 : i32
    %dma_wait3A_213 = tpu.memref_slice %arg10[%dma_wait3A_210, %dma_wait3A_212] : memref<2x4096xf32, #tpu.memory_space<vmem>> -> memref<1x1024xf32, #tpu.memory_space<vmem>>
    %dma_wait3A_214 = tpu.memref_squeeze %dma_wait3A_213 : memref<1x1024xf32, #tpu.memory_space<vmem>> -> memref<1024xf32, #tpu.memory_space<vmem>>
    %dma_wait3A_215 = tpu.memref_slice %arg5[%mul3A_209] : memref<104857600xf32, #tpu.memory_space<hbm>> -> memref<1024xf32, #tpu.memory_space<hbm>>
    %dma_wait3A_216 = tpu.memref_slice %arg13[%dma_wait3A_211] : memref<2x!tpu.dma_semaphore, #tpu.memory_space<semaphore_mem>> -> memref<1x!tpu.dma_semaphore, #tpu.memory_space<semaphore_mem>>
    %dma_wait3A_217 = tpu.memref_squeeze %dma_wait3A_216 : memref<1x!tpu.dma_semaphore, #tpu.memory_space<semaphore_mem>> -> memref<!tpu.dma_semaphore, #tpu.memory_space<semaphore_mem>>
    %dma_wait3A_218 = tpu.memref_slice %arg5[%mul3A_209] : memref<104857600xf32, #tpu.memory_space<hbm>> -> memref<1024xf32, #tpu.memory_space<hbm>>
    %dma_wait3A_219 = arith.constant 2048 : i32
    %dma_wait3A_220 = tpu.memref_slice %arg10[%dma_wait3A_210, %dma_wait3A_219] : memref<2x4096xf32, #tpu.memory_space<vmem>> -> memref<1x1024xf32, #tpu.memory_space<vmem>>
    %dma_wait3A_221 = tpu.memref_squeeze %dma_wait3A_220 : memref<1x1024xf32, #tpu.memory_space<vmem>> -> memref<1024xf32, #tpu.memory_space<vmem>>
    tpu.wait_dma2 semaphore(%dma_wait3A_217 : memref<!tpu.dma_semaphore, #tpu.memory_space<semaphore_mem>>) src(%dma_wait3A_221 : memref<1024xf32, #tpu.memory_space<vmem>>) dst(%dma_wait3A_218 : memref<1024xf32, #tpu.memory_space<hbm>>)
    %add3A_222 = arith.constant 798 : i32
    %add3A_223 = arith.addi %mul3A_2, %add3A_222 : i32
    %jit3A_224 = arith.constant 128 : i32
    %div3A_225 = arith.divsi %add3A_223, %jit3A_224 : i32
    %sign3A_226 = arith.constant 0 : i32
    %sign3A_227 = arith.cmpi sgt, %add3A_223, %sign3A_226 : i32
    %sign3A_228 = arith.extui %sign3A_227 : i1 to i32
    %sign3A_229 = arith.constant 0 : i32
    %sign3A_230 = arith.cmpi slt, %add3A_223, %sign3A_229 : i32
    %sign3A_231 = arith.extui %sign3A_230 : i1 to i32
    %sign3A_232 = arith.subi %sign3A_228, %sign3A_231 : i32
    %sign3A_233 = arith.constant 0 : i32
    %sign3A_234 = arith.cmpi sgt, %jit3A_224, %sign3A_233 : i32
    %sign3A_235 = arith.extui %sign3A_234 : i1 to i32
    %sign3A_236 = arith.constant 0 : i32
    %sign3A_237 = arith.cmpi slt, %jit3A_224, %sign3A_236 : i32
    %sign3A_238 = arith.extui %sign3A_237 : i1 to i32
    %sign3A_239 = arith.subi %sign3A_235, %sign3A_238 : i32
    %ne3A_240 = arith.cmpi ne, %sign3A_232, %sign3A_239 : i32
    %rem3A_241 = arith.remsi %add3A_223, %jit3A_224 : i32
    %ne3A_242 = arith.constant 0 : i32
    %ne3A_243 = arith.cmpi ne, %rem3A_241, %ne3A_242 : i32
    %and3A_244 = arith.andi %ne3A_240, %ne3A_243 : i1
    %sub3A_245 = arith.constant 1 : i32
    %sub3A_246 = arith.subi %div3A_225, %sub3A_245 : i32
    %select_n3A_247 = arith.select %and3A_244, %sub3A_246, %div3A_225 : i32
    %jit3A_248 = arith.constant 128 : i32
    %eq3A_249 = arith.constant 0 : i32
    %eq3A_250 = arith.cmpi eq, %jit3A_248, %eq3A_249 : i32
    %jit3A_251 = arith.constant 1 : i32
    %select_n3A_252 = arith.select %eq3A_250, %jit3A_251, %jit3A_248 : i32
    %rem3A_253 = arith.remsi %add3A_223, %select_n3A_252 : i32
    %ne3A_254 = arith.constant 0 : i32
    %ne3A_255 = arith.cmpi ne, %rem3A_253, %ne3A_254 : i32
    %lt3A_256 = arith.constant 0 : i32
    %lt3A_257 = arith.cmpi slt, %rem3A_253, %lt3A_256 : i32
    %lt3A_258 = arith.constant 0 : i32
    %lt3A_259 = arith.cmpi slt, %select_n3A_252, %lt3A_258 : i32
    %ne3A_260 = arith.xori %lt3A_257, %lt3A_259 : i1
    %and3A_261 = arith.andi %ne3A_260, %ne3A_255 : i1
    %add3A_262 = arith.addi %rem3A_253, %select_n3A_252 : i32
    %select_n3A_263 = arith.select %and3A_261, %add3A_262, %rem3A_253 : i32
    %mul3A_264 = arith.constant 4 : i32
    %mul3A_265 = arith.muli %select_n3A_247, %mul3A_264 : i32
    %add3A_266 = arith.constant 3 : i32
    %add3A_267 = arith.addi %mul3A_265, %add3A_266 : i32
    %mul3A_268 = arith.constant 128 : i32
    %mul3A_269 = arith.muli %add3A_267, %mul3A_268 : i32
    %add3A_270 = arith.addi %mul3A_269, %select_n3A_263 : i32
    %mul3A_271 = arith.constant 1024 : i32
    %mul3A_272 = arith.muli %add3A_270, %mul3A_271 : i32
    %dma_wait3A_273 = arith.constant 0 : i32
    %dma_wait3A_274 = arith.constant 0 : i32
    %dma_wait3A_275 = arith.constant 3072 : i32
    %dma_wait3A_276 = tpu.memref_slice %arg10[%dma_wait3A_273, %dma_wait3A_275] : memref<2x4096xf32, #tpu.memory_space<vmem>> -> memref<1x1024xf32, #tpu.memory_space<vmem>>
    %dma_wait3A_277 = tpu.memref_squeeze %dma_wait3A_276 : memref<1x1024xf32, #tpu.memory_space<vmem>> -> memref<1024xf32, #tpu.memory_space<vmem>>
    %dma_wait3A_278 = tpu.memref_slice %arg5[%mul3A_272] : memref<104857600xf32, #tpu.memory_space<hbm>> -> memref<1024xf32, #tpu.memory_space<hbm>>
    %dma_wait3A_279 = tpu.memref_slice %arg13[%dma_wait3A_274] : memref<2x!tpu.dma_semaphore, #tpu.memory_space<semaphore_mem>> -> memref<1x!tpu.dma_semaphore, #tpu.memory_space<semaphore_mem>>
    %dma_wait3A_280 = tpu.memref_squeeze %dma_wait3A_279 : memref<1x!tpu.dma_semaphore, #tpu.memory_space<semaphore_mem>> -> memref<!tpu.dma_semaphore, #tpu.memory_space<semaphore_mem>>
    %dma_wait3A_281 = tpu.memref_slice %arg5[%mul3A_272] : memref<104857600xf32, #tpu.memory_space<hbm>> -> memref<1024xf32, #tpu.memory_space<hbm>>
    %dma_wait3A_282 = arith.constant 3072 : i32
    %dma_wait3A_283 = tpu.memref_slice %arg10[%dma_wait3A_273, %dma_wait3A_282] : memref<2x4096xf32, #tpu.memory_space<vmem>> -> memref<1x1024xf32, #tpu.memory_space<vmem>>
    %dma_wait3A_284 = tpu.memref_squeeze %dma_wait3A_283 : memref<1x1024xf32, #tpu.memory_space<vmem>> -> memref<1024xf32, #tpu.memory_space<vmem>>
    tpu.wait_dma2 semaphore(%dma_wait3A_280 : memref<!tpu.dma_semaphore, #tpu.memory_space<semaphore_mem>>) src(%dma_wait3A_284 : memref<1024xf32, #tpu.memory_space<vmem>>) dst(%dma_wait3A_281 : memref<1024xf32, #tpu.memory_space<hbm>>)
    %add3A_285 = arith.constant 799 : i32
    %add3A_286 = arith.addi %mul3A_2, %add3A_285 : i32
    %jit3A_287 = arith.constant 128 : i32
    %div3A_288 = arith.divsi %add3A_286, %jit3A_287 : i32
    %sign3A_289 = arith.constant 0 : i32
    %sign3A_290 = arith.cmpi sgt, %add3A_286, %sign3A_289 : i32
    %sign3A_291 = arith.extui %sign3A_290 : i1 to i32
    %sign3A_292 = arith.constant 0 : i32
    %sign3A_293 = arith.cmpi slt, %add3A_286, %sign3A_292 : i32
    %sign3A_294 = arith.extui %sign3A_293 : i1 to i32
    %sign3A_295 = arith.subi %sign3A_291, %sign3A_294 : i32
    %sign3A_296 = arith.constant 0 : i32
    %sign3A_297 = arith.cmpi sgt, %jit3A_287, %sign3A_296 : i32
    %sign3A_298 = arith.extui %sign3A_297 : i1 to i32
    %sign3A_299 = arith.constant 0 : i32
    %sign3A_300 = arith.cmpi slt, %jit3A_287, %sign3A_299 : i32
    %sign3A_301 = arith.extui %sign3A_300 : i1 to i32
    %sign3A_302 = arith.subi %sign3A_298, %sign3A_301 : i32
    %ne3A_303 = arith.cmpi ne, %sign3A_295, %sign3A_302 : i32
    %rem3A_304 = arith.remsi %add3A_286, %jit3A_287 : i32
    %ne3A_305 = arith.constant 0 : i32
    %ne3A_306 = arith.cmpi ne, %rem3A_304, %ne3A_305 : i32
    %and3A_307 = arith.andi %ne3A_303, %ne3A_306 : i1
    %sub3A_308 = arith.constant 1 : i32
    %sub3A_309 = arith.subi %div3A_288, %sub3A_308 : i32
    %select_n3A_310 = arith.select %and3A_307, %sub3A_309, %div3A_288 : i32
    %jit3A_311 = arith.constant 128 : i32
    %eq3A_312 = arith.constant 0 : i32
    %eq3A_313 = arith.cmpi eq, %jit3A_311, %eq3A_312 : i32
    %jit3A_314 = arith.constant 1 : i32
    %select_n3A_315 = arith.select %eq3A_313, %jit3A_314, %jit3A_311 : i32
    %rem3A_316 = arith.remsi %add3A_286, %select_n3A_315 : i32
    %ne3A_317 = arith.constant 0 : i32
    %ne3A_318 = arith.cmpi ne, %rem3A_316, %ne3A_317 : i32
    %lt3A_319 = arith.constant 0 : i32
    %lt3A_320 = arith.cmpi slt, %rem3A_316, %lt3A_319 : i32
    %lt3A_321 = arith.constant 0 : i32
    %lt3A_322 = arith.cmpi slt, %select_n3A_315, %lt3A_321 : i32
    %ne3A_323 = arith.xori %lt3A_320, %lt3A_322 : i1
    %and3A_324 = arith.andi %ne3A_323, %ne3A_318 : i1
    %add3A_325 = arith.addi %rem3A_316, %select_n3A_315 : i32
    %select_n3A_326 = arith.select %and3A_324, %add3A_325, %rem3A_316 : i32
    %mul3A_327 = arith.constant 4 : i32
    %mul3A_328 = arith.muli %select_n3A_310, %mul3A_327 : i32
    %add3A_329 = arith.constant 0 : i32
    %add3A_330 = arith.addi %mul3A_328, %add3A_329 : i32
    %mul3A_331 = arith.constant 128 : i32
    %mul3A_332 = arith.muli %add3A_330, %mul3A_331 : i32
    %add3A_333 = arith.addi %mul3A_332, %select_n3A_326 : i32
    %mul3A_334 = arith.constant 1024 : i32
    %mul3A_335 = arith.muli %add3A_333, %mul3A_334 : i32
    %dma_wait3A_336 = arith.constant 1 : i32
    %dma_wait3A_337 = arith.constant 1 : i32
    %dma_wait3A_338 = arith.constant 0 : i32
    %dma_wait3A_339 = tpu.memref_slice %arg10[%dma_wait3A_336, %dma_wait3A_338] : memref<2x4096xf32, #tpu.memory_space<vmem>> -> memref<1x1024xf32, #tpu.memory_space<vmem>>
    %dma_wait3A_340 = tpu.memref_squeeze %dma_wait3A_339 : memref<1x1024xf32, #tpu.memory_space<vmem>> -> memref<1024xf32, #tpu.memory_space<vmem>>
    %dma_wait3A_341 = tpu.memref_slice %arg5[%mul3A_335] : memref<104857600xf32, #tpu.memory_space<hbm>> -> memref<1024xf32, #tpu.memory_space<hbm>>
    %dma_wait3A_342 = tpu.memref_slice %arg13[%dma_wait3A_337] : memref<2x!tpu.dma_semaphore, #tpu.memory_space<semaphore_mem>> -> memref<1x!tpu.dma_semaphore, #tpu.memory_space<semaphore_mem>>
    %dma_wait3A_343 = tpu.memref_squeeze %dma_wait3A_342 : memref<1x!tpu.dma_semaphore, #tpu.memory_space<semaphore_mem>> -> memref<!tpu.dma_semaphore, #tpu.memory_space<semaphore_mem>>
    %dma_wait3A_344 = tpu.memref_slice %arg5[%mul3A_335] : memref<104857600xf32, #tpu.memory_space<hbm>> -> memref<1024xf32, #tpu.memory_space<hbm>>
    %dma_wait3A_345 = arith.constant 0 : i32
    %dma_wait3A_346 = tpu.memref_slice %arg10[%dma_wait3A_336, %dma_wait3A_345] : memref<2x4096xf32, #tpu.memory_space<vmem>> -> memref<1x1024xf32, #tpu.memory_space<vmem>>
    %dma_wait3A_347 = tpu.memref_squeeze %dma_wait3A_346 : memref<1x1024xf32, #tpu.memory_space<vmem>> -> memref<1024xf32, #tpu.memory_space<vmem>>
    tpu.wait_dma2 semaphore(%dma_wait3A_343 : memref<!tpu.dma_semaphore, #tpu.memory_space<semaphore_mem>>) src(%dma_wait3A_347 : memref<1024xf32, #tpu.memory_space<vmem>>) dst(%dma_wait3A_344 : memref<1024xf32, #tpu.memory_space<hbm>>)
    %add3A_348 = arith.constant 799 : i32
    %add3A_349 = arith.addi %mul3A_2, %add3A_348 : i32
    %jit3A_350 = arith.constant 128 : i32
    %div3A_351 = arith.divsi %add3A_349, %jit3A_350 : i32
    %sign3A_352 = arith.constant 0 : i32
    %sign3A_353 = arith.cmpi sgt, %add3A_349, %sign3A_352 : i32
    %sign3A_354 = arith.extui %sign3A_353 : i1 to i32
    %sign3A_355 = arith.constant 0 : i32
    %sign3A_356 = arith.cmpi slt, %add3A_349, %sign3A_355 : i32
    %sign3A_357 = arith.extui %sign3A_356 : i1 to i32
    %sign3A_358 = arith.subi %sign3A_354, %sign3A_357 : i32
    %sign3A_359 = arith.constant 0 : i32
    %sign3A_360 = arith.cmpi sgt, %jit3A_350, %sign3A_359 : i32
    %sign3A_361 = arith.extui %sign3A_360 : i1 to i32
    %sign3A_362 = arith.constant 0 : i32
    %sign3A_363 = arith.cmpi slt, %jit3A_350, %sign3A_362 : i32
    %sign3A_364 = arith.extui %sign3A_363 : i1 to i32
    %sign3A_365 = arith.subi %sign3A_361, %sign3A_364 : i32
    %ne3A_366 = arith.cmpi ne, %sign3A_358, %sign3A_365 : i32
    %rem3A_367 = arith.remsi %add3A_349, %jit3A_350 : i32
    %ne3A_368 = arith.constant 0 : i32
    %ne3A_369 = arith.cmpi ne, %rem3A_367, %ne3A_368 : i32
    %and3A_370 = arith.andi %ne3A_366, %ne3A_369 : i1
    %sub3A_371 = arith.constant 1 : i32
    %sub3A_372 = arith.subi %div3A_351, %sub3A_371 : i32
    %select_n3A_373 = arith.select %and3A_370, %sub3A_372, %div3A_351 : i32
    %jit3A_374 = arith.constant 128 : i32
    %eq3A_375 = arith.constant 0 : i32
    %eq3A_376 = arith.cmpi eq, %jit3A_374, %eq3A_375 : i32
    %jit3A_377 = arith.constant 1 : i32
    %select_n3A_378 = arith.select %eq3A_376, %jit3A_377, %jit3A_374 : i32
    %rem3A_379 = arith.remsi %add3A_349, %select_n3A_378 : i32
    %ne3A_380 = arith.constant 0 : i32
    %ne3A_381 = arith.cmpi ne, %rem3A_379, %ne3A_380 : i32
    %lt3A_382 = arith.constant 0 : i32
    %lt3A_383 = arith.cmpi slt, %rem3A_379, %lt3A_382 : i32
    %lt3A_384 = arith.constant 0 : i32
    %lt3A_385 = arith.cmpi slt, %select_n3A_378, %lt3A_384 : i32
    %ne3A_386 = arith.xori %lt3A_383, %lt3A_385 : i1
    %and3A_387 = arith.andi %ne3A_386, %ne3A_381 : i1
    %add3A_388 = arith.addi %rem3A_379, %select_n3A_378 : i32
    %select_n3A_389 = arith.select %and3A_387, %add3A_388, %rem3A_379 : i32
    %mul3A_390 = arith.constant 4 : i32
    %mul3A_391 = arith.muli %select_n3A_373, %mul3A_390 : i32
    %add3A_392 = arith.constant 1 : i32
    %add3A_393 = arith.addi %mul3A_391, %add3A_392 : i32
    %mul3A_394 = arith.constant 128 : i32
    %mul3A_395 = arith.muli %add3A_393, %mul3A_394 : i32
    %add3A_396 = arith.addi %mul3A_395, %select_n3A_389 : i32
    %mul3A_397 = arith.constant 1024 : i32
    %mul3A_398 = arith.muli %add3A_396, %mul3A_397 : i32
    %dma_wait3A_399 = arith.constant 1 : i32
    %dma_wait3A_400 = arith.constant 1 : i32
    %dma_wait3A_401 = arith.constant 1024 : i32
    %dma_wait3A_402 = tpu.memref_slice %arg10[%dma_wait3A_399, %dma_wait3A_401] : memref<2x4096xf32, #tpu.memory_space<vmem>> -> memref<1x1024xf32, #tpu.memory_space<vmem>>
    %dma_wait3A_403 = tpu.memref_squeeze %dma_wait3A_402 : memref<1x1024xf32, #tpu.memory_space<vmem>> -> memref<1024xf32, #tpu.memory_space<vmem>>
    %dma_wait3A_404 = tpu.memref_slice %arg5[%mul3A_398] : memref<104857600xf32, #tpu.memory_space<hbm>> -> memref<1024xf32, #tpu.memory_space<hbm>>
    %dma_wait3A_405 = tpu.memref_slice %arg13[%dma_wait3A_400] : memref<2x!tpu.dma_semaphore, #tpu.memory_space<semaphore_mem>> -> memref<1x!tpu.dma_semaphore, #tpu.memory_space<semaphore_mem>>
    %dma_wait3A_406 = tpu.memref_squeeze %dma_wait3A_405 : memref<1x!tpu.dma_semaphore, #tpu.memory_space<semaphore_mem>> -> memref<!tpu.dma_semaphore, #tpu.memory_space<semaphore_mem>>
    %dma_wait3A_407 = tpu.memref_slice %arg5[%mul3A_398] : memref<104857600xf32, #tpu.memory_space<hbm>> -> memref<1024xf32, #tpu.memory_space<hbm>>
    %dma_wait3A_408 = arith.constant 1024 : i32
    %dma_wait3A_409 = tpu.memref_slice %arg10[%dma_wait3A_399, %dma_wait3A_408] : memref<2x4096xf32, #tpu.memory_space<vmem>> -> memref<1x1024xf32, #tpu.memory_space<vmem>>
    %dma_wait3A_410 = tpu.memref_squeeze %dma_wait3A_409 : memref<1x1024xf32, #tpu.memory_space<vmem>> -> memref<1024xf32, #tpu.memory_space<vmem>>
    tpu.wait_dma2 semaphore(%dma_wait3A_406 : memref<!tpu.dma_semaphore, #tpu.memory_space<semaphore_mem>>) src(%dma_wait3A_410 : memref<1024xf32, #tpu.memory_space<vmem>>) dst(%dma_wait3A_407 : memref<1024xf32, #tpu.memory_space<hbm>>)
    %add3A_411 = arith.constant 799 : i32
    %add3A_412 = arith.addi %mul3A_2, %add3A_411 : i32
    %jit3A_413 = arith.constant 128 : i32
    %div3A_414 = arith.divsi %add3A_412, %jit3A_413 : i32
    %sign3A_415 = arith.constant 0 : i32
    %sign3A_416 = arith.cmpi sgt, %add3A_412, %sign3A_415 : i32
    %sign3A_417 = arith.extui %sign3A_416 : i1 to i32
    %sign3A_418 = arith.constant 0 : i32
    %sign3A_419 = arith.cmpi slt, %add3A_412, %sign3A_418 : i32
    %sign3A_420 = arith.extui %sign3A_419 : i1 to i32
    %sign3A_421 = arith.subi %sign3A_417, %sign3A_420 : i32
    %sign3A_422 = arith.constant 0 : i32
    %sign3A_423 = arith.cmpi sgt, %jit3A_413, %sign3A_422 : i32
    %sign3A_424 = arith.extui %sign3A_423 : i1 to i32
    %sign3A_425 = arith.constant 0 : i32
    %sign3A_426 = arith.cmpi slt, %jit3A_413, %sign3A_425 : i32
    %sign3A_427 = arith.extui %sign3A_426 : i1 to i32
    %sign3A_428 = arith.subi %sign3A_424, %sign3A_427 : i32
    %ne3A_429 = arith.cmpi ne, %sign3A_421, %sign3A_428 : i32
    %rem3A_430 = arith.remsi %add3A_412, %jit3A_413 : i32
    %ne3A_431 = arith.constant 0 : i32
    %ne3A_432 = arith.cmpi ne, %rem3A_430, %ne3A_431 : i32
    %and3A_433 = arith.andi %ne3A_429, %ne3A_432 : i1
    %sub3A_434 = arith.constant 1 : i32
    %sub3A_435 = arith.subi %div3A_414, %sub3A_434 : i32
    %select_n3A_436 = arith.select %and3A_433, %sub3A_435, %div3A_414 : i32
    %jit3A_437 = arith.constant 128 : i32
    %eq3A_438 = arith.constant 0 : i32
    %eq3A_439 = arith.cmpi eq, %jit3A_437, %eq3A_438 : i32
    %jit3A_440 = arith.constant 1 : i32
    %select_n3A_441 = arith.select %eq3A_439, %jit3A_440, %jit3A_437 : i32
    %rem3A_442 = arith.remsi %add3A_412, %select_n3A_441 : i32
    %ne3A_443 = arith.constant 0 : i32
    %ne3A_444 = arith.cmpi ne, %rem3A_442, %ne3A_443 : i32
    %lt3A_445 = arith.constant 0 : i32
    %lt3A_446 = arith.cmpi slt, %rem3A_442, %lt3A_445 : i32
    %lt3A_447 = arith.constant 0 : i32
    %lt3A_448 = arith.cmpi slt, %select_n3A_441, %lt3A_447 : i32
    %ne3A_449 = arith.xori %lt3A_446, %lt3A_448 : i1
    %and3A_450 = arith.andi %ne3A_449, %ne3A_444 : i1
    %add3A_451 = arith.addi %rem3A_442, %select_n3A_441 : i32
    %select_n3A_452 = arith.select %and3A_450, %add3A_451, %rem3A_442 : i32
    %mul3A_453 = arith.constant 4 : i32
    %mul3A_454 = arith.muli %select_n3A_436, %mul3A_453 : i32
    %add3A_455 = arith.constant 2 : i32
    %add3A_456 = arith.addi %mul3A_454, %add3A_455 : i32
    %mul3A_457 = arith.constant 128 : i32
    %mul3A_458 = arith.muli %add3A_456, %mul3A_457 : i32
    %add3A_459 = arith.addi %mul3A_458, %select_n3A_452 : i32
    %mul3A_460 = arith.constant 1024 : i32
    %mul3A_461 = arith.muli %add3A_459, %mul3A_460 : i32
    %dma_wait3A_462 = arith.constant 1 : i32
    %dma_wait3A_463 = arith.constant 1 : i32
    %dma_wait3A_464 = arith.constant 2048 : i32
    %dma_wait3A_465 = tpu.memref_slice %arg10[%dma_wait3A_462, %dma_wait3A_464] : memref<2x4096xf32, #tpu.memory_space<vmem>> -> memref<1x1024xf32, #tpu.memory_space<vmem>>
    %dma_wait3A_466 = tpu.memref_squeeze %dma_wait3A_465 : memref<1x1024xf32, #tpu.memory_space<vmem>> -> memref<1024xf32, #tpu.memory_space<vmem>>
    %dma_wait3A_467 = tpu.memref_slice %arg5[%mul3A_461] : memref<104857600xf32, #tpu.memory_space<hbm>> -> memref<1024xf32, #tpu.memory_space<hbm>>
    %dma_wait3A_468 = tpu.memref_slice %arg13[%dma_wait3A_463] : memref<2x!tpu.dma_semaphore, #tpu.memory_space<semaphore_mem>> -> memref<1x!tpu.dma_semaphore, #tpu.memory_space<semaphore_mem>>
    %dma_wait3A_469 = tpu.memref_squeeze %dma_wait3A_468 : memref<1x!tpu.dma_semaphore, #tpu.memory_space<semaphore_mem>> -> memref<!tpu.dma_semaphore, #tpu.memory_space<semaphore_mem>>
    %dma_wait3A_470 = tpu.memref_slice %arg5[%mul3A_461] : memref<104857600xf32, #tpu.memory_space<hbm>> -> memref<1024xf32, #tpu.memory_space<hbm>>
    %dma_wait3A_471 = arith.constant 2048 : i32
    %dma_wait3A_472 = tpu.memref_slice %arg10[%dma_wait3A_462, %dma_wait3A_471] : memref<2x4096xf32, #tpu.memory_space<vmem>> -> memref<1x1024xf32, #tpu.memory_space<vmem>>
    %dma_wait3A_473 = tpu.memref_squeeze %dma_wait3A_472 : memref<1x1024xf32, #tpu.memory_space<vmem>> -> memref<1024xf32, #tpu.memory_space<vmem>>
    tpu.wait_dma2 semaphore(%dma_wait3A_469 : memref<!tpu.dma_semaphore, #tpu.memory_space<semaphore_mem>>) src(%dma_wait3A_473 : memref<1024xf32, #tpu.memory_space<vmem>>) dst(%dma_wait3A_470 : memref<1024xf32, #tpu.memory_space<hbm>>)
    %add3A_474 = arith.constant 799 : i32
    %add3A_475 = arith.addi %mul3A_2, %add3A_474 : i32
    %jit3A_476 = arith.constant 128 : i32
    %div3A_477 = arith.divsi %add3A_475, %jit3A_476 : i32
    %sign3A_478 = arith.constant 0 : i32
    %sign3A_479 = arith.cmpi sgt, %add3A_475, %sign3A_478 : i32
    %sign3A_480 = arith.extui %sign3A_479 : i1 to i32
    %sign3A_481 = arith.constant 0 : i32
    %sign3A_482 = arith.cmpi slt, %add3A_475, %sign3A_481 : i32
    %sign3A_483 = arith.extui %sign3A_482 : i1 to i32
    %sign3A_484 = arith.subi %sign3A_480, %sign3A_483 : i32
    %sign3A_485 = arith.constant 0 : i32
    %sign3A_486 = arith.cmpi sgt, %jit3A_476, %sign3A_485 : i32
    %sign3A_487 = arith.extui %sign3A_486 : i1 to i32
    %sign3A_488 = arith.constant 0 : i32
    %sign3A_489 = arith.cmpi slt, %jit3A_476, %sign3A_488 : i32
    %sign3A_490 = arith.extui %sign3A_489 : i1 to i32
    %sign3A_491 = arith.subi %sign3A_487, %sign3A_490 : i32
    %ne3A_492 = arith.cmpi ne, %sign3A_484, %sign3A_491 : i32
    %rem3A_493 = arith.remsi %add3A_475, %jit3A_476 : i32
    %ne3A_494 = arith.constant 0 : i32
    %ne3A_495 = arith.cmpi ne, %rem3A_493, %ne3A_494 : i32
    %and3A_496 = arith.andi %ne3A_492, %ne3A_495 : i1
    %sub3A_497 = arith.constant 1 : i32
    %sub3A_498 = arith.subi %div3A_477, %sub3A_497 : i32
    %select_n3A_499 = arith.select %and3A_496, %sub3A_498, %div3A_477 : i32
    %jit3A_500 = arith.constant 128 : i32
    %eq3A_501 = arith.constant 0 : i32
    %eq3A_502 = arith.cmpi eq, %jit3A_500, %eq3A_501 : i32
    %jit3A_503 = arith.constant 1 : i32
    %select_n3A_504 = arith.select %eq3A_502, %jit3A_503, %jit3A_500 : i32
    %rem3A_505 = arith.remsi %add3A_475, %select_n3A_504 : i32
    %ne3A_506 = arith.constant 0 : i32
    %ne3A_507 = arith.cmpi ne, %rem3A_505, %ne3A_506 : i32
    %lt3A_508 = arith.constant 0 : i32
    %lt3A_509 = arith.cmpi slt, %rem3A_505, %lt3A_508 : i32
    %lt3A_510 = arith.constant 0 : i32
    %lt3A_511 = arith.cmpi slt, %select_n3A_504, %lt3A_510 : i32
    %ne3A_512 = arith.xori %lt3A_509, %lt3A_511 : i1
    %and3A_513 = arith.andi %ne3A_512, %ne3A_507 : i1
    %add3A_514 = arith.addi %rem3A_505, %select_n3A_504 : i32
    %select_n3A_515 = arith.select %and3A_513, %add3A_514, %rem3A_505 : i32
    %mul3A_516 = arith.constant 4 : i32
    %mul3A_517 = arith.muli %select_n3A_499, %mul3A_516 : i32
    %add3A_518 = arith.constant 3 : i32
    %add3A_519 = arith.addi %mul3A_517, %add3A_518 : i32
    %mul3A_520 = arith.constant 128 : i32
    %mul3A_521 = arith.muli %add3A_519, %mul3A_520 : i32
    %add3A_522 = arith.addi %mul3A_521, %select_n3A_515 : i32
    %mul3A_523 = arith.constant 1024 : i32
    %mul3A_524 = arith.muli %add3A_522, %mul3A_523 : i32
    %dma_wait3A_525 = arith.constant 1 : i32
    %dma_wait3A_526 = arith.constant 1 : i32
    %dma_wait3A_527 = arith.constant 3072 : i32
    %dma_wait3A_528 = tpu.memref_slice %arg10[%dma_wait3A_525, %dma_wait3A_527] : memref<2x4096xf32, #tpu.memory_space<vmem>> -> memref<1x1024xf32, #tpu.memory_space<vmem>>
    %dma_wait3A_529 = tpu.memref_squeeze %dma_wait3A_528 : memref<1x1024xf32, #tpu.memory_space<vmem>> -> memref<1024xf32, #tpu.memory_space<vmem>>
    %dma_wait3A_530 = tpu.memref_slice %arg5[%mul3A_524] : memref<104857600xf32, #tpu.memory_space<hbm>> -> memref<1024xf32, #tpu.memory_space<hbm>>
    %dma_wait3A_531 = tpu.memref_slice %arg13[%dma_wait3A_526] : memref<2x!tpu.dma_semaphore, #tpu.memory_space<semaphore_mem>> -> memref<1x!tpu.dma_semaphore, #tpu.memory_space<semaphore_mem>>
    %dma_wait3A_532 = tpu.memref_squeeze %dma_wait3A_531 : memref<1x!tpu.dma_semaphore, #tpu.memory_space<semaphore_mem>> -> memref<!tpu.dma_semaphore, #tpu.memory_space<semaphore_mem>>
    %dma_wait3A_533 = tpu.memref_slice %arg5[%mul3A_524] : memref<104857600xf32, #tpu.memory_space<hbm>> -> memref<1024xf32, #tpu.memory_space<hbm>>
    %dma_wait3A_534 = arith.constant 3072 : i32
    %dma_wait3A_535 = tpu.memref_slice %arg10[%dma_wait3A_525, %dma_wait3A_534] : memref<2x4096xf32, #tpu.memory_space<vmem>> -> memref<1x1024xf32, #tpu.memory_space<vmem>>
    %dma_wait3A_536 = tpu.memref_squeeze %dma_wait3A_535 : memref<1x1024xf32, #tpu.memory_space<vmem>> -> memref<1024xf32, #tpu.memory_space<vmem>>
    tpu.wait_dma2 semaphore(%dma_wait3A_532 : memref<!tpu.dma_semaphore, #tpu.memory_space<semaphore_mem>>) src(%dma_wait3A_536 : memref<1024xf32, #tpu.memory_space<vmem>>) dst(%dma_wait3A_533 : memref<1024xf32, #tpu.memory_space<hbm>>)
    return
  }
}

</mosaic_0001>

<sc_bundles>
// kernel: kernel.3.cloned.1.call-start
scs
__scs_entry_jumppad:
0x0: {  	(pc) =	sbr.rel $0x88, $3  }
0x1: {  	(tag) =	ssettag $0x0;
	lr =	simm.s32 $0x1  }
0x2: {  	[smem:$0x3F9E] =	sst lr;
	_ =	strace $0xD0000000  }
0x3: {  	_ = 	snop  }
0x4: {  	_ = 	snop  }
0x5: {  	_ = 	snop  }
0x6: {  	_ = 	snop  }
0x7: {  	_ = 	snop  }
__scs_overlays_trampoline_lowered:
0x8: {  	[smem:$0x3FAD] =	sst s0  }
0x9: {  	[smem:$0x3FAE] =	sst s1  }
0xa: {  	[smem:$0x3FAF] =	sst s2  }
0xb: {  	[smem:$0x3FB0] =	sst s3  }
0xc: {  	[smem:$0x3FB1] =	sst s4  }
0xd: {  	[smem:$0x3FB2] =	sst s5  }
0xe: {  	[smem:$0x3FB3] =	sst s6  }
0xf: {  	[smem:$0x3FB4] =	sst s7  }
0x10: {  	[smem:$0x3FB5] =	sst s8  }
0x11: {  	[smem:$0x3FB6] =	sst s9;
	s0 =	simm.s32 @!p0 $0x0  }
0x12: {  	s1 =	sld [smem:$0x3F9C];
	s0 =	simm.s32 @p0 $0x1  }
0x13: {  	[smem:$0x3FB7] =	sst s0;
	s0 =	simm.s32 @!p1 $0x0  }
0x14: {  	s2 =	sld [smem:$0x3F9B];
	s0 =	simm.s32 @p1 $0x1  }
0x15: {  	[smem:$0x3FB8] =	sst s0;
	s0 =	simm.s32 @!p2 $0x0  }
0x16: {  	s3 =	sld [smem:$0x3FDB];
	s0 =	simm.s32 @p2 $0x1  }
0x17: {  	s4 =	simm.s32 $0x1BF5;
	[smem:$0x3FBA] =	sst s0  }
0x18: {  	s0 =	sld [smem:$0x3F9D];
	_ =	swait.ge [sflag:s4], $0x0  }
0x19: {  	s7 =	sld [smem:$0x3F9E]  }
0x1a: {  	s8 =	sadd.s32 $0xFFFFE003, lr  }
0x1b: {  	s9 =	sadd.s32 $0xFFFFFEF7, lr;
	s5 =	simm.s32 $0xFFFFFFFF;
	p2 =	slt.u32 s8, $0xFFFFF086  }
0x1c: {  	p1 =	slt.u32 s9, $0xF7A;
	s5 =	simm.s32 @!p2 $0x0  }
0x1d: {  	s5 =	simm.s32 @p1 $0x1;
	p0 =	seq.s32 s7, s2  }
0x1e: {  	s7 =	smul.u32 @!p0 $0xF7A, s2;
	p2 =	seq.s32 @!p0 s5, $0x0  }
0x1f: {  	s9 =	smul.u32 $0xF7A, s1;
	s8 =	simm.s32 @!p0 $0x1BF5;
	p2 =	por !p2, p0  }
0x20: {  	[sflag:s8] =	ssyncset.s32 @!p0 $0xFFFFF086;
	s6 =	sadd.s32 @!p0 s3, s7;
	s7 =	simm.s32 @!p0 $0x108  }
0x21: {  	s3 =	sadd.s32 s3, s9;
	s6 =	sadd.s32 @!p0 $0x88, s6;
	s7 =	simm.s32 @p2 $0x1082  }
0x22: {  	[simem:s7], [sflag:s8] =	dma.local @!p0 [hbm:s6], $0xF7A  }
0x23: {  	s9 =	sor.u32 $0xD0000000, s2;
	s6 =	simm.s32 $0x108;
	_ =	swait.ge @!p0 [sflag:s8], $0x0  }
0x24: {  	s3 =	sadd.s32 $0x88, s3;
	s6 =	simm.s32 @!p1 $0x1082;
	[sflag:s4] =	ssyncset.s32 $0xFFFFF086  }
0x25: {  	[simem:s6], [sflag:s4] =	dma.local [hbm:s3], $0xF7A  }
0x26: {  	[smem:$0x3F9E] =	sst s1;
	(tag) =	ssettag s2;
	_ =	strace s9  }
0x27: {  	s1 =	sld [smem:$0x3FAE]  }
0x28: {  	s2 =	sld [smem:$0x3FAF]  }
0x29: {  	s4 =	sld [smem:$0x3FB1]  }
0x2a: {  	p0 =	seq.s32 s5, $0x0;
	s5 =	sld [smem:$0x3FB2]  }
0x2b: {  	s6 =	sld [smem:$0x3FB3]  }
0x2c: {  	s7 =	sld [smem:$0x3FB4]  }
0x2d: {  	s3 =	simm.s32 $0x108;
	s8 =	sld [smem:$0x3FB5]  }
0x2e: {  	s3 =	simm.s32 @!p0 $0x1082;
	s9 =	sld [smem:$0x3FB6]  }
0x2f: {  	lr =	sadd.s32 s0, s3;
	s0 =	sld [smem:$0x3FAD]  }
0x30: {  	s3 =	sld [smem:$0x3FB0]  }
0x31: {  	[smem:$0x3FB9] =	sst s10  }
0x32: {  	s10 =	sld [smem:$0x3FB7];
	_ =	sdelay $0x3  }
0x33: {  	p0 =	seq.s32 s10, $0x1;
	s10 =	sld [smem:$0x3FB9];
	_ =	sdelay $0x3  }
0x34: {  	[smem:$0x3FB9] =	sst s10  }
0x35: {  	s10 =	sld [smem:$0x3FB8];
	_ =	sdelay $0x3  }
0x36: {  	p1 =	seq.s32 s10, $0x1;
	s10 =	sld [smem:$0x3FB9];
	_ =	sdelay $0x3  }
0x37: {  	[smem:$0x3FB9] =	sst s10  }
0x38: {  	s10 =	sld [smem:$0x3FBA]  }
0x39: {  	_ = 	snop;
	(pc) =	sbr.ind lr, $3  }
0x3a: {  	_ = 	snop  }
0x3b: {  	_ = 	snop  }
0x3c: {  	p2 =	seq.s32 s10, $0x1;
	s10 =	sld [smem:$0x3FB9]  }
0x3d: {  	_ =	shalt  }
0x3e: {  	_ =	shalt  }
0x3f: {  	_ =	shalt  }
0x40: {  	_ =	shalt  }
0x41: {  	_ =	shalt  }
0x42: {  	_ =	shalt  }
0x43: {  	_ =	shalt  }
0x44: {  	_ =	shalt  }
0x45: {  	_ =	shalt  }
0x46: {  	_ =	shalt  }
0x47: {  	_ =	shalt  }
0x48: {  	_ =	shalt  }
0x49: {  	_ =	shalt  }
0x4a: {  	_ =	shalt  }
0x4b: {  	_ =	shalt  }
0x4c: {  	_ =	shalt  }
0x4d: {  	_ =	shalt  }
0x4e: {  	_ =	shalt  }
0x4f: {  	_ =	shalt  }
0x50: {  	_ =	shalt  }
0x51: {  	_ =	shalt  }
0x52: {  	_ =	shalt  }
0x53: {  	_ =	shalt  }
0x54: {  	_ =	shalt  }
0x55: {  	_ =	shalt  }
0x56: {  	_ =	shalt  }
0x57: {  	_ =	shalt  }
0x58: {  	_ =	shalt  }
0x59: {  	_ =	shalt  }
0x5a: {  	_ =	shalt  }
0x5b: {  	_ =	shalt  }
0x5c: {  	_ =	shalt  }
0x5d: {  	_ =	shalt  }
0x5e: {  	_ =	shalt  }
0x5f: {  	_ =	shalt  }
0x60: {  	_ =	shalt  }
0x61: {  	_ =	shalt  }
0x62: {  	_ =	shalt  }
0x63: {  	_ =	shalt  }
0x64: {  	_ =	shalt  }
0x65: {  	_ =	shalt  }
0x66: {  	_ =	shalt  }
0x67: {  	_ =	shalt  }
0x68: {  	_ =	shalt  }
0x69: {  	_ =	shalt  }
0x6a: {  	_ =	shalt  }
0x6b: {  	_ =	shalt  }
0x6c: {  	_ =	shalt  }
0x6d: {  	_ =	shalt  }
0x6e: {  	_ =	shalt  }
0x6f: {  	_ =	shalt  }
0x70: {  	_ =	shalt  }
0x71: {  	_ =	shalt  }
0x72: {  	_ =	shalt  }
0x73: {  	_ =	shalt  }
0x74: {  	_ =	shalt  }
0x75: {  	_ =	shalt  }
0x76: {  	_ =	shalt  }
0x77: {  	_ =	shalt  }
0x78: {  	_ =	shalt  }
0x79: {  	_ =	shalt  }
0x7a: {  	_ =	shalt  }
0x7b: {  	_ =	shalt  }
0x7c: {  	_ =	shalt  }
0x7d: {  	_ =	shalt  }
0x7e: {  	_ =	shalt  }
0x7f: {  	_ =	shalt  }
0x80: {  	_ =	shalt  }
0x81: {  	_ =	shalt  }
0x82: {  	_ =	shalt  }
0x83: {  	_ =	shalt  }
0x84: {  	_ =	shalt  }
0x85: {  	_ =	shalt  }
0x86: {  	_ =	shalt  }
0x87: {  	_ =	shalt  }
.Lfunc_end0:
.L_simem_size_0:
called_computation_lowered:
.L_overlay_start_0:
0x88: {  	s2 =	sld [smem:$0x3FD9]  }
0x89: {  	s3 =	sld [smem:$0x3FFE];
	_ =	sdelay $0x1  }
0x8a: {  	s1 =	srdreg.scid  }
0x8b: {  	s0 =	sand.u32 $0x1, s1  }
0x8c: {  	s17 =	sshll.u32 s0, $0xA;
	s2 =	sadd.s32 s3, s2  }
0x8d: {  	s2 =	sadd.s32 s2, s17  }
0x8e: {  	[smem:$0x3FC5] =	sst s2  }
0x8f: {  	_ = 	snop  }
0x90: {  	s2 =	sld [smem:$0x3FD0];
	(tm) =	ssettm $0x1  }
0x91: {  	s18 =	sld [smem:$0x3FFB];
	_ =	sdelay $0x3  }
0x92: {  	_ =	strace s18  }
0x93: {  	s3 =	sld [smem:$0x3FFC];
	_ =	sdelay $0x3  }
0x94: {  	_ =	strace s3  }
0x95: {  	s3 =	sld [smem:$0x3FFD];
	_ =	sdelay $0x3  }
0x96: {  	_ =	strace s3  }
0x97: {  	_ =	strace $0x8FFFFFFF  }
0x98: {  	s19 =	sld [smem:$0x3FDB];
	_ =	sdelay $0x1  }
0x99: {  	s4 =	simm.s32 $_scs_section_size  }
0x9a: {  	s5 =	simm.s32 $_size__tile_overlayer_lowered;
	s6 =	simm.s32 $_tile_overlayer_lowered  }
0x9b: {  	s22 =	simm.s32 $0x1BFF;
	s21 =	sshll.u32 s6, $0x1;
	s3 =	sadd.s32 s4, s19  }
0x9c: {  	s7 =	simm.s32 $0x0;
	s20 =	sshll.u32 s5, $0x1;
	s5 =	sadd.s32 s21, s3  }
0x9d: {  	[timem:s7], [sflag:s22] =	dma.local [hbm:s5], s20  }
0x9e: {  	_ =	swait.ge [sflag:s22], s20  }
0x9f: {  	s4 =	ssub.s32 $0x0, s20;
	[sflag:s22] =	ssyncset.done $0x0  }
0xa0: {  	[sflag:s22] =	ssyncadd.s32 s4;
	_ =	sdelay $0x1  }
0xa1: {  	s23 =	simm.s32 $0x1B8B  }
0xa2: {  	_ =	swait.ge [sflag:s23], $0x1  }
0xa3: {  	[sflag:s23] =	ssyncset.done $0x0  }
0xa4: {  	s25 =	simm.s32 $0x1B8E;
	s24 =	sld [smem:$0x3FFE];
	[sflag:s23] =	ssyncadd.s32 $0xFFFFFFFF  }
0xa5: {  	s26 =	simm.s32 $execute0_lowered;
	[smem:$0x3FD2] =	sst s25  }
0xa6: {  	s5 =	sshll.u32 s26, $0x1;
	_ =	strace $0x80000046;
	[dreg:$0x1] =	wrdreg $0xFFFFFFFF  }
0xa7: {  	s28 =	simm.s32 $_size_execute0_lowered;
	s3 =	sadd.s32 s3, s5;
	[dreg:$0x0] =	wrdreg $0x0  }
0xa8: {  	s5 =	sshll.u32 s28, $0x1;
	[dreg:$0x2] =	wrdreg s3  }
0xa9: {  	[dreg:$0x3] =	wrdreg s5  }
0xaa: {  	[dreg:$0x4] =	wrdreg $0xC0  }
0xab: {  	_ =	task [dreg:s7], $0x5FFFF  }
0xac: {  	[dreg:$0x1] =	wrdreg $0xFFFFFFFF  }
0xad: {  	[dreg:$0x0] =	wrdreg $0x60  }
0xae: {  	[dreg:$0x2] =	wrdreg s24  }
0xaf: {  	[dreg:$0x3] =	wrdreg s2  }
0xb0: {  	[dreg:$0x4] =	wrdreg $0x9  }
0xb1: {  	_ =	task.clear_ibuf [dreg:s7], $0x5FFFF;
	_ =	strace $0x90000046  }
0xb2: {  	s29 =	simm.s32 $0x9;
	_ =	strace $0x80000048  }
0xb3: {  	_ =	swait.ge [sflag:s29], $0x1  }
0xb4: {  	[sflag:s29] =	ssyncadd.s32 $0xFFFFFFFF  }
0xb5: {  	_ =	strace $0x90000048  }
0xb6: {  	_ =	sfence  }
0xb7: {  	s30 =	sld [smem:$0x0];
	_ =	sdelay $0x2  }
0xb8: {  	s31 =	sshll.u32 s1, $0xD;
	s1 =	sshrl.u32 s1, $0x2  }
0xb9: {  	s3 =	sand.u32 $0x4000, s31;
	s1 =	sadd.s32 s1, s30  }
0xba: {  	s0 =	sor.u32 s3, s0;
	s1 =	sshll.u32 s1, $0x11  }
0xbb: {  	s0 =	sor.u32 s1, s0  }
0xbc: {  	s0 =	sadd.s32 $0x8F2B, s0  }
0xbd: {  	[sflag:s0] =	ssyncadd.remote.s32 $0x1  }
0xbe: {  	_ =	sfence.sel $0xFFFF  }
0xbf: {  	[dreg:$0x0] =	wrdreg $0xFFFFFFFF;
	(pc) =	sbr.abs _section_cstart, $3  }
0xc0: {  	[dreg:$0x1] =	wrdreg $0xFFFFFFFF  }
0xc1: {  	_ =	task.clear_ibuf [dreg:s7], $0x2FFFF;
	_ =	strace $0x9FFFFFFF  }
0xc2: {  	(tm) =	ssettm $0x7FFFFFFF  }
0xc3: {  	_ =	shalt  }
tec
execute0_lowered:
.L_overlay_start_1:
0x0: {  	(tag) =	ssettag $0x1  }
0x1: {  	s0 =	rddreg [dreg:$0x0]  }
0x2: {  	s2 =	rddreg [dreg:$0x1];
	s3 =	simm.s32 $0x0  }
0x3: {  	s1 =	srdreg.scid;
	s4 =	stileid.u32;
	s20 =	simm.s32 $0x6  }
0x4: {  	s21 =	simm.s32 $0x1400;
	s29 =	simm.s32 $0x2;
	s30 =	simm.s32 $0x80  }
0x5: {  	s31 =	simm.s32 $0x380;
	s18 =	simm.s32 $0x400;
	s19 =	simm.s32 $0x2400  }
0x6: {  	s9 =	simm.s32 $0x2C00;
	s16 =	simm.s32 $0x3000;
	s28 =	simm.s32 $0x4  }
0x7: {  	s17 =	simm.s32 $0x0;
	[smem:$0x7FF] =	sst s3;
	s1 =	sand.u32 $0x1, s1  }
0x8: {  	s4 =	sshll.u32 s4, $0x1;
	s6 =	sadd.s32 $0x64800, s0;
	s10 =	sadd.s32 $0x4000, s2  }
0x9: {  	s11 =	sadd.s32 $0x8000, s2;
	s12 =	sadd.s32 $0xC000, s2;
	_ =	strace $0x80000047  }
0xa: {  	s5 =	sor.u32 s1, s4;
	s4 =	sadd.s32 $0xF42C00, s0;
	s1 =	ssub.s32 $0x2, s1  }
0xb: {  	[dreg:$0x3] =	wrdreg s6;
	s6 =	sadd.s32 $0x800, s0;
	s8 =	smul.u32 $0x3200, s5  }
0xc: {  	v0 =	vlaneseq.u32;
	s24 =	sshrl.u32 s1, $0x1;
	s7 =	smul.u32 $0x320, s5;
	s5 =	simm.s32 $0x2800  }
.Ltmp0:
0xd: {  	v0 =	vmul.u32 $0x20, v0;
	s0 =	ssub.s32 s1, s24;
	s25 =	sadd.s32 s6, s8;
	(pc) =	sbr.rel .LBB2_1-.Ltmp0, $4  }
0xe: {  	s26 =	sor.u32 $0x3, s7;
	s14 =	sor.u32 $0x4, s7;
	[dreg:$0x4] =	wrdreg s25  }
0xf: {  	v1 =	vor.u32 $0x200, v0;
	s15 =	sor.u32 $0x5, s7;
	s0 =	smax.u32 s0, $0x1;
	[dreg:$0x6] =	wrdreg s26  }
0x10: {  	v2 =	vor.u32 $0x400, v0;
	v3 =	vor.u32 $0x600, v0;
	v4 =	vor.u32 $0x800, v0;
	s8 =	simm.s32 $0x3;
	s1 =	sadd.s32 $0x10, s25;
	[dreg:$0x7] =	wrdreg s0  }
0x11: {  	v5 =	vor.u32 $0xA00, v0;
	v6 =	vor.u32 $0xC00, v0;
	v7 =	vor.u32 $0xE00, v0;
	s26 =	simm.s32 $0x7;
	[dreg:$0x5] =	wrdreg s1;
	s1 =	simm.s32 $0x5  }
.LBB2_29:
0x12: {  	_ =	swait.ge [sflag:s26], $0x400  }
0x13: {  	[sflag:s26] =	ssyncset.done $0x0  }
0x14: {  	[sflag:s26] =	ssyncadd.s32 $0xFFFFFC00  }
0x15: {  	_ =	swait.ge [sflag:s26], $0x400  }
0x16: {  	[sflag:s26] =	ssyncset.done $0x0  }
0x17: {  	[sflag:s26] =	ssyncadd.s32 $0xFFFFFC00  }
0x18: {  	_ =	swait.ge [sflag:s26], $0x400  }
0x19: {  	[sflag:s26] =	ssyncset.done $0x0  }
0x1a: {  	[sflag:s26] =	ssyncadd.s32 $0xFFFFFC00  }
0x1b: {  	_ =	swait.ge [sflag:s26], $0x400  }
0x1c: {  	[sflag:s26] =	ssyncset.done $0x0  }
0x1d: {  	s13 =	simm.s32 $0x8;
	[sflag:s26] =	ssyncadd.s32 $0xFFFFFC00  }
0x1e: {  	_ =	swait.ge [sflag:s13], $0x400  }
0x1f: {  	[sflag:s13] =	ssyncset.done $0x0  }
0x20: {  	[sflag:s13] =	ssyncadd.s32 $0xFFFFFC00  }
0x21: {  	_ =	swait.ge [sflag:s13], $0x400  }
0x22: {  	[sflag:s13] =	ssyncset.done $0x0  }
0x23: {  	[sflag:s13] =	ssyncadd.s32 $0xFFFFFC00  }
0x24: {  	_ =	swait.ge [sflag:s13], $0x400  }
0x25: {  	[sflag:s13] =	ssyncset.done $0x0  }
0x26: {  	[sflag:s13] =	ssyncadd.s32 $0xFFFFFC00  }
0x27: {  	_ =	swait.ge [sflag:s13], $0x400  }
0x28: {  	s17 =	rddreg [dreg:$0x8]  }
0x29: {  	s0 =	rddreg [dreg:$0x7];
	s17 =	sadd.s32 $0x1, s17  }
0x2a: {  	p0 =	sne.s32 s17, s0  }
.Ltmp1:
0x2b: {  	_ = 	snop;
	(pc) =	sbr.rel @!p0 .LBB2_30-.Ltmp1, $3  }
0x2c: {  	_ =	sdelay $0x1  }
0x2d: {  	[sflag:s13] =	ssyncset.done $0x0  }
0x2e: {  	[sflag:s13] =	ssyncadd.s32 $0xFFFFFC00  }
.LBB2_1:
0x2f: {  	[dreg:$0x8] =	wrdreg s17  }
0x30: {  	s0 =	rddreg [dreg:$0x3];
	s22 =	simm.s32 $0x9  }
0x31: {  	[tilespmem:s3], [sflag:$0x9] =	stream.linear.gather [hbm4b:s0+s3], $0x100, $0x38;
	[tilespmem:$0x4400] =	vst v63  }
0x32: {  	_ =	swait.ge [sflag:s22], $0x100  }
0x33: {  	[sflag:s22] =	ssyncset.done $0x0  }
0x34: {  	s13 =	simm.s32 $0x100;
	s23 =	rddreg [dreg:$0x4];
	[sflag:s22] =	ssyncadd.s32 $0xFFFFFF00  }
0x35: {  	[tilespmem:s13], [sflag:$0x1] =	stream.linear.gather [hbm4b:s23+s3], $0x80, $0x38;
	[tilespmem:$0x4400] =	vst v63  }
0x36: {  	s25 =	simm.s32 $0x180;
	s0 =	simm.s32 $0x0;
	s24 =	rddreg [dreg:$0x5]  }
0x37: {  	[tilespmem:s25], [sflag:$0x2] =	stream.linear.gather [hbm4b:s24+s3], $0x80, $0x38;
	[tilespmem:$0x4400] =	vst v63  }
.LBB2_2:
0x38: {  	p0 =	seq.s32 s0, $0xC8  }
0x39: {  	s13 =	simm.s32 @!p0 $0x1  }
0x3a: {  	_ =	swait.ge @!p0 [sflag:s13], $0x80  }
0x3b: {  	[sflag:s13] =	ssyncset.done @!p0 $0x0  }
0x3c: {  	[sflag:s13] =	ssyncadd.s32 @!p0 $0xFFFFFF80  }
0x3d: {  	v8 =	vld @!p0 [tilespmem:$0x100]  }
0x3e: {  	v9 =	vld @!p0 [tilespmem:$0x110]  }
0x3f: {  	v10 =	vld @!p0 [tilespmem:$0x120]  }
0x40: {  	v11 =	vld @!p0 [tilespmem:$0x130]  }
0x41: {  	v12 =	vld @!p0 [tilespmem:$0x140]  }
0x42: {  	v13 =	vld @!p0 [tilespmem:$0x150];
	vm0 =	vlt.s32 @!p0 v8, $0xF4237  }
0x43: {  	v14 =	vld @!p0 [tilespmem:$0x160];
	v8 =	vnsel @!p0 vm0, $0xF4237, v8;
	vm0 =	vlt.s32 @!p0 v9, $0xF4237  }
0x44: {  	[tilespmem:$0x300] =	vst @!p0 v8;
	v8 =	vnsel @!p0 vm0, $0xF4237, v9;
	vm0 =	vlt.s32 @!p0 v10, $0xF4237;
	v9 =	vld @!p0 [tilespmem:$0x170]  }
0x45: {  	[tilespmem:$0x310] =	vst @!p0 v8;
	v8 =	vnsel @!p0 vm0, $0xF4237, v10;
	vm0 =	vlt.s32 @!p0 v11, $0xF4237  }
0x46: {  	[tilespmem:$0x320] =	vst @!p0 v8;
	v8 =	vnsel @!p0 vm0, $0xF4237, v11;
	vm0 =	vlt.s32 @!p0 v12, $0xF4237  }
0x47: {  	[tilespmem:$0x330] =	vst @!p0 v8;
	v8 =	vnsel @!p0 vm0, $0xF4237, v12;
	vm0 =	vlt.s32 @!p0 v13, $0xF4237  }
0x48: {  	[tilespmem:$0x340] =	vst @!p0 v8;
	v8 =	vnsel @!p0 vm0, $0xF4237, v13;
	vm0 =	vlt.s32 @!p0 v14, $0xF4237  }
0x49: {  	[tilespmem:$0x350] =	vst @!p0 v8;
	v8 =	vnsel @!p0 vm0, $0xF4237, v14;
	vm0 =	vlt.s32 @!p0 v9, $0xF4237  }
0x4a: {  	s22 =	sshll.u32 s0, $0x2;
	[tilespmem:$0x360] =	vst @!p0 v8;
	v8 =	vnsel @!p0 vm0, $0xF4237, v9  }
0x4b: {  	s17 =	simm.s32 @!p0 $0x300;
	s23 =	simm.s32 @!p0 $0x400;
	s13 =	simm.s32 @!p0 $0x80;
	[tilespmem:$0x370] =	vst @!p0 v8  }
0x4c: {  	[tilespmem:s23], [sflag:$0x5] =	stream.indirect.gather @!p0 [hbm4b:s4+s13], $0x20, s17, s13, $0xb8;
	[tilespmem:$0x4400] =	vst v63  }
0x4d: {  	s17 =	sor.u32 @!p0 $0x2, s22  }
0x4e: {  	s13 =	sadd.s32 @!p0 s7, s17  }
0x4f: {  	s13 =	sshll.u32 @!p0 s13, $0x4  }
0x50: {  	s13 =	sand.u32 @!p0 $0x1FFFFFE0, s13  }
0x51: {  	s24 =	simm.s32 @!p0 $0x200;
	s23 =	simm.s32 @!p0 $0x0;
	s13 =	sadd.s32 @!p0 s6, s13  }
0x52: {  	[tilespmem:s24], [sflag:$0x3] =	stream.linear.gather @!p0 [hbm4b:s13+s23], $0x80, $0x38;
	[tilespmem:$0x4400] =	vst v63  }
0x53: {  	s23 =	sadd.s32 @!p0 $0xFFFFFFFF, s22  }
0x54: {  	p1 =	sgt.u32 @!p0 s23, $0x31F  }
0x55: {  	p1 =	por p0, !p1  }
.Ltmp2:
0x56: {  	_ = 	snop;
	(pc) =	sbr.rel @!p1 .LBB2_10-.Ltmp2, $1  }
0x57: {  	_ =	sdelay $0x3  }
0x58: {  	_ =	swait.ge [sflag:s20], $0x1000  }
0x59: {  	[sflag:s20] =	ssyncset.done $0x0  }
0x5a: {  	[sflag:s20] =	ssyncadd.s32 $0xFFFFF000  }
0x5b: {  	v8 =	vld [tilespmem:$0x280]  }
0x5c: {  	v9 =	vld [tilespmem:$0x290];
	_ =	sdelay $0x1  }
0x5d: {  	v10 =	vld [tilespmem:$0x2A0];
	_ =	sdelay $0x1  }
0x5e: {  	v11 =	vld [tilespmem:$0x2B0]  }
0x5f: {  	vm0 =	vgt.s32 v8, v9  }
0x60: {  	v60 =	vld [tilespmem:$0x2C0];
	v8 =	vsel vm0, v8, v9  }
0x61: {  	vm0 =	vgt.s32 v8, v10  }
0x62: {  	v61 =	vld [tilespmem:$0x2D0];
	v8 =	vsel vm0, v8, v10  }
0x63: {  	vm0 =	vgt.s32 v8, v11  }
0x64: {  	v62 =	vld [tilespmem:$0x2E0];
	v8 =	vsel vm0, v8, v11  }
0x65: {  	vm0 =	vgt.s32 v8, v60  }
0x66: {  	v63 =	vld [tilespmem:$0x2F0];
	v8 =	vsel vm0, v8, v60  }
0x67: {  	vm0 =	vgt.s32 v8, v61  }
0x68: {  	v8 =	vsel vm0, v8, v61  }
0x69: {  	vm0 =	vgt.s32 v8, v62  }
0x6a: {  	v8 =	vsel vm0, v8, v62  }
0x6b: {  	vm0 =	vgt.s32 v8, v63  }
0x6c: {  	v8 =	vsel vm0, v8, v63  }
0x6d: {  	vm0 =	vgt.s32 v8, $0x0  }
0x6e: {  	v8 =	vnsel vm0, $0x0, v8  }
0x6f: {  	v8 =	vor.u32 $0x80000000, v8  }
0x70: {  	(xrf0) =	vmax.scan.msk.u32 $0xffff, v8;
	_ =	sdelay $0x5  }
0x71: {  	v8, _, _ =	vpop (xrf0)  }
0x72: {  	(v2sf) =	vpush v8, $0xF;
	_ =	sdelay $0xe  }
0x73: {  	s13 =	spop (v2sf)  }
0x74: {  	p1 =	slt.u32 s13, $0x800F4238  }
.Ltmp3:
0x75: {  	_ = 	snop;
	(pc) =	sbr.rel @p1 .LBB2_7-.Ltmp3, $2  }
0x76: {  	_ =	sdelay $0x2  }
0x77: {  	s24 =	simm.s32 $0x0;
	s25 =	simm.s32 $0x0  }
.LBB2_4:
0x78: {  	s13 =	sshll.u32 s25, $0x4  }
0x79: {  	v12 =	vld [tilespmem:s13+$0x280];
	_ =	sdelay $0x4  }
0x7a: {  	v8 =	vadd.s32 $0xFFF0BDC8, v12  }
0x7b: {  	vm0 =	vgt.s32 v8, $0x0  }
0x7c: {  	v10 =	vmov s24;
	v8 =	vnsel vm0, $0x0, v8  }
0x7d: {  	v9 =	vmov s13;
	v11 =	vand.u32 $0x18, v10;
	v8 =	vmin.u32 v8, $0x7  }
0x7e: {  	v10 =	vand.u32 $0x7, v10;
	v13 =	vshll.u32 v9, $0x5;
	v9 =	vshll.u32 v8, $0x5  }
0x7f: {  	vm0 =	vgt.s32 v12, $0xF4237;
	v8 =	vor.u32 v0, v13;
	v13 =	vor.u32 v9, v11  }
0x80: {  	v13 =	vor.u32 v10, v13;
	_ =	sdelay $0x2  }
0x81: {  	s13 =	simm.s32 $0x1  }
0x82: {  	v12 =	vmov s13;
	s13 =	simm.s32 $0x2  }
.LBB2_5:
0x83: {  	p1 =	sne.s32 s13, $0x1F;
	v14 =	vld.idx.msk [tilespmem:v13+s3+$0x0], vm0;
	v13 =	vor.u32 v8, v11;
	v11 =	vand.u32 $0x18, v12  }
0x84: {  	v15 =	vor.u32 v9, v11;
	v16 =	vor.u32 v10, v13;
	v10 =	vand.u32 $0x7, v12  }
.Ltmp4:
0x85: {  	v13 =	vor.u32 v10, v15;
	(pc) =	sbr.rel @p1 .LBB2_5-.Ltmp4, $2  }
0x86: {  	_ =	sdelay $0x2  }
0x87: {  	v12 =	vmov s13;
	s13 =	sadd.s32 $0x1, s13;
	[tilespmem:v16+s21+$0x0] =	vst.idx.msk vm0, v14  }
0x88: {  	_ =	sdelay $0x3  }
0x89: {  	v14 =	vand.u32 $0x18, v12;
	v11 =	vor.u32 v8, v11  }
0x8a: {  	v13 =	vld.idx.msk [tilespmem:v13+s3+$0x0], vm0;
	v63 =	vand.u32 $0x7, v12;
	v9 =	vor.u32 v9, v14;
	v10 =	vor.u32 v10, v11  }
0x8b: {  	v9 =	vor.u32 v63, v9;
	_ =	sdelay $0x3  }
0x8c: {  	s25 =	sadd.s32 $0x1, s25;
	v8 =	vor.u32 v8, v14;
	[tilespmem:v10+s21+$0x0] =	vst.idx.msk vm0, v13  }
0x8d: {  	p1 =	sne.s32 s25, $0x8;
	v8 =	vor.u32 v63, v8;
	v9 =	vld.idx.msk [tilespmem:v9+s3+$0x0], vm0  }
.Ltmp5:
0x8e: {  	_ = 	snop;
	(pc) =	sbr.rel @p1 .LBB2_4-.Ltmp5, $2  }
0x8f: {  	_ =	sdelay $0x2  }
0x90: {  	[tilespmem:v8+s21+$0x0] =	vst.idx.msk vm0, v9  }
.LBB2_7:
0x91: {  	p1 =	seq.s32 s0, $0x0  }
0x92: {  	s13 =	simm.s32 @!p1 $0x8  }
0x93: {  	_ =	swait.ge @!p1 [sflag:s13], $0x400  }
0x94: {  	[sflag:s13] =	ssyncset.done @!p1 $0x0  }
0x95: {  	s24 =	simm.s32 $0x0;
	[sflag:s13] =	ssyncadd.s32 @!p1 $0xFFFFFC00  }
0x96: {  	v8 =	vmov s24;
	_ =	swait.ge @!p1 [sflag:s13], $0x400  }
0x97: {  	v8 =	vand.u32 $0x1F, v8;
	[sflag:s13] =	ssyncset.done @!p1 $0x0  }
0x98: {  	v8 =	vbroadcast v8, $0x0;
	[sflag:s13] =	ssyncadd.s32 @!p1 $0xFFFFFC00  }
0x99: {  	_ =	swait.ge @!p1 [sflag:s13], $0x400  }
0x9a: {  	v9 =	vor.u32 v0, v8;
	[sflag:s13] =	ssyncset.done @!p1 $0x0  }
0x9b: {  	[sflag:s13] =	ssyncadd.s32 @!p1 $0xFFFFFC00  }
0x9c: {  	_ =	swait.ge @!p1 [sflag:s13], $0x400  }
0x9d: {  	[sflag:s13] =	ssyncset.done @!p1 $0x0  }
0x9e: {  	[sflag:s13] =	ssyncadd.s32 @!p1 $0xFFFFFC00  }
0x9f: {  	v9 =	vld.idx.msk [tilespmem:v9+s21+$0x0], $0xffff  }
0xa0: {  	v10 =	vor.u32 v1, v8;
	_ =	sdelay $0x2  }
0xa1: {  	s24 =	simm.s32 $0x3470  }
0xa2: {  	[tilespmem:s24+$0xFFFFFF90] =	vst v9  }
0xa3: {  	v9 =	vld.idx.msk [tilespmem:v10+s21+$0x0], $0xffff  }
0xa4: {  	v10 =	vor.u32 v2, v8;
	_ =	sdelay $0x3  }
0xa5: {  	[tilespmem:s24+$0xFFFFFFA0] =	vst v9  }
0xa6: {  	v9 =	vld.idx.msk [tilespmem:v10+s21+$0x0], $0xffff  }
0xa7: {  	v10 =	vor.u32 v3, v8;
	_ =	sdelay $0x3  }
0xa8: {  	[tilespmem:s24+$0xFFFFFFB0] =	vst v9  }
0xa9: {  	v9 =	vld.idx.msk [tilespmem:v10+s21+$0x0], $0xffff  }
0xaa: {  	v10 =	vor.u32 v4, v8;
	_ =	sdelay $0x3  }
0xab: {  	[tilespmem:s24+$0xFFFFFFC0] =	vst v9  }
0xac: {  	v9 =	vld.idx.msk [tilespmem:v10+s21+$0x0], $0xffff  }
0xad: {  	v10 =	vor.u32 v5, v8;
	_ =	sdelay $0x3  }
0xae: {  	[tilespmem:s24+$0xFFFFFFD0] =	vst v9  }
0xaf: {  	v9 =	vld.idx.msk [tilespmem:v10+s21+$0x0], $0xffff  }
0xb0: {  	v10 =	vor.u32 v6, v8;
	_ =	sdelay $0x3  }
0xb1: {  	[tilespmem:s24+$0xFFFFFFE0] =	vst v9  }
0xb2: {  	v9 =	vld.idx.msk [tilespmem:v10+s21+$0x0], $0xffff  }
0xb3: {  	v8 =	vor.u32 v7, v8;
	_ =	sdelay $0x1  }
0xb4: {  	s25 =	simm.s32 $0x1  }
0xb5: {  	s23 =	simm.s32 @p0 $0x31F;
	s17 =	simm.s32 @p0 $0x322;
	v10 =	vmov s25;
	s25 =	simm.s32 $0x2  }
.LBB2_8:
0xb6: {  	p1 =	sne.s32 s25, $0x1F;
	v10 =	vand.u32 $0x1F, v10;
	[tilespmem:s24+$0xFFFFFFF0] =	vst v9  }
0xb7: {  	v10 =	vbroadcast v10, $0x0;
	v8 =	vld.idx.msk [tilespmem:v8+s21+$0x0], $0xffff;
	_ =	sdelay $0x1  }
0xb8: {  	v9 =	vor.u32 v0, v10;
	_ =	sdelay $0x3  }
0xb9: {  	[tilespmem:s24+$0x0] =	vst v8  }
0xba: {  	v8 =	vld.idx.msk [tilespmem:v9+s21+$0x0], $0xffff;
	_ =	sdelay $0x1  }
0xbb: {  	v9 =	vor.u32 v1, v10;
	_ =	sdelay $0x2  }
0xbc: {  	s24 =	sadd.s32 $0x80, s24  }
0xbd: {  	[tilespmem:s24+$0xFFFFFF90] =	vst v8  }
0xbe: {  	v8 =	vld.idx.msk [tilespmem:v9+s21+$0x0], $0xffff;
	_ =	sdelay $0x1  }
0xbf: {  	v9 =	vor.u32 v2, v10;
	_ =	sdelay $0x3  }
0xc0: {  	[tilespmem:s24+$0xFFFFFFA0] =	vst v8  }
0xc1: {  	v8 =	vld.idx.msk [tilespmem:v9+s21+$0x0], $0xffff;
	_ =	sdelay $0x1  }
0xc2: {  	v9 =	vor.u32 v3, v10;
	_ =	sdelay $0x3  }
0xc3: {  	[tilespmem:s24+$0xFFFFFFB0] =	vst v8  }
0xc4: {  	v8 =	vld.idx.msk [tilespmem:v9+s21+$0x0], $0xffff;
	_ =	sdelay $0x1  }
0xc5: {  	v9 =	vor.u32 v4, v10;
	_ =	sdelay $0x3  }
0xc6: {  	[tilespmem:s24+$0xFFFFFFC0] =	vst v8  }
0xc7: {  	v8 =	vld.idx.msk [tilespmem:v9+s21+$0x0], $0xffff;
	_ =	sdelay $0x1  }
0xc8: {  	v9 =	vor.u32 v5, v10;
	_ =	sdelay $0x3  }
0xc9: {  	[tilespmem:s24+$0xFFFFFFD0] =	vst v8  }
0xca: {  	v8 =	vld.idx.msk [tilespmem:v9+s21+$0x0], $0xffff;
	_ =	sdelay $0x1  }
0xcb: {  	v9 =	vor.u32 v6, v10;
	_ =	sdelay $0x3  }
0xcc: {  	[tilespmem:s24+$0xFFFFFFE0] =	vst v8  }
0xcd: {  	v9 =	vld.idx.msk [tilespmem:v9+s21+$0x0], $0xffff  }
.Ltmp6:
0xce: {  	(pc) =	sbr.rel @p1 .LBB2_8-.Ltmp6, $2  }
0xcf: {  	v8 =	vor.u32 v7, v10;
	_ =	sdelay $0x2  }
0xd0: {  	v10 =	vmov s25;
	s25 =	sadd.s32 $0x1, s25  }
0xd1: {  	_ =	sdelay $0x1  }
0xd2: {  	v10 =	vand.u32 $0x1F, v10  }
0xd3: {  	[tilespmem:s24+$0xFFFFFFF0] =	vst v9;
	v57 =	vbroadcast v10, $0x0  }
0xd4: {  	v8 =	vld.idx.msk [tilespmem:v8+s21+$0x0], $0xffff  }
0xd5: {  	v10 =	vor.u32 v0, v57;
	_ =	sdelay $0x3  }
0xd6: {  	[tilespmem:s24+$0x0] =	vst v8  }
0xd7: {  	v8 =	vld.idx.msk [tilespmem:v10+s21+$0x0], $0xffff  }
0xd8: {  	v58 =	vor.u32 v1, v57;
	_ =	sdelay $0x2  }
0xd9: {  	s13 =	sadd.s32 $0x80, s24  }
0xda: {  	[tilespmem:s13+$0xFFFFFF90] =	vst v8  }
0xdb: {  	v8 =	vld.idx.msk [tilespmem:v58+s21+$0x0], $0xffff  }
0xdc: {  	v59 =	vor.u32 v2, v57;
	_ =	sdelay $0x3  }
0xdd: {  	[tilespmem:s13+$0xFFFFFFA0] =	vst v8  }
0xde: {  	v8 =	vld.idx.msk [tilespmem:v59+s21+$0x0], $0xffff  }
0xdf: {  	v60 =	vor.u32 v3, v57;
	_ =	sdelay $0x3  }
0xe0: {  	[tilespmem:s13+$0xFFFFFFB0] =	vst v8  }
0xe1: {  	v8 =	vld.idx.msk [tilespmem:v60+s21+$0x0], $0xffff  }
0xe2: {  	v61 =	vor.u32 v4, v57;
	_ =	sdelay $0x3  }
0xe3: {  	[tilespmem:s13+$0xFFFFFFC0] =	vst v8  }
0xe4: {  	v8 =	vld.idx.msk [tilespmem:v61+s21+$0x0], $0xffff  }
0xe5: {  	v62 =	vor.u32 v5, v57;
	_ =	sdelay $0x3  }
0xe6: {  	[tilespmem:s13+$0xFFFFFFD0] =	vst v8  }
0xe7: {  	v8 =	vld.idx.msk [tilespmem:v62+s21+$0x0], $0xffff  }
0xe8: {  	v63 =	vor.u32 v6, v57;
	_ =	sdelay $0x3  }
0xe9: {  	[tilespmem:s13+$0xFFFFFFE0] =	vst v8  }
0xea: {  	v8 =	vld.idx.msk [tilespmem:v63+s21+$0x0], $0xffff  }
0xeb: {  	v9 =	vor.u32 v7, v57;
	_ =	sdelay $0x3  }
0xec: {  	[tilespmem:s13+$0xFFFFFFF0] =	vst v8  }
0xed: {  	v8 =	vld.idx.msk [tilespmem:v9+s21+$0x0], $0xffff  }
0xee: {  	s23 =	sadd.s32 s7, s23  }
0xef: {  	s25 =	sshll.u32 s23, $0x9;
	s23 =	sshll.u32 s23, $0x7  }
0xf0: {  	s23 =	sand.u32 $0x3F80, s23;
	s24 =	sand.u32 $0x7FFF0000, s25  }
0xf1: {  	s23 =	sor.u32 s23, s24  }
0xf2: {  	s25 =	simm.s32 $0x3400;
	s24 =	sadd.s32 s2, s23;
	[tilespmem:s13+$0x0] =	vst v8  }
0xf3: {  	[hbm4b:s24+s3] =	stream.linear.scatter [tilespmem:s25], [sflag:$0x8], $0x400, $0x38;
	[tilespmem:$0x4400] =	vst v63  }
0xf4: {  	s24 =	sadd.s32 s23, s10;
	s25 =	simm.s32 $0x3800  }
0xf5: {  	[hbm4b:s24+s3] =	stream.linear.scatter [tilespmem:s25], [sflag:$0x8], $0x400, $0x38;
	[tilespmem:$0x4400] =	vst v63  }
.Ltmp7:
0xf6: {  	_ = 	snop;
	(pc) =	sbr.rel @p0 .LBB2_29-.Ltmp7, $4  }
0xf7: {  	s24 =	sadd.s32 s23, s11;
	s25 =	simm.s32 $0x3C00  }
0xf8: {  	[hbm4b:s24+s3] =	stream.linear.scatter [tilespmem:s25], [sflag:$0x8], $0x400, $0x38;
	[tilespmem:$0x4400] =	vst v63  }
0xf9: {  	s24 =	sadd.s32 s23, s12;
	s25 =	simm.s32 $0x4000  }
0xfa: {  	[hbm4b:s24+s3] =	stream.linear.scatter [tilespmem:s25], [sflag:$0x8], $0x400, $0x38;
	[tilespmem:$0x4400] =	vst v63  }
.LBB2_10:
0xfb: {  	_ =	swait.ge [sflag:s29], $0x80  }
0xfc: {  	[sflag:s29] =	ssyncset.done $0x0  }
0xfd: {  	[sflag:s29] =	ssyncadd.s32 $0xFFFFFF80  }
0xfe: {  	v8 =	vld [tilespmem:$0x180]  }
0xff: {  	v9 =	vld [tilespmem:$0x190]  }
0x100: {  	v10 =	vld [tilespmem:$0x1A0]  }
0x101: {  	v11 =	vld [tilespmem:$0x1B0]  }
0x102: {  	v12 =	vld [tilespmem:$0x1C0]  }
0x103: {  	v13 =	vld [tilespmem:$0x1D0];
	vm0 =	vlt.s32 v8, $0xF4237  }
0x104: {  	v14 =	vld [tilespmem:$0x1E0];
	vm8 =	vlt.s32 v9, $0xF4237;
	v8 =	vnsel vm0, $0xF4237, v8  }
0x105: {  	v56 =	vld [tilespmem:$0x1F0];
	vm9 =	vlt.s32 v10, $0xF4237;
	[tilespmem:$0x380] =	vst v8;
	v8 =	vnsel vm8, $0xF4237, v9  }
0x106: {  	vm10 =	vlt.s32 v11, $0xF4237;
	[tilespmem:$0x390] =	vst v8;
	v8 =	vnsel vm9, $0xF4237, v10  }
0x107: {  	vm11 =	vlt.s32 v12, $0xF4237;
	[tilespmem:$0x3A0] =	vst v8;
	v8 =	vnsel vm10, $0xF4237, v11  }
0x108: {  	vm12 =	vlt.s32 v13, $0xF4237;
	[tilespmem:$0x3B0] =	vst v8;
	v8 =	vnsel vm11, $0xF4237, v12  }
0x109: {  	s13 =	rddreg [dreg:$0x6];
	vm13 =	vlt.s32 v14, $0xF4237;
	[tilespmem:$0x3C0] =	vst v8;
	v8 =	vnsel vm12, $0xF4237, v13  }
0x10a: {  	s13 =	sadd.s32 s22, s13;
	vm14 =	vlt.s32 v56, $0xF4237;
	[tilespmem:$0x3D0] =	vst v8;
	v8 =	vnsel vm13, $0xF4237, v14  }
0x10b: {  	s13 =	sshll.u32 s13, $0x4;
	[tilespmem:$0x3E0] =	vst v8;
	v8 =	vnsel vm14, $0xF4237, v56  }
0x10c: {  	s13 =	sand.u32 $0x1FFFFFF0, s13;
	[tilespmem:$0x3F0] =	vst v8  }
0x10d: {  	[tilespmem:s21], [sflag:$0x6] =	stream.indirect.gather [hbm4b:s4+s30], $0x20, s31, s30, $0xb8;
	[tilespmem:$0x4400] =	vst v63  }
0x10e: {  	s23 =	simm.s32 $0x0;
	s24 =	simm.s32 $0x280;
	s13 =	sadd.s32 s6, s13  }
0x10f: {  	[tilespmem:s24], [sflag:$0x4] =	stream.linear.gather [hbm4b:s13+s23], $0x80, $0x38;
	[tilespmem:$0x4400] =	vst v63  }
0x110: {  	_ =	swait.ge [sflag:s1], $0x1000  }
0x111: {  	[sflag:s1] =	ssyncset.done $0x0  }
0x112: {  	[sflag:s1] =	ssyncadd.s32 $0xFFFFF000  }
0x113: {  	v8 =	vld [tilespmem:$0x100]  }
0x114: {  	v57 =	vld [tilespmem:$0x110];
	_ =	sdelay $0x1  }
0x115: {  	v58 =	vld [tilespmem:$0x120];
	_ =	sdelay $0x1  }
0x116: {  	v59 =	vld [tilespmem:$0x130]  }
0x117: {  	vm15 =	vgt.s32 v8, v57  }
0x118: {  	v60 =	vld [tilespmem:$0x140];
	v8 =	vsel vm15, v8, v57  }
0x119: {  	vm0 =	vgt.s32 v8, v58  }
0x11a: {  	v61 =	vld [tilespmem:$0x150];
	v8 =	vsel vm0, v8, v58  }
0x11b: {  	vm0 =	vgt.s32 v8, v59  }
0x11c: {  	v62 =	vld [tilespmem:$0x160];
	v8 =	vsel vm0, v8, v59  }
0x11d: {  	vm0 =	vgt.s32 v8, v60  }
0x11e: {  	v63 =	vld [tilespmem:$0x170];
	v8 =	vsel vm0, v8, v60  }
0x11f: {  	vm0 =	vgt.s32 v8, v61  }
0x120: {  	v8 =	vsel vm0, v8, v61  }
0x121: {  	vm0 =	vgt.s32 v8, v62  }
0x122: {  	v8 =	vsel vm0, v8, v62  }
0x123: {  	vm0 =	vgt.s32 v8, v63  }
0x124: {  	v8 =	vsel vm0, v8, v63  }
0x125: {  	vm0 =	vgt.s32 v8, $0x0  }
0x126: {  	v8 =	vnsel vm0, $0x0, v8  }
0x127: {  	v8 =	vor.u32 $0x80000000, v8  }
0x128: {  	(xrf0) =	vmax.scan.msk.u32 $0xffff, v8;
	_ =	sdelay $0x5  }
0x129: {  	v8, _, _ =	vpop (xrf0)  }
0x12a: {  	(v2sf) =	vpush v8, $0xF;
	_ =	sdelay $0xe  }
0x12b: {  	s25 =	spop (v2sf)  }
0x12c: {  	p0 =	slt.u32 s25, $0x800F4238  }
.Ltmp8:
0x12d: {  	_ = 	snop;
	(pc) =	sbr.rel @p0 .LBB2_14-.Ltmp8, $2  }
0x12e: {  	_ =	sdelay $0x2  }
0x12f: {  	s24 =	simm.s32 $0x0  }
.LBB2_11:
0x130: {  	s13 =	sshll.u32 s24, $0x4  }
0x131: {  	v12 =	vld [tilespmem:s13+$0x100];
	_ =	sdelay $0x4  }
0x132: {  	v8 =	vadd.s32 $0xFFF0BDC8, v12  }
0x133: {  	vm0 =	vgt.s32 v8, $0x0  }
0x134: {  	v10 =	vmov s23;
	v8 =	vnsel vm0, $0x0, v8  }
0x135: {  	v9 =	vmov s13;
	v11 =	vand.u32 $0x18, v10;
	v8 =	vmin.u32 v8, $0x7  }
0x136: {  	v10 =	vand.u32 $0x7, v10;
	v13 =	vshll.u32 v9, $0x5;
	v9 =	vshll.u32 v8, $0x5  }
0x137: {  	vm0 =	vgt.s32 v12, $0xF4237;
	v8 =	vor.u32 v0, v13;
	v13 =	vor.u32 v9, v11  }
0x138: {  	v13 =	vor.u32 v10, v13;
	_ =	sdelay $0x2  }
0x139: {  	s25 =	simm.s32 $0x1  }
0x13a: {  	s13 =	simm.s32 $0x2;
	v12 =	vmov s25  }
.LBB2_12:
0x13b: {  	p0 =	sne.s32 s13, $0x1F;
	v14 =	vld.idx.msk [tilespmem:v13+s3+$0x0], vm0;
	v13 =	vor.u32 v8, v11;
	v11 =	vand.u32 $0x18, v12  }
0x13c: {  	v15 =	vor.u32 v9, v11;
	v16 =	vor.u32 v10, v13;
	v10 =	vand.u32 $0x7, v12  }
.Ltmp9:
0x13d: {  	v13 =	vor.u32 v10, v15;
	(pc) =	sbr.rel @p0 .LBB2_12-.Ltmp9, $2  }
0x13e: {  	_ =	sdelay $0x2  }
0x13f: {  	v12 =	vmov s13;
	s13 =	sadd.s32 $0x1, s13;
	[tilespmem:v16+s18+$0x0] =	vst.idx.msk vm0, v14  }
0x140: {  	_ =	sdelay $0x3  }
0x141: {  	v14 =	vand.u32 $0x18, v12;
	v11 =	vor.u32 v8, v11  }
0x142: {  	v13 =	vld.idx.msk [tilespmem:v13+s3+$0x0], vm0;
	v63 =	vand.u32 $0x7, v12;
	v9 =	vor.u32 v9, v14;
	v10 =	vor.u32 v10, v11  }
0x143: {  	v9 =	vor.u32 v63, v9;
	_ =	sdelay $0x3  }
0x144: {  	s24 =	sadd.s32 $0x1, s24;
	v8 =	vor.u32 v8, v14;
	[tilespmem:v10+s18+$0x0] =	vst.idx.msk vm0, v13  }
0x145: {  	p0 =	sne.s32 s24, $0x8;
	v8 =	vor.u32 v63, v8;
	v9 =	vld.idx.msk [tilespmem:v9+s3+$0x0], vm0  }
.Ltmp10:
0x146: {  	_ = 	snop;
	(pc) =	sbr.rel @p0 .LBB2_11-.Ltmp10, $2  }
0x147: {  	_ =	sdelay $0x2  }
0x148: {  	[tilespmem:v8+s18+$0x0] =	vst.idx.msk vm0, v9  }
.LBB2_14:
0x149: {  	p0 =	seq.s32 s0, $0x0  }
0x14a: {  	s13 =	simm.s32 @!p0 $0x7  }
0x14b: {  	_ =	swait.ge @!p0 [sflag:s13], $0x400  }
0x14c: {  	[sflag:s13] =	ssyncset.done @!p0 $0x0  }
0x14d: {  	s23 =	simm.s32 $0x0;
	[sflag:s13] =	ssyncadd.s32 @!p0 $0xFFFFFC00  }
0x14e: {  	v8 =	vmov s23;
	_ =	swait.ge @!p0 [sflag:s13], $0x400  }
0x14f: {  	v8 =	vand.u32 $0x1F, v8;
	[sflag:s13] =	ssyncset.done @!p0 $0x0  }
0x150: {  	v8 =	vbroadcast v8, $0x0;
	[sflag:s13] =	ssyncadd.s32 @!p0 $0xFFFFFC00  }
0x151: {  	_ =	swait.ge @!p0 [sflag:s13], $0x400  }
0x152: {  	v9 =	vor.u32 v0, v8;
	[sflag:s13] =	ssyncset.done @!p0 $0x0  }
0x153: {  	[sflag:s13] =	ssyncadd.s32 @!p0 $0xFFFFFC00  }
0x154: {  	_ =	swait.ge @!p0 [sflag:s13], $0x400  }
0x155: {  	[sflag:s13] =	ssyncset.done @!p0 $0x0  }
0x156: {  	[sflag:s13] =	ssyncadd.s32 @!p0 $0xFFFFFC00  }
0x157: {  	v9 =	vld.idx.msk [tilespmem:v9+s18+$0x0], $0xffff  }
0x158: {  	v10 =	vor.u32 v1, v8;
	_ =	sdelay $0x2  }
0x159: {  	s24 =	simm.s32 $0x2440  }
0x15a: {  	[tilespmem:s24+$0xFFFFFFC0] =	vst v9  }
0x15b: {  	v9 =	vld.idx.msk [tilespmem:v10+s18+$0x0], $0xffff  }
0x15c: {  	v10 =	vor.u32 v2, v8;
	_ =	sdelay $0x3  }
0x15d: {  	[tilespmem:s24+$0xFFFFFFD0] =	vst v9  }
0x15e: {  	v9 =	vld.idx.msk [tilespmem:v10+s18+$0x0], $0xffff  }
0x15f: {  	v10 =	vor.u32 v3, v8;
	_ =	sdelay $0x3  }
0x160: {  	[tilespmem:s24+$0xFFFFFFE0] =	vst v9  }
0x161: {  	v9 =	vld.idx.msk [tilespmem:v10+s18+$0x0], $0xffff  }
0x162: {  	v10 =	vor.u32 v4, v8;
	_ =	sdelay $0x3  }
0x163: {  	[tilespmem:s24+$0xFFFFFFF0] =	vst v9  }
0x164: {  	v9 =	vld.idx.msk [tilespmem:v10+s18+$0x0], $0xffff  }
0x165: {  	v10 =	vor.u32 v5, v8;
	_ =	sdelay $0x3  }
0x166: {  	[tilespmem:s24+$0x0] =	vst v9  }
0x167: {  	v9 =	vld.idx.msk [tilespmem:v10+s18+$0x0], $0xffff  }
0x168: {  	v10 =	vor.u32 v6, v8;
	_ =	sdelay $0x3  }
0x169: {  	[tilespmem:s24+$0x10] =	vst v9  }
0x16a: {  	v9 =	vld.idx.msk [tilespmem:v10+s18+$0x0], $0xffff  }
0x16b: {  	v8 =	vor.u32 v7, v8;
	_ =	sdelay $0x1  }
0x16c: {  	s25 =	simm.s32 $0x1  }
0x16d: {  	s23 =	sor.u32 $0x1, s22;
	v10 =	vmov s25;
	s25 =	simm.s32 $0x2  }
.LBB2_15:
0x16e: {  	p1 =	sne.s32 s25, $0x1F;
	v10 =	vand.u32 $0x1F, v10;
	[tilespmem:s24+$0x20] =	vst v9  }
0x16f: {  	v10 =	vbroadcast v10, $0x0;
	v8 =	vld.idx.msk [tilespmem:v8+s18+$0x0], $0xffff;
	_ =	sdelay $0x1  }
0x170: {  	v9 =	vor.u32 v0, v10;
	_ =	sdelay $0x3  }
0x171: {  	[tilespmem:s24+$0x30] =	vst v8  }
0x172: {  	v8 =	vld.idx.msk [tilespmem:v9+s18+$0x0], $0xffff;
	_ =	sdelay $0x1  }
0x173: {  	v9 =	vor.u32 v1, v10;
	_ =	sdelay $0x2  }
0x174: {  	s24 =	sadd.s32 $0x80, s24  }
0x175: {  	[tilespmem:s24+$0xFFFFFFC0] =	vst v8  }
0x176: {  	v8 =	vld.idx.msk [tilespmem:v9+s18+$0x0], $0xffff;
	_ =	sdelay $0x1  }
0x177: {  	v9 =	vor.u32 v2, v10;
	_ =	sdelay $0x3  }
0x178: {  	[tilespmem:s24+$0xFFFFFFD0] =	vst v8  }
0x179: {  	v8 =	vld.idx.msk [tilespmem:v9+s18+$0x0], $0xffff;
	_ =	sdelay $0x1  }
0x17a: {  	v9 =	vor.u32 v3, v10;
	_ =	sdelay $0x3  }
0x17b: {  	[tilespmem:s24+$0xFFFFFFE0] =	vst v8  }
0x17c: {  	v8 =	vld.idx.msk [tilespmem:v9+s18+$0x0], $0xffff;
	_ =	sdelay $0x1  }
0x17d: {  	v9 =	vor.u32 v4, v10;
	_ =	sdelay $0x3  }
0x17e: {  	[tilespmem:s24+$0xFFFFFFF0] =	vst v8  }
0x17f: {  	v8 =	vld.idx.msk [tilespmem:v9+s18+$0x0], $0xffff;
	_ =	sdelay $0x1  }
0x180: {  	v9 =	vor.u32 v5, v10;
	_ =	sdelay $0x3  }
0x181: {  	[tilespmem:s24+$0x0] =	vst v8  }
0x182: {  	v8 =	vld.idx.msk [tilespmem:v9+s18+$0x0], $0xffff;
	_ =	sdelay $0x1  }
0x183: {  	v9 =	vor.u32 v6, v10;
	_ =	sdelay $0x3  }
0x184: {  	[tilespmem:s24+$0x10] =	vst v8  }
0x185: {  	v9 =	vld.idx.msk [tilespmem:v9+s18+$0x0], $0xffff  }
.Ltmp11:
0x186: {  	(pc) =	sbr.rel @p1 .LBB2_15-.Ltmp11, $2  }
0x187: {  	v8 =	vor.u32 v7, v10;
	_ =	sdelay $0x2  }
0x188: {  	v10 =	vmov s25;
	s25 =	sadd.s32 $0x1, s25  }
0x189: {  	_ =	sdelay $0x1  }
0x18a: {  	v10 =	vand.u32 $0x1F, v10  }
0x18b: {  	[tilespmem:s24+$0x20] =	vst v9;
	v47 =	vbroadcast v10, $0x0  }
0x18c: {  	v8 =	vld.idx.msk [tilespmem:v8+s18+$0x0], $0xffff  }
0x18d: {  	v10 =	vor.u32 v0, v47;
	_ =	sdelay $0x3  }
0x18e: {  	[tilespmem:s24+$0x30] =	vst v8  }
0x18f: {  	v8 =	vld.idx.msk [tilespmem:v10+s18+$0x0], $0xffff  }
0x190: {  	v48 =	vor.u32 v1, v47;
	_ =	sdelay $0x2  }
0x191: {  	s13 =	sadd.s32 $0x80, s24  }
0x192: {  	[tilespmem:s13+$0xFFFFFFC0] =	vst v8  }
0x193: {  	v8 =	vld.idx.msk [tilespmem:v48+s18+$0x0], $0xffff  }
0x194: {  	v49 =	vor.u32 v2, v47;
	_ =	sdelay $0x3  }
0x195: {  	[tilespmem:s13+$0xFFFFFFD0] =	vst v8  }
0x196: {  	v8 =	vld.idx.msk [tilespmem:v49+s18+$0x0], $0xffff  }
0x197: {  	v50 =	vor.u32 v3, v47;
	_ =	sdelay $0x3  }
0x198: {  	[tilespmem:s13+$0xFFFFFFE0] =	vst v8  }
0x199: {  	v8 =	vld.idx.msk [tilespmem:v50+s18+$0x0], $0xffff  }
0x19a: {  	v51 =	vor.u32 v4, v47;
	_ =	sdelay $0x3  }
0x19b: {  	[tilespmem:s13+$0xFFFFFFF0] =	vst v8  }
0x19c: {  	v8 =	vld.idx.msk [tilespmem:v51+s18+$0x0], $0xffff  }
0x19d: {  	v52 =	vor.u32 v5, v47;
	_ =	sdelay $0x3  }
0x19e: {  	[tilespmem:s13+$0x0] =	vst v8  }
0x19f: {  	v8 =	vld.idx.msk [tilespmem:v52+s18+$0x0], $0xffff  }
0x1a0: {  	v53 =	vor.u32 v6, v47;
	_ =	sdelay $0x3  }
0x1a1: {  	[tilespmem:s13+$0x10] =	vst v8  }
0x1a2: {  	v8 =	vld.idx.msk [tilespmem:v53+s18+$0x0], $0xffff  }
0x1a3: {  	v9 =	vor.u32 v7, v47;
	_ =	sdelay $0x3  }
0x1a4: {  	[tilespmem:s13+$0x20] =	vst v8  }
0x1a5: {  	v8 =	vld.idx.msk [tilespmem:v9+s18+$0x0], $0xffff  }
0x1a6: {  	s24 =	sadd.s32 s7, s22  }
0x1a7: {  	s25 =	sshll.u32 s24, $0x9;
	s24 =	sshll.u32 s24, $0x7  }
0x1a8: {  	s25 =	sand.u32 $0x7FFF0000, s25;
	s24 =	sand.u32 $0x3E00, s24  }
0x1a9: {  	s24 =	sor.u32 s24, s25  }
0x1aa: {  	s25 =	sadd.s32 s2, s24;
	[tilespmem:s13+$0x30] =	vst v8  }
0x1ab: {  	[hbm4b:s25+s3] =	stream.linear.scatter [tilespmem:s19], [sflag:$0x7], $0x400, $0x38;
	[tilespmem:$0x4400] =	vst v63  }
0x1ac: {  	s25 =	sadd.s32 s24, s10  }
0x1ad: {  	[hbm4b:s25+s3] =	stream.linear.scatter [tilespmem:s5], [sflag:$0x7], $0x400, $0x38;
	[tilespmem:$0x4400] =	vst v63  }
0x1ae: {  	s25 =	sadd.s32 s24, s11  }
0x1af: {  	[hbm4b:s25+s3] =	stream.linear.scatter [tilespmem:s9], [sflag:$0x7], $0x400, $0x38;
	[tilespmem:$0x4400] =	vst v63  }
0x1b0: {  	s25 =	sadd.s32 s24, s12  }
0x1b1: {  	[hbm4b:s25+s3] =	stream.linear.scatter [tilespmem:s16], [sflag:$0x7], $0x400, $0x38;
	[tilespmem:$0x4400] =	vst v63  }
0x1b2: {  	_ =	swait.ge [sflag:s8], $0x80  }
0x1b3: {  	[sflag:s8] =	ssyncset.done $0x0  }
0x1b4: {  	[sflag:s8] =	ssyncadd.s32 $0xFFFFFF80  }
0x1b5: {  	v8 =	vld [tilespmem:$0x200]  }
0x1b6: {  	v54 =	vld [tilespmem:$0x210]  }
0x1b7: {  	v55 =	vld [tilespmem:$0x220]  }
0x1b8: {  	v11 =	vld [tilespmem:$0x230]  }
0x1b9: {  	v12 =	vld [tilespmem:$0x240]  }
0x1ba: {  	v13 =	vld [tilespmem:$0x250];
	vm0 =	vlt.s32 v8, $0xF4237  }
0x1bb: {  	v14 =	vld [tilespmem:$0x260];
	vm8 =	vlt.s32 v54, $0xF4237;
	v8 =	vnsel vm0, $0xF4237, v8  }
0x1bc: {  	v56 =	vld [tilespmem:$0x270];
	vm9 =	vlt.s32 v55, $0xF4237;
	[tilespmem:$0x300] =	vst v8;
	v8 =	vnsel vm8, $0xF4237, v54  }
0x1bd: {  	vm10 =	vlt.s32 v11, $0xF4237;
	[tilespmem:$0x310] =	vst v8;
	v8 =	vnsel vm9, $0xF4237, v55  }
0x1be: {  	vm11 =	vlt.s32 v12, $0xF4237;
	[tilespmem:$0x320] =	vst v8;
	v8 =	vnsel vm10, $0xF4237, v11  }
0x1bf: {  	vm12 =	vlt.s32 v13, $0xF4237;
	[tilespmem:$0x330] =	vst v8;
	v8 =	vnsel vm11, $0xF4237, v12  }
0x1c0: {  	p1 =	sgt.u32 s0, $0xC6;
	vm13 =	vlt.s32 v14, $0xF4237;
	[tilespmem:$0x340] =	vst v8;
	v8 =	vnsel vm12, $0xF4237, v13  }
0x1c1: {  	s13 =	sadd.s32 @!p1 s22, s14;
	vm14 =	vlt.s32 v56, $0xF4237;
	[tilespmem:$0x350] =	vst v8;
	v8 =	vnsel vm13, $0xF4237, v14  }
0x1c2: {  	s13 =	sshll.u32 @!p1 s13, $0x4;
	[tilespmem:$0x360] =	vst v8;
	v8 =	vnsel vm14, $0xF4237, v56  }
0x1c3: {  	s13 =	sand.u32 @!p1 $0x1FFFFFC0, s13;
	s24 =	simm.s32 $0x300;
	[tilespmem:$0x370] =	vst v8  }
0x1c4: {  	[tilespmem:s18], [sflag:$0x5] =	stream.indirect.gather [hbm4b:s4+s30], $0x20, s24, s30, $0xb8;
	[tilespmem:$0x4400] =	vst v63  }
0x1c5: {  	s13 =	sadd.s32 @!p1 s6, s13;
	s25 =	simm.s32 @!p1 $0x100;
	s24 =	simm.s32 @!p1 $0x0  }
0x1c6: {  	[tilespmem:s25], [sflag:$0x1] =	stream.linear.gather @!p1 [hbm4b:s13+s24], $0x80, $0x38;
	[tilespmem:$0x4400] =	vst v63  }
0x1c7: {  	_ =	swait.ge [sflag:s20], $0x1000  }
0x1c8: {  	[sflag:s20] =	ssyncset.done $0x0  }
0x1c9: {  	[sflag:s20] =	ssyncadd.s32 $0xFFFFF000  }
0x1ca: {  	v8 =	vld [tilespmem:$0x180]  }
0x1cb: {  	v57 =	vld [tilespmem:$0x190];
	_ =	sdelay $0x1  }
0x1cc: {  	v58 =	vld [tilespmem:$0x1A0];
	_ =	sdelay $0x1  }
0x1cd: {  	v59 =	vld [tilespmem:$0x1B0]  }
0x1ce: {  	vm15 =	vgt.s32 v8, v57  }
0x1cf: {  	v60 =	vld [tilespmem:$0x1C0];
	v8 =	vsel vm15, v8, v57  }
0x1d0: {  	vm0 =	vgt.s32 v8, v58  }
0x1d1: {  	v61 =	vld [tilespmem:$0x1D0];
	v8 =	vsel vm0, v8, v58  }
0x1d2: {  	vm0 =	vgt.s32 v8, v59  }
0x1d3: {  	v62 =	vld [tilespmem:$0x1E0];
	v8 =	vsel vm0, v8, v59  }
0x1d4: {  	vm0 =	vgt.s32 v8, v60  }
0x1d5: {  	v63 =	vld [tilespmem:$0x1F0];
	v8 =	vsel vm0, v8, v60  }
0x1d6: {  	vm0 =	vgt.s32 v8, v61  }
0x1d7: {  	v8 =	vsel vm0, v8, v61  }
0x1d8: {  	vm0 =	vgt.s32 v8, v62  }
0x1d9: {  	v8 =	vsel vm0, v8, v62  }
0x1da: {  	vm0 =	vgt.s32 v8, v63  }
0x1db: {  	v8 =	vsel vm0, v8, v63  }
0x1dc: {  	vm0 =	vgt.s32 v8, $0x0  }
0x1dd: {  	v8 =	vnsel vm0, $0x0, v8  }
0x1de: {  	v8 =	vor.u32 $0x80000000, v8  }
0x1df: {  	(xrf0) =	vmax.scan.msk.u32 $0xffff, v8;
	_ =	sdelay $0x5  }
0x1e0: {  	v8, _, _ =	vpop (xrf0)  }
0x1e1: {  	(v2sf) =	vpush v8, $0xF;
	_ =	sdelay $0xe  }
0x1e2: {  	s25 =	spop (v2sf)  }
0x1e3: {  	p2 =	slt.u32 s25, $0x800F4238  }
.Ltmp12:
0x1e4: {  	_ = 	snop;
	(pc) =	sbr.rel @p2 .LBB2_20-.Ltmp12, $2  }
0x1e5: {  	_ =	sdelay $0x2  }
0x1e6: {  	s24 =	simm.s32 $0x0;
	s25 =	simm.s32 $0x0  }
.LBB2_17:
0x1e7: {  	s13 =	sshll.u32 s25, $0x4  }
0x1e8: {  	v12 =	vld [tilespmem:s13+$0x180];
	_ =	sdelay $0x4  }
0x1e9: {  	v8 =	vadd.s32 $0xFFF0BDC8, v12  }
0x1ea: {  	vm0 =	vgt.s32 v8, $0x0  }
0x1eb: {  	v10 =	vmov s24;
	v8 =	vnsel vm0, $0x0, v8  }
0x1ec: {  	v9 =	vmov s13;
	v11 =	vand.u32 $0x18, v10;
	v8 =	vmin.u32 v8, $0x7  }
0x1ed: {  	v10 =	vand.u32 $0x7, v10;
	v13 =	vshll.u32 v9, $0x5;
	v9 =	vshll.u32 v8, $0x5  }
0x1ee: {  	vm0 =	vgt.s32 v12, $0xF4237;
	v8 =	vor.u32 v0, v13;
	v13 =	vor.u32 v9, v11  }
0x1ef: {  	v13 =	vor.u32 v10, v13;
	_ =	sdelay $0x2  }
0x1f0: {  	s13 =	simm.s32 $0x1  }
0x1f1: {  	v12 =	vmov s13;
	s13 =	simm.s32 $0x2  }
.LBB2_18:
0x1f2: {  	p2 =	sne.s32 s13, $0x1F;
	v14 =	vld.idx.msk [tilespmem:v13+s3+$0x0], vm0;
	v13 =	vor.u32 v8, v11;
	v11 =	vand.u32 $0x18, v12  }
0x1f3: {  	v15 =	vor.u32 v9, v11;
	v16 =	vor.u32 v10, v13;
	v10 =	vand.u32 $0x7, v12  }
.Ltmp13:
0x1f4: {  	v13 =	vor.u32 v10, v15;
	(pc) =	sbr.rel @p2 .LBB2_18-.Ltmp13, $2  }
0x1f5: {  	_ =	sdelay $0x2  }
0x1f6: {  	v12 =	vmov s13;
	s13 =	sadd.s32 $0x1, s13;
	[tilespmem:v16+s21+$0x0] =	vst.idx.msk vm0, v14  }
0x1f7: {  	_ =	sdelay $0x3  }
0x1f8: {  	v14 =	vand.u32 $0x18, v12;
	v11 =	vor.u32 v8, v11  }
0x1f9: {  	v13 =	vld.idx.msk [tilespmem:v13+s3+$0x0], vm0;
	v63 =	vand.u32 $0x7, v12;
	v9 =	vor.u32 v9, v14;
	v10 =	vor.u32 v10, v11  }
0x1fa: {  	v9 =	vor.u32 v63, v9;
	_ =	sdelay $0x3  }
0x1fb: {  	s25 =	sadd.s32 $0x1, s25;
	v8 =	vor.u32 v8, v14;
	[tilespmem:v10+s21+$0x0] =	vst.idx.msk vm0, v13  }
0x1fc: {  	p2 =	sne.s32 s25, $0x8;
	v8 =	vor.u32 v63, v8;
	v9 =	vld.idx.msk [tilespmem:v9+s3+$0x0], vm0  }
.Ltmp14:
0x1fd: {  	_ = 	snop;
	(pc) =	sbr.rel @p2 .LBB2_17-.Ltmp14, $2  }
0x1fe: {  	_ =	sdelay $0x2  }
0x1ff: {  	[tilespmem:v8+s21+$0x0] =	vst.idx.msk vm0, v9  }
.LBB2_20:
0x200: {  	s13 =	simm.s32 @!p0 $0x8  }
0x201: {  	_ =	swait.ge @!p0 [sflag:s13], $0x400  }
0x202: {  	[sflag:s13] =	ssyncset.done @!p0 $0x0  }
0x203: {  	s24 =	simm.s32 $0x0;
	[sflag:s13] =	ssyncadd.s32 @!p0 $0xFFFFFC00  }
0x204: {  	v8 =	vmov s24;
	_ =	swait.ge @!p0 [sflag:s13], $0x400  }
0x205: {  	v8 =	vand.u32 $0x1F, v8;
	[sflag:s13] =	ssyncset.done @!p0 $0x0  }
0x206: {  	v8 =	vbroadcast v8, $0x0;
	[sflag:s13] =	ssyncadd.s32 @!p0 $0xFFFFFC00  }
0x207: {  	_ =	swait.ge @!p0 [sflag:s13], $0x400  }
0x208: {  	v9 =	vor.u32 v0, v8;
	[sflag:s13] =	ssyncset.done @!p0 $0x0  }
0x209: {  	[sflag:s13] =	ssyncadd.s32 @!p0 $0xFFFFFC00  }
0x20a: {  	_ =	swait.ge @!p0 [sflag:s13], $0x400  }
0x20b: {  	[sflag:s13] =	ssyncset.done @!p0 $0x0  }
0x20c: {  	[sflag:s13] =	ssyncadd.s32 @!p0 $0xFFFFFC00  }
0x20d: {  	v9 =	vld.idx.msk [tilespmem:v9+s21+$0x0], $0xffff  }
0x20e: {  	v10 =	vor.u32 v1, v8;
	_ =	sdelay $0x2  }
0x20f: {  	s24 =	simm.s32 $0x3470  }
0x210: {  	[tilespmem:s24+$0xFFFFFF90] =	vst v9  }
0x211: {  	v9 =	vld.idx.msk [tilespmem:v10+s21+$0x0], $0xffff  }
0x212: {  	v10 =	vor.u32 v2, v8;
	_ =	sdelay $0x3  }
0x213: {  	[tilespmem:s24+$0xFFFFFFA0] =	vst v9  }
0x214: {  	v9 =	vld.idx.msk [tilespmem:v10+s21+$0x0], $0xffff  }
0x215: {  	v10 =	vor.u32 v3, v8;
	_ =	sdelay $0x3  }
0x216: {  	[tilespmem:s24+$0xFFFFFFB0] =	vst v9  }
0x217: {  	v9 =	vld.idx.msk [tilespmem:v10+s21+$0x0], $0xffff  }
0x218: {  	v10 =	vor.u32 v4, v8;
	_ =	sdelay $0x3  }
0x219: {  	[tilespmem:s24+$0xFFFFFFC0] =	vst v9  }
0x21a: {  	v9 =	vld.idx.msk [tilespmem:v10+s21+$0x0], $0xffff  }
0x21b: {  	v10 =	vor.u32 v5, v8;
	_ =	sdelay $0x3  }
0x21c: {  	[tilespmem:s24+$0xFFFFFFD0] =	vst v9  }
0x21d: {  	v9 =	vld.idx.msk [tilespmem:v10+s21+$0x0], $0xffff  }
0x21e: {  	v10 =	vor.u32 v6, v8;
	_ =	sdelay $0x3  }
0x21f: {  	[tilespmem:s24+$0xFFFFFFE0] =	vst v9  }
0x220: {  	v9 =	vld.idx.msk [tilespmem:v10+s21+$0x0], $0xffff  }
0x221: {  	v8 =	vor.u32 v7, v8;
	_ =	sdelay $0x1  }
0x222: {  	s25 =	simm.s32 $0x1  }
0x223: {  	v10 =	vmov s25;
	s25 =	simm.s32 $0x2  }
.LBB2_21:
0x224: {  	p0 =	sne.s32 s25, $0x1F;
	v10 =	vand.u32 $0x1F, v10;
	[tilespmem:s24+$0xFFFFFFF0] =	vst v9  }
0x225: {  	v10 =	vbroadcast v10, $0x0;
	v8 =	vld.idx.msk [tilespmem:v8+s21+$0x0], $0xffff;
	_ =	sdelay $0x1  }
0x226: {  	v9 =	vor.u32 v0, v10;
	_ =	sdelay $0x3  }
0x227: {  	[tilespmem:s24+$0x0] =	vst v8  }
0x228: {  	v8 =	vld.idx.msk [tilespmem:v9+s21+$0x0], $0xffff;
	_ =	sdelay $0x1  }
0x229: {  	v9 =	vor.u32 v1, v10;
	_ =	sdelay $0x2  }
0x22a: {  	s24 =	sadd.s32 $0x80, s24  }
0x22b: {  	[tilespmem:s24+$0xFFFFFF90] =	vst v8  }
0x22c: {  	v8 =	vld.idx.msk [tilespmem:v9+s21+$0x0], $0xffff;
	_ =	sdelay $0x1  }
0x22d: {  	v9 =	vor.u32 v2, v10;
	_ =	sdelay $0x3  }
0x22e: {  	[tilespmem:s24+$0xFFFFFFA0] =	vst v8  }
0x22f: {  	v8 =	vld.idx.msk [tilespmem:v9+s21+$0x0], $0xffff;
	_ =	sdelay $0x1  }
0x230: {  	v9 =	vor.u32 v3, v10;
	_ =	sdelay $0x3  }
0x231: {  	[tilespmem:s24+$0xFFFFFFB0] =	vst v8  }
0x232: {  	v8 =	vld.idx.msk [tilespmem:v9+s21+$0x0], $0xffff;
	_ =	sdelay $0x1  }
0x233: {  	v9 =	vor.u32 v4, v10;
	_ =	sdelay $0x3  }
0x234: {  	[tilespmem:s24+$0xFFFFFFC0] =	vst v8  }
0x235: {  	v8 =	vld.idx.msk [tilespmem:v9+s21+$0x0], $0xffff;
	_ =	sdelay $0x1  }
0x236: {  	v9 =	vor.u32 v5, v10;
	_ =	sdelay $0x3  }
0x237: {  	[tilespmem:s24+$0xFFFFFFD0] =	vst v8  }
0x238: {  	v8 =	vld.idx.msk [tilespmem:v9+s21+$0x0], $0xffff;
	_ =	sdelay $0x1  }
0x239: {  	v9 =	vor.u32 v6, v10;
	_ =	sdelay $0x3  }
0x23a: {  	[tilespmem:s24+$0xFFFFFFE0] =	vst v8  }
0x23b: {  	v9 =	vld.idx.msk [tilespmem:v9+s21+$0x0], $0xffff  }
.Ltmp15:
0x23c: {  	(pc) =	sbr.rel @p0 .LBB2_21-.Ltmp15, $2  }
0x23d: {  	v8 =	vor.u32 v7, v10;
	_ =	sdelay $0x2  }
0x23e: {  	v10 =	vmov s25;
	s25 =	sadd.s32 $0x1, s25  }
0x23f: {  	_ =	sdelay $0x1  }
0x240: {  	v10 =	vand.u32 $0x1F, v10  }
0x241: {  	[tilespmem:s24+$0xFFFFFFF0] =	vst v9;
	v47 =	vbroadcast v10, $0x0  }
0x242: {  	v8 =	vld.idx.msk [tilespmem:v8+s21+$0x0], $0xffff  }
0x243: {  	v10 =	vor.u32 v0, v47;
	_ =	sdelay $0x3  }
0x244: {  	[tilespmem:s24+$0x0] =	vst v8  }
0x245: {  	v8 =	vld.idx.msk [tilespmem:v10+s21+$0x0], $0xffff  }
0x246: {  	v48 =	vor.u32 v1, v47;
	_ =	sdelay $0x2  }
0x247: {  	s13 =	sadd.s32 $0x80, s24  }
0x248: {  	[tilespmem:s13+$0xFFFFFF90] =	vst v8  }
0x249: {  	v8 =	vld.idx.msk [tilespmem:v48+s21+$0x0], $0xffff  }
0x24a: {  	v49 =	vor.u32 v2, v47;
	_ =	sdelay $0x3  }
0x24b: {  	[tilespmem:s13+$0xFFFFFFA0] =	vst v8  }
0x24c: {  	v8 =	vld.idx.msk [tilespmem:v49+s21+$0x0], $0xffff  }
0x24d: {  	v50 =	vor.u32 v3, v47;
	_ =	sdelay $0x3  }
0x24e: {  	[tilespmem:s13+$0xFFFFFFB0] =	vst v8  }
0x24f: {  	v8 =	vld.idx.msk [tilespmem:v50+s21+$0x0], $0xffff  }
0x250: {  	v51 =	vor.u32 v4, v47;
	_ =	sdelay $0x3  }
0x251: {  	[tilespmem:s13+$0xFFFFFFC0] =	vst v8  }
0x252: {  	v8 =	vld.idx.msk [tilespmem:v51+s21+$0x0], $0xffff  }
0x253: {  	v52 =	vor.u32 v5, v47;
	_ =	sdelay $0x3  }
0x254: {  	[tilespmem:s13+$0xFFFFFFD0] =	vst v8  }
0x255: {  	v8 =	vld.idx.msk [tilespmem:v52+s21+$0x0], $0xffff  }
0x256: {  	v53 =	vor.u32 v6, v47;
	_ =	sdelay $0x3  }
0x257: {  	[tilespmem:s13+$0xFFFFFFE0] =	vst v8  }
0x258: {  	v8 =	vld.idx.msk [tilespmem:v53+s21+$0x0], $0xffff  }
0x259: {  	v9 =	vor.u32 v7, v47;
	_ =	sdelay $0x3  }
0x25a: {  	[tilespmem:s13+$0xFFFFFFF0] =	vst v8  }
0x25b: {  	v8 =	vld.idx.msk [tilespmem:v9+s21+$0x0], $0xffff  }
0x25c: {  	s23 =	sadd.s32 s7, s23  }
0x25d: {  	s25 =	sshll.u32 s23, $0x9;
	s23 =	sshll.u32 s23, $0x7  }
0x25e: {  	s23 =	sand.u32 $0x3E80, s23;
	s24 =	sand.u32 $0x7FFF0000, s25  }
0x25f: {  	s23 =	sor.u32 s23, s24  }
0x260: {  	s25 =	simm.s32 $0x3400;
	s24 =	sadd.s32 s2, s23;
	[tilespmem:s13+$0x0] =	vst v8  }
0x261: {  	[hbm4b:s24+s3] =	stream.linear.scatter [tilespmem:s25], [sflag:$0x8], $0x400, $0x38;
	[tilespmem:$0x4400] =	vst v63  }
0x262: {  	s24 =	sadd.s32 s23, s10;
	s25 =	simm.s32 $0x3800  }
0x263: {  	[hbm4b:s24+s3] =	stream.linear.scatter [tilespmem:s25], [sflag:$0x8], $0x400, $0x38;
	[tilespmem:$0x4400] =	vst v63  }
0x264: {  	s24 =	sadd.s32 s23, s11;
	s25 =	simm.s32 $0x3C00  }
0x265: {  	[hbm4b:s24+s3] =	stream.linear.scatter [tilespmem:s25], [sflag:$0x8], $0x400, $0x38;
	[tilespmem:$0x4400] =	vst v63  }
0x266: {  	s23 =	sadd.s32 s23, s12;
	s24 =	simm.s32 $0x4000  }
0x267: {  	[hbm4b:s23+s3] =	stream.linear.scatter [tilespmem:s24], [sflag:$0x8], $0x400, $0x38;
	[tilespmem:$0x4400] =	vst v63  }
0x268: {  	_ =	swait.ge [sflag:s28], $0x80  }
0x269: {  	[sflag:s28] =	ssyncset.done $0x0  }
0x26a: {  	[sflag:s28] =	ssyncadd.s32 $0xFFFFFF80  }
0x26b: {  	v8 =	vld [tilespmem:$0x280]  }
0x26c: {  	v54 =	vld [tilespmem:$0x290]  }
0x26d: {  	v55 =	vld [tilespmem:$0x2A0]  }
0x26e: {  	v11 =	vld [tilespmem:$0x2B0]  }
0x26f: {  	v12 =	vld [tilespmem:$0x2C0]  }
0x270: {  	v13 =	vld [tilespmem:$0x2D0];
	vm0 =	vlt.s32 v8, $0xF4237  }
0x271: {  	v14 =	vld [tilespmem:$0x2E0];
	vm8 =	vlt.s32 v54, $0xF4237;
	v8 =	vnsel vm0, $0xF4237, v8  }
0x272: {  	v56 =	vld [tilespmem:$0x2F0];
	vm9 =	vlt.s32 v55, $0xF4237;
	[tilespmem:$0x380] =	vst v8;
	v8 =	vnsel vm8, $0xF4237, v54  }
0x273: {  	vm10 =	vlt.s32 v11, $0xF4237;
	[tilespmem:$0x390] =	vst v8;
	v8 =	vnsel vm9, $0xF4237, v55  }
0x274: {  	vm11 =	vlt.s32 v12, $0xF4237;
	[tilespmem:$0x3A0] =	vst v8;
	v8 =	vnsel vm10, $0xF4237, v11  }
0x275: {  	vm12 =	vlt.s32 v13, $0xF4237;
	[tilespmem:$0x3B0] =	vst v8;
	v8 =	vnsel vm11, $0xF4237, v12  }
0x276: {  	vm13 =	vlt.s32 v14, $0xF4237;
	[tilespmem:$0x3C0] =	vst v8;
	v8 =	vnsel vm12, $0xF4237, v13  }
0x277: {  	s13 =	sadd.s32 @!p1 s22, s15;
	vm14 =	vlt.s32 v56, $0xF4237;
	[tilespmem:$0x3D0] =	vst v8;
	v8 =	vnsel vm13, $0xF4237, v14  }
0x278: {  	s13 =	sshll.u32 @!p1 s13, $0x4;
	[tilespmem:$0x3E0] =	vst v8;
	v8 =	vnsel vm14, $0xF4237, v56  }
0x279: {  	s13 =	sand.u32 @!p1 $0x1FFFFFD0, s13;
	[tilespmem:$0x3F0] =	vst v8  }
0x27a: {  	[tilespmem:s21], [sflag:$0x6] =	stream.indirect.gather [hbm4b:s4+s30], $0x20, s31, s30, $0xb8;
	[tilespmem:$0x4400] =	vst v63  }
0x27b: {  	s22 =	simm.s32 @!p1 $0x0;
	s13 =	sadd.s32 @!p1 s6, s13;
	s23 =	simm.s32 @!p1 $0x180  }
0x27c: {  	[tilespmem:s23], [sflag:$0x2] =	stream.linear.gather @!p1 [hbm4b:s13+s22], $0x80, $0x38;
	[tilespmem:$0x4400] =	vst v63  }
0x27d: {  	_ =	swait.ge [sflag:s1], $0x1000  }
0x27e: {  	[sflag:s1] =	ssyncset.done $0x0  }
0x27f: {  	[sflag:s1] =	ssyncadd.s32 $0xFFFFF000  }
0x280: {  	v8 =	vld [tilespmem:$0x200]  }
0x281: {  	v57 =	vld [tilespmem:$0x210];
	_ =	sdelay $0x1  }
0x282: {  	v58 =	vld [tilespmem:$0x220];
	_ =	sdelay $0x1  }
0x283: {  	v59 =	vld [tilespmem:$0x230]  }
0x284: {  	vm15 =	vgt.s32 v8, v57  }
0x285: {  	v60 =	vld [tilespmem:$0x240];
	v8 =	vsel vm15, v8, v57  }
0x286: {  	vm0 =	vgt.s32 v8, v58  }
0x287: {  	v61 =	vld [tilespmem:$0x250];
	v8 =	vsel vm0, v8, v58  }
0x288: {  	vm0 =	vgt.s32 v8, v59  }
0x289: {  	v62 =	vld [tilespmem:$0x260];
	v8 =	vsel vm0, v8, v59  }
0x28a: {  	vm0 =	vgt.s32 v8, v60  }
0x28b: {  	v63 =	vld [tilespmem:$0x270];
	v8 =	vsel vm0, v8, v60  }
0x28c: {  	vm0 =	vgt.s32 v8, v61  }
0x28d: {  	v8 =	vsel vm0, v8, v61  }
0x28e: {  	vm0 =	vgt.s32 v8, v62  }
0x28f: {  	v8 =	vsel vm0, v8, v62  }
0x290: {  	vm0 =	vgt.s32 v8, v63  }
0x291: {  	v8 =	vsel vm0, v8, v63  }
0x292: {  	vm0 =	vgt.s32 v8, $0x0  }
0x293: {  	v8 =	vnsel vm0, $0x0, v8  }
0x294: {  	v8 =	vor.u32 $0x80000000, v8  }
0x295: {  	(xrf0) =	vmax.scan.msk.u32 $0xffff, v8;
	_ =	sdelay $0x5  }
0x296: {  	v8, _, _ =	vpop (xrf0)  }
0x297: {  	(v2sf) =	vpush v8, $0xF;
	_ =	sdelay $0xe  }
0x298: {  	s25 =	spop (v2sf)  }
0x299: {  	p0 =	slt.u32 s25, $0x800F4238  }
.Ltmp16:
0x29a: {  	_ = 	snop;
	(pc) =	sbr.rel @p0 .LBB2_26-.Ltmp16, $2  }
0x29b: {  	_ =	sdelay $0x2  }
0x29c: {  	s22 =	simm.s32 $0x0;
	s23 =	simm.s32 $0x0  }
.LBB2_23:
0x29d: {  	s13 =	sshll.u32 s23, $0x4  }
0x29e: {  	v10 =	vld [tilespmem:s13+$0x200];
	_ =	sdelay $0x4  }
0x29f: {  	v8 =	vadd.s32 $0xFFF0BDC8, v10  }
0x2a0: {  	vm0 =	vgt.s32 v8, $0x0  }
0x2a1: {  	v9 =	vmov s13;
	v8 =	vnsel vm0, $0x0, v8  }
0x2a2: {  	v12 =	vmov s22;
	v11 =	vshll.u32 v9, $0x5;
	v8 =	vmin.u32 v8, $0x7  }
0x2a3: {  	v9 =	vshll.u32 v8, $0x5;
	v8 =	vor.u32 v0, v11;
	v11 =	vand.u32 $0x18, v12  }
0x2a4: {  	vm0 =	vgt.s32 v10, $0xF4237;
	v10 =	vand.u32 $0x7, v12;
	v12 =	vor.u32 v9, v11  }
0x2a5: {  	v13 =	vor.u32 v10, v12;
	_ =	sdelay $0x2  }
0x2a6: {  	s25 =	simm.s32 $0x1  }
0x2a7: {  	s24 =	simm.s32 $0x2;
	vm1 =	vmmov vm0;
	v12 =	vmov s25  }
.LBB2_24:
0x2a8: {  	p0 =	sne.s32 s24, $0x1F;
	v14 =	vld.idx.msk [tilespmem:v13+s3+$0x0], vm0;
	v13 =	vor.u32 v8, v11;
	v11 =	vand.u32 $0x18, v12  }
0x2a9: {  	v15 =	vor.u32 v9, v11;
	v16 =	vor.u32 v10, v13;
	v10 =	vand.u32 $0x7, v12  }
.Ltmp17:
0x2aa: {  	v13 =	vor.u32 v10, v15;
	(pc) =	sbr.rel @p0 .LBB2_24-.Ltmp17, $2  }
0x2ab: {  	_ =	sdelay $0x2  }
0x2ac: {  	v12 =	vmov s24;
	s24 =	sadd.s32 $0x1, s24;
	[tilespmem:v16+s18+$0x0] =	vst.idx.msk vm1, v14;
	vm1 =	vmmov vm0  }
0x2ad: {  	_ =	sdelay $0x3  }
0x2ae: {  	v14 =	vand.u32 $0x18, v12;
	v11 =	vor.u32 v8, v11  }
0x2af: {  	v13 =	vld.idx.msk [tilespmem:v13+s3+$0x0], vm0;
	v63 =	vand.u32 $0x7, v12;
	v9 =	vor.u32 v9, v14;
	v10 =	vor.u32 v10, v11  }
0x2b0: {  	v9 =	vor.u32 v63, v9;
	_ =	sdelay $0x3  }
0x2b1: {  	s23 =	sadd.s32 $0x1, s23;
	v8 =	vor.u32 v8, v14;
	[tilespmem:v10+s18+$0x0] =	vst.idx.msk vm1, v13  }
0x2b2: {  	p0 =	sne.s32 s23, $0x8;
	v8 =	vor.u32 v63, v8;
	v9 =	vld.idx.msk [tilespmem:v9+s3+$0x0], vm0  }
.Ltmp18:
0x2b3: {  	_ = 	snop;
	(pc) =	sbr.rel @p0 .LBB2_23-.Ltmp18, $2  }
0x2b4: {  	_ =	sdelay $0x2  }
0x2b5: {  	vm15 =	vmmov vm0;
	[tilespmem:v8+s18+$0x0] =	vst.idx.msk vm0, v9  }
.LBB2_26:
0x2b6: {  	_ =	swait.ge [sflag:s26], $0x400  }
0x2b7: {  	[sflag:s26] =	ssyncset.done $0x0  }
0x2b8: {  	s13 =	simm.s32 $0x0;
	[sflag:s26] =	ssyncadd.s32 $0xFFFFFC00  }
0x2b9: {  	v8 =	vmov s13;
	_ =	swait.ge [sflag:s26], $0x400  }
0x2ba: {  	v8 =	vand.u32 $0x1F, v8;
	[sflag:s26] =	ssyncset.done $0x0  }
0x2bb: {  	v8 =	vbroadcast v8, $0x0;
	[sflag:s26] =	ssyncadd.s32 $0xFFFFFC00  }
0x2bc: {  	_ =	swait.ge [sflag:s26], $0x400  }
0x2bd: {  	v9 =	vor.u32 v0, v8;
	[sflag:s26] =	ssyncset.done $0x0  }
0x2be: {  	[sflag:s26] =	ssyncadd.s32 $0xFFFFFC00  }
0x2bf: {  	_ =	swait.ge [sflag:s26], $0x400  }
0x2c0: {  	[sflag:s26] =	ssyncset.done $0x0  }
0x2c1: {  	[sflag:s26] =	ssyncadd.s32 $0xFFFFFC00  }
0x2c2: {  	v9 =	vld.idx.msk [tilespmem:v9+s18+$0x0], $0xffff  }
0x2c3: {  	v10 =	vor.u32 v1, v8;
	_ =	sdelay $0x2  }
0x2c4: {  	s22 =	simm.s32 $0x2440  }
0x2c5: {  	[tilespmem:s22+$0xFFFFFFC0] =	vst v9  }
0x2c6: {  	v9 =	vld.idx.msk [tilespmem:v10+s18+$0x0], $0xffff  }
0x2c7: {  	v10 =	vor.u32 v2, v8;
	_ =	sdelay $0x3  }
0x2c8: {  	[tilespmem:s22+$0xFFFFFFD0] =	vst v9  }
0x2c9: {  	v9 =	vld.idx.msk [tilespmem:v10+s18+$0x0], $0xffff  }
0x2ca: {  	v10 =	vor.u32 v3, v8;
	_ =	sdelay $0x3  }
0x2cb: {  	[tilespmem:s22+$0xFFFFFFE0] =	vst v9  }
0x2cc: {  	v9 =	vld.idx.msk [tilespmem:v10+s18+$0x0], $0xffff  }
0x2cd: {  	v10 =	vor.u32 v4, v8;
	_ =	sdelay $0x3  }
0x2ce: {  	[tilespmem:s22+$0xFFFFFFF0] =	vst v9  }
0x2cf: {  	v9 =	vld.idx.msk [tilespmem:v10+s18+$0x0], $0xffff  }
0x2d0: {  	v10 =	vor.u32 v5, v8;
	_ =	sdelay $0x3  }
0x2d1: {  	[tilespmem:s22+$0x0] =	vst v9  }
0x2d2: {  	v9 =	vld.idx.msk [tilespmem:v10+s18+$0x0], $0xffff  }
0x2d3: {  	v10 =	vor.u32 v6, v8;
	_ =	sdelay $0x3  }
0x2d4: {  	[tilespmem:s22+$0x10] =	vst v9  }
0x2d5: {  	v9 =	vld.idx.msk [tilespmem:v10+s18+$0x0], $0xffff  }
0x2d6: {  	v8 =	vor.u32 v7, v8;
	_ =	sdelay $0x1  }
0x2d7: {  	s25 =	simm.s32 $0x1  }
0x2d8: {  	s23 =	simm.s32 $0x2;
	v10 =	vmov s25  }
.LBB2_27:
0x2d9: {  	p0 =	sne.s32 s23, $0x1F;
	v10 =	vand.u32 $0x1F, v10;
	[tilespmem:s22+$0x20] =	vst v9  }
0x2da: {  	v10 =	vbroadcast v10, $0x0;
	v8 =	vld.idx.msk [tilespmem:v8+s18+$0x0], $0xffff;
	_ =	sdelay $0x1  }
0x2db: {  	v9 =	vor.u32 v0, v10;
	_ =	sdelay $0x3  }
0x2dc: {  	[tilespmem:s22+$0x30] =	vst v8  }
0x2dd: {  	v8 =	vld.idx.msk [tilespmem:v9+s18+$0x0], $0xffff;
	_ =	sdelay $0x1  }
0x2de: {  	v9 =	vor.u32 v1, v10;
	_ =	sdelay $0x2  }
0x2df: {  	s22 =	sadd.s32 $0x80, s22  }
0x2e0: {  	[tilespmem:s22+$0xFFFFFFC0] =	vst v8  }
0x2e1: {  	v8 =	vld.idx.msk [tilespmem:v9+s18+$0x0], $0xffff;
	_ =	sdelay $0x1  }
0x2e2: {  	v9 =	vor.u32 v2, v10;
	_ =	sdelay $0x3  }
0x2e3: {  	[tilespmem:s22+$0xFFFFFFD0] =	vst v8  }
0x2e4: {  	v8 =	vld.idx.msk [tilespmem:v9+s18+$0x0], $0xffff;
	_ =	sdelay $0x1  }
0x2e5: {  	v9 =	vor.u32 v3, v10;
	_ =	sdelay $0x3  }
0x2e6: {  	[tilespmem:s22+$0xFFFFFFE0] =	vst v8  }
0x2e7: {  	v8 =	vld.idx.msk [tilespmem:v9+s18+$0x0], $0xffff;
	_ =	sdelay $0x1  }
0x2e8: {  	v9 =	vor.u32 v4, v10;
	_ =	sdelay $0x3  }
0x2e9: {  	[tilespmem:s22+$0xFFFFFFF0] =	vst v8  }
0x2ea: {  	v8 =	vld.idx.msk [tilespmem:v9+s18+$0x0], $0xffff;
	_ =	sdelay $0x1  }
0x2eb: {  	v9 =	vor.u32 v5, v10;
	_ =	sdelay $0x3  }
0x2ec: {  	[tilespmem:s22+$0x0] =	vst v8  }
0x2ed: {  	v8 =	vld.idx.msk [tilespmem:v9+s18+$0x0], $0xffff;
	_ =	sdelay $0x1  }
0x2ee: {  	v9 =	vor.u32 v6, v10;
	_ =	sdelay $0x3  }
0x2ef: {  	[tilespmem:s22+$0x10] =	vst v8  }
0x2f0: {  	v9 =	vld.idx.msk [tilespmem:v9+s18+$0x0], $0xffff  }
.Ltmp19:
0x2f1: {  	(pc) =	sbr.rel @p0 .LBB2_27-.Ltmp19, $2  }
0x2f2: {  	v8 =	vor.u32 v7, v10;
	_ =	sdelay $0x2  }
0x2f3: {  	v10 =	vmov s23;
	s23 =	sadd.s32 $0x1, s23  }
0x2f4: {  	_ =	sdelay $0x1  }
0x2f5: {  	v10 =	vand.u32 $0x1F, v10  }
0x2f6: {  	[tilespmem:s22+$0x20] =	vst v9;
	v57 =	vbroadcast v10, $0x0  }
0x2f7: {  	v8 =	vld.idx.msk [tilespmem:v8+s18+$0x0], $0xffff  }
0x2f8: {  	v10 =	vor.u32 v0, v57;
	_ =	sdelay $0x3  }
0x2f9: {  	[tilespmem:s22+$0x30] =	vst v8  }
0x2fa: {  	v8 =	vld.idx.msk [tilespmem:v10+s18+$0x0], $0xffff  }
0x2fb: {  	v58 =	vor.u32 v1, v57;
	_ =	sdelay $0x2  }
0x2fc: {  	s13 =	sadd.s32 $0x80, s22  }
0x2fd: {  	[tilespmem:s13+$0xFFFFFFC0] =	vst v8  }
0x2fe: {  	v8 =	vld.idx.msk [tilespmem:v58+s18+$0x0], $0xffff  }
0x2ff: {  	v59 =	vor.u32 v2, v57;
	_ =	sdelay $0x3  }
0x300: {  	[tilespmem:s13+$0xFFFFFFD0] =	vst v8  }
0x301: {  	v8 =	vld.idx.msk [tilespmem:v59+s18+$0x0], $0xffff  }
0x302: {  	v60 =	vor.u32 v3, v57;
	_ =	sdelay $0x3  }
0x303: {  	[tilespmem:s13+$0xFFFFFFE0] =	vst v8  }
0x304: {  	v8 =	vld.idx.msk [tilespmem:v60+s18+$0x0], $0xffff  }
0x305: {  	v61 =	vor.u32 v4, v57;
	_ =	sdelay $0x3  }
0x306: {  	[tilespmem:s13+$0xFFFFFFF0] =	vst v8  }
0x307: {  	v8 =	vld.idx.msk [tilespmem:v61+s18+$0x0], $0xffff  }
0x308: {  	v62 =	vor.u32 v5, v57;
	_ =	sdelay $0x3  }
0x309: {  	[tilespmem:s13+$0x0] =	vst v8  }
0x30a: {  	v8 =	vld.idx.msk [tilespmem:v62+s18+$0x0], $0xffff  }
0x30b: {  	v63 =	vor.u32 v6, v57;
	_ =	sdelay $0x3  }
0x30c: {  	[tilespmem:s13+$0x10] =	vst v8  }
0x30d: {  	v8 =	vld.idx.msk [tilespmem:v63+s18+$0x0], $0xffff  }
0x30e: {  	v9 =	vor.u32 v7, v57;
	_ =	sdelay $0x3  }
0x30f: {  	[tilespmem:s13+$0x20] =	vst v8  }
0x310: {  	v8 =	vld.idx.msk [tilespmem:v9+s18+$0x0], $0xffff  }
0x311: {  	s17 =	sadd.s32 s7, s17  }
0x312: {  	s25 =	sshll.u32 s17, $0x9;
	s17 =	sshll.u32 s17, $0x7  }
0x313: {  	s17 =	sand.u32 $0x3F00, s17;
	s22 =	sand.u32 $0x7FFF0000, s25  }
0x314: {  	s17 =	sor.u32 s17, s22  }
0x315: {  	s0 =	sadd.s32 $0x1, s0;
	s22 =	sadd.s32 s2, s17;
	[tilespmem:s13+$0x30] =	vst v8  }
0x316: {  	[hbm4b:s22+s3] =	stream.linear.scatter [tilespmem:s19], [sflag:$0x7], $0x400, $0x38;
	[tilespmem:$0x4400] =	vst v63  }
0x317: {  	p0 =	sne.s32 s0, $0xC9;
	s23 =	sadd.s32 s17, s10  }
0x318: {  	[hbm4b:s23+s3] =	stream.linear.scatter [tilespmem:s5], [sflag:$0x7], $0x400, $0x38;
	[tilespmem:$0x4400] =	vst v63  }
.Ltmp20:
0x319: {  	_ = 	snop;
	(pc) =	sbr.rel @p0 .LBB2_2-.Ltmp20, $4  }
.Ltmp21:
0x31a: {  	s24 =	sadd.s32 s17, s11;
	(pc) =	sbr.rel @!p0 .LBB2_29-.Ltmp21, $4  }
0x31b: {  	[hbm4b:s24+s3] =	stream.linear.scatter [tilespmem:s9], [sflag:$0x7], $0x400, $0x38;
	[tilespmem:$0x4400] =	vst v63  }
0x31c: {  	s25 =	sadd.s32 s17, s12  }
0x31d: {  	[hbm4b:s25+s3] =	stream.linear.scatter [tilespmem:s16], [sflag:$0x7], $0x400, $0x38;
	[tilespmem:$0x4400] =	vst v63  }
0x31e: {  	_ = 	snop  }
.LBB2_30:
0x31f: {  	_ =	sfence.sel $0x180000  }
0x320: {  	[bflag:$0x0] =	sbarrier.arrive $0xFFFF  }
0x321: {  	_ =	strace $0x90000047  }
0x322: {  	s0 =	stileid.u32;
	[bflag:$0x2] =	sbarrier.arrive $0xFFFF  }
0x323: {  	p0 =	sne.s32 s0, $0x0;
	s0 =	rddreg [dreg:$0x2]  }
0x324: {  	s0 =	sadd.s32 @!p0 $0x100000, s0  }
0x325: {  	[sflag:s0] =	ssyncadd.tile.s32 @!p0 $0x1;
	_ =	shalt  }
.Lfunc_end2:
_tile_overlayer_lowered:
.L_overlay_start_2:
0x326: {  	(tag) =	ssettag $0x2  }
0x327: {  	s0 =	rddreg [dreg:$0x0];
	s2 =	stileid.u32  }
0x328: {  	s1 =	rddreg [dreg:$0x1];
	p0 =	sne.s32 s2, $0x0  }
0x329: {  	s3 =	rddreg [dreg:$0x2];
	[bflag:$0x3] =	sbarrier.arrive $0xFFFF;
	s2 =	simm.s32 @!p0 $0x1C09  }
0x32a: {  	[timem:s3], [sflag:s2] =	dma.local @!p0 [hbm:s0], s1  }
0x32b: {  	s0 =	simm.s32 @!p0 $0x9  }
0x32c: {  	_ =	swait.ge @!p0 [sflag:s0], s1  }
0x32d: {  	s1 =	ssub.s32 @!p0 $0x0, s1;
	[sflag:s0] =	ssyncset.done @!p0 $0x0  }
0x32e: {  	[sflag:s0] =	ssyncadd.s32 @!p0 s1  }
0x32f: {  	[bflag:$0x3] =	sbarrier.arrive $0xFFFF  }
0x330: {  	_ =	shalt  }

</sc_bundles>
